<compile_context>
chip_gen: v7x
topology: tpu7x:2x2x1
jax: 0.10.2.dev20260603
libtpu: 0.0.44.dev20260713+nightly
codegen_flags: <defaults>
</compile_context>

<pallas_src>
import jax
import jax.numpy as jnp
from jax import lax
from jax.experimental import pallas as pl
from jax.experimental.pallas import tpu as pltpu
from jax.experimental.pallas import tpu_sc as plsc

_B, _S, _D = 4, 2048, 768
_E, _TOPK, _F = 16, 2, 3072
_N = _B * _S
_TB = 256
_TPT = 256
_SEGTOK = _N // 2
_SEGCAP = _SEGTOK + _TB
_SEGBLK = _SEGCAP // _TB
_GROWS = 2 * _SEGCAP
_GW = _D + 128


def _gate_kernel(x_ref, wg_ref, bg_ref, c_ref):
    logits = jax.lax.dot_general(
        wg_ref[...], x_ref[...], (((0,), (1,)), ((), ())),
        preferred_element_type=jnp.float32) + bg_ref[...]
    m = jnp.max(logits, axis=1, keepdims=True)
    ex = jnp.exp(logits - m)
    w = ex / jnp.sum(ex, axis=1, keepdims=True)
    w0 = w[0:1, :]
    w1 = w[1:2, :]
    gt0 = jnp.sum((w > w0).astype(jnp.int32), axis=0, keepdims=True)
    gt1 = (jnp.sum((w > w1).astype(jnp.int32), axis=0, keepdims=True)
           + (w0 == w1).astype(jnp.int32))
    c0 = jnp.where(gt0 < _TOPK, w0, 0.0)
    c1 = jnp.where(gt1 < _TOPK, w1, 0.0)
    row = jax.lax.broadcasted_iota(jnp.int32, (8, x_ref.shape[0]), 0)
    c_ref[...] = jnp.where(row == 0, c0, jnp.where(row == 1, c1, 0.0))


def _dispatch_kernel(x_hbm, c0_hbm, c1_hbm, gx, segcnt, tilecnt,
                     c0v, c1v, cv, cntv, xbuf, counts_sh, sem, fsem):
    cidx = lax.axis_index("c")
    sidx = lax.axis_index("s")
    wid = sidx * 2 + cidx
    tb = wid * _TPT
    seg_base = cidx * _SEGCAP
    lane = lax.iota(jnp.int32, 16)
    zero16 = jnp.zeros((16,), jnp.int32)

    pltpu.sync_copy(c0_hbm.at[pl.ds(tb, _TPT)], c0v)
    pltpu.sync_copy(c1_hbm.at[pl.ds(tb, _TPT)], c1v)

    def count_body(q, cnt):
        v0 = c0v[pl.ds(q * 16, 16)]
        v1 = c1v[pl.ds(q * 16, 16)]
        for l in range(16):
            cond = (v0[l] > 0.0) | (v1[l] > 0.0)
            cnt = cnt + jnp.where(cond, 1, 0)
        return cnt

    cnt = lax.fori_loop(0, _TPT // 16, count_body, jnp.int32(0))

    cntv[...] = zero16 + cnt
    pltpu.sync_copy(cntv, tilecnt.at[wid])
    pltpu.sync_copy(cntv, counts_sh.at[pl.ds(sidx * 16, 16)])
    plsc.subcore_barrier()
    pltpu.sync_copy(counts_sh, cv)

    def pfx(r, carry):
        base, tot = carry
        padded = ((cv[pl.ds(r * 16, 16)][0] + 15) // 16) * 16
        return base + jnp.where(r < sidx, padded, 0), tot + padded

    base_local, m_c = lax.fori_loop(0, 16, pfx, (jnp.int32(0), jnp.int32(0)))
    base = seg_base + base_local

    @pl.when(sidx == 0)
    def _():
        cntv[...] = zero16 + m_c
        pltpu.sync_copy(cntv, segcnt.at[cidx])

    zf32 = jnp.zeros((16,), jnp.float32)

    def chunk_body(q, run):
        v0 = c0v[pl.ds(q * 16, 16)]
        v1 = c1v[pl.ds(q * 16, 16)]
        for l in range(16):
            pltpu.async_copy(x_hbm.at[tb + q * 16 + l],
                             xbuf.at[pl.ds(l * _GW, _D)], sem)
        for l in range(16):
            pltpu.make_async_copy(x_hbm.at[0],
                                  xbuf.at[pl.ds(l * _GW, _D)], sem).wait()
        for l in range(16):
            cpiece = jnp.where(lane == 0, zf32 + v0[l],
                               jnp.where(lane == 1, zf32 + v1[l], zf32))
            xbuf[pl.ds(l * _GW + _D, 16)] = cpiece
        nrun = run
        for l in range(16):
            cond = (v0[l] > 0.0) | (v1[l] > 0.0)

            @pl.when(cond)
            def _(l=l, nrun=nrun):
                pltpu.async_copy(xbuf.at[pl.ds(l * _GW, _GW)],
                                 gx.at[base + nrun], fsem)
            nrun = nrun + jnp.where(cond, 1, 0)
        for l in range(16):
            cond = (v0[l] > 0.0) | (v1[l] > 0.0)

            @pl.when(cond)
            def _(l=l):
                pltpu.make_async_copy(xbuf.at[pl.ds(l * _GW, _GW)],
                                      gx.at[0], fsem).wait()
        return nrun

    lax.fori_loop(0, _TPT // 16, chunk_body, jnp.int32(0))


def _ffn_kernel(cnt_ref, gx_ref, w1_ref, b1_ref, w2_ref, b2_ref, gy_ref):
    i = pl.program_id(0)
    seg = i // 16
    j = i % 16

    @pl.when(j * _TB < cnt_ref[seg])
    def _():
        blk = gx_ref[...]
        x = blk[:, :_D].astype(jnp.bfloat16)
        c0 = blk[:, _D:_D + 1]
        c1 = blk[:, _D + 1:_D + 2]
        acc = jnp.zeros((_TB, _D), jnp.float32)
        for e in range(2):
            h = jax.lax.dot_general(
                x, w1_ref[e], (((1,), (0,)), ((), ())),
                preferred_element_type=jnp.float32) + b1_ref[e]
            h = h * 0.5 * (1.0 + jax.lax.erf(h * 0.7071067811865476))
            o = jax.lax.dot_general(
                h.astype(jnp.bfloat16), w2_ref[e], (((1,), (0,)), ((), ())),
                preferred_element_type=jnp.float32) + b2_ref[e]
            m = jnp.max(o, axis=1, keepdims=True)
            p = jnp.exp(o - m)
            o = p / jnp.sum(p, axis=1, keepdims=True)
            acc = acc + (c0 if e == 0 else c1) * o
        gy_ref[...] = acc


def _combine_kernel(gy, c0_hbm, c1_hbm, tilecnt, zrow, out,
                    c0v, c1v, cv, sem):
    cidx = lax.axis_index("c")
    sidx = lax.axis_index("s")
    wid = sidx * 2 + cidx
    tb = wid * _TPT
    seg_base = cidx * _SEGCAP

    pltpu.sync_copy(c0_hbm.at[pl.ds(tb, _TPT)], c0v)
    pltpu.sync_copy(c1_hbm.at[pl.ds(tb, _TPT)], c1v)

    def pfx2(r, base):
        pltpu.sync_copy(tilecnt.at[r * 2 + cidx], cv)
        padded = ((cv[...][0] + 15) // 16) * 16
        return base + jnp.where(r < sidx, padded, 0)

    base_local = lax.fori_loop(0, 16, pfx2, jnp.int32(0))
    base = seg_base + base_local

    def chunk_body(q, run):
        v0 = c0v[pl.ds(q * 16, 16)]
        v1 = c1v[pl.ds(q * 16, 16)]
        nrun = run
        for l in range(16):
            cond = (v0[l] > 0.0) | (v1[l] > 0.0)
            t = tb + q * 16 + l

            @pl.when(cond)
            def _(t=t, nrun=nrun):
                pltpu.async_copy(gy.at[base + nrun], out.at[t], sem)

            @pl.when(jnp.logical_not(cond))
            def _(t=t):
                pltpu.async_copy(zrow.at[wid], out.at[t], sem)
            nrun = nrun + jnp.where(cond, 1, 0)
        return nrun

    lax.fori_loop(0, _TPT // 16, chunk_body, jnp.int32(0))

    def drain(q, _):
        pltpu.make_async_copy(zrow.at[0], out.at[0], sem).wait()
        return 0

    lax.fori_loop(0, _TPT, drain, 0)


def kernel(x, Wg, bg, W1, b1, W2, b2):
    Bx, Sx, Dx = x.shape
    n = Bx * Sx
    x_f = x.reshape(n, Dx)

    c2 = pl.pallas_call(
        _gate_kernel,
        grid=(Bx,),
        in_specs=[
            pl.BlockSpec((Sx, Dx), lambda i: (i, 0)),
            pl.BlockSpec((Dx, _E), lambda i: (0, 0)),
            pl.BlockSpec((_E, 1), lambda i: (0, 0)),
        ],
        out_specs=pl.BlockSpec((8, Sx), lambda i: (0, i)),
        out_shape=jax.ShapeDtypeStruct((8, n), jnp.float32),
    )(x_f, Wg, bg.reshape(_E, 1))
    c0 = c2[0]
    c1 = c2[1]

    mesh = plsc.VectorSubcoreMesh(core_axis_name="c", subcore_axis_name="s",
                                  num_cores=2, num_subcores=16)
    gx, segcnt, tilecnt = pl.kernel(
        _dispatch_kernel,
        out_type=(
            jax.ShapeDtypeStruct((_GROWS, _GW), jnp.float32),
            jax.ShapeDtypeStruct((2, 16), jnp.int32),
            jax.ShapeDtypeStruct((32, 16), jnp.int32),
        ),
        mesh=mesh,
        scratch_types=[
            pltpu.VMEM((_TPT,), jnp.float32),
            pltpu.VMEM((_TPT,), jnp.float32),
            pltpu.VMEM((256,), jnp.int32),
            pltpu.VMEM((16,), jnp.int32),
            pltpu.VMEM((16 * _GW,), jnp.float32),
            pltpu.VMEM_SHARED((256,), jnp.int32),
            pltpu.SemaphoreType.DMA,
            pltpu.SemaphoreType.DMA,
        ],
    )(x_f, c0, c1)

    counts = segcnt[:, 0]

    def _rowmap(i, cnt):
        return ((i // 16) * _SEGBLK + jnp.minimum(
            i % 16, jnp.maximum(cnt[i // 16] - 1, 0) // _TB), 0)

    gy = pl.pallas_call(
        _ffn_kernel,
        grid_spec=pltpu.PrefetchScalarGridSpec(
            num_scalar_prefetch=1,
            grid=(32,),
            in_specs=[
                pl.BlockSpec((_TB, _GW), _rowmap),
                pl.BlockSpec((2, Dx, _F), lambda i, cnt: (0, 0, 0)),
                pl.BlockSpec((2, _F), lambda i, cnt: (0, 0)),
                pl.BlockSpec((2, _F, Dx), lambda i, cnt: (0, 0, 0)),
                pl.BlockSpec((2, Dx), lambda i, cnt: (0, 0)),
            ],
            out_specs=pl.BlockSpec((_TB, Dx), _rowmap),
        ),
        out_shape=jax.ShapeDtypeStruct((_GROWS, Dx), jnp.float32),
    )(counts, gx, W1[:2].astype(jnp.bfloat16), b1[:2],
      W2[:2].astype(jnp.bfloat16), b2[:2])

    out_full = pl.kernel(
        _combine_kernel,
        out_type=jax.ShapeDtypeStruct((n, Dx), jnp.float32),
        mesh=mesh,
        scratch_types=[
            pltpu.VMEM((_TPT,), jnp.float32),
            pltpu.VMEM((_TPT,), jnp.float32),
            pltpu.VMEM((16,), jnp.int32),
            pltpu.SemaphoreType.DMA,
        ],
    )(gy, c0, c1, tilecnt, jnp.zeros((32, Dx), jnp.float32))

    return out_full.reshape(Bx, Sx, Dx)

# --- scband reference (transcript-rebuilt; emitter-appended) ---
"""Pipeline reference for scband-mo-e-29781303230537 (READ-ONLY COPY).

The authoritative reference and input builder live on the scoring server;
editing this copy changes nothing except your own understanding.
"""

import jax, jax.numpy as jnp
import numpy as np

B, S, D = 4, 2048, 768
E, TOP_K, D_FF = 16, 2, 3072

def setup_inputs(seed: int = 0):
    key = jax.random.key(seed)
    ks = jax.random.split(key, 8)
    x = jax.random.normal(ks[0], (B, S, D), dtype=jnp.float32)
    Wg = jax.random.normal(ks[1], (D, E), dtype=jnp.float32) * 0.02
    bg = jnp.zeros((E,), dtype=jnp.float32)
    W1 = jax.random.normal(ks[2], (E, D, D_FF), dtype=jnp.float32) * 0.02
    b1 = jnp.zeros((E, D_FF), dtype=jnp.float32)
    W2 = jax.random.normal(ks[3], (E, D_FF, D), dtype=jnp.float32) * 0.02
    b2 = jnp.zeros((E, D), dtype=jnp.float32)
    return {"x": x, "Wg": Wg, "bg": bg, "W1": W1, "b1": b1, "W2": W2, "b2": b2}

def reference(x, Wg, bg, W1, b1, W2, b2):
    Bx, Sx, Dx = x.shape
    x_f = x.reshape(Bx * Sx, Dx)
    # Gating: linear then softmax over dim=1 (the sequence dim), faithful to the torch code
    logits = jnp.einsum('bsd,de->bse', x, Wg) + bg
    weights = jax.nn.softmax(logits, axis=1)
    topk_val, topk_ind = jax.lax.top_k(weights, TOP_K)
    topk_val_f = topk_val.reshape(Bx * Sx, TOP_K)
    topk_ind_f = topk_ind.reshape(Bx * Sx, TOP_K)
    out = jnp.zeros((Bx * Sx, TOP_K, Dx), dtype=x.dtype)
    # Faithful to the torch loop: only experts with index < top_k are ever used
    for ind in range(TOP_K):
        mask = topk_ind_f == ind  # (B*S, TOP_K)
        h = jax.nn.gelu(x_f @ W1[ind] + b1[ind], approximate=False)
        exp_out = jax.nn.softmax(h @ W2[ind] + b2[ind], axis=1)  # Expert ends with softmax over D
        # scatter-overwrite: out[t_ind, slot] = exp_out  (dense masked equivalent)
        out = jnp.where(mask[:, :, None], exp_out[:, None, :], out)
    out = out * topk_val_f[:, :, None]
    out = out.sum(axis=1)
    return out.reshape(Bx, Sx, Dx)

if __name__ == "__main__":
    import jax
    _d = setup_inputs()
    print(jax.jit(kernel)(*tuple(_d.values())))

</pallas_src>

<mosaic_0001>
#map = affine_map<(d0, d1) -> (0, 0)>
#map1 = affine_map<(d0, d1) -> (0)>
module attributes {stable_mosaic.version = 14 : i64} {
  func.func @_combine_kernel(%arg0: i32, %arg1: i32, %arg2: memref<8704x768xf32, #tpu.memory_space<hbm>>, %arg3: memref<8192xf32, #tpu.memory_space<hbm>>, %arg4: memref<8192xf32, #tpu.memory_space<hbm>>, %arg5: memref<32x16xi32, #tpu.memory_space<hbm>>, %arg6: memref<32x768xf32, #tpu.memory_space<hbm>>, %arg7: memref<8192x768xf32, #tpu.memory_space<hbm>>, %arg8: memref<256xf32, #tpu.memory_space<vmem>>, %arg9: memref<256xf32, #tpu.memory_space<vmem>>, %arg10: memref<16xi32, #tpu.memory_space<vmem>>, %arg11: memref<!tpu.dma_semaphore, #tpu.memory_space<semaphore_mem>>) attributes {dimension_semantics = [#tpu.dimension_semantics<core_parallel>, #tpu.dimension_semantics<subcore_parallel>], iteration_bounds = array<i64: 2, 16>, scalar_prefetch = 0 : i64, scratch_operands = 4 : i64, tpu.core_type = #tpu.core_type<sc_vector_subcore>, window_params = [{transform_indices = #map}, {transform_indices = #map1}, {transform_indices = #map1}, {transform_indices = #map}, {transform_indices = #map}, {transform_indices = #map}]} {
    %mul3A = arith.constant 2 : i32
    %mul3A_0 = arith.muli %arg1, %mul3A : i32
    %add3A = arith.addi %mul3A_0, %arg0 : i32
    %mul3A_1 = arith.constant 256 : i32
    %mul3A_2 = arith.muli %add3A, %mul3A_1 : i32
    %mul3A_3 = arith.constant 4352 : i32
    %mul3A_4 = arith.muli %arg0, %mul3A_3 : i32
    "tpu.region"() ({
      %run_scoped3A = tpu.sem_alloc : memref<!tpu.dma_semaphore, #tpu.memory_space<semaphore_mem>>
      %dma_start3A = tpu.memref_slice %arg3[%mul3A_2] : memref<8192xf32, #tpu.memory_space<hbm>> -> memref<256xf32, #tpu.memory_space<hbm>>
      %dma_start3A_26 = tpu.memref_slice %arg3[%mul3A_2] : memref<8192xf32, #tpu.memory_space<hbm>> -> memref<256xf32, #tpu.memory_space<hbm>>
      tpu.enqueue_dma source(%dma_start3A_26 : memref<256xf32, #tpu.memory_space<hbm>>) target(%arg8 : memref<256xf32, #tpu.memory_space<vmem>>) target_semaphore(%run_scoped3A : memref<!tpu.dma_semaphore, #tpu.memory_space<semaphore_mem>>)
      %dma_wait3A = tpu.memref_slice %arg3[%mul3A_2] : memref<8192xf32, #tpu.memory_space<hbm>> -> memref<256xf32, #tpu.memory_space<hbm>>
      %dma_wait3A_27 = tpu.memref_slice %arg3[%mul3A_2] : memref<8192xf32, #tpu.memory_space<hbm>> -> memref<256xf32, #tpu.memory_space<hbm>>
      tpu.wait_dma2 semaphore(%run_scoped3A : memref<!tpu.dma_semaphore, #tpu.memory_space<semaphore_mem>>) src(%dma_wait3A_27 : memref<256xf32, #tpu.memory_space<hbm>>) dst(%arg8 : memref<256xf32, #tpu.memory_space<vmem>>)
      tpu.yield
    }) : () -> ()
    "tpu.region"() ({
      %run_scoped3A = tpu.sem_alloc : memref<!tpu.dma_semaphore, #tpu.memory_space<semaphore_mem>>
      %dma_start3A = tpu.memref_slice %arg4[%mul3A_2] : memref<8192xf32, #tpu.memory_space<hbm>> -> memref<256xf32, #tpu.memory_space<hbm>>
      %dma_start3A_26 = tpu.memref_slice %arg4[%mul3A_2] : memref<8192xf32, #tpu.memory_space<hbm>> -> memref<256xf32, #tpu.memory_space<hbm>>
      tpu.enqueue_dma source(%dma_start3A_26 : memref<256xf32, #tpu.memory_space<hbm>>) target(%arg9 : memref<256xf32, #tpu.memory_space<vmem>>) target_semaphore(%run_scoped3A : memref<!tpu.dma_semaphore, #tpu.memory_space<semaphore_mem>>)
      %dma_wait3A = tpu.memref_slice %arg4[%mul3A_2] : memref<8192xf32, #tpu.memory_space<hbm>> -> memref<256xf32, #tpu.memory_space<hbm>>
      %dma_wait3A_27 = tpu.memref_slice %arg4[%mul3A_2] : memref<8192xf32, #tpu.memory_space<hbm>> -> memref<256xf32, #tpu.memory_space<hbm>>
      tpu.wait_dma2 semaphore(%run_scoped3A : memref<!tpu.dma_semaphore, #tpu.memory_space<semaphore_mem>>) src(%dma_wait3A_27 : memref<256xf32, #tpu.memory_space<hbm>>) dst(%arg9 : memref<256xf32, #tpu.memory_space<vmem>>)
      tpu.yield
    }) : () -> ()
    %scan3A = arith.constant 0 : i32
    %scan3A_5 = arith.constant 0 : i32
    %scan3A_6 = arith.constant 16 : i32
    %scan3A_7 = arith.addi %scan3A_5, %scan3A_6 : i32
    %scan3A_8 = arith.constant 1 : i32
    %scan3A_9 = scf.for %scan3A_26 = %scan3A_5 to %scan3A_7 step %scan3A_8 iter_args(%scan3A_27 = %scan3A) -> (i32)  : i32 {
      %mul3A_28 = arith.constant 2 : i32
      %mul3A_29 = arith.muli %scan3A_26, %mul3A_28 : i32
      %add3A_30 = arith.addi %mul3A_29, %arg0 : i32
      "tpu.region"() ({
        %run_scoped3A = tpu.sem_alloc : memref<!tpu.dma_semaphore, #tpu.memory_space<semaphore_mem>>
        %dma_start3A = arith.constant 0 : i32
        %dma_start3A_56 = tpu.memref_slice %arg5[%add3A_30, %dma_start3A] : memref<32x16xi32, #tpu.memory_space<hbm>> -> memref<1x16xi32, #tpu.memory_space<hbm>>
        %dma_start3A_57 = tpu.memref_squeeze %dma_start3A_56 : memref<1x16xi32, #tpu.memory_space<hbm>> -> memref<16xi32, #tpu.memory_space<hbm>>
        %dma_start3A_58 = arith.constant 0 : i32
        %dma_start3A_59 = tpu.memref_slice %arg5[%add3A_30, %dma_start3A_58] : memref<32x16xi32, #tpu.memory_space<hbm>> -> memref<1x16xi32, #tpu.memory_space<hbm>>
        %dma_start3A_60 = tpu.memref_squeeze %dma_start3A_59 : memref<1x16xi32, #tpu.memory_space<hbm>> -> memref<16xi32, #tpu.memory_space<hbm>>
        tpu.enqueue_dma source(%dma_start3A_60 : memref<16xi32, #tpu.memory_space<hbm>>) target(%arg10 : memref<16xi32, #tpu.memory_space<vmem>>) target_semaphore(%run_scoped3A : memref<!tpu.dma_semaphore, #tpu.memory_space<semaphore_mem>>)
        %dma_wait3A = arith.constant 0 : i32
        %dma_wait3A_61 = tpu.memref_slice %arg5[%add3A_30, %dma_wait3A] : memref<32x16xi32, #tpu.memory_space<hbm>> -> memref<1x16xi32, #tpu.memory_space<hbm>>
        %dma_wait3A_62 = tpu.memref_squeeze %dma_wait3A_61 : memref<1x16xi32, #tpu.memory_space<hbm>> -> memref<16xi32, #tpu.memory_space<hbm>>
        %dma_wait3A_63 = arith.constant 0 : i32
        %dma_wait3A_64 = tpu.memref_slice %arg5[%add3A_30, %dma_wait3A_63] : memref<32x16xi32, #tpu.memory_space<hbm>> -> memref<1x16xi32, #tpu.memory_space<hbm>>
        %dma_wait3A_65 = tpu.memref_squeeze %dma_wait3A_64 : memref<1x16xi32, #tpu.memory_space<hbm>> -> memref<16xi32, #tpu.memory_space<hbm>>
        tpu.wait_dma2 semaphore(%run_scoped3A : memref<!tpu.dma_semaphore, #tpu.memory_space<semaphore_mem>>) src(%dma_wait3A_65 : memref<16xi32, #tpu.memory_space<hbm>>) dst(%arg10 : memref<16xi32, #tpu.memory_space<vmem>>)
        tpu.yield
      }) : () -> ()
      %get3A = arith.constant 0 : index
      %get3A_31 = tpu.vector_load %arg10[%get3A] {strides = array<i32>} : memref<16xi32, #tpu.memory_space<vmem>>, vector<16xi32>,
      %get3A_32 = vector.shape_cast %get3A_31 : vector<16xi32> to vector<16xi32>
      %slice3A = vector.extract_strided_slice %get3A_32 {offsets = [0], sizes = [1], strides = [1]} : vector<16xi32> to vector<1xi32>
      %squeeze3A = vector.extract %slice3A[0] : i32 from vector<1xi32>
      %add3A_33 = arith.constant 15 : i32
      %add3A_34 = arith.addi %squeeze3A, %add3A_33 : i32
      %jit3A = arith.constant 16 : i32
      %div3A = arith.divsi %add3A_34, %jit3A : i32
      %sign3A = arith.constant 0 : i32
      %sign3A_35 = arith.cmpi sgt, %add3A_34, %sign3A : i32
      %sign3A_36 = arith.extui %sign3A_35 : i1 to i32
      %sign3A_37 = arith.constant 0 : i32
      %sign3A_38 = arith.cmpi slt, %add3A_34, %sign3A_37 : i32
      %sign3A_39 = arith.extui %sign3A_38 : i1 to i32
      %sign3A_40 = arith.subi %sign3A_36, %sign3A_39 : i32
      %sign3A_41 = arith.constant 0 : i32
      %sign3A_42 = arith.cmpi sgt, %jit3A, %sign3A_41 : i32
      %sign3A_43 = arith.extui %sign3A_42 : i1 to i32
      %sign3A_44 = arith.constant 0 : i32
      %sign3A_45 = arith.cmpi slt, %jit3A, %sign3A_44 : i32
      %sign3A_46 = arith.extui %sign3A_45 : i1 to i32
      %sign3A_47 = arith.subi %sign3A_43, %sign3A_46 : i32
      %ne3A = arith.cmpi ne, %sign3A_40, %sign3A_47 : i32
      %rem3A = arith.remsi %add3A_34, %jit3A : i32
      %ne3A_48 = arith.constant 0 : i32
      %ne3A_49 = arith.cmpi ne, %rem3A, %ne3A_48 : i32
      %and3A = arith.andi %ne3A, %ne3A_49 : i1
      %sub3A = arith.constant 1 : i32
      %sub3A_50 = arith.subi %div3A, %sub3A : i32
      %select_n3A = arith.select %and3A, %sub3A_50, %div3A : i32
      %mul3A_51 = arith.constant 16 : i32
      %mul3A_52 = arith.muli %select_n3A, %mul3A_51 : i32
      %lt3A = arith.cmpi slt, %scan3A_26, %arg1 : i32
      %jit3A_53 = arith.constant 0 : i32
      %select_n3A_54 = arith.select %lt3A, %mul3A_52, %jit3A_53 : i32
      %add3A_55 = arith.addi %scan3A_27, %select_n3A_54 : i32
      scf.yield %add3A_55 : i32
    }
    %scan3A_10 = arith.constant 16 : i32
    %add3A_11 = arith.addi %mul3A_4, %scan3A_9 : i32
    %scan3A_12 = arith.constant 0 : i32
    %scan3A_13 = arith.constant 0 : i32
    %scan3A_14 = arith.constant 16 : i32
    %scan3A_15 = arith.addi %scan3A_13, %scan3A_14 : i32
    %scan3A_16 = arith.constant 1 : i32
    %scan3A_17 = scf.for %scan3A_26 = %scan3A_13 to %scan3A_15 step %scan3A_16 iter_args(%scan3A_27 = %scan3A_12) -> (i32)  : i32 {
      %mul3A_28 = arith.constant 16 : i32
      %mul3A_29 = arith.muli %scan3A_26, %mul3A_28 : i32
      %get3A = arith.index_cast %mul3A_29 : i32 to index
      %get3A_30 = tpu.vector_load %arg8[%get3A] {strides = array<i32>} : memref<256xf32, #tpu.memory_space<vmem>>, vector<16xf32>,
      %get3A_31 = vector.shape_cast %get3A_30 : vector<16xf32> to vector<16xf32>
      %mul3A_32 = arith.constant 16 : i32
      %mul3A_33 = arith.muli %scan3A_26, %mul3A_32 : i32
      %get3A_34 = arith.index_cast %mul3A_33 : i32 to index
      %get3A_35 = tpu.vector_load %arg9[%get3A_34] {strides = array<i32>} : memref<256xf32, #tpu.memory_space<vmem>>, vector<16xf32>,
      %get3A_36 = vector.shape_cast %get3A_35 : vector<16xf32> to vector<16xf32>
      %slice3A = vector.extract_strided_slice %get3A_31 {offsets = [0], sizes = [1], strides = [1]} : vector<16xf32> to vector<1xf32>
      %squeeze3A = vector.extract %slice3A[0] : f32 from vector<1xf32>
      %gt3A = arith.constant 0.000000e+00 : f32
      %gt3A_37 = arith.cmpf ogt, %squeeze3A, %gt3A : f32
      %slice3A_38 = vector.extract_strided_slice %get3A_36 {offsets = [0], sizes = [1], strides = [1]} : vector<16xf32> to vector<1xf32>
      %squeeze3A_39 = vector.extract %slice3A_38[0] : f32 from vector<1xf32>
      %gt3A_40 = arith.constant 0.000000e+00 : f32
      %gt3A_41 = arith.cmpf ogt, %squeeze3A_39, %gt3A_40 : f32
      %or3A = arith.ori %gt3A_37, %gt3A_41 : i1
      %mul3A_42 = arith.constant 16 : i32
      %mul3A_43 = arith.muli %scan3A_26, %mul3A_42 : i32
      %add3A_44 = arith.addi %mul3A_2, %mul3A_43 : i32
      %add3A_45 = arith.constant 0 : i32
      %add3A_46 = arith.addi %add3A_44, %add3A_45 : i32
      %convert_element_type3A = arith.extui %or3A : i1 to i32
      %cond3A = arith.constant 0 : i32
      %cond3A_47 = arith.cmpi ne, %convert_element_type3A, %cond3A : i32
      scf.if %cond3A_47 {
        %add3A_444 = arith.addi %add3A_11, %scan3A_27 : i32
        %dma_start3A = arith.constant 0 : i32
        %dma_start3A_445 = tpu.memref_slice %arg7[%add3A_46, %dma_start3A] : memref<8192x768xf32, #tpu.memory_space<hbm>> -> memref<1x768xf32, #tpu.memory_space<hbm>>
        %dma_start3A_446 = tpu.memref_squeeze %dma_start3A_445 : memref<1x768xf32, #tpu.memory_space<hbm>> -> memref<768xf32, #tpu.memory_space<hbm>>
        %dma_start3A_447 = arith.constant 0 : i32
        %dma_start3A_448 = tpu.memref_slice %arg2[%add3A_444, %dma_start3A_447] : memref<8704x768xf32, #tpu.memory_space<hbm>> -> memref<1x768xf32, #tpu.memory_space<hbm>>
        %dma_start3A_449 = tpu.memref_squeeze %dma_start3A_448 : memref<1x768xf32, #tpu.memory_space<hbm>> -> memref<768xf32, #tpu.memory_space<hbm>>
        tpu.enqueue_dma source(%dma_start3A_449 : memref<768xf32, #tpu.memory_space<hbm>>) target(%dma_start3A_446 : memref<768xf32, #tpu.memory_space<hbm>>) target_semaphore(%arg11 : memref<!tpu.dma_semaphore, #tpu.memory_space<semaphore_mem>>)
      } else {
      }
      %not3A = arith.constant true
      %not3A_48 = arith.xori %or3A, %not3A : i1
      %convert_element_type3A_49 = arith.extui %not3A_48 : i1 to i32
      %cond3A_50 = arith.constant 0 : i32
      %cond3A_51 = arith.cmpi ne, %convert_element_type3A_49, %cond3A_50 : i32
      scf.if %cond3A_51 {
        %dma_start3A = arith.constant 0 : i32
        %dma_start3A_444 = tpu.memref_slice %arg7[%add3A_46, %dma_start3A] : memref<8192x768xf32, #tpu.memory_space<hbm>> -> memref<1x768xf32, #tpu.memory_space<hbm>>
        %dma_start3A_445 = tpu.memref_squeeze %dma_start3A_444 : memref<1x768xf32, #tpu.memory_space<hbm>> -> memref<768xf32, #tpu.memory_space<hbm>>
        %dma_start3A_446 = arith.constant 0 : i32
        %dma_start3A_447 = tpu.memref_slice %arg6[%add3A, %dma_start3A_446] : memref<32x768xf32, #tpu.memory_space<hbm>> -> memref<1x768xf32, #tpu.memory_space<hbm>>
        %dma_start3A_448 = tpu.memref_squeeze %dma_start3A_447 : memref<1x768xf32, #tpu.memory_space<hbm>> -> memref<768xf32, #tpu.memory_space<hbm>>
        tpu.enqueue_dma source(%dma_start3A_448 : memref<768xf32, #tpu.memory_space<hbm>>) target(%dma_start3A_445 : memref<768xf32, #tpu.memory_space<hbm>>) target_semaphore(%arg11 : memref<!tpu.dma_semaphore, #tpu.memory_space<semaphore_mem>>)
      } else {
      }
      %jit3A = arith.constant 1 : i32
      %jit3A_52 = arith.constant 0 : i32
      %select_n3A = arith.select %or3A, %jit3A, %jit3A_52 : i32
      %add3A_53 = arith.addi %scan3A_27, %select_n3A : i32
      %slice3A_54 = vector.extract_strided_slice %get3A_31 {offsets = [1], sizes = [1], strides = [1]} : vector<16xf32> to vector<1xf32>
      %squeeze3A_55 = vector.extract %slice3A_54[0] : f32 from vector<1xf32>
      %gt3A_56 = arith.constant 0.000000e+00 : f32
      %gt3A_57 = arith.cmpf ogt, %squeeze3A_55, %gt3A_56 : f32
      %slice3A_58 = vector.extract_strided_slice %get3A_36 {offsets = [1], sizes = [1], strides = [1]} : vector<16xf32> to vector<1xf32>
      %squeeze3A_59 = vector.extract %slice3A_58[0] : f32 from vector<1xf32>
      %gt3A_60 = arith.constant 0.000000e+00 : f32
      %gt3A_61 = arith.cmpf ogt, %squeeze3A_59, %gt3A_60 : f32
      %or3A_62 = arith.ori %gt3A_57, %gt3A_61 : i1
      %mul3A_63 = arith.constant 16 : i32
      %mul3A_64 = arith.muli %scan3A_26, %mul3A_63 : i32
      %add3A_65 = arith.addi %mul3A_2, %mul3A_64 : i32
      %add3A_66 = arith.constant 1 : i32
      %add3A_67 = arith.addi %add3A_65, %add3A_66 : i32
      %convert_element_type3A_68 = arith.extui %or3A_62 : i1 to i32
      %cond3A_69 = arith.constant 0 : i32
      %cond3A_70 = arith.cmpi ne, %convert_element_type3A_68, %cond3A_69 : i32
      scf.if %cond3A_70 {
        %add3A_444 = arith.addi %add3A_11, %add3A_53 : i32
        %dma_start3A = arith.constant 0 : i32
        %dma_start3A_445 = tpu.memref_slice %arg7[%add3A_67, %dma_start3A] : memref<8192x768xf32, #tpu.memory_space<hbm>> -> memref<1x768xf32, #tpu.memory_space<hbm>>
        %dma_start3A_446 = tpu.memref_squeeze %dma_start3A_445 : memref<1x768xf32, #tpu.memory_space<hbm>> -> memref<768xf32, #tpu.memory_space<hbm>>
        %dma_start3A_447 = arith.constant 0 : i32
        %dma_start3A_448 = tpu.memref_slice %arg2[%add3A_444, %dma_start3A_447] : memref<8704x768xf32, #tpu.memory_space<hbm>> -> memref<1x768xf32, #tpu.memory_space<hbm>>
        %dma_start3A_449 = tpu.memref_squeeze %dma_start3A_448 : memref<1x768xf32, #tpu.memory_space<hbm>> -> memref<768xf32, #tpu.memory_space<hbm>>
        tpu.enqueue_dma source(%dma_start3A_449 : memref<768xf32, #tpu.memory_space<hbm>>) target(%dma_start3A_446 : memref<768xf32, #tpu.memory_space<hbm>>) target_semaphore(%arg11 : memref<!tpu.dma_semaphore, #tpu.memory_space<semaphore_mem>>)
      } else {
      }
      %not3A_71 = arith.constant true
      %not3A_72 = arith.xori %or3A_62, %not3A_71 : i1
      %convert_element_type3A_73 = arith.extui %not3A_72 : i1 to i32
      %cond3A_74 = arith.constant 0 : i32
      %cond3A_75 = arith.cmpi ne, %convert_element_type3A_73, %cond3A_74 : i32
      scf.if %cond3A_75 {
        %dma_start3A = arith.constant 0 : i32
        %dma_start3A_444 = tpu.memref_slice %arg7[%add3A_67, %dma_start3A] : memref<8192x768xf32, #tpu.memory_space<hbm>> -> memref<1x768xf32, #tpu.memory_space<hbm>>
        %dma_start3A_445 = tpu.memref_squeeze %dma_start3A_444 : memref<1x768xf32, #tpu.memory_space<hbm>> -> memref<768xf32, #tpu.memory_space<hbm>>
        %dma_start3A_446 = arith.constant 0 : i32
        %dma_start3A_447 = tpu.memref_slice %arg6[%add3A, %dma_start3A_446] : memref<32x768xf32, #tpu.memory_space<hbm>> -> memref<1x768xf32, #tpu.memory_space<hbm>>
        %dma_start3A_448 = tpu.memref_squeeze %dma_start3A_447 : memref<1x768xf32, #tpu.memory_space<hbm>> -> memref<768xf32, #tpu.memory_space<hbm>>
        tpu.enqueue_dma source(%dma_start3A_448 : memref<768xf32, #tpu.memory_space<hbm>>) target(%dma_start3A_445 : memref<768xf32, #tpu.memory_space<hbm>>) target_semaphore(%arg11 : memref<!tpu.dma_semaphore, #tpu.memory_space<semaphore_mem>>)
      } else {
      }
      %jit3A_76 = arith.constant 1 : i32
      %jit3A_77 = arith.constant 0 : i32
      %select_n3A_78 = arith.select %or3A_62, %jit3A_76, %jit3A_77 : i32
      %add3A_79 = arith.addi %add3A_53, %select_n3A_78 : i32
      %slice3A_80 = vector.extract_strided_slice %get3A_31 {offsets = [2], sizes = [1], strides = [1]} : vector<16xf32> to vector<1xf32>
      %squeeze3A_81 = vector.extract %slice3A_80[0] : f32 from vector<1xf32>
      %gt3A_82 = arith.constant 0.000000e+00 : f32
      %gt3A_83 = arith.cmpf ogt, %squeeze3A_81, %gt3A_82 : f32
      %slice3A_84 = vector.extract_strided_slice %get3A_36 {offsets = [2], sizes = [1], strides = [1]} : vector<16xf32> to vector<1xf32>
      %squeeze3A_85 = vector.extract %slice3A_84[0] : f32 from vector<1xf32>
      %gt3A_86 = arith.constant 0.000000e+00 : f32
      %gt3A_87 = arith.cmpf ogt, %squeeze3A_85, %gt3A_86 : f32
      %or3A_88 = arith.ori %gt3A_83, %gt3A_87 : i1
      %mul3A_89 = arith.constant 16 : i32
      %mul3A_90 = arith.muli %scan3A_26, %mul3A_89 : i32
      %add3A_91 = arith.addi %mul3A_2, %mul3A_90 : i32
      %add3A_92 = arith.constant 2 : i32
      %add3A_93 = arith.addi %add3A_91, %add3A_92 : i32
      %convert_element_type3A_94 = arith.extui %or3A_88 : i1 to i32
      %cond3A_95 = arith.constant 0 : i32
      %cond3A_96 = arith.cmpi ne, %convert_element_type3A_94, %cond3A_95 : i32
      scf.if %cond3A_96 {
        %add3A_444 = arith.addi %add3A_11, %add3A_79 : i32
        %dma_start3A = arith.constant 0 : i32
        %dma_start3A_445 = tpu.memref_slice %arg7[%add3A_93, %dma_start3A] : memref<8192x768xf32, #tpu.memory_space<hbm>> -> memref<1x768xf32, #tpu.memory_space<hbm>>
        %dma_start3A_446 = tpu.memref_squeeze %dma_start3A_445 : memref<1x768xf32, #tpu.memory_space<hbm>> -> memref<768xf32, #tpu.memory_space<hbm>>
        %dma_start3A_447 = arith.constant 0 : i32
        %dma_start3A_448 = tpu.memref_slice %arg2[%add3A_444, %dma_start3A_447] : memref<8704x768xf32, #tpu.memory_space<hbm>> -> memref<1x768xf32, #tpu.memory_space<hbm>>
        %dma_start3A_449 = tpu.memref_squeeze %dma_start3A_448 : memref<1x768xf32, #tpu.memory_space<hbm>> -> memref<768xf32, #tpu.memory_space<hbm>>
        tpu.enqueue_dma source(%dma_start3A_449 : memref<768xf32, #tpu.memory_space<hbm>>) target(%dma_start3A_446 : memref<768xf32, #tpu.memory_space<hbm>>) target_semaphore(%arg11 : memref<!tpu.dma_semaphore, #tpu.memory_space<semaphore_mem>>)
      } else {
      }
      %not3A_97 = arith.constant true
      %not3A_98 = arith.xori %or3A_88, %not3A_97 : i1
      %convert_element_type3A_99 = arith.extui %not3A_98 : i1 to i32
      %cond3A_100 = arith.constant 0 : i32
      %cond3A_101 = arith.cmpi ne, %convert_element_type3A_99, %cond3A_100 : i32
      scf.if %cond3A_101 {
        %dma_start3A = arith.constant 0 : i32
        %dma_start3A_444 = tpu.memref_slice %arg7[%add3A_93, %dma_start3A] : memref<8192x768xf32, #tpu.memory_space<hbm>> -> memref<1x768xf32, #tpu.memory_space<hbm>>
        %dma_start3A_445 = tpu.memref_squeeze %dma_start3A_444 : memref<1x768xf32, #tpu.memory_space<hbm>> -> memref<768xf32, #tpu.memory_space<hbm>>
        %dma_start3A_446 = arith.constant 0 : i32
        %dma_start3A_447 = tpu.memref_slice %arg6[%add3A, %dma_start3A_446] : memref<32x768xf32, #tpu.memory_space<hbm>> -> memref<1x768xf32, #tpu.memory_space<hbm>>
        %dma_start3A_448 = tpu.memref_squeeze %dma_start3A_447 : memref<1x768xf32, #tpu.memory_space<hbm>> -> memref<768xf32, #tpu.memory_space<hbm>>
        tpu.enqueue_dma source(%dma_start3A_448 : memref<768xf32, #tpu.memory_space<hbm>>) target(%dma_start3A_445 : memref<768xf32, #tpu.memory_space<hbm>>) target_semaphore(%arg11 : memref<!tpu.dma_semaphore, #tpu.memory_space<semaphore_mem>>)
      } else {
      }
      %jit3A_102 = arith.constant 1 : i32
      %jit3A_103 = arith.constant 0 : i32
      %select_n3A_104 = arith.select %or3A_88, %jit3A_102, %jit3A_103 : i32
      %add3A_105 = arith.addi %add3A_79, %select_n3A_104 : i32
      %slice3A_106 = vector.extract_strided_slice %get3A_31 {offsets = [3], sizes = [1], strides = [1]} : vector<16xf32> to vector<1xf32>
      %squeeze3A_107 = vector.extract %slice3A_106[0] : f32 from vector<1xf32>
      %gt3A_108 = arith.constant 0.000000e+00 : f32
      %gt3A_109 = arith.cmpf ogt, %squeeze3A_107, %gt3A_108 : f32
      %slice3A_110 = vector.extract_strided_slice %get3A_36 {offsets = [3], sizes = [1], strides = [1]} : vector<16xf32> to vector<1xf32>
      %squeeze3A_111 = vector.extract %slice3A_110[0] : f32 from vector<1xf32>
      %gt3A_112 = arith.constant 0.000000e+00 : f32
      %gt3A_113 = arith.cmpf ogt, %squeeze3A_111, %gt3A_112 : f32
      %or3A_114 = arith.ori %gt3A_109, %gt3A_113 : i1
      %mul3A_115 = arith.constant 16 : i32
      %mul3A_116 = arith.muli %scan3A_26, %mul3A_115 : i32
      %add3A_117 = arith.addi %mul3A_2, %mul3A_116 : i32
      %add3A_118 = arith.constant 3 : i32
      %add3A_119 = arith.addi %add3A_117, %add3A_118 : i32
      %convert_element_type3A_120 = arith.extui %or3A_114 : i1 to i32
      %cond3A_121 = arith.constant 0 : i32
      %cond3A_122 = arith.cmpi ne, %convert_element_type3A_120, %cond3A_121 : i32
      scf.if %cond3A_122 {
        %add3A_444 = arith.addi %add3A_11, %add3A_105 : i32
        %dma_start3A = arith.constant 0 : i32
        %dma_start3A_445 = tpu.memref_slice %arg7[%add3A_119, %dma_start3A] : memref<8192x768xf32, #tpu.memory_space<hbm>> -> memref<1x768xf32, #tpu.memory_space<hbm>>
        %dma_start3A_446 = tpu.memref_squeeze %dma_start3A_445 : memref<1x768xf32, #tpu.memory_space<hbm>> -> memref<768xf32, #tpu.memory_space<hbm>>
        %dma_start3A_447 = arith.constant 0 : i32
        %dma_start3A_448 = tpu.memref_slice %arg2[%add3A_444, %dma_start3A_447] : memref<8704x768xf32, #tpu.memory_space<hbm>> -> memref<1x768xf32, #tpu.memory_space<hbm>>
        %dma_start3A_449 = tpu.memref_squeeze %dma_start3A_448 : memref<1x768xf32, #tpu.memory_space<hbm>> -> memref<768xf32, #tpu.memory_space<hbm>>
        tpu.enqueue_dma source(%dma_start3A_449 : memref<768xf32, #tpu.memory_space<hbm>>) target(%dma_start3A_446 : memref<768xf32, #tpu.memory_space<hbm>>) target_semaphore(%arg11 : memref<!tpu.dma_semaphore, #tpu.memory_space<semaphore_mem>>)
      } else {
      }
      %not3A_123 = arith.constant true
      %not3A_124 = arith.xori %or3A_114, %not3A_123 : i1
      %convert_element_type3A_125 = arith.extui %not3A_124 : i1 to i32
      %cond3A_126 = arith.constant 0 : i32
      %cond3A_127 = arith.cmpi ne, %convert_element_type3A_125, %cond3A_126 : i32
      scf.if %cond3A_127 {
        %dma_start3A = arith.constant 0 : i32
        %dma_start3A_444 = tpu.memref_slice %arg7[%add3A_119, %dma_start3A] : memref<8192x768xf32, #tpu.memory_space<hbm>> -> memref<1x768xf32, #tpu.memory_space<hbm>>
        %dma_start3A_445 = tpu.memref_squeeze %dma_start3A_444 : memref<1x768xf32, #tpu.memory_space<hbm>> -> memref<768xf32, #tpu.memory_space<hbm>>
        %dma_start3A_446 = arith.constant 0 : i32
        %dma_start3A_447 = tpu.memref_slice %arg6[%add3A, %dma_start3A_446] : memref<32x768xf32, #tpu.memory_space<hbm>> -> memref<1x768xf32, #tpu.memory_space<hbm>>
        %dma_start3A_448 = tpu.memref_squeeze %dma_start3A_447 : memref<1x768xf32, #tpu.memory_space<hbm>> -> memref<768xf32, #tpu.memory_space<hbm>>
        tpu.enqueue_dma source(%dma_start3A_448 : memref<768xf32, #tpu.memory_space<hbm>>) target(%dma_start3A_445 : memref<768xf32, #tpu.memory_space<hbm>>) target_semaphore(%arg11 : memref<!tpu.dma_semaphore, #tpu.memory_space<semaphore_mem>>)
      } else {
      }
      %jit3A_128 = arith.constant 1 : i32
      %jit3A_129 = arith.constant 0 : i32
      %select_n3A_130 = arith.select %or3A_114, %jit3A_128, %jit3A_129 : i32
      %add3A_131 = arith.addi %add3A_105, %select_n3A_130 : i32
      %slice3A_132 = vector.extract_strided_slice %get3A_31 {offsets = [4], sizes = [1], strides = [1]} : vector<16xf32> to vector<1xf32>
      %squeeze3A_133 = vector.extract %slice3A_132[0] : f32 from vector<1xf32>
      %gt3A_134 = arith.constant 0.000000e+00 : f32
      %gt3A_135 = arith.cmpf ogt, %squeeze3A_133, %gt3A_134 : f32
      %slice3A_136 = vector.extract_strided_slice %get3A_36 {offsets = [4], sizes = [1], strides = [1]} : vector<16xf32> to vector<1xf32>
      %squeeze3A_137 = vector.extract %slice3A_136[0] : f32 from vector<1xf32>
      %gt3A_138 = arith.constant 0.000000e+00 : f32
      %gt3A_139 = arith.cmpf ogt, %squeeze3A_137, %gt3A_138 : f32
      %or3A_140 = arith.ori %gt3A_135, %gt3A_139 : i1
      %mul3A_141 = arith.constant 16 : i32
      %mul3A_142 = arith.muli %scan3A_26, %mul3A_141 : i32
      %add3A_143 = arith.addi %mul3A_2, %mul3A_142 : i32
      %add3A_144 = arith.constant 4 : i32
      %add3A_145 = arith.addi %add3A_143, %add3A_144 : i32
      %convert_element_type3A_146 = arith.extui %or3A_140 : i1 to i32
      %cond3A_147 = arith.constant 0 : i32
      %cond3A_148 = arith.cmpi ne, %convert_element_type3A_146, %cond3A_147 : i32
      scf.if %cond3A_148 {
        %add3A_444 = arith.addi %add3A_11, %add3A_131 : i32
        %dma_start3A = arith.constant 0 : i32
        %dma_start3A_445 = tpu.memref_slice %arg7[%add3A_145, %dma_start3A] : memref<8192x768xf32, #tpu.memory_space<hbm>> -> memref<1x768xf32, #tpu.memory_space<hbm>>
        %dma_start3A_446 = tpu.memref_squeeze %dma_start3A_445 : memref<1x768xf32, #tpu.memory_space<hbm>> -> memref<768xf32, #tpu.memory_space<hbm>>
        %dma_start3A_447 = arith.constant 0 : i32
        %dma_start3A_448 = tpu.memref_slice %arg2[%add3A_444, %dma_start3A_447] : memref<8704x768xf32, #tpu.memory_space<hbm>> -> memref<1x768xf32, #tpu.memory_space<hbm>>
        %dma_start3A_449 = tpu.memref_squeeze %dma_start3A_448 : memref<1x768xf32, #tpu.memory_space<hbm>> -> memref<768xf32, #tpu.memory_space<hbm>>
        tpu.enqueue_dma source(%dma_start3A_449 : memref<768xf32, #tpu.memory_space<hbm>>) target(%dma_start3A_446 : memref<768xf32, #tpu.memory_space<hbm>>) target_semaphore(%arg11 : memref<!tpu.dma_semaphore, #tpu.memory_space<semaphore_mem>>)
      } else {
      }
      %not3A_149 = arith.constant true
      %not3A_150 = arith.xori %or3A_140, %not3A_149 : i1
      %convert_element_type3A_151 = arith.extui %not3A_150 : i1 to i32
      %cond3A_152 = arith.constant 0 : i32
      %cond3A_153 = arith.cmpi ne, %convert_element_type3A_151, %cond3A_152 : i32
      scf.if %cond3A_153 {
        %dma_start3A = arith.constant 0 : i32
        %dma_start3A_444 = tpu.memref_slice %arg7[%add3A_145, %dma_start3A] : memref<8192x768xf32, #tpu.memory_space<hbm>> -> memref<1x768xf32, #tpu.memory_space<hbm>>
        %dma_start3A_445 = tpu.memref_squeeze %dma_start3A_444 : memref<1x768xf32, #tpu.memory_space<hbm>> -> memref<768xf32, #tpu.memory_space<hbm>>
        %dma_start3A_446 = arith.constant 0 : i32
        %dma_start3A_447 = tpu.memref_slice %arg6[%add3A, %dma_start3A_446] : memref<32x768xf32, #tpu.memory_space<hbm>> -> memref<1x768xf32, #tpu.memory_space<hbm>>
        %dma_start3A_448 = tpu.memref_squeeze %dma_start3A_447 : memref<1x768xf32, #tpu.memory_space<hbm>> -> memref<768xf32, #tpu.memory_space<hbm>>
        tpu.enqueue_dma source(%dma_start3A_448 : memref<768xf32, #tpu.memory_space<hbm>>) target(%dma_start3A_445 : memref<768xf32, #tpu.memory_space<hbm>>) target_semaphore(%arg11 : memref<!tpu.dma_semaphore, #tpu.memory_space<semaphore_mem>>)
      } else {
      }
      %jit3A_154 = arith.constant 1 : i32
      %jit3A_155 = arith.constant 0 : i32
      %select_n3A_156 = arith.select %or3A_140, %jit3A_154, %jit3A_155 : i32
      %add3A_157 = arith.addi %add3A_131, %select_n3A_156 : i32
      %slice3A_158 = vector.extract_strided_slice %get3A_31 {offsets = [5], sizes = [1], strides = [1]} : vector<16xf32> to vector<1xf32>
      %squeeze3A_159 = vector.extract %slice3A_158[0] : f32 from vector<1xf32>
      %gt3A_160 = arith.constant 0.000000e+00 : f32
      %gt3A_161 = arith.cmpf ogt, %squeeze3A_159, %gt3A_160 : f32
      %slice3A_162 = vector.extract_strided_slice %get3A_36 {offsets = [5], sizes = [1], strides = [1]} : vector<16xf32> to vector<1xf32>
      %squeeze3A_163 = vector.extract %slice3A_162[0] : f32 from vector<1xf32>
      %gt3A_164 = arith.constant 0.000000e+00 : f32
      %gt3A_165 = arith.cmpf ogt, %squeeze3A_163, %gt3A_164 : f32
      %or3A_166 = arith.ori %gt3A_161, %gt3A_165 : i1
      %mul3A_167 = arith.constant 16 : i32
      %mul3A_168 = arith.muli %scan3A_26, %mul3A_167 : i32
      %add3A_169 = arith.addi %mul3A_2, %mul3A_168 : i32
      %add3A_170 = arith.constant 5 : i32
      %add3A_171 = arith.addi %add3A_169, %add3A_170 : i32
      %convert_element_type3A_172 = arith.extui %or3A_166 : i1 to i32
      %cond3A_173 = arith.constant 0 : i32
      %cond3A_174 = arith.cmpi ne, %convert_element_type3A_172, %cond3A_173 : i32
      scf.if %cond3A_174 {
        %add3A_444 = arith.addi %add3A_11, %add3A_157 : i32
        %dma_start3A = arith.constant 0 : i32
        %dma_start3A_445 = tpu.memref_slice %arg7[%add3A_171, %dma_start3A] : memref<8192x768xf32, #tpu.memory_space<hbm>> -> memref<1x768xf32, #tpu.memory_space<hbm>>
        %dma_start3A_446 = tpu.memref_squeeze %dma_start3A_445 : memref<1x768xf32, #tpu.memory_space<hbm>> -> memref<768xf32, #tpu.memory_space<hbm>>
        %dma_start3A_447 = arith.constant 0 : i32
        %dma_start3A_448 = tpu.memref_slice %arg2[%add3A_444, %dma_start3A_447] : memref<8704x768xf32, #tpu.memory_space<hbm>> -> memref<1x768xf32, #tpu.memory_space<hbm>>
        %dma_start3A_449 = tpu.memref_squeeze %dma_start3A_448 : memref<1x768xf32, #tpu.memory_space<hbm>> -> memref<768xf32, #tpu.memory_space<hbm>>
        tpu.enqueue_dma source(%dma_start3A_449 : memref<768xf32, #tpu.memory_space<hbm>>) target(%dma_start3A_446 : memref<768xf32, #tpu.memory_space<hbm>>) target_semaphore(%arg11 : memref<!tpu.dma_semaphore, #tpu.memory_space<semaphore_mem>>)
      } else {
      }
      %not3A_175 = arith.constant true
      %not3A_176 = arith.xori %or3A_166, %not3A_175 : i1
      %convert_element_type3A_177 = arith.extui %not3A_176 : i1 to i32
      %cond3A_178 = arith.constant 0 : i32
      %cond3A_179 = arith.cmpi ne, %convert_element_type3A_177, %cond3A_178 : i32
      scf.if %cond3A_179 {
        %dma_start3A = arith.constant 0 : i32
        %dma_start3A_444 = tpu.memref_slice %arg7[%add3A_171, %dma_start3A] : memref<8192x768xf32, #tpu.memory_space<hbm>> -> memref<1x768xf32, #tpu.memory_space<hbm>>
        %dma_start3A_445 = tpu.memref_squeeze %dma_start3A_444 : memref<1x768xf32, #tpu.memory_space<hbm>> -> memref<768xf32, #tpu.memory_space<hbm>>
        %dma_start3A_446 = arith.constant 0 : i32
        %dma_start3A_447 = tpu.memref_slice %arg6[%add3A, %dma_start3A_446] : memref<32x768xf32, #tpu.memory_space<hbm>> -> memref<1x768xf32, #tpu.memory_space<hbm>>
        %dma_start3A_448 = tpu.memref_squeeze %dma_start3A_447 : memref<1x768xf32, #tpu.memory_space<hbm>> -> memref<768xf32, #tpu.memory_space<hbm>>
        tpu.enqueue_dma source(%dma_start3A_448 : memref<768xf32, #tpu.memory_space<hbm>>) target(%dma_start3A_445 : memref<768xf32, #tpu.memory_space<hbm>>) target_semaphore(%arg11 : memref<!tpu.dma_semaphore, #tpu.memory_space<semaphore_mem>>)
      } else {
      }
      %jit3A_180 = arith.constant 1 : i32
      %jit3A_181 = arith.constant 0 : i32
      %select_n3A_182 = arith.select %or3A_166, %jit3A_180, %jit3A_181 : i32
      %add3A_183 = arith.addi %add3A_157, %select_n3A_182 : i32
      %slice3A_184 = vector.extract_strided_slice %get3A_31 {offsets = [6], sizes = [1], strides = [1]} : vector<16xf32> to vector<1xf32>
      %squeeze3A_185 = vector.extract %slice3A_184[0] : f32 from vector<1xf32>
      %gt3A_186 = arith.constant 0.000000e+00 : f32
      %gt3A_187 = arith.cmpf ogt, %squeeze3A_185, %gt3A_186 : f32
      %slice3A_188 = vector.extract_strided_slice %get3A_36 {offsets = [6], sizes = [1], strides = [1]} : vector<16xf32> to vector<1xf32>
      %squeeze3A_189 = vector.extract %slice3A_188[0] : f32 from vector<1xf32>
      %gt3A_190 = arith.constant 0.000000e+00 : f32
      %gt3A_191 = arith.cmpf ogt, %squeeze3A_189, %gt3A_190 : f32
      %or3A_192 = arith.ori %gt3A_187, %gt3A_191 : i1
      %mul3A_193 = arith.constant 16 : i32
      %mul3A_194 = arith.muli %scan3A_26, %mul3A_193 : i32
      %add3A_195 = arith.addi %mul3A_2, %mul3A_194 : i32
      %add3A_196 = arith.constant 6 : i32
      %add3A_197 = arith.addi %add3A_195, %add3A_196 : i32
      %convert_element_type3A_198 = arith.extui %or3A_192 : i1 to i32
      %cond3A_199 = arith.constant 0 : i32
      %cond3A_200 = arith.cmpi ne, %convert_element_type3A_198, %cond3A_199 : i32
      scf.if %cond3A_200 {
        %add3A_444 = arith.addi %add3A_11, %add3A_183 : i32
        %dma_start3A = arith.constant 0 : i32
        %dma_start3A_445 = tpu.memref_slice %arg7[%add3A_197, %dma_start3A] : memref<8192x768xf32, #tpu.memory_space<hbm>> -> memref<1x768xf32, #tpu.memory_space<hbm>>
        %dma_start3A_446 = tpu.memref_squeeze %dma_start3A_445 : memref<1x768xf32, #tpu.memory_space<hbm>> -> memref<768xf32, #tpu.memory_space<hbm>>
        %dma_start3A_447 = arith.constant 0 : i32
        %dma_start3A_448 = tpu.memref_slice %arg2[%add3A_444, %dma_start3A_447] : memref<8704x768xf32, #tpu.memory_space<hbm>> -> memref<1x768xf32, #tpu.memory_space<hbm>>
        %dma_start3A_449 = tpu.memref_squeeze %dma_start3A_448 : memref<1x768xf32, #tpu.memory_space<hbm>> -> memref<768xf32, #tpu.memory_space<hbm>>
        tpu.enqueue_dma source(%dma_start3A_449 : memref<768xf32, #tpu.memory_space<hbm>>) target(%dma_start3A_446 : memref<768xf32, #tpu.memory_space<hbm>>) target_semaphore(%arg11 : memref<!tpu.dma_semaphore, #tpu.memory_space<semaphore_mem>>)
      } else {
      }
      %not3A_201 = arith.constant true
      %not3A_202 = arith.xori %or3A_192, %not3A_201 : i1
      %convert_element_type3A_203 = arith.extui %not3A_202 : i1 to i32
      %cond3A_204 = arith.constant 0 : i32
      %cond3A_205 = arith.cmpi ne, %convert_element_type3A_203, %cond3A_204 : i32
      scf.if %cond3A_205 {
        %dma_start3A = arith.constant 0 : i32
        %dma_start3A_444 = tpu.memref_slice %arg7[%add3A_197, %dma_start3A] : memref<8192x768xf32, #tpu.memory_space<hbm>> -> memref<1x768xf32, #tpu.memory_space<hbm>>
        %dma_start3A_445 = tpu.memref_squeeze %dma_start3A_444 : memref<1x768xf32, #tpu.memory_space<hbm>> -> memref<768xf32, #tpu.memory_space<hbm>>
        %dma_start3A_446 = arith.constant 0 : i32
        %dma_start3A_447 = tpu.memref_slice %arg6[%add3A, %dma_start3A_446] : memref<32x768xf32, #tpu.memory_space<hbm>> -> memref<1x768xf32, #tpu.memory_space<hbm>>
        %dma_start3A_448 = tpu.memref_squeeze %dma_start3A_447 : memref<1x768xf32, #tpu.memory_space<hbm>> -> memref<768xf32, #tpu.memory_space<hbm>>
        tpu.enqueue_dma source(%dma_start3A_448 : memref<768xf32, #tpu.memory_space<hbm>>) target(%dma_start3A_445 : memref<768xf32, #tpu.memory_space<hbm>>) target_semaphore(%arg11 : memref<!tpu.dma_semaphore, #tpu.memory_space<semaphore_mem>>)
      } else {
      }
      %jit3A_206 = arith.constant 1 : i32
      %jit3A_207 = arith.constant 0 : i32
      %select_n3A_208 = arith.select %or3A_192, %jit3A_206, %jit3A_207 : i32
      %add3A_209 = arith.addi %add3A_183, %select_n3A_208 : i32
      %slice3A_210 = vector.extract_strided_slice %get3A_31 {offsets = [7], sizes = [1], strides = [1]} : vector<16xf32> to vector<1xf32>
      %squeeze3A_211 = vector.extract %slice3A_210[0] : f32 from vector<1xf32>
      %gt3A_212 = arith.constant 0.000000e+00 : f32
      %gt3A_213 = arith.cmpf ogt, %squeeze3A_211, %gt3A_212 : f32
      %slice3A_214 = vector.extract_strided_slice %get3A_36 {offsets = [7], sizes = [1], strides = [1]} : vector<16xf32> to vector<1xf32>
      %squeeze3A_215 = vector.extract %slice3A_214[0] : f32 from vector<1xf32>
      %gt3A_216 = arith.constant 0.000000e+00 : f32
      %gt3A_217 = arith.cmpf ogt, %squeeze3A_215, %gt3A_216 : f32
      %or3A_218 = arith.ori %gt3A_213, %gt3A_217 : i1
      %mul3A_219 = arith.constant 16 : i32
      %mul3A_220 = arith.muli %scan3A_26, %mul3A_219 : i32
      %add3A_221 = arith.addi %mul3A_2, %mul3A_220 : i32
      %add3A_222 = arith.constant 7 : i32
      %add3A_223 = arith.addi %add3A_221, %add3A_222 : i32
      %convert_element_type3A_224 = arith.extui %or3A_218 : i1 to i32
      %cond3A_225 = arith.constant 0 : i32
      %cond3A_226 = arith.cmpi ne, %convert_element_type3A_224, %cond3A_225 : i32
      scf.if %cond3A_226 {
        %add3A_444 = arith.addi %add3A_11, %add3A_209 : i32
        %dma_start3A = arith.constant 0 : i32
        %dma_start3A_445 = tpu.memref_slice %arg7[%add3A_223, %dma_start3A] : memref<8192x768xf32, #tpu.memory_space<hbm>> -> memref<1x768xf32, #tpu.memory_space<hbm>>
        %dma_start3A_446 = tpu.memref_squeeze %dma_start3A_445 : memref<1x768xf32, #tpu.memory_space<hbm>> -> memref<768xf32, #tpu.memory_space<hbm>>
        %dma_start3A_447 = arith.constant 0 : i32
        %dma_start3A_448 = tpu.memref_slice %arg2[%add3A_444, %dma_start3A_447] : memref<8704x768xf32, #tpu.memory_space<hbm>> -> memref<1x768xf32, #tpu.memory_space<hbm>>
        %dma_start3A_449 = tpu.memref_squeeze %dma_start3A_448 : memref<1x768xf32, #tpu.memory_space<hbm>> -> memref<768xf32, #tpu.memory_space<hbm>>
        tpu.enqueue_dma source(%dma_start3A_449 : memref<768xf32, #tpu.memory_space<hbm>>) target(%dma_start3A_446 : memref<768xf32, #tpu.memory_space<hbm>>) target_semaphore(%arg11 : memref<!tpu.dma_semaphore, #tpu.memory_space<semaphore_mem>>)
      } else {
      }
      %not3A_227 = arith.constant true
      %not3A_228 = arith.xori %or3A_218, %not3A_227 : i1
      %convert_element_type3A_229 = arith.extui %not3A_228 : i1 to i32
      %cond3A_230 = arith.constant 0 : i32
      %cond3A_231 = arith.cmpi ne, %convert_element_type3A_229, %cond3A_230 : i32
      scf.if %cond3A_231 {
        %dma_start3A = arith.constant 0 : i32
        %dma_start3A_444 = tpu.memref_slice %arg7[%add3A_223, %dma_start3A] : memref<8192x768xf32, #tpu.memory_space<hbm>> -> memref<1x768xf32, #tpu.memory_space<hbm>>
        %dma_start3A_445 = tpu.memref_squeeze %dma_start3A_444 : memref<1x768xf32, #tpu.memory_space<hbm>> -> memref<768xf32, #tpu.memory_space<hbm>>
        %dma_start3A_446 = arith.constant 0 : i32
        %dma_start3A_447 = tpu.memref_slice %arg6[%add3A, %dma_start3A_446] : memref<32x768xf32, #tpu.memory_space<hbm>> -> memref<1x768xf32, #tpu.memory_space<hbm>>
        %dma_start3A_448 = tpu.memref_squeeze %dma_start3A_447 : memref<1x768xf32, #tpu.memory_space<hbm>> -> memref<768xf32, #tpu.memory_space<hbm>>
        tpu.enqueue_dma source(%dma_start3A_448 : memref<768xf32, #tpu.memory_space<hbm>>) target(%dma_start3A_445 : memref<768xf32, #tpu.memory_space<hbm>>) target_semaphore(%arg11 : memref<!tpu.dma_semaphore, #tpu.memory_space<semaphore_mem>>)
      } else {
      }
      %jit3A_232 = arith.constant 1 : i32
      %jit3A_233 = arith.constant 0 : i32
      %select_n3A_234 = arith.select %or3A_218, %jit3A_232, %jit3A_233 : i32
      %add3A_235 = arith.addi %add3A_209, %select_n3A_234 : i32
      %slice3A_236 = vector.extract_strided_slice %get3A_31 {offsets = [8], sizes = [1], strides = [1]} : vector<16xf32> to vector<1xf32>
      %squeeze3A_237 = vector.extract %slice3A_236[0] : f32 from vector<1xf32>
      %gt3A_238 = arith.constant 0.000000e+00 : f32
      %gt3A_239 = arith.cmpf ogt, %squeeze3A_237, %gt3A_238 : f32
      %slice3A_240 = vector.extract_strided_slice %get3A_36 {offsets = [8], sizes = [1], strides = [1]} : vector<16xf32> to vector<1xf32>
      %squeeze3A_241 = vector.extract %slice3A_240[0] : f32 from vector<1xf32>
      %gt3A_242 = arith.constant 0.000000e+00 : f32
      %gt3A_243 = arith.cmpf ogt, %squeeze3A_241, %gt3A_242 : f32
      %or3A_244 = arith.ori %gt3A_239, %gt3A_243 : i1
      %mul3A_245 = arith.constant 16 : i32
      %mul3A_246 = arith.muli %scan3A_26, %mul3A_245 : i32
      %add3A_247 = arith.addi %mul3A_2, %mul3A_246 : i32
      %add3A_248 = arith.constant 8 : i32
      %add3A_249 = arith.addi %add3A_247, %add3A_248 : i32
      %convert_element_type3A_250 = arith.extui %or3A_244 : i1 to i32
      %cond3A_251 = arith.constant 0 : i32
      %cond3A_252 = arith.cmpi ne, %convert_element_type3A_250, %cond3A_251 : i32
      scf.if %cond3A_252 {
        %add3A_444 = arith.addi %add3A_11, %add3A_235 : i32
        %dma_start3A = arith.constant 0 : i32
        %dma_start3A_445 = tpu.memref_slice %arg7[%add3A_249, %dma_start3A] : memref<8192x768xf32, #tpu.memory_space<hbm>> -> memref<1x768xf32, #tpu.memory_space<hbm>>
        %dma_start3A_446 = tpu.memref_squeeze %dma_start3A_445 : memref<1x768xf32, #tpu.memory_space<hbm>> -> memref<768xf32, #tpu.memory_space<hbm>>
        %dma_start3A_447 = arith.constant 0 : i32
        %dma_start3A_448 = tpu.memref_slice %arg2[%add3A_444, %dma_start3A_447] : memref<8704x768xf32, #tpu.memory_space<hbm>> -> memref<1x768xf32, #tpu.memory_space<hbm>>
        %dma_start3A_449 = tpu.memref_squeeze %dma_start3A_448 : memref<1x768xf32, #tpu.memory_space<hbm>> -> memref<768xf32, #tpu.memory_space<hbm>>
        tpu.enqueue_dma source(%dma_start3A_449 : memref<768xf32, #tpu.memory_space<hbm>>) target(%dma_start3A_446 : memref<768xf32, #tpu.memory_space<hbm>>) target_semaphore(%arg11 : memref<!tpu.dma_semaphore, #tpu.memory_space<semaphore_mem>>)
      } else {
      }
      %not3A_253 = arith.constant true
      %not3A_254 = arith.xori %or3A_244, %not3A_253 : i1
      %convert_element_type3A_255 = arith.extui %not3A_254 : i1 to i32
      %cond3A_256 = arith.constant 0 : i32
      %cond3A_257 = arith.cmpi ne, %convert_element_type3A_255, %cond3A_256 : i32
      scf.if %cond3A_257 {
        %dma_start3A = arith.constant 0 : i32
        %dma_start3A_444 = tpu.memref_slice %arg7[%add3A_249, %dma_start3A] : memref<8192x768xf32, #tpu.memory_space<hbm>> -> memref<1x768xf32, #tpu.memory_space<hbm>>
        %dma_start3A_445 = tpu.memref_squeeze %dma_start3A_444 : memref<1x768xf32, #tpu.memory_space<hbm>> -> memref<768xf32, #tpu.memory_space<hbm>>
        %dma_start3A_446 = arith.constant 0 : i32
        %dma_start3A_447 = tpu.memref_slice %arg6[%add3A, %dma_start3A_446] : memref<32x768xf32, #tpu.memory_space<hbm>> -> memref<1x768xf32, #tpu.memory_space<hbm>>
        %dma_start3A_448 = tpu.memref_squeeze %dma_start3A_447 : memref<1x768xf32, #tpu.memory_space<hbm>> -> memref<768xf32, #tpu.memory_space<hbm>>
        tpu.enqueue_dma source(%dma_start3A_448 : memref<768xf32, #tpu.memory_space<hbm>>) target(%dma_start3A_445 : memref<768xf32, #tpu.memory_space<hbm>>) target_semaphore(%arg11 : memref<!tpu.dma_semaphore, #tpu.memory_space<semaphore_mem>>)
      } else {
      }
      %jit3A_258 = arith.constant 1 : i32
      %jit3A_259 = arith.constant 0 : i32
      %select_n3A_260 = arith.select %or3A_244, %jit3A_258, %jit3A_259 : i32
      %add3A_261 = arith.addi %add3A_235, %select_n3A_260 : i32
      %slice3A_262 = vector.extract_strided_slice %get3A_31 {offsets = [9], sizes = [1], strides = [1]} : vector<16xf32> to vector<1xf32>
      %squeeze3A_263 = vector.extract %slice3A_262[0] : f32 from vector<1xf32>
      %gt3A_264 = arith.constant 0.000000e+00 : f32
      %gt3A_265 = arith.cmpf ogt, %squeeze3A_263, %gt3A_264 : f32
      %slice3A_266 = vector.extract_strided_slice %get3A_36 {offsets = [9], sizes = [1], strides = [1]} : vector<16xf32> to vector<1xf32>
      %squeeze3A_267 = vector.extract %slice3A_266[0] : f32 from vector<1xf32>
      %gt3A_268 = arith.constant 0.000000e+00 : f32
      %gt3A_269 = arith.cmpf ogt, %squeeze3A_267, %gt3A_268 : f32
      %or3A_270 = arith.ori %gt3A_265, %gt3A_269 : i1
      %mul3A_271 = arith.constant 16 : i32
      %mul3A_272 = arith.muli %scan3A_26, %mul3A_271 : i32
      %add3A_273 = arith.addi %mul3A_2, %mul3A_272 : i32
      %add3A_274 = arith.constant 9 : i32
      %add3A_275 = arith.addi %add3A_273, %add3A_274 : i32
      %convert_element_type3A_276 = arith.extui %or3A_270 : i1 to i32
      %cond3A_277 = arith.constant 0 : i32
      %cond3A_278 = arith.cmpi ne, %convert_element_type3A_276, %cond3A_277 : i32
      scf.if %cond3A_278 {
        %add3A_444 = arith.addi %add3A_11, %add3A_261 : i32
        %dma_start3A = arith.constant 0 : i32
        %dma_start3A_445 = tpu.memref_slice %arg7[%add3A_275, %dma_start3A] : memref<8192x768xf32, #tpu.memory_space<hbm>> -> memref<1x768xf32, #tpu.memory_space<hbm>>
        %dma_start3A_446 = tpu.memref_squeeze %dma_start3A_445 : memref<1x768xf32, #tpu.memory_space<hbm>> -> memref<768xf32, #tpu.memory_space<hbm>>
        %dma_start3A_447 = arith.constant 0 : i32
        %dma_start3A_448 = tpu.memref_slice %arg2[%add3A_444, %dma_start3A_447] : memref<8704x768xf32, #tpu.memory_space<hbm>> -> memref<1x768xf32, #tpu.memory_space<hbm>>
        %dma_start3A_449 = tpu.memref_squeeze %dma_start3A_448 : memref<1x768xf32, #tpu.memory_space<hbm>> -> memref<768xf32, #tpu.memory_space<hbm>>
        tpu.enqueue_dma source(%dma_start3A_449 : memref<768xf32, #tpu.memory_space<hbm>>) target(%dma_start3A_446 : memref<768xf32, #tpu.memory_space<hbm>>) target_semaphore(%arg11 : memref<!tpu.dma_semaphore, #tpu.memory_space<semaphore_mem>>)
      } else {
      }
      %not3A_279 = arith.constant true
      %not3A_280 = arith.xori %or3A_270, %not3A_279 : i1
      %convert_element_type3A_281 = arith.extui %not3A_280 : i1 to i32
      %cond3A_282 = arith.constant 0 : i32
      %cond3A_283 = arith.cmpi ne, %convert_element_type3A_281, %cond3A_282 : i32
      scf.if %cond3A_283 {
        %dma_start3A = arith.constant 0 : i32
        %dma_start3A_444 = tpu.memref_slice %arg7[%add3A_275, %dma_start3A] : memref<8192x768xf32, #tpu.memory_space<hbm>> -> memref<1x768xf32, #tpu.memory_space<hbm>>
        %dma_start3A_445 = tpu.memref_squeeze %dma_start3A_444 : memref<1x768xf32, #tpu.memory_space<hbm>> -> memref<768xf32, #tpu.memory_space<hbm>>
        %dma_start3A_446 = arith.constant 0 : i32
        %dma_start3A_447 = tpu.memref_slice %arg6[%add3A, %dma_start3A_446] : memref<32x768xf32, #tpu.memory_space<hbm>> -> memref<1x768xf32, #tpu.memory_space<hbm>>
        %dma_start3A_448 = tpu.memref_squeeze %dma_start3A_447 : memref<1x768xf32, #tpu.memory_space<hbm>> -> memref<768xf32, #tpu.memory_space<hbm>>
        tpu.enqueue_dma source(%dma_start3A_448 : memref<768xf32, #tpu.memory_space<hbm>>) target(%dma_start3A_445 : memref<768xf32, #tpu.memory_space<hbm>>) target_semaphore(%arg11 : memref<!tpu.dma_semaphore, #tpu.memory_space<semaphore_mem>>)
      } else {
      }
      %jit3A_284 = arith.constant 1 : i32
      %jit3A_285 = arith.constant 0 : i32
      %select_n3A_286 = arith.select %or3A_270, %jit3A_284, %jit3A_285 : i32
      %add3A_287 = arith.addi %add3A_261, %select_n3A_286 : i32
      %slice3A_288 = vector.extract_strided_slice %get3A_31 {offsets = [10], sizes = [1], strides = [1]} : vector<16xf32> to vector<1xf32>
      %squeeze3A_289 = vector.extract %slice3A_288[0] : f32 from vector<1xf32>
      %gt3A_290 = arith.constant 0.000000e+00 : f32
      %gt3A_291 = arith.cmpf ogt, %squeeze3A_289, %gt3A_290 : f32
      %slice3A_292 = vector.extract_strided_slice %get3A_36 {offsets = [10], sizes = [1], strides = [1]} : vector<16xf32> to vector<1xf32>
      %squeeze3A_293 = vector.extract %slice3A_292[0] : f32 from vector<1xf32>
      %gt3A_294 = arith.constant 0.000000e+00 : f32
      %gt3A_295 = arith.cmpf ogt, %squeeze3A_293, %gt3A_294 : f32
      %or3A_296 = arith.ori %gt3A_291, %gt3A_295 : i1
      %mul3A_297 = arith.constant 16 : i32
      %mul3A_298 = arith.muli %scan3A_26, %mul3A_297 : i32
      %add3A_299 = arith.addi %mul3A_2, %mul3A_298 : i32
      %add3A_300 = arith.constant 10 : i32
      %add3A_301 = arith.addi %add3A_299, %add3A_300 : i32
      %convert_element_type3A_302 = arith.extui %or3A_296 : i1 to i32
      %cond3A_303 = arith.constant 0 : i32
      %cond3A_304 = arith.cmpi ne, %convert_element_type3A_302, %cond3A_303 : i32
      scf.if %cond3A_304 {
        %add3A_444 = arith.addi %add3A_11, %add3A_287 : i32
        %dma_start3A = arith.constant 0 : i32
        %dma_start3A_445 = tpu.memref_slice %arg7[%add3A_301, %dma_start3A] : memref<8192x768xf32, #tpu.memory_space<hbm>> -> memref<1x768xf32, #tpu.memory_space<hbm>>
        %dma_start3A_446 = tpu.memref_squeeze %dma_start3A_445 : memref<1x768xf32, #tpu.memory_space<hbm>> -> memref<768xf32, #tpu.memory_space<hbm>>
        %dma_start3A_447 = arith.constant 0 : i32
        %dma_start3A_448 = tpu.memref_slice %arg2[%add3A_444, %dma_start3A_447] : memref<8704x768xf32, #tpu.memory_space<hbm>> -> memref<1x768xf32, #tpu.memory_space<hbm>>
        %dma_start3A_449 = tpu.memref_squeeze %dma_start3A_448 : memref<1x768xf32, #tpu.memory_space<hbm>> -> memref<768xf32, #tpu.memory_space<hbm>>
        tpu.enqueue_dma source(%dma_start3A_449 : memref<768xf32, #tpu.memory_space<hbm>>) target(%dma_start3A_446 : memref<768xf32, #tpu.memory_space<hbm>>) target_semaphore(%arg11 : memref<!tpu.dma_semaphore, #tpu.memory_space<semaphore_mem>>)
      } else {
      }
      %not3A_305 = arith.constant true
      %not3A_306 = arith.xori %or3A_296, %not3A_305 : i1
      %convert_element_type3A_307 = arith.extui %not3A_306 : i1 to i32
      %cond3A_308 = arith.constant 0 : i32
      %cond3A_309 = arith.cmpi ne, %convert_element_type3A_307, %cond3A_308 : i32
      scf.if %cond3A_309 {
        %dma_start3A = arith.constant 0 : i32
        %dma_start3A_444 = tpu.memref_slice %arg7[%add3A_301, %dma_start3A] : memref<8192x768xf32, #tpu.memory_space<hbm>> -> memref<1x768xf32, #tpu.memory_space<hbm>>
        %dma_start3A_445 = tpu.memref_squeeze %dma_start3A_444 : memref<1x768xf32, #tpu.memory_space<hbm>> -> memref<768xf32, #tpu.memory_space<hbm>>
        %dma_start3A_446 = arith.constant 0 : i32
        %dma_start3A_447 = tpu.memref_slice %arg6[%add3A, %dma_start3A_446] : memref<32x768xf32, #tpu.memory_space<hbm>> -> memref<1x768xf32, #tpu.memory_space<hbm>>
        %dma_start3A_448 = tpu.memref_squeeze %dma_start3A_447 : memref<1x768xf32, #tpu.memory_space<hbm>> -> memref<768xf32, #tpu.memory_space<hbm>>
        tpu.enqueue_dma source(%dma_start3A_448 : memref<768xf32, #tpu.memory_space<hbm>>) target(%dma_start3A_445 : memref<768xf32, #tpu.memory_space<hbm>>) target_semaphore(%arg11 : memref<!tpu.dma_semaphore, #tpu.memory_space<semaphore_mem>>)
      } else {
      }
      %jit3A_310 = arith.constant 1 : i32
      %jit3A_311 = arith.constant 0 : i32
      %select_n3A_312 = arith.select %or3A_296, %jit3A_310, %jit3A_311 : i32
      %add3A_313 = arith.addi %add3A_287, %select_n3A_312 : i32
      %slice3A_314 = vector.extract_strided_slice %get3A_31 {offsets = [11], sizes = [1], strides = [1]} : vector<16xf32> to vector<1xf32>
      %squeeze3A_315 = vector.extract %slice3A_314[0] : f32 from vector<1xf32>
      %gt3A_316 = arith.constant 0.000000e+00 : f32
      %gt3A_317 = arith.cmpf ogt, %squeeze3A_315, %gt3A_316 : f32
      %slice3A_318 = vector.extract_strided_slice %get3A_36 {offsets = [11], sizes = [1], strides = [1]} : vector<16xf32> to vector<1xf32>
      %squeeze3A_319 = vector.extract %slice3A_318[0] : f32 from vector<1xf32>
      %gt3A_320 = arith.constant 0.000000e+00 : f32
      %gt3A_321 = arith.cmpf ogt, %squeeze3A_319, %gt3A_320 : f32
      %or3A_322 = arith.ori %gt3A_317, %gt3A_321 : i1
      %mul3A_323 = arith.constant 16 : i32
      %mul3A_324 = arith.muli %scan3A_26, %mul3A_323 : i32
      %add3A_325 = arith.addi %mul3A_2, %mul3A_324 : i32
      %add3A_326 = arith.constant 11 : i32
      %add3A_327 = arith.addi %add3A_325, %add3A_326 : i32
      %convert_element_type3A_328 = arith.extui %or3A_322 : i1 to i32
      %cond3A_329 = arith.constant 0 : i32
      %cond3A_330 = arith.cmpi ne, %convert_element_type3A_328, %cond3A_329 : i32
      scf.if %cond3A_330 {
        %add3A_444 = arith.addi %add3A_11, %add3A_313 : i32
        %dma_start3A = arith.constant 0 : i32
        %dma_start3A_445 = tpu.memref_slice %arg7[%add3A_327, %dma_start3A] : memref<8192x768xf32, #tpu.memory_space<hbm>> -> memref<1x768xf32, #tpu.memory_space<hbm>>
        %dma_start3A_446 = tpu.memref_squeeze %dma_start3A_445 : memref<1x768xf32, #tpu.memory_space<hbm>> -> memref<768xf32, #tpu.memory_space<hbm>>
        %dma_start3A_447 = arith.constant 0 : i32
        %dma_start3A_448 = tpu.memref_slice %arg2[%add3A_444, %dma_start3A_447] : memref<8704x768xf32, #tpu.memory_space<hbm>> -> memref<1x768xf32, #tpu.memory_space<hbm>>
        %dma_start3A_449 = tpu.memref_squeeze %dma_start3A_448 : memref<1x768xf32, #tpu.memory_space<hbm>> -> memref<768xf32, #tpu.memory_space<hbm>>
        tpu.enqueue_dma source(%dma_start3A_449 : memref<768xf32, #tpu.memory_space<hbm>>) target(%dma_start3A_446 : memref<768xf32, #tpu.memory_space<hbm>>) target_semaphore(%arg11 : memref<!tpu.dma_semaphore, #tpu.memory_space<semaphore_mem>>)
      } else {
      }
      %not3A_331 = arith.constant true
      %not3A_332 = arith.xori %or3A_322, %not3A_331 : i1
      %convert_element_type3A_333 = arith.extui %not3A_332 : i1 to i32
      %cond3A_334 = arith.constant 0 : i32
      %cond3A_335 = arith.cmpi ne, %convert_element_type3A_333, %cond3A_334 : i32
      scf.if %cond3A_335 {
        %dma_start3A = arith.constant 0 : i32
        %dma_start3A_444 = tpu.memref_slice %arg7[%add3A_327, %dma_start3A] : memref<8192x768xf32, #tpu.memory_space<hbm>> -> memref<1x768xf32, #tpu.memory_space<hbm>>
        %dma_start3A_445 = tpu.memref_squeeze %dma_start3A_444 : memref<1x768xf32, #tpu.memory_space<hbm>> -> memref<768xf32, #tpu.memory_space<hbm>>
        %dma_start3A_446 = arith.constant 0 : i32
        %dma_start3A_447 = tpu.memref_slice %arg6[%add3A, %dma_start3A_446] : memref<32x768xf32, #tpu.memory_space<hbm>> -> memref<1x768xf32, #tpu.memory_space<hbm>>
        %dma_start3A_448 = tpu.memref_squeeze %dma_start3A_447 : memref<1x768xf32, #tpu.memory_space<hbm>> -> memref<768xf32, #tpu.memory_space<hbm>>
        tpu.enqueue_dma source(%dma_start3A_448 : memref<768xf32, #tpu.memory_space<hbm>>) target(%dma_start3A_445 : memref<768xf32, #tpu.memory_space<hbm>>) target_semaphore(%arg11 : memref<!tpu.dma_semaphore, #tpu.memory_space<semaphore_mem>>)
      } else {
      }
      %jit3A_336 = arith.constant 1 : i32
      %jit3A_337 = arith.constant 0 : i32
      %select_n3A_338 = arith.select %or3A_322, %jit3A_336, %jit3A_337 : i32
      %add3A_339 = arith.addi %add3A_313, %select_n3A_338 : i32
      %slice3A_340 = vector.extract_strided_slice %get3A_31 {offsets = [12], sizes = [1], strides = [1]} : vector<16xf32> to vector<1xf32>
      %squeeze3A_341 = vector.extract %slice3A_340[0] : f32 from vector<1xf32>
      %gt3A_342 = arith.constant 0.000000e+00 : f32
      %gt3A_343 = arith.cmpf ogt, %squeeze3A_341, %gt3A_342 : f32
      %slice3A_344 = vector.extract_strided_slice %get3A_36 {offsets = [12], sizes = [1], strides = [1]} : vector<16xf32> to vector<1xf32>
      %squeeze3A_345 = vector.extract %slice3A_344[0] : f32 from vector<1xf32>
      %gt3A_346 = arith.constant 0.000000e+00 : f32
      %gt3A_347 = arith.cmpf ogt, %squeeze3A_345, %gt3A_346 : f32
      %or3A_348 = arith.ori %gt3A_343, %gt3A_347 : i1
      %mul3A_349 = arith.constant 16 : i32
      %mul3A_350 = arith.muli %scan3A_26, %mul3A_349 : i32
      %add3A_351 = arith.addi %mul3A_2, %mul3A_350 : i32
      %add3A_352 = arith.constant 12 : i32
      %add3A_353 = arith.addi %add3A_351, %add3A_352 : i32
      %convert_element_type3A_354 = arith.extui %or3A_348 : i1 to i32
      %cond3A_355 = arith.constant 0 : i32
      %cond3A_356 = arith.cmpi ne, %convert_element_type3A_354, %cond3A_355 : i32
      scf.if %cond3A_356 {
        %add3A_444 = arith.addi %add3A_11, %add3A_339 : i32
        %dma_start3A = arith.constant 0 : i32
        %dma_start3A_445 = tpu.memref_slice %arg7[%add3A_353, %dma_start3A] : memref<8192x768xf32, #tpu.memory_space<hbm>> -> memref<1x768xf32, #tpu.memory_space<hbm>>
        %dma_start3A_446 = tpu.memref_squeeze %dma_start3A_445 : memref<1x768xf32, #tpu.memory_space<hbm>> -> memref<768xf32, #tpu.memory_space<hbm>>
        %dma_start3A_447 = arith.constant 0 : i32
        %dma_start3A_448 = tpu.memref_slice %arg2[%add3A_444, %dma_start3A_447] : memref<8704x768xf32, #tpu.memory_space<hbm>> -> memref<1x768xf32, #tpu.memory_space<hbm>>
        %dma_start3A_449 = tpu.memref_squeeze %dma_start3A_448 : memref<1x768xf32, #tpu.memory_space<hbm>> -> memref<768xf32, #tpu.memory_space<hbm>>
        tpu.enqueue_dma source(%dma_start3A_449 : memref<768xf32, #tpu.memory_space<hbm>>) target(%dma_start3A_446 : memref<768xf32, #tpu.memory_space<hbm>>) target_semaphore(%arg11 : memref<!tpu.dma_semaphore, #tpu.memory_space<semaphore_mem>>)
      } else {
      }
      %not3A_357 = arith.constant true
      %not3A_358 = arith.xori %or3A_348, %not3A_357 : i1
      %convert_element_type3A_359 = arith.extui %not3A_358 : i1 to i32
      %cond3A_360 = arith.constant 0 : i32
      %cond3A_361 = arith.cmpi ne, %convert_element_type3A_359, %cond3A_360 : i32
      scf.if %cond3A_361 {
        %dma_start3A = arith.constant 0 : i32
        %dma_start3A_444 = tpu.memref_slice %arg7[%add3A_353, %dma_start3A] : memref<8192x768xf32, #tpu.memory_space<hbm>> -> memref<1x768xf32, #tpu.memory_space<hbm>>
        %dma_start3A_445 = tpu.memref_squeeze %dma_start3A_444 : memref<1x768xf32, #tpu.memory_space<hbm>> -> memref<768xf32, #tpu.memory_space<hbm>>
        %dma_start3A_446 = arith.constant 0 : i32
        %dma_start3A_447 = tpu.memref_slice %arg6[%add3A, %dma_start3A_446] : memref<32x768xf32, #tpu.memory_space<hbm>> -> memref<1x768xf32, #tpu.memory_space<hbm>>
        %dma_start3A_448 = tpu.memref_squeeze %dma_start3A_447 : memref<1x768xf32, #tpu.memory_space<hbm>> -> memref<768xf32, #tpu.memory_space<hbm>>
        tpu.enqueue_dma source(%dma_start3A_448 : memref<768xf32, #tpu.memory_space<hbm>>) target(%dma_start3A_445 : memref<768xf32, #tpu.memory_space<hbm>>) target_semaphore(%arg11 : memref<!tpu.dma_semaphore, #tpu.memory_space<semaphore_mem>>)
      } else {
      }
      %jit3A_362 = arith.constant 1 : i32
      %jit3A_363 = arith.constant 0 : i32
      %select_n3A_364 = arith.select %or3A_348, %jit3A_362, %jit3A_363 : i32
      %add3A_365 = arith.addi %add3A_339, %select_n3A_364 : i32
      %slice3A_366 = vector.extract_strided_slice %get3A_31 {offsets = [13], sizes = [1], strides = [1]} : vector<16xf32> to vector<1xf32>
      %squeeze3A_367 = vector.extract %slice3A_366[0] : f32 from vector<1xf32>
      %gt3A_368 = arith.constant 0.000000e+00 : f32
      %gt3A_369 = arith.cmpf ogt, %squeeze3A_367, %gt3A_368 : f32
      %slice3A_370 = vector.extract_strided_slice %get3A_36 {offsets = [13], sizes = [1], strides = [1]} : vector<16xf32> to vector<1xf32>
      %squeeze3A_371 = vector.extract %slice3A_370[0] : f32 from vector<1xf32>
      %gt3A_372 = arith.constant 0.000000e+00 : f32
      %gt3A_373 = arith.cmpf ogt, %squeeze3A_371, %gt3A_372 : f32
      %or3A_374 = arith.ori %gt3A_369, %gt3A_373 : i1
      %mul3A_375 = arith.constant 16 : i32
      %mul3A_376 = arith.muli %scan3A_26, %mul3A_375 : i32
      %add3A_377 = arith.addi %mul3A_2, %mul3A_376 : i32
      %add3A_378 = arith.constant 13 : i32
      %add3A_379 = arith.addi %add3A_377, %add3A_378 : i32
      %convert_element_type3A_380 = arith.extui %or3A_374 : i1 to i32
      %cond3A_381 = arith.constant 0 : i32
      %cond3A_382 = arith.cmpi ne, %convert_element_type3A_380, %cond3A_381 : i32
      scf.if %cond3A_382 {
        %add3A_444 = arith.addi %add3A_11, %add3A_365 : i32
        %dma_start3A = arith.constant 0 : i32
        %dma_start3A_445 = tpu.memref_slice %arg7[%add3A_379, %dma_start3A] : memref<8192x768xf32, #tpu.memory_space<hbm>> -> memref<1x768xf32, #tpu.memory_space<hbm>>
        %dma_start3A_446 = tpu.memref_squeeze %dma_start3A_445 : memref<1x768xf32, #tpu.memory_space<hbm>> -> memref<768xf32, #tpu.memory_space<hbm>>
        %dma_start3A_447 = arith.constant 0 : i32
        %dma_start3A_448 = tpu.memref_slice %arg2[%add3A_444, %dma_start3A_447] : memref<8704x768xf32, #tpu.memory_space<hbm>> -> memref<1x768xf32, #tpu.memory_space<hbm>>
        %dma_start3A_449 = tpu.memref_squeeze %dma_start3A_448 : memref<1x768xf32, #tpu.memory_space<hbm>> -> memref<768xf32, #tpu.memory_space<hbm>>
        tpu.enqueue_dma source(%dma_start3A_449 : memref<768xf32, #tpu.memory_space<hbm>>) target(%dma_start3A_446 : memref<768xf32, #tpu.memory_space<hbm>>) target_semaphore(%arg11 : memref<!tpu.dma_semaphore, #tpu.memory_space<semaphore_mem>>)
      } else {
      }
      %not3A_383 = arith.constant true
      %not3A_384 = arith.xori %or3A_374, %not3A_383 : i1
      %convert_element_type3A_385 = arith.extui %not3A_384 : i1 to i32
      %cond3A_386 = arith.constant 0 : i32
      %cond3A_387 = arith.cmpi ne, %convert_element_type3A_385, %cond3A_386 : i32
      scf.if %cond3A_387 {
        %dma_start3A = arith.constant 0 : i32
        %dma_start3A_444 = tpu.memref_slice %arg7[%add3A_379, %dma_start3A] : memref<8192x768xf32, #tpu.memory_space<hbm>> -> memref<1x768xf32, #tpu.memory_space<hbm>>
        %dma_start3A_445 = tpu.memref_squeeze %dma_start3A_444 : memref<1x768xf32, #tpu.memory_space<hbm>> -> memref<768xf32, #tpu.memory_space<hbm>>
        %dma_start3A_446 = arith.constant 0 : i32
        %dma_start3A_447 = tpu.memref_slice %arg6[%add3A, %dma_start3A_446] : memref<32x768xf32, #tpu.memory_space<hbm>> -> memref<1x768xf32, #tpu.memory_space<hbm>>
        %dma_start3A_448 = tpu.memref_squeeze %dma_start3A_447 : memref<1x768xf32, #tpu.memory_space<hbm>> -> memref<768xf32, #tpu.memory_space<hbm>>
        tpu.enqueue_dma source(%dma_start3A_448 : memref<768xf32, #tpu.memory_space<hbm>>) target(%dma_start3A_445 : memref<768xf32, #tpu.memory_space<hbm>>) target_semaphore(%arg11 : memref<!tpu.dma_semaphore, #tpu.memory_space<semaphore_mem>>)
      } else {
      }
      %jit3A_388 = arith.constant 1 : i32
      %jit3A_389 = arith.constant 0 : i32
      %select_n3A_390 = arith.select %or3A_374, %jit3A_388, %jit3A_389 : i32
      %add3A_391 = arith.addi %add3A_365, %select_n3A_390 : i32
      %slice3A_392 = vector.extract_strided_slice %get3A_31 {offsets = [14], sizes = [1], strides = [1]} : vector<16xf32> to vector<1xf32>
      %squeeze3A_393 = vector.extract %slice3A_392[0] : f32 from vector<1xf32>
      %gt3A_394 = arith.constant 0.000000e+00 : f32
      %gt3A_395 = arith.cmpf ogt, %squeeze3A_393, %gt3A_394 : f32
      %slice3A_396 = vector.extract_strided_slice %get3A_36 {offsets = [14], sizes = [1], strides = [1]} : vector<16xf32> to vector<1xf32>
      %squeeze3A_397 = vector.extract %slice3A_396[0] : f32 from vector<1xf32>
      %gt3A_398 = arith.constant 0.000000e+00 : f32
      %gt3A_399 = arith.cmpf ogt, %squeeze3A_397, %gt3A_398 : f32
      %or3A_400 = arith.ori %gt3A_395, %gt3A_399 : i1
      %mul3A_401 = arith.constant 16 : i32
      %mul3A_402 = arith.muli %scan3A_26, %mul3A_401 : i32
      %add3A_403 = arith.addi %mul3A_2, %mul3A_402 : i32
      %add3A_404 = arith.constant 14 : i32
      %add3A_405 = arith.addi %add3A_403, %add3A_404 : i32
      %convert_element_type3A_406 = arith.extui %or3A_400 : i1 to i32
      %cond3A_407 = arith.constant 0 : i32
      %cond3A_408 = arith.cmpi ne, %convert_element_type3A_406, %cond3A_407 : i32
      scf.if %cond3A_408 {
        %add3A_444 = arith.addi %add3A_11, %add3A_391 : i32
        %dma_start3A = arith.constant 0 : i32
        %dma_start3A_445 = tpu.memref_slice %arg7[%add3A_405, %dma_start3A] : memref<8192x768xf32, #tpu.memory_space<hbm>> -> memref<1x768xf32, #tpu.memory_space<hbm>>
        %dma_start3A_446 = tpu.memref_squeeze %dma_start3A_445 : memref<1x768xf32, #tpu.memory_space<hbm>> -> memref<768xf32, #tpu.memory_space<hbm>>
        %dma_start3A_447 = arith.constant 0 : i32
        %dma_start3A_448 = tpu.memref_slice %arg2[%add3A_444, %dma_start3A_447] : memref<8704x768xf32, #tpu.memory_space<hbm>> -> memref<1x768xf32, #tpu.memory_space<hbm>>
        %dma_start3A_449 = tpu.memref_squeeze %dma_start3A_448 : memref<1x768xf32, #tpu.memory_space<hbm>> -> memref<768xf32, #tpu.memory_space<hbm>>
        tpu.enqueue_dma source(%dma_start3A_449 : memref<768xf32, #tpu.memory_space<hbm>>) target(%dma_start3A_446 : memref<768xf32, #tpu.memory_space<hbm>>) target_semaphore(%arg11 : memref<!tpu.dma_semaphore, #tpu.memory_space<semaphore_mem>>)
      } else {
      }
      %not3A_409 = arith.constant true
      %not3A_410 = arith.xori %or3A_400, %not3A_409 : i1
      %convert_element_type3A_411 = arith.extui %not3A_410 : i1 to i32
      %cond3A_412 = arith.constant 0 : i32
      %cond3A_413 = arith.cmpi ne, %convert_element_type3A_411, %cond3A_412 : i32
      scf.if %cond3A_413 {
        %dma_start3A = arith.constant 0 : i32
        %dma_start3A_444 = tpu.memref_slice %arg7[%add3A_405, %dma_start3A] : memref<8192x768xf32, #tpu.memory_space<hbm>> -> memref<1x768xf32, #tpu.memory_space<hbm>>
        %dma_start3A_445 = tpu.memref_squeeze %dma_start3A_444 : memref<1x768xf32, #tpu.memory_space<hbm>> -> memref<768xf32, #tpu.memory_space<hbm>>
        %dma_start3A_446 = arith.constant 0 : i32
        %dma_start3A_447 = tpu.memref_slice %arg6[%add3A, %dma_start3A_446] : memref<32x768xf32, #tpu.memory_space<hbm>> -> memref<1x768xf32, #tpu.memory_space<hbm>>
        %dma_start3A_448 = tpu.memref_squeeze %dma_start3A_447 : memref<1x768xf32, #tpu.memory_space<hbm>> -> memref<768xf32, #tpu.memory_space<hbm>>
        tpu.enqueue_dma source(%dma_start3A_448 : memref<768xf32, #tpu.memory_space<hbm>>) target(%dma_start3A_445 : memref<768xf32, #tpu.memory_space<hbm>>) target_semaphore(%arg11 : memref<!tpu.dma_semaphore, #tpu.memory_space<semaphore_mem>>)
      } else {
      }
      %jit3A_414 = arith.constant 1 : i32
      %jit3A_415 = arith.constant 0 : i32
      %select_n3A_416 = arith.select %or3A_400, %jit3A_414, %jit3A_415 : i32
      %add3A_417 = arith.addi %add3A_391, %select_n3A_416 : i32
      %slice3A_418 = vector.extract_strided_slice %get3A_31 {offsets = [15], sizes = [1], strides = [1]} : vector<16xf32> to vector<1xf32>
      %squeeze3A_419 = vector.extract %slice3A_418[0] : f32 from vector<1xf32>
      %gt3A_420 = arith.constant 0.000000e+00 : f32
      %gt3A_421 = arith.cmpf ogt, %squeeze3A_419, %gt3A_420 : f32
      %slice3A_422 = vector.extract_strided_slice %get3A_36 {offsets = [15], sizes = [1], strides = [1]} : vector<16xf32> to vector<1xf32>
      %squeeze3A_423 = vector.extract %slice3A_422[0] : f32 from vector<1xf32>
      %gt3A_424 = arith.constant 0.000000e+00 : f32
      %gt3A_425 = arith.cmpf ogt, %squeeze3A_423, %gt3A_424 : f32
      %or3A_426 = arith.ori %gt3A_421, %gt3A_425 : i1
      %mul3A_427 = arith.constant 16 : i32
      %mul3A_428 = arith.muli %scan3A_26, %mul3A_427 : i32
      %add3A_429 = arith.addi %mul3A_2, %mul3A_428 : i32
      %add3A_430 = arith.constant 15 : i32
      %add3A_431 = arith.addi %add3A_429, %add3A_430 : i32
      %convert_element_type3A_432 = arith.extui %or3A_426 : i1 to i32
      %cond3A_433 = arith.constant 0 : i32
      %cond3A_434 = arith.cmpi ne, %convert_element_type3A_432, %cond3A_433 : i32
      scf.if %cond3A_434 {
        %add3A_444 = arith.addi %add3A_11, %add3A_417 : i32
        %dma_start3A = arith.constant 0 : i32
        %dma_start3A_445 = tpu.memref_slice %arg7[%add3A_431, %dma_start3A] : memref<8192x768xf32, #tpu.memory_space<hbm>> -> memref<1x768xf32, #tpu.memory_space<hbm>>
        %dma_start3A_446 = tpu.memref_squeeze %dma_start3A_445 : memref<1x768xf32, #tpu.memory_space<hbm>> -> memref<768xf32, #tpu.memory_space<hbm>>
        %dma_start3A_447 = arith.constant 0 : i32
        %dma_start3A_448 = tpu.memref_slice %arg2[%add3A_444, %dma_start3A_447] : memref<8704x768xf32, #tpu.memory_space<hbm>> -> memref<1x768xf32, #tpu.memory_space<hbm>>
        %dma_start3A_449 = tpu.memref_squeeze %dma_start3A_448 : memref<1x768xf32, #tpu.memory_space<hbm>> -> memref<768xf32, #tpu.memory_space<hbm>>
        tpu.enqueue_dma source(%dma_start3A_449 : memref<768xf32, #tpu.memory_space<hbm>>) target(%dma_start3A_446 : memref<768xf32, #tpu.memory_space<hbm>>) target_semaphore(%arg11 : memref<!tpu.dma_semaphore, #tpu.memory_space<semaphore_mem>>)
      } else {
      }
      %not3A_435 = arith.constant true
      %not3A_436 = arith.xori %or3A_426, %not3A_435 : i1
      %convert_element_type3A_437 = arith.extui %not3A_436 : i1 to i32
      %cond3A_438 = arith.constant 0 : i32
      %cond3A_439 = arith.cmpi ne, %convert_element_type3A_437, %cond3A_438 : i32
      scf.if %cond3A_439 {
        %dma_start3A = arith.constant 0 : i32
        %dma_start3A_444 = tpu.memref_slice %arg7[%add3A_431, %dma_start3A] : memref<8192x768xf32, #tpu.memory_space<hbm>> -> memref<1x768xf32, #tpu.memory_space<hbm>>
        %dma_start3A_445 = tpu.memref_squeeze %dma_start3A_444 : memref<1x768xf32, #tpu.memory_space<hbm>> -> memref<768xf32, #tpu.memory_space<hbm>>
        %dma_start3A_446 = arith.constant 0 : i32
        %dma_start3A_447 = tpu.memref_slice %arg6[%add3A, %dma_start3A_446] : memref<32x768xf32, #tpu.memory_space<hbm>> -> memref<1x768xf32, #tpu.memory_space<hbm>>
        %dma_start3A_448 = tpu.memref_squeeze %dma_start3A_447 : memref<1x768xf32, #tpu.memory_space<hbm>> -> memref<768xf32, #tpu.memory_space<hbm>>
        tpu.enqueue_dma source(%dma_start3A_448 : memref<768xf32, #tpu.memory_space<hbm>>) target(%dma_start3A_445 : memref<768xf32, #tpu.memory_space<hbm>>) target_semaphore(%arg11 : memref<!tpu.dma_semaphore, #tpu.memory_space<semaphore_mem>>)
      } else {
      }
      %jit3A_440 = arith.constant 1 : i32
      %jit3A_441 = arith.constant 0 : i32
      %select_n3A_442 = arith.select %or3A_426, %jit3A_440, %jit3A_441 : i32
      %add3A_443 = arith.addi %add3A_417, %select_n3A_442 : i32
      scf.yield %add3A_443 : i32
    }
    %scan3A_18 = arith.constant 16 : i32
    %scan3A_19 = arith.constant 0 : i32
    %scan3A_20 = arith.constant 0 : i32
    %scan3A_21 = arith.constant 256 : i32
    %scan3A_22 = arith.addi %scan3A_20, %scan3A_21 : i32
    %scan3A_23 = arith.constant 1 : i32
    %scan3A_24 = scf.for %scan3A_26 = %scan3A_20 to %scan3A_22 step %scan3A_23 iter_args(%scan3A_27 = %scan3A_19) -> (i32)  : i32 {
      %dma_wait3A = arith.constant 0 : i32
      %dma_wait3A_28 = arith.constant 0 : i32
      %dma_wait3A_29 = arith.constant 0 : i32
      %dma_wait3A_30 = tpu.memref_slice %arg7[%dma_wait3A_28, %dma_wait3A_29] : memref<8192x768xf32, #tpu.memory_space<hbm>> -> memref<1x768xf32, #tpu.memory_space<hbm>>
      %dma_wait3A_31 = tpu.memref_squeeze %dma_wait3A_30 : memref<1x768xf32, #tpu.memory_space<hbm>> -> memref<768xf32, #tpu.memory_space<hbm>>
      %dma_wait3A_32 = arith.constant 0 : i32
      %dma_wait3A_33 = tpu.memref_slice %arg6[%dma_wait3A, %dma_wait3A_32] : memref<32x768xf32, #tpu.memory_space<hbm>> -> memref<1x768xf32, #tpu.memory_space<hbm>>
      %dma_wait3A_34 = tpu.memref_squeeze %dma_wait3A_33 : memref<1x768xf32, #tpu.memory_space<hbm>> -> memref<768xf32, #tpu.memory_space<hbm>>
      tpu.wait_dma2 semaphore(%arg11 : memref<!tpu.dma_semaphore, #tpu.memory_space<semaphore_mem>>) src(%dma_wait3A_34 : memref<768xf32, #tpu.memory_space<hbm>>) dst(%dma_wait3A_31 : memref<768xf32, #tpu.memory_space<hbm>>)
      %scan3A_35 = arith.constant 0 : i32
      scf.yield %scan3A_35 : i32
    }
    %scan3A_25 = arith.constant 256 : i32
    return
  }
}

#map = affine_map<(d0, d1) -> (0, 0)>
#map1 = affine_map<(d0, d1) -> (0)>
module attributes {stable_mosaic.version = 14 : i64} {
  func.func @_dispatch_kernel(%arg0: i32, %arg1: i32, %arg2: memref<8192x768xf32, #tpu.memory_space<hbm>>, %arg3: memref<8192xf32, #tpu.memory_space<hbm>>, %arg4: memref<8192xf32, #tpu.memory_space<hbm>>, %arg5: memref<8704x896xf32, #tpu.memory_space<hbm>>, %arg6: memref<2x16xi32, #tpu.memory_space<hbm>>, %arg7: memref<32x16xi32, #tpu.memory_space<hbm>>, %arg8: memref<256xf32, #tpu.memory_space<vmem>>, %arg9: memref<256xf32, #tpu.memory_space<vmem>>, %arg10: memref<256xi32, #tpu.memory_space<vmem>>, %arg11: memref<16xi32, #tpu.memory_space<vmem>>, %arg12: memref<14336xf32, #tpu.memory_space<vmem>>, %arg13: memref<256xi32, #tpu.memory_space<vmem_shared>>, %arg14: memref<!tpu.dma_semaphore, #tpu.memory_space<semaphore_mem>>, %arg15: memref<!tpu.dma_semaphore, #tpu.memory_space<semaphore_mem>>) attributes {dimension_semantics = [#tpu.dimension_semantics<core_parallel>, #tpu.dimension_semantics<subcore_parallel>], iteration_bounds = array<i64: 2, 16>, scalar_prefetch = 0 : i64, scratch_operands = 8 : i64, tpu.core_type = #tpu.core_type<sc_vector_subcore>, window_params = [{transform_indices = #map}, {transform_indices = #map1}, {transform_indices = #map1}, {transform_indices = #map}, {transform_indices = #map}, {transform_indices = #map}]} {
    %mul3A = arith.constant 2 : i32
    %mul3A_0 = arith.muli %arg1, %mul3A : i32
    %add3A = arith.addi %mul3A_0, %arg0 : i32
    %mul3A_1 = arith.constant 256 : i32
    %mul3A_2 = arith.muli %add3A, %mul3A_1 : i32
    %mul3A_3 = arith.constant 4352 : i32
    %mul3A_4 = arith.muli %arg0, %mul3A_3 : i32
    %iota3A = tpu.iota {dimensions = array<i32: 0>} : vector<16xi32>
    %broadcast_in_dim3A = arith.constant 0 : i32
    %broadcast_in_dim3A_5 = vector.broadcast %broadcast_in_dim3A : i32 to vector<16xi32>
    "tpu.region"() ({
      %run_scoped3A = tpu.sem_alloc : memref<!tpu.dma_semaphore, #tpu.memory_space<semaphore_mem>>
      %dma_start3A = tpu.memref_slice %arg3[%mul3A_2] : memref<8192xf32, #tpu.memory_space<hbm>> -> memref<256xf32, #tpu.memory_space<hbm>>
      %dma_start3A_39 = tpu.memref_slice %arg3[%mul3A_2] : memref<8192xf32, #tpu.memory_space<hbm>> -> memref<256xf32, #tpu.memory_space<hbm>>
      tpu.enqueue_dma source(%dma_start3A_39 : memref<256xf32, #tpu.memory_space<hbm>>) target(%arg8 : memref<256xf32, #tpu.memory_space<vmem>>) target_semaphore(%run_scoped3A : memref<!tpu.dma_semaphore, #tpu.memory_space<semaphore_mem>>)
      %dma_wait3A = tpu.memref_slice %arg3[%mul3A_2] : memref<8192xf32, #tpu.memory_space<hbm>> -> memref<256xf32, #tpu.memory_space<hbm>>
      %dma_wait3A_40 = tpu.memref_slice %arg3[%mul3A_2] : memref<8192xf32, #tpu.memory_space<hbm>> -> memref<256xf32, #tpu.memory_space<hbm>>
      tpu.wait_dma2 semaphore(%run_scoped3A : memref<!tpu.dma_semaphore, #tpu.memory_space<semaphore_mem>>) src(%dma_wait3A_40 : memref<256xf32, #tpu.memory_space<hbm>>) dst(%arg8 : memref<256xf32, #tpu.memory_space<vmem>>)
      tpu.yield
    }) : () -> ()
    "tpu.region"() ({
      %run_scoped3A = tpu.sem_alloc : memref<!tpu.dma_semaphore, #tpu.memory_space<semaphore_mem>>
      %dma_start3A = tpu.memref_slice %arg4[%mul3A_2] : memref<8192xf32, #tpu.memory_space<hbm>> -> memref<256xf32, #tpu.memory_space<hbm>>
      %dma_start3A_39 = tpu.memref_slice %arg4[%mul3A_2] : memref<8192xf32, #tpu.memory_space<hbm>> -> memref<256xf32, #tpu.memory_space<hbm>>
      tpu.enqueue_dma source(%dma_start3A_39 : memref<256xf32, #tpu.memory_space<hbm>>) target(%arg9 : memref<256xf32, #tpu.memory_space<vmem>>) target_semaphore(%run_scoped3A : memref<!tpu.dma_semaphore, #tpu.memory_space<semaphore_mem>>)
      %dma_wait3A = tpu.memref_slice %arg4[%mul3A_2] : memref<8192xf32, #tpu.memory_space<hbm>> -> memref<256xf32, #tpu.memory_space<hbm>>
      %dma_wait3A_40 = tpu.memref_slice %arg4[%mul3A_2] : memref<8192xf32, #tpu.memory_space<hbm>> -> memref<256xf32, #tpu.memory_space<hbm>>
      tpu.wait_dma2 semaphore(%run_scoped3A : memref<!tpu.dma_semaphore, #tpu.memory_space<semaphore_mem>>) src(%dma_wait3A_40 : memref<256xf32, #tpu.memory_space<hbm>>) dst(%arg9 : memref<256xf32, #tpu.memory_space<vmem>>)
      tpu.yield
    }) : () -> ()
    %scan3A = arith.constant 0 : i32
    %scan3A_6 = arith.constant 0 : i32
    %scan3A_7 = arith.constant 16 : i32
    %scan3A_8 = arith.addi %scan3A_6, %scan3A_7 : i32
    %scan3A_9 = arith.constant 1 : i32
    %scan3A_10 = scf.for %scan3A_39 = %scan3A_6 to %scan3A_8 step %scan3A_9 iter_args(%scan3A_40 = %scan3A) -> (i32)  : i32 {
      %mul3A_41 = arith.constant 16 : i32
      %mul3A_42 = arith.muli %scan3A_39, %mul3A_41 : i32
      %get3A = arith.index_cast %mul3A_42 : i32 to index
      %get3A_43 = tpu.vector_load %arg8[%get3A] {strides = array<i32>} : memref<256xf32, #tpu.memory_space<vmem>>, vector<16xf32>,
      %get3A_44 = vector.shape_cast %get3A_43 : vector<16xf32> to vector<16xf32>
      %mul3A_45 = arith.constant 16 : i32
      %mul3A_46 = arith.muli %scan3A_39, %mul3A_45 : i32
      %get3A_47 = arith.index_cast %mul3A_46 : i32 to index
      %get3A_48 = tpu.vector_load %arg9[%get3A_47] {strides = array<i32>} : memref<256xf32, #tpu.memory_space<vmem>>, vector<16xf32>,
      %get3A_49 = vector.shape_cast %get3A_48 : vector<16xf32> to vector<16xf32>
      %slice3A = vector.extract_strided_slice %get3A_44 {offsets = [0], sizes = [1], strides = [1]} : vector<16xf32> to vector<1xf32>
      %squeeze3A = vector.extract %slice3A[0] : f32 from vector<1xf32>
      %gt3A = arith.constant 0.000000e+00 : f32
      %gt3A_50 = arith.cmpf ogt, %squeeze3A, %gt3A : f32
      %slice3A_51 = vector.extract_strided_slice %get3A_49 {offsets = [0], sizes = [1], strides = [1]} : vector<16xf32> to vector<1xf32>
      %squeeze3A_52 = vector.extract %slice3A_51[0] : f32 from vector<1xf32>
      %gt3A_53 = arith.constant 0.000000e+00 : f32
      %gt3A_54 = arith.cmpf ogt, %squeeze3A_52, %gt3A_53 : f32
      %or3A = arith.ori %gt3A_50, %gt3A_54 : i1
      %jit3A = arith.constant 1 : i32
      %jit3A_55 = arith.constant 0 : i32
      %select_n3A = arith.select %or3A, %jit3A, %jit3A_55 : i32
      %add3A_56 = arith.addi %scan3A_40, %select_n3A : i32
      %slice3A_57 = vector.extract_strided_slice %get3A_44 {offsets = [1], sizes = [1], strides = [1]} : vector<16xf32> to vector<1xf32>
      %squeeze3A_58 = vector.extract %slice3A_57[0] : f32 from vector<1xf32>
      %gt3A_59 = arith.constant 0.000000e+00 : f32
      %gt3A_60 = arith.cmpf ogt, %squeeze3A_58, %gt3A_59 : f32
      %slice3A_61 = vector.extract_strided_slice %get3A_49 {offsets = [1], sizes = [1], strides = [1]} : vector<16xf32> to vector<1xf32>
      %squeeze3A_62 = vector.extract %slice3A_61[0] : f32 from vector<1xf32>
      %gt3A_63 = arith.constant 0.000000e+00 : f32
      %gt3A_64 = arith.cmpf ogt, %squeeze3A_62, %gt3A_63 : f32
      %or3A_65 = arith.ori %gt3A_60, %gt3A_64 : i1
      %jit3A_66 = arith.constant 1 : i32
      %jit3A_67 = arith.constant 0 : i32
      %select_n3A_68 = arith.select %or3A_65, %jit3A_66, %jit3A_67 : i32
      %add3A_69 = arith.addi %add3A_56, %select_n3A_68 : i32
      %slice3A_70 = vector.extract_strided_slice %get3A_44 {offsets = [2], sizes = [1], strides = [1]} : vector<16xf32> to vector<1xf32>
      %squeeze3A_71 = vector.extract %slice3A_70[0] : f32 from vector<1xf32>
      %gt3A_72 = arith.constant 0.000000e+00 : f32
      %gt3A_73 = arith.cmpf ogt, %squeeze3A_71, %gt3A_72 : f32
      %slice3A_74 = vector.extract_strided_slice %get3A_49 {offsets = [2], sizes = [1], strides = [1]} : vector<16xf32> to vector<1xf32>
      %squeeze3A_75 = vector.extract %slice3A_74[0] : f32 from vector<1xf32>
      %gt3A_76 = arith.constant 0.000000e+00 : f32
      %gt3A_77 = arith.cmpf ogt, %squeeze3A_75, %gt3A_76 : f32
      %or3A_78 = arith.ori %gt3A_73, %gt3A_77 : i1
      %jit3A_79 = arith.constant 1 : i32
      %jit3A_80 = arith.constant 0 : i32
      %select_n3A_81 = arith.select %or3A_78, %jit3A_79, %jit3A_80 : i32
      %add3A_82 = arith.addi %add3A_69, %select_n3A_81 : i32
      %slice3A_83 = vector.extract_strided_slice %get3A_44 {offsets = [3], sizes = [1], strides = [1]} : vector<16xf32> to vector<1xf32>
      %squeeze3A_84 = vector.extract %slice3A_83[0] : f32 from vector<1xf32>
      %gt3A_85 = arith.constant 0.000000e+00 : f32
      %gt3A_86 = arith.cmpf ogt, %squeeze3A_84, %gt3A_85 : f32
      %slice3A_87 = vector.extract_strided_slice %get3A_49 {offsets = [3], sizes = [1], strides = [1]} : vector<16xf32> to vector<1xf32>
      %squeeze3A_88 = vector.extract %slice3A_87[0] : f32 from vector<1xf32>
      %gt3A_89 = arith.constant 0.000000e+00 : f32
      %gt3A_90 = arith.cmpf ogt, %squeeze3A_88, %gt3A_89 : f32
      %or3A_91 = arith.ori %gt3A_86, %gt3A_90 : i1
      %jit3A_92 = arith.constant 1 : i32
      %jit3A_93 = arith.constant 0 : i32
      %select_n3A_94 = arith.select %or3A_91, %jit3A_92, %jit3A_93 : i32
      %add3A_95 = arith.addi %add3A_82, %select_n3A_94 : i32
      %slice3A_96 = vector.extract_strided_slice %get3A_44 {offsets = [4], sizes = [1], strides = [1]} : vector<16xf32> to vector<1xf32>
      %squeeze3A_97 = vector.extract %slice3A_96[0] : f32 from vector<1xf32>
      %gt3A_98 = arith.constant 0.000000e+00 : f32
      %gt3A_99 = arith.cmpf ogt, %squeeze3A_97, %gt3A_98 : f32
      %slice3A_100 = vector.extract_strided_slice %get3A_49 {offsets = [4], sizes = [1], strides = [1]} : vector<16xf32> to vector<1xf32>
      %squeeze3A_101 = vector.extract %slice3A_100[0] : f32 from vector<1xf32>
      %gt3A_102 = arith.constant 0.000000e+00 : f32
      %gt3A_103 = arith.cmpf ogt, %squeeze3A_101, %gt3A_102 : f32
      %or3A_104 = arith.ori %gt3A_99, %gt3A_103 : i1
      %jit3A_105 = arith.constant 1 : i32
      %jit3A_106 = arith.constant 0 : i32
      %select_n3A_107 = arith.select %or3A_104, %jit3A_105, %jit3A_106 : i32
      %add3A_108 = arith.addi %add3A_95, %select_n3A_107 : i32
      %slice3A_109 = vector.extract_strided_slice %get3A_44 {offsets = [5], sizes = [1], strides = [1]} : vector<16xf32> to vector<1xf32>
      %squeeze3A_110 = vector.extract %slice3A_109[0] : f32 from vector<1xf32>
      %gt3A_111 = arith.constant 0.000000e+00 : f32
      %gt3A_112 = arith.cmpf ogt, %squeeze3A_110, %gt3A_111 : f32
      %slice3A_113 = vector.extract_strided_slice %get3A_49 {offsets = [5], sizes = [1], strides = [1]} : vector<16xf32> to vector<1xf32>
      %squeeze3A_114 = vector.extract %slice3A_113[0] : f32 from vector<1xf32>
      %gt3A_115 = arith.constant 0.000000e+00 : f32
      %gt3A_116 = arith.cmpf ogt, %squeeze3A_114, %gt3A_115 : f32
      %or3A_117 = arith.ori %gt3A_112, %gt3A_116 : i1
      %jit3A_118 = arith.constant 1 : i32
      %jit3A_119 = arith.constant 0 : i32
      %select_n3A_120 = arith.select %or3A_117, %jit3A_118, %jit3A_119 : i32
      %add3A_121 = arith.addi %add3A_108, %select_n3A_120 : i32
      %slice3A_122 = vector.extract_strided_slice %get3A_44 {offsets = [6], sizes = [1], strides = [1]} : vector<16xf32> to vector<1xf32>
      %squeeze3A_123 = vector.extract %slice3A_122[0] : f32 from vector<1xf32>
      %gt3A_124 = arith.constant 0.000000e+00 : f32
      %gt3A_125 = arith.cmpf ogt, %squeeze3A_123, %gt3A_124 : f32
      %slice3A_126 = vector.extract_strided_slice %get3A_49 {offsets = [6], sizes = [1], strides = [1]} : vector<16xf32> to vector<1xf32>
      %squeeze3A_127 = vector.extract %slice3A_126[0] : f32 from vector<1xf32>
      %gt3A_128 = arith.constant 0.000000e+00 : f32
      %gt3A_129 = arith.cmpf ogt, %squeeze3A_127, %gt3A_128 : f32
      %or3A_130 = arith.ori %gt3A_125, %gt3A_129 : i1
      %jit3A_131 = arith.constant 1 : i32
      %jit3A_132 = arith.constant 0 : i32
      %select_n3A_133 = arith.select %or3A_130, %jit3A_131, %jit3A_132 : i32
      %add3A_134 = arith.addi %add3A_121, %select_n3A_133 : i32
      %slice3A_135 = vector.extract_strided_slice %get3A_44 {offsets = [7], sizes = [1], strides = [1]} : vector<16xf32> to vector<1xf32>
      %squeeze3A_136 = vector.extract %slice3A_135[0] : f32 from vector<1xf32>
      %gt3A_137 = arith.constant 0.000000e+00 : f32
      %gt3A_138 = arith.cmpf ogt, %squeeze3A_136, %gt3A_137 : f32
      %slice3A_139 = vector.extract_strided_slice %get3A_49 {offsets = [7], sizes = [1], strides = [1]} : vector<16xf32> to vector<1xf32>
      %squeeze3A_140 = vector.extract %slice3A_139[0] : f32 from vector<1xf32>
      %gt3A_141 = arith.constant 0.000000e+00 : f32
      %gt3A_142 = arith.cmpf ogt, %squeeze3A_140, %gt3A_141 : f32
      %or3A_143 = arith.ori %gt3A_138, %gt3A_142 : i1
      %jit3A_144 = arith.constant 1 : i32
      %jit3A_145 = arith.constant 0 : i32
      %select_n3A_146 = arith.select %or3A_143, %jit3A_144, %jit3A_145 : i32
      %add3A_147 = arith.addi %add3A_134, %select_n3A_146 : i32
      %slice3A_148 = vector.extract_strided_slice %get3A_44 {offsets = [8], sizes = [1], strides = [1]} : vector<16xf32> to vector<1xf32>
      %squeeze3A_149 = vector.extract %slice3A_148[0] : f32 from vector<1xf32>
      %gt3A_150 = arith.constant 0.000000e+00 : f32
      %gt3A_151 = arith.cmpf ogt, %squeeze3A_149, %gt3A_150 : f32
      %slice3A_152 = vector.extract_strided_slice %get3A_49 {offsets = [8], sizes = [1], strides = [1]} : vector<16xf32> to vector<1xf32>
      %squeeze3A_153 = vector.extract %slice3A_152[0] : f32 from vector<1xf32>
      %gt3A_154 = arith.constant 0.000000e+00 : f32
      %gt3A_155 = arith.cmpf ogt, %squeeze3A_153, %gt3A_154 : f32
      %or3A_156 = arith.ori %gt3A_151, %gt3A_155 : i1
      %jit3A_157 = arith.constant 1 : i32
      %jit3A_158 = arith.constant 0 : i32
      %select_n3A_159 = arith.select %or3A_156, %jit3A_157, %jit3A_158 : i32
      %add3A_160 = arith.addi %add3A_147, %select_n3A_159 : i32
      %slice3A_161 = vector.extract_strided_slice %get3A_44 {offsets = [9], sizes = [1], strides = [1]} : vector<16xf32> to vector<1xf32>
      %squeeze3A_162 = vector.extract %slice3A_161[0] : f32 from vector<1xf32>
      %gt3A_163 = arith.constant 0.000000e+00 : f32
      %gt3A_164 = arith.cmpf ogt, %squeeze3A_162, %gt3A_163 : f32
      %slice3A_165 = vector.extract_strided_slice %get3A_49 {offsets = [9], sizes = [1], strides = [1]} : vector<16xf32> to vector<1xf32>
      %squeeze3A_166 = vector.extract %slice3A_165[0] : f32 from vector<1xf32>
      %gt3A_167 = arith.constant 0.000000e+00 : f32
      %gt3A_168 = arith.cmpf ogt, %squeeze3A_166, %gt3A_167 : f32
      %or3A_169 = arith.ori %gt3A_164, %gt3A_168 : i1
      %jit3A_170 = arith.constant 1 : i32
      %jit3A_171 = arith.constant 0 : i32
      %select_n3A_172 = arith.select %or3A_169, %jit3A_170, %jit3A_171 : i32
      %add3A_173 = arith.addi %add3A_160, %select_n3A_172 : i32
      %slice3A_174 = vector.extract_strided_slice %get3A_44 {offsets = [10], sizes = [1], strides = [1]} : vector<16xf32> to vector<1xf32>
      %squeeze3A_175 = vector.extract %slice3A_174[0] : f32 from vector<1xf32>
      %gt3A_176 = arith.constant 0.000000e+00 : f32
      %gt3A_177 = arith.cmpf ogt, %squeeze3A_175, %gt3A_176 : f32
      %slice3A_178 = vector.extract_strided_slice %get3A_49 {offsets = [10], sizes = [1], strides = [1]} : vector<16xf32> to vector<1xf32>
      %squeeze3A_179 = vector.extract %slice3A_178[0] : f32 from vector<1xf32>
      %gt3A_180 = arith.constant 0.000000e+00 : f32
      %gt3A_181 = arith.cmpf ogt, %squeeze3A_179, %gt3A_180 : f32
      %or3A_182 = arith.ori %gt3A_177, %gt3A_181 : i1
      %jit3A_183 = arith.constant 1 : i32
      %jit3A_184 = arith.constant 0 : i32
      %select_n3A_185 = arith.select %or3A_182, %jit3A_183, %jit3A_184 : i32
      %add3A_186 = arith.addi %add3A_173, %select_n3A_185 : i32
      %slice3A_187 = vector.extract_strided_slice %get3A_44 {offsets = [11], sizes = [1], strides = [1]} : vector<16xf32> to vector<1xf32>
      %squeeze3A_188 = vector.extract %slice3A_187[0] : f32 from vector<1xf32>
      %gt3A_189 = arith.constant 0.000000e+00 : f32
      %gt3A_190 = arith.cmpf ogt, %squeeze3A_188, %gt3A_189 : f32
      %slice3A_191 = vector.extract_strided_slice %get3A_49 {offsets = [11], sizes = [1], strides = [1]} : vector<16xf32> to vector<1xf32>
      %squeeze3A_192 = vector.extract %slice3A_191[0] : f32 from vector<1xf32>
      %gt3A_193 = arith.constant 0.000000e+00 : f32
      %gt3A_194 = arith.cmpf ogt, %squeeze3A_192, %gt3A_193 : f32
      %or3A_195 = arith.ori %gt3A_190, %gt3A_194 : i1
      %jit3A_196 = arith.constant 1 : i32
      %jit3A_197 = arith.constant 0 : i32
      %select_n3A_198 = arith.select %or3A_195, %jit3A_196, %jit3A_197 : i32
      %add3A_199 = arith.addi %add3A_186, %select_n3A_198 : i32
      %slice3A_200 = vector.extract_strided_slice %get3A_44 {offsets = [12], sizes = [1], strides = [1]} : vector<16xf32> to vector<1xf32>
      %squeeze3A_201 = vector.extract %slice3A_200[0] : f32 from vector<1xf32>
      %gt3A_202 = arith.constant 0.000000e+00 : f32
      %gt3A_203 = arith.cmpf ogt, %squeeze3A_201, %gt3A_202 : f32
      %slice3A_204 = vector.extract_strided_slice %get3A_49 {offsets = [12], sizes = [1], strides = [1]} : vector<16xf32> to vector<1xf32>
      %squeeze3A_205 = vector.extract %slice3A_204[0] : f32 from vector<1xf32>
      %gt3A_206 = arith.constant 0.000000e+00 : f32
      %gt3A_207 = arith.cmpf ogt, %squeeze3A_205, %gt3A_206 : f32
      %or3A_208 = arith.ori %gt3A_203, %gt3A_207 : i1
      %jit3A_209 = arith.constant 1 : i32
      %jit3A_210 = arith.constant 0 : i32
      %select_n3A_211 = arith.select %or3A_208, %jit3A_209, %jit3A_210 : i32
      %add3A_212 = arith.addi %add3A_199, %select_n3A_211 : i32
      %slice3A_213 = vector.extract_strided_slice %get3A_44 {offsets = [13], sizes = [1], strides = [1]} : vector<16xf32> to vector<1xf32>
      %squeeze3A_214 = vector.extract %slice3A_213[0] : f32 from vector<1xf32>
      %gt3A_215 = arith.constant 0.000000e+00 : f32
      %gt3A_216 = arith.cmpf ogt, %squeeze3A_214, %gt3A_215 : f32
      %slice3A_217 = vector.extract_strided_slice %get3A_49 {offsets = [13], sizes = [1], strides = [1]} : vector<16xf32> to vector<1xf32>
      %squeeze3A_218 = vector.extract %slice3A_217[0] : f32 from vector<1xf32>
      %gt3A_219 = arith.constant 0.000000e+00 : f32
      %gt3A_220 = arith.cmpf ogt, %squeeze3A_218, %gt3A_219 : f32
      %or3A_221 = arith.ori %gt3A_216, %gt3A_220 : i1
      %jit3A_222 = arith.constant 1 : i32
      %jit3A_223 = arith.constant 0 : i32
      %select_n3A_224 = arith.select %or3A_221, %jit3A_222, %jit3A_223 : i32
      %add3A_225 = arith.addi %add3A_212, %select_n3A_224 : i32
      %slice3A_226 = vector.extract_strided_slice %get3A_44 {offsets = [14], sizes = [1], strides = [1]} : vector<16xf32> to vector<1xf32>
      %squeeze3A_227 = vector.extract %slice3A_226[0] : f32 from vector<1xf32>
      %gt3A_228 = arith.constant 0.000000e+00 : f32
      %gt3A_229 = arith.cmpf ogt, %squeeze3A_227, %gt3A_228 : f32
      %slice3A_230 = vector.extract_strided_slice %get3A_49 {offsets = [14], sizes = [1], strides = [1]} : vector<16xf32> to vector<1xf32>
      %squeeze3A_231 = vector.extract %slice3A_230[0] : f32 from vector<1xf32>
      %gt3A_232 = arith.constant 0.000000e+00 : f32
      %gt3A_233 = arith.cmpf ogt, %squeeze3A_231, %gt3A_232 : f32
      %or3A_234 = arith.ori %gt3A_229, %gt3A_233 : i1
      %jit3A_235 = arith.constant 1 : i32
      %jit3A_236 = arith.constant 0 : i32
      %select_n3A_237 = arith.select %or3A_234, %jit3A_235, %jit3A_236 : i32
      %add3A_238 = arith.addi %add3A_225, %select_n3A_237 : i32
      %slice3A_239 = vector.extract_strided_slice %get3A_44 {offsets = [15], sizes = [1], strides = [1]} : vector<16xf32> to vector<1xf32>
      %squeeze3A_240 = vector.extract %slice3A_239[0] : f32 from vector<1xf32>
      %gt3A_241 = arith.constant 0.000000e+00 : f32
      %gt3A_242 = arith.cmpf ogt, %squeeze3A_240, %gt3A_241 : f32
      %slice3A_243 = vector.extract_strided_slice %get3A_49 {offsets = [15], sizes = [1], strides = [1]} : vector<16xf32> to vector<1xf32>
      %squeeze3A_244 = vector.extract %slice3A_243[0] : f32 from vector<1xf32>
      %gt3A_245 = arith.constant 0.000000e+00 : f32
      %gt3A_246 = arith.cmpf ogt, %squeeze3A_244, %gt3A_245 : f32
      %or3A_247 = arith.ori %gt3A_242, %gt3A_246 : i1
      %jit3A_248 = arith.constant 1 : i32
      %jit3A_249 = arith.constant 0 : i32
      %select_n3A_250 = arith.select %or3A_247, %jit3A_248, %jit3A_249 : i32
      %add3A_251 = arith.addi %add3A_238, %select_n3A_250 : i32
      scf.yield %add3A_251 : i32
    }
    %scan3A_11 = arith.constant 16 : i32
    %add3A_12 = vector.broadcast %scan3A_10 : i32 to vector<16xi32>
    %add3A_13 = arith.addi %broadcast_in_dim3A_5, %add3A_12 : vector<16xi32>
    %swap3A = arith.constant 0 : index
    %swap3A_14 = tpu.vector_load %arg11[%swap3A] {strides = array<i32>} : memref<16xi32, #tpu.memory_space<vmem>>, vector<16xi32>,
    %swap3A_15 = vector.shape_cast %swap3A_14 : vector<16xi32> to vector<16xi32>
    %swap3A_16 = vector.shape_cast %add3A_13 : vector<16xi32> to vector<16xi32>
    tpu.vector_store %arg11[%swap3A], %swap3A_16 {strides = array<i32>} : memref<16xi32, #tpu.memory_space<vmem>>, vector<16xi32>,
    "tpu.region"() ({
      %run_scoped3A = tpu.sem_alloc : memref<!tpu.dma_semaphore, #tpu.memory_space<semaphore_mem>>
      %dma_start3A = arith.constant 0 : i32
      %dma_start3A_39 = tpu.memref_slice %arg7[%add3A, %dma_start3A] : memref<32x16xi32, #tpu.memory_space<hbm>> -> memref<1x16xi32, #tpu.memory_space<hbm>>
      %dma_start3A_40 = tpu.memref_squeeze %dma_start3A_39 : memref<1x16xi32, #tpu.memory_space<hbm>> -> memref<16xi32, #tpu.memory_space<hbm>>
      %dma_start3A_41 = arith.constant 0 : i32
      %dma_start3A_42 = tpu.memref_slice %arg7[%add3A, %dma_start3A_41] : memref<32x16xi32, #tpu.memory_space<hbm>> -> memref<1x16xi32, #tpu.memory_space<hbm>>
      %dma_start3A_43 = tpu.memref_squeeze %dma_start3A_42 : memref<1x16xi32, #tpu.memory_space<hbm>> -> memref<16xi32, #tpu.memory_space<hbm>>
      tpu.enqueue_dma source(%arg11 : memref<16xi32, #tpu.memory_space<vmem>>) target(%dma_start3A_43 : memref<16xi32, #tpu.memory_space<hbm>>) target_semaphore(%run_scoped3A : memref<!tpu.dma_semaphore, #tpu.memory_space<semaphore_mem>>)
      %dma_wait3A = arith.constant 0 : i32
      %dma_wait3A_44 = tpu.memref_slice %arg7[%add3A, %dma_wait3A] : memref<32x16xi32, #tpu.memory_space<hbm>> -> memref<1x16xi32, #tpu.memory_space<hbm>>
      %dma_wait3A_45 = tpu.memref_squeeze %dma_wait3A_44 : memref<1x16xi32, #tpu.memory_space<hbm>> -> memref<16xi32, #tpu.memory_space<hbm>>
      %dma_wait3A_46 = arith.constant 0 : i32
      %dma_wait3A_47 = tpu.memref_slice %arg7[%add3A, %dma_wait3A_46] : memref<32x16xi32, #tpu.memory_space<hbm>> -> memref<1x16xi32, #tpu.memory_space<hbm>>
      %dma_wait3A_48 = tpu.memref_squeeze %dma_wait3A_47 : memref<1x16xi32, #tpu.memory_space<hbm>> -> memref<16xi32, #tpu.memory_space<hbm>>
      tpu.wait_dma2 semaphore(%run_scoped3A : memref<!tpu.dma_semaphore, #tpu.memory_space<semaphore_mem>>) src(%arg11 : memref<16xi32, #tpu.memory_space<vmem>>) dst(%dma_wait3A_48 : memref<16xi32, #tpu.memory_space<hbm>>)
      tpu.yield
    }) : () -> ()
    %mul3A_17 = arith.constant 16 : i32
    %mul3A_18 = arith.muli %arg1, %mul3A_17 : i32
    "tpu.region"() ({
      %run_scoped3A = tpu.sem_alloc : memref<!tpu.dma_semaphore, #tpu.memory_space<semaphore_mem>>
      %dma_start3A = tpu.memref_slice %arg13[%mul3A_18] : memref<256xi32, #tpu.memory_space<vmem_shared>> -> memref<16xi32, #tpu.memory_space<vmem_shared>>
      %dma_start3A_39 = tpu.memref_slice %arg13[%mul3A_18] : memref<256xi32, #tpu.memory_space<vmem_shared>> -> memref<16xi32, #tpu.memory_space<vmem_shared>>
      tpu.enqueue_dma source(%arg11 : memref<16xi32, #tpu.memory_space<vmem>>) target(%dma_start3A_39 : memref<16xi32, #tpu.memory_space<vmem_shared>>) target_semaphore(%run_scoped3A : memref<!tpu.dma_semaphore, #tpu.memory_space<semaphore_mem>>)
      %dma_wait3A = tpu.memref_slice %arg13[%mul3A_18] : memref<256xi32, #tpu.memory_space<vmem_shared>> -> memref<16xi32, #tpu.memory_space<vmem_shared>>
      %dma_wait3A_40 = tpu.memref_slice %arg13[%mul3A_18] : memref<256xi32, #tpu.memory_space<vmem_shared>> -> memref<16xi32, #tpu.memory_space<vmem_shared>>
      tpu.wait_dma2 semaphore(%run_scoped3A : memref<!tpu.dma_semaphore, #tpu.memory_space<semaphore_mem>>) src(%arg11 : memref<16xi32, #tpu.memory_space<vmem>>) dst(%dma_wait3A_40 : memref<16xi32, #tpu.memory_space<vmem_shared>>)
      tpu.yield
    }) : () -> ()
    %barrier3A = arith.constant 0 : index
    tpu.barrier barrier_id(%barrier3A)
    "tpu.region"() ({
      %run_scoped3A = tpu.sem_alloc : memref<!tpu.dma_semaphore, #tpu.memory_space<semaphore_mem>>
      tpu.enqueue_dma source(%arg13 : memref<256xi32, #tpu.memory_space<vmem_shared>>) target(%arg10 : memref<256xi32, #tpu.memory_space<vmem>>) target_semaphore(%run_scoped3A : memref<!tpu.dma_semaphore, #tpu.memory_space<semaphore_mem>>)
      tpu.wait_dma2 semaphore(%run_scoped3A : memref<!tpu.dma_semaphore, #tpu.memory_space<semaphore_mem>>) src(%arg13 : memref<256xi32, #tpu.memory_space<vmem_shared>>) dst(%arg10 : memref<256xi32, #tpu.memory_space<vmem>>)
      tpu.yield
    }) : () -> ()
    %scan3A_19 = arith.constant 0 : i32
    %scan3A_20 = arith.constant 0 : i32
    %scan3A_21 = arith.constant 0 : i32
    %scan3A_22 = arith.constant 16 : i32
    %scan3A_23 = arith.addi %scan3A_21, %scan3A_22 : i32
    %scan3A_24 = arith.constant 1 : i32
    %scan3A_25:2 = scf.for %scan3A_39 = %scan3A_21 to %scan3A_23 step %scan3A_24 iter_args(%scan3A_40 = %scan3A_19, %scan3A_41 = %scan3A_20) -> (i32, i32)  : i32 {
      %mul3A_42 = arith.constant 16 : i32
      %mul3A_43 = arith.muli %scan3A_39, %mul3A_42 : i32
      %get3A = arith.index_cast %mul3A_43 : i32 to index
      %get3A_44 = tpu.vector_load %arg10[%get3A] {strides = array<i32>} : memref<256xi32, #tpu.memory_space<vmem>>, vector<16xi32>,
      %get3A_45 = vector.shape_cast %get3A_44 : vector<16xi32> to vector<16xi32>
      %slice3A = vector.extract_strided_slice %get3A_45 {offsets = [0], sizes = [1], strides = [1]} : vector<16xi32> to vector<1xi32>
      %squeeze3A = vector.extract %slice3A[0] : i32 from vector<1xi32>
      %add3A_46 = arith.constant 15 : i32
      %add3A_47 = arith.addi %squeeze3A, %add3A_46 : i32
      %jit3A = arith.constant 16 : i32
      %div3A = arith.divsi %add3A_47, %jit3A : i32
      %sign3A = arith.constant 0 : i32
      %sign3A_48 = arith.cmpi sgt, %add3A_47, %sign3A : i32
      %sign3A_49 = arith.extui %sign3A_48 : i1 to i32
      %sign3A_50 = arith.constant 0 : i32
      %sign3A_51 = arith.cmpi slt, %add3A_47, %sign3A_50 : i32
      %sign3A_52 = arith.extui %sign3A_51 : i1 to i32
      %sign3A_53 = arith.subi %sign3A_49, %sign3A_52 : i32
      %sign3A_54 = arith.constant 0 : i32
      %sign3A_55 = arith.cmpi sgt, %jit3A, %sign3A_54 : i32
      %sign3A_56 = arith.extui %sign3A_55 : i1 to i32
      %sign3A_57 = arith.constant 0 : i32
      %sign3A_58 = arith.cmpi slt, %jit3A, %sign3A_57 : i32
      %sign3A_59 = arith.extui %sign3A_58 : i1 to i32
      %sign3A_60 = arith.subi %sign3A_56, %sign3A_59 : i32
      %ne3A = arith.cmpi ne, %sign3A_53, %sign3A_60 : i32
      %rem3A = arith.remsi %add3A_47, %jit3A : i32
      %ne3A_61 = arith.constant 0 : i32
      %ne3A_62 = arith.cmpi ne, %rem3A, %ne3A_61 : i32
      %and3A = arith.andi %ne3A, %ne3A_62 : i1
      %sub3A = arith.constant 1 : i32
      %sub3A_63 = arith.subi %div3A, %sub3A : i32
      %select_n3A = arith.select %and3A, %sub3A_63, %div3A : i32
      %mul3A_64 = arith.constant 16 : i32
      %mul3A_65 = arith.muli %select_n3A, %mul3A_64 : i32
      %lt3A = arith.cmpi slt, %scan3A_39, %arg1 : i32
      %jit3A_66 = arith.constant 0 : i32
      %select_n3A_67 = arith.select %lt3A, %mul3A_65, %jit3A_66 : i32
      %add3A_68 = arith.addi %scan3A_40, %select_n3A_67 : i32
      %add3A_69 = arith.addi %scan3A_41, %mul3A_65 : i32
      scf.yield %add3A_68, %add3A_69 : i32, i32
    }
    %scan3A_26 = arith.constant 16 : i32
    %add3A_27 = arith.addi %mul3A_4, %scan3A_25#0 : i32
    %eq3A = arith.constant 0 : i32
    %eq3A_28 = arith.cmpi eq, %arg1, %eq3A : i32
    %convert_element_type3A = arith.extui %eq3A_28 : i1 to i32
    %cond3A = arith.constant 0 : i32
    %cond3A_29 = arith.cmpi ne, %convert_element_type3A, %cond3A : i32
    scf.if %cond3A_29 {
      %add3A_39 = vector.broadcast %scan3A_25#1 : i32 to vector<16xi32>
      %add3A_40 = arith.addi %broadcast_in_dim3A_5, %add3A_39 : vector<16xi32>
      %swap3A_41 = arith.constant 0 : index
      %swap3A_42 = tpu.vector_load %arg11[%swap3A_41] {strides = array<i32>} : memref<16xi32, #tpu.memory_space<vmem>>, vector<16xi32>,
      %swap3A_43 = vector.shape_cast %swap3A_42 : vector<16xi32> to vector<16xi32>
      %swap3A_44 = vector.shape_cast %add3A_40 : vector<16xi32> to vector<16xi32>
      tpu.vector_store %arg11[%swap3A_41], %swap3A_44 {strides = array<i32>} : memref<16xi32, #tpu.memory_space<vmem>>, vector<16xi32>,
      "tpu.region"() ({
        %run_scoped3A = tpu.sem_alloc : memref<!tpu.dma_semaphore, #tpu.memory_space<semaphore_mem>>
        %dma_start3A = arith.constant 0 : i32
        %dma_start3A_45 = tpu.memref_slice %arg6[%arg0, %dma_start3A] : memref<2x16xi32, #tpu.memory_space<hbm>> -> memref<1x16xi32, #tpu.memory_space<hbm>>
        %dma_start3A_46 = tpu.memref_squeeze %dma_start3A_45 : memref<1x16xi32, #tpu.memory_space<hbm>> -> memref<16xi32, #tpu.memory_space<hbm>>
        %dma_start3A_47 = arith.constant 0 : i32
        %dma_start3A_48 = tpu.memref_slice %arg6[%arg0, %dma_start3A_47] : memref<2x16xi32, #tpu.memory_space<hbm>> -> memref<1x16xi32, #tpu.memory_space<hbm>>
        %dma_start3A_49 = tpu.memref_squeeze %dma_start3A_48 : memref<1x16xi32, #tpu.memory_space<hbm>> -> memref<16xi32, #tpu.memory_space<hbm>>
        tpu.enqueue_dma source(%arg11 : memref<16xi32, #tpu.memory_space<vmem>>) target(%dma_start3A_49 : memref<16xi32, #tpu.memory_space<hbm>>) target_semaphore(%run_scoped3A : memref<!tpu.dma_semaphore, #tpu.memory_space<semaphore_mem>>)
        %dma_wait3A = arith.constant 0 : i32
        %dma_wait3A_50 = tpu.memref_slice %arg6[%arg0, %dma_wait3A] : memref<2x16xi32, #tpu.memory_space<hbm>> -> memref<1x16xi32, #tpu.memory_space<hbm>>
        %dma_wait3A_51 = tpu.memref_squeeze %dma_wait3A_50 : memref<1x16xi32, #tpu.memory_space<hbm>> -> memref<16xi32, #tpu.memory_space<hbm>>
        %dma_wait3A_52 = arith.constant 0 : i32
        %dma_wait3A_53 = tpu.memref_slice %arg6[%arg0, %dma_wait3A_52] : memref<2x16xi32, #tpu.memory_space<hbm>> -> memref<1x16xi32, #tpu.memory_space<hbm>>
        %dma_wait3A_54 = tpu.memref_squeeze %dma_wait3A_53 : memref<1x16xi32, #tpu.memory_space<hbm>> -> memref<16xi32, #tpu.memory_space<hbm>>
        tpu.wait_dma2 semaphore(%run_scoped3A : memref<!tpu.dma_semaphore, #tpu.memory_space<semaphore_mem>>) src(%arg11 : memref<16xi32, #tpu.memory_space<vmem>>) dst(%dma_wait3A_54 : memref<16xi32, #tpu.memory_space<hbm>>)
        tpu.yield
      }) : () -> ()
    } else {
    }
    %broadcast_in_dim3A_30 = arith.constant 0.000000e+00 : f32
    %broadcast_in_dim3A_31 = vector.broadcast %broadcast_in_dim3A_30 : f32 to vector<16xf32>
    %scan3A_32 = arith.constant 0 : i32
    %scan3A_33 = arith.constant 0 : i32
    %scan3A_34 = arith.constant 16 : i32
    %scan3A_35 = arith.addi %scan3A_33, %scan3A_34 : i32
    %scan3A_36 = arith.constant 1 : i32
    %scan3A_37 = scf.for %scan3A_39 = %scan3A_33 to %scan3A_35 step %scan3A_36 iter_args(%scan3A_40 = %scan3A_32) -> (i32)  : i32 {
      %mul3A_41 = arith.constant 16 : i32
      %mul3A_42 = arith.muli %scan3A_39, %mul3A_41 : i32
      %get3A = arith.index_cast %mul3A_42 : i32 to index
      %get3A_43 = tpu.vector_load %arg8[%get3A] {strides = array<i32>} : memref<256xf32, #tpu.memory_space<vmem>>, vector<16xf32>,
      %get3A_44 = vector.shape_cast %get3A_43 : vector<16xf32> to vector<16xf32>
      %mul3A_45 = arith.constant 16 : i32
      %mul3A_46 = arith.muli %scan3A_39, %mul3A_45 : i32
      %get3A_47 = arith.index_cast %mul3A_46 : i32 to index
      %get3A_48 = tpu.vector_load %arg9[%get3A_47] {strides = array<i32>} : memref<256xf32, #tpu.memory_space<vmem>>, vector<16xf32>,
      %get3A_49 = vector.shape_cast %get3A_48 : vector<16xf32> to vector<16xf32>
      %mul3A_50 = arith.constant 16 : i32
      %mul3A_51 = arith.muli %scan3A_39, %mul3A_50 : i32
      %add3A_52 = arith.addi %mul3A_2, %mul3A_51 : i32
      %add3A_53 = arith.constant 0 : i32
      %add3A_54 = arith.addi %add3A_52, %add3A_53 : i32
      %dma_start3A = arith.constant 0 : i32
      %dma_start3A_55 = tpu.memref_slice %arg12[%dma_start3A] : memref<14336xf32, #tpu.memory_space<vmem>> -> memref<768xf32, #tpu.memory_space<vmem>>
      %dma_start3A_56 = arith.constant 0 : i32
      %dma_start3A_57 = tpu.memref_slice %arg2[%add3A_54, %dma_start3A_56] : memref<8192x768xf32, #tpu.memory_space<hbm>> -> memref<1x768xf32, #tpu.memory_space<hbm>>
      %dma_start3A_58 = tpu.memref_squeeze %dma_start3A_57 : memref<1x768xf32, #tpu.memory_space<hbm>> -> memref<768xf32, #tpu.memory_space<hbm>>
      %dma_start3A_59 = arith.constant 0 : i32
      %dma_start3A_60 = tpu.memref_slice %arg12[%dma_start3A_59] : memref<14336xf32, #tpu.memory_space<vmem>> -> memref<768xf32, #tpu.memory_space<vmem>>
      %dma_start3A_61 = arith.constant 0 : i32
      %dma_start3A_62 = tpu.memref_slice %arg2[%add3A_54, %dma_start3A_61] : memref<8192x768xf32, #tpu.memory_space<hbm>> -> memref<1x768xf32, #tpu.memory_space<hbm>>
      %dma_start3A_63 = tpu.memref_squeeze %dma_start3A_62 : memref<1x768xf32, #tpu.memory_space<hbm>> -> memref<768xf32, #tpu.memory_space<hbm>>
      tpu.enqueue_dma source(%dma_start3A_63 : memref<768xf32, #tpu.memory_space<hbm>>) target(%dma_start3A_60 : memref<768xf32, #tpu.memory_space<vmem>>) target_semaphore(%arg14 : memref<!tpu.dma_semaphore, #tpu.memory_space<semaphore_mem>>)
      %mul3A_64 = arith.constant 16 : i32
      %mul3A_65 = arith.muli %scan3A_39, %mul3A_64 : i32
      %add3A_66 = arith.addi %mul3A_2, %mul3A_65 : i32
      %add3A_67 = arith.constant 1 : i32
      %add3A_68 = arith.addi %add3A_66, %add3A_67 : i32
      %dma_start3A_69 = arith.constant 896 : i32
      %dma_start3A_70 = tpu.memref_slice %arg12[%dma_start3A_69] : memref<14336xf32, #tpu.memory_space<vmem>> -> memref<768xf32, #tpu.memory_space<vmem>>
      %dma_start3A_71 = arith.constant 0 : i32
      %dma_start3A_72 = tpu.memref_slice %arg2[%add3A_68, %dma_start3A_71] : memref<8192x768xf32, #tpu.memory_space<hbm>> -> memref<1x768xf32, #tpu.memory_space<hbm>>
      %dma_start3A_73 = tpu.memref_squeeze %dma_start3A_72 : memref<1x768xf32, #tpu.memory_space<hbm>> -> memref<768xf32, #tpu.memory_space<hbm>>
      %dma_start3A_74 = arith.constant 896 : i32
      %dma_start3A_75 = tpu.memref_slice %arg12[%dma_start3A_74] : memref<14336xf32, #tpu.memory_space<vmem>> -> memref<768xf32, #tpu.memory_space<vmem>>
      %dma_start3A_76 = arith.constant 0 : i32
      %dma_start3A_77 = tpu.memref_slice %arg2[%add3A_68, %dma_start3A_76] : memref<8192x768xf32, #tpu.memory_space<hbm>> -> memref<1x768xf32, #tpu.memory_space<hbm>>
      %dma_start3A_78 = tpu.memref_squeeze %dma_start3A_77 : memref<1x768xf32, #tpu.memory_space<hbm>> -> memref<768xf32, #tpu.memory_space<hbm>>
      tpu.enqueue_dma source(%dma_start3A_78 : memref<768xf32, #tpu.memory_space<hbm>>) target(%dma_start3A_75 : memref<768xf32, #tpu.memory_space<vmem>>) target_semaphore(%arg14 : memref<!tpu.dma_semaphore, #tpu.memory_space<semaphore_mem>>)
      %mul3A_79 = arith.constant 16 : i32
      %mul3A_80 = arith.muli %scan3A_39, %mul3A_79 : i32
      %add3A_81 = arith.addi %mul3A_2, %mul3A_80 : i32
      %add3A_82 = arith.constant 2 : i32
      %add3A_83 = arith.addi %add3A_81, %add3A_82 : i32
      %dma_start3A_84 = arith.constant 1792 : i32
      %dma_start3A_85 = tpu.memref_slice %arg12[%dma_start3A_84] : memref<14336xf32, #tpu.memory_space<vmem>> -> memref<768xf32, #tpu.memory_space<vmem>>
      %dma_start3A_86 = arith.constant 0 : i32
      %dma_start3A_87 = tpu.memref_slice %arg2[%add3A_83, %dma_start3A_86] : memref<8192x768xf32, #tpu.memory_space<hbm>> -> memref<1x768xf32, #tpu.memory_space<hbm>>
      %dma_start3A_88 = tpu.memref_squeeze %dma_start3A_87 : memref<1x768xf32, #tpu.memory_space<hbm>> -> memref<768xf32, #tpu.memory_space<hbm>>
      %dma_start3A_89 = arith.constant 1792 : i32
      %dma_start3A_90 = tpu.memref_slice %arg12[%dma_start3A_89] : memref<14336xf32, #tpu.memory_space<vmem>> -> memref<768xf32, #tpu.memory_space<vmem>>
      %dma_start3A_91 = arith.constant 0 : i32
      %dma_start3A_92 = tpu.memref_slice %arg2[%add3A_83, %dma_start3A_91] : memref<8192x768xf32, #tpu.memory_space<hbm>> -> memref<1x768xf32, #tpu.memory_space<hbm>>
      %dma_start3A_93 = tpu.memref_squeeze %dma_start3A_92 : memref<1x768xf32, #tpu.memory_space<hbm>> -> memref<768xf32, #tpu.memory_space<hbm>>
      tpu.enqueue_dma source(%dma_start3A_93 : memref<768xf32, #tpu.memory_space<hbm>>) target(%dma_start3A_90 : memref<768xf32, #tpu.memory_space<vmem>>) target_semaphore(%arg14 : memref<!tpu.dma_semaphore, #tpu.memory_space<semaphore_mem>>)
      %mul3A_94 = arith.constant 16 : i32
      %mul3A_95 = arith.muli %scan3A_39, %mul3A_94 : i32
      %add3A_96 = arith.addi %mul3A_2, %mul3A_95 : i32
      %add3A_97 = arith.constant 3 : i32
      %add3A_98 = arith.addi %add3A_96, %add3A_97 : i32
      %dma_start3A_99 = arith.constant 2688 : i32
      %dma_start3A_100 = tpu.memref_slice %arg12[%dma_start3A_99] : memref<14336xf32, #tpu.memory_space<vmem>> -> memref<768xf32, #tpu.memory_space<vmem>>
      %dma_start3A_101 = arith.constant 0 : i32
      %dma_start3A_102 = tpu.memref_slice %arg2[%add3A_98, %dma_start3A_101] : memref<8192x768xf32, #tpu.memory_space<hbm>> -> memref<1x768xf32, #tpu.memory_space<hbm>>
      %dma_start3A_103 = tpu.memref_squeeze %dma_start3A_102 : memref<1x768xf32, #tpu.memory_space<hbm>> -> memref<768xf32, #tpu.memory_space<hbm>>
      %dma_start3A_104 = arith.constant 2688 : i32
      %dma_start3A_105 = tpu.memref_slice %arg12[%dma_start3A_104] : memref<14336xf32, #tpu.memory_space<vmem>> -> memref<768xf32, #tpu.memory_space<vmem>>
      %dma_start3A_106 = arith.constant 0 : i32
      %dma_start3A_107 = tpu.memref_slice %arg2[%add3A_98, %dma_start3A_106] : memref<8192x768xf32, #tpu.memory_space<hbm>> -> memref<1x768xf32, #tpu.memory_space<hbm>>
      %dma_start3A_108 = tpu.memref_squeeze %dma_start3A_107 : memref<1x768xf32, #tpu.memory_space<hbm>> -> memref<768xf32, #tpu.memory_space<hbm>>
      tpu.enqueue_dma source(%dma_start3A_108 : memref<768xf32, #tpu.memory_space<hbm>>) target(%dma_start3A_105 : memref<768xf32, #tpu.memory_space<vmem>>) target_semaphore(%arg14 : memref<!tpu.dma_semaphore, #tpu.memory_space<semaphore_mem>>)
      %mul3A_109 = arith.constant 16 : i32
      %mul3A_110 = arith.muli %scan3A_39, %mul3A_109 : i32
      %add3A_111 = arith.addi %mul3A_2, %mul3A_110 : i32
      %add3A_112 = arith.constant 4 : i32
      %add3A_113 = arith.addi %add3A_111, %add3A_112 : i32
      %dma_start3A_114 = arith.constant 3584 : i32
      %dma_start3A_115 = tpu.memref_slice %arg12[%dma_start3A_114] : memref<14336xf32, #tpu.memory_space<vmem>> -> memref<768xf32, #tpu.memory_space<vmem>>
      %dma_start3A_116 = arith.constant 0 : i32
      %dma_start3A_117 = tpu.memref_slice %arg2[%add3A_113, %dma_start3A_116] : memref<8192x768xf32, #tpu.memory_space<hbm>> -> memref<1x768xf32, #tpu.memory_space<hbm>>
      %dma_start3A_118 = tpu.memref_squeeze %dma_start3A_117 : memref<1x768xf32, #tpu.memory_space<hbm>> -> memref<768xf32, #tpu.memory_space<hbm>>
      %dma_start3A_119 = arith.constant 3584 : i32
      %dma_start3A_120 = tpu.memref_slice %arg12[%dma_start3A_119] : memref<14336xf32, #tpu.memory_space<vmem>> -> memref<768xf32, #tpu.memory_space<vmem>>
      %dma_start3A_121 = arith.constant 0 : i32
      %dma_start3A_122 = tpu.memref_slice %arg2[%add3A_113, %dma_start3A_121] : memref<8192x768xf32, #tpu.memory_space<hbm>> -> memref<1x768xf32, #tpu.memory_space<hbm>>
      %dma_start3A_123 = tpu.memref_squeeze %dma_start3A_122 : memref<1x768xf32, #tpu.memory_space<hbm>> -> memref<768xf32, #tpu.memory_space<hbm>>
      tpu.enqueue_dma source(%dma_start3A_123 : memref<768xf32, #tpu.memory_space<hbm>>) target(%dma_start3A_120 : memref<768xf32, #tpu.memory_space<vmem>>) target_semaphore(%arg14 : memref<!tpu.dma_semaphore, #tpu.memory_space<semaphore_mem>>)
      %mul3A_124 = arith.constant 16 : i32
      %mul3A_125 = arith.muli %scan3A_39, %mul3A_124 : i32
      %add3A_126 = arith.addi %mul3A_2, %mul3A_125 : i32
      %add3A_127 = arith.constant 5 : i32
      %add3A_128 = arith.addi %add3A_126, %add3A_127 : i32
      %dma_start3A_129 = arith.constant 4480 : i32
      %dma_start3A_130 = tpu.memref_slice %arg12[%dma_start3A_129] : memref<14336xf32, #tpu.memory_space<vmem>> -> memref<768xf32, #tpu.memory_space<vmem>>
      %dma_start3A_131 = arith.constant 0 : i32
      %dma_start3A_132 = tpu.memref_slice %arg2[%add3A_128, %dma_start3A_131] : memref<8192x768xf32, #tpu.memory_space<hbm>> -> memref<1x768xf32, #tpu.memory_space<hbm>>
      %dma_start3A_133 = tpu.memref_squeeze %dma_start3A_132 : memref<1x768xf32, #tpu.memory_space<hbm>> -> memref<768xf32, #tpu.memory_space<hbm>>
      %dma_start3A_134 = arith.constant 4480 : i32
      %dma_start3A_135 = tpu.memref_slice %arg12[%dma_start3A_134] : memref<14336xf32, #tpu.memory_space<vmem>> -> memref<768xf32, #tpu.memory_space<vmem>>
      %dma_start3A_136 = arith.constant 0 : i32
      %dma_start3A_137 = tpu.memref_slice %arg2[%add3A_128, %dma_start3A_136] : memref<8192x768xf32, #tpu.memory_space<hbm>> -> memref<1x768xf32, #tpu.memory_space<hbm>>
      %dma_start3A_138 = tpu.memref_squeeze %dma_start3A_137 : memref<1x768xf32, #tpu.memory_space<hbm>> -> memref<768xf32, #tpu.memory_space<hbm>>
      tpu.enqueue_dma source(%dma_start3A_138 : memref<768xf32, #tpu.memory_space<hbm>>) target(%dma_start3A_135 : memref<768xf32, #tpu.memory_space<vmem>>) target_semaphore(%arg14 : memref<!tpu.dma_semaphore, #tpu.memory_space<semaphore_mem>>)
      %mul3A_139 = arith.constant 16 : i32
      %mul3A_140 = arith.muli %scan3A_39, %mul3A_139 : i32
      %add3A_141 = arith.addi %mul3A_2, %mul3A_140 : i32
      %add3A_142 = arith.constant 6 : i32
      %add3A_143 = arith.addi %add3A_141, %add3A_142 : i32
      %dma_start3A_144 = arith.constant 5376 : i32
      %dma_start3A_145 = tpu.memref_slice %arg12[%dma_start3A_144] : memref<14336xf32, #tpu.memory_space<vmem>> -> memref<768xf32, #tpu.memory_space<vmem>>
      %dma_start3A_146 = arith.constant 0 : i32
      %dma_start3A_147 = tpu.memref_slice %arg2[%add3A_143, %dma_start3A_146] : memref<8192x768xf32, #tpu.memory_space<hbm>> -> memref<1x768xf32, #tpu.memory_space<hbm>>
      %dma_start3A_148 = tpu.memref_squeeze %dma_start3A_147 : memref<1x768xf32, #tpu.memory_space<hbm>> -> memref<768xf32, #tpu.memory_space<hbm>>
      %dma_start3A_149 = arith.constant 5376 : i32
      %dma_start3A_150 = tpu.memref_slice %arg12[%dma_start3A_149] : memref<14336xf32, #tpu.memory_space<vmem>> -> memref<768xf32, #tpu.memory_space<vmem>>
      %dma_start3A_151 = arith.constant 0 : i32
      %dma_start3A_152 = tpu.memref_slice %arg2[%add3A_143, %dma_start3A_151] : memref<8192x768xf32, #tpu.memory_space<hbm>> -> memref<1x768xf32, #tpu.memory_space<hbm>>
      %dma_start3A_153 = tpu.memref_squeeze %dma_start3A_152 : memref<1x768xf32, #tpu.memory_space<hbm>> -> memref<768xf32, #tpu.memory_space<hbm>>
      tpu.enqueue_dma source(%dma_start3A_153 : memref<768xf32, #tpu.memory_space<hbm>>) target(%dma_start3A_150 : memref<768xf32, #tpu.memory_space<vmem>>) target_semaphore(%arg14 : memref<!tpu.dma_semaphore, #tpu.memory_space<semaphore_mem>>)
      %mul3A_154 = arith.constant 16 : i32
      %mul3A_155 = arith.muli %scan3A_39, %mul3A_154 : i32
      %add3A_156 = arith.addi %mul3A_2, %mul3A_155 : i32
      %add3A_157 = arith.constant 7 : i32
      %add3A_158 = arith.addi %add3A_156, %add3A_157 : i32
      %dma_start3A_159 = arith.constant 6272 : i32
      %dma_start3A_160 = tpu.memref_slice %arg12[%dma_start3A_159] : memref<14336xf32, #tpu.memory_space<vmem>> -> memref<768xf32, #tpu.memory_space<vmem>>
      %dma_start3A_161 = arith.constant 0 : i32
      %dma_start3A_162 = tpu.memref_slice %arg2[%add3A_158, %dma_start3A_161] : memref<8192x768xf32, #tpu.memory_space<hbm>> -> memref<1x768xf32, #tpu.memory_space<hbm>>
      %dma_start3A_163 = tpu.memref_squeeze %dma_start3A_162 : memref<1x768xf32, #tpu.memory_space<hbm>> -> memref<768xf32, #tpu.memory_space<hbm>>
      %dma_start3A_164 = arith.constant 6272 : i32
      %dma_start3A_165 = tpu.memref_slice %arg12[%dma_start3A_164] : memref<14336xf32, #tpu.memory_space<vmem>> -> memref<768xf32, #tpu.memory_space<vmem>>
      %dma_start3A_166 = arith.constant 0 : i32
      %dma_start3A_167 = tpu.memref_slice %arg2[%add3A_158, %dma_start3A_166] : memref<8192x768xf32, #tpu.memory_space<hbm>> -> memref<1x768xf32, #tpu.memory_space<hbm>>
      %dma_start3A_168 = tpu.memref_squeeze %dma_start3A_167 : memref<1x768xf32, #tpu.memory_space<hbm>> -> memref<768xf32, #tpu.memory_space<hbm>>
      tpu.enqueue_dma source(%dma_start3A_168 : memref<768xf32, #tpu.memory_space<hbm>>) target(%dma_start3A_165 : memref<768xf32, #tpu.memory_space<vmem>>) target_semaphore(%arg14 : memref<!tpu.dma_semaphore, #tpu.memory_space<semaphore_mem>>)
      %mul3A_169 = arith.constant 16 : i32
      %mul3A_170 = arith.muli %scan3A_39, %mul3A_169 : i32
      %add3A_171 = arith.addi %mul3A_2, %mul3A_170 : i32
      %add3A_172 = arith.constant 8 : i32
      %add3A_173 = arith.addi %add3A_171, %add3A_172 : i32
      %dma_start3A_174 = arith.constant 7168 : i32
      %dma_start3A_175 = tpu.memref_slice %arg12[%dma_start3A_174] : memref<14336xf32, #tpu.memory_space<vmem>> -> memref<768xf32, #tpu.memory_space<vmem>>
      %dma_start3A_176 = arith.constant 0 : i32
      %dma_start3A_177 = tpu.memref_slice %arg2[%add3A_173, %dma_start3A_176] : memref<8192x768xf32, #tpu.memory_space<hbm>> -> memref<1x768xf32, #tpu.memory_space<hbm>>
      %dma_start3A_178 = tpu.memref_squeeze %dma_start3A_177 : memref<1x768xf32, #tpu.memory_space<hbm>> -> memref<768xf32, #tpu.memory_space<hbm>>
      %dma_start3A_179 = arith.constant 7168 : i32
      %dma_start3A_180 = tpu.memref_slice %arg12[%dma_start3A_179] : memref<14336xf32, #tpu.memory_space<vmem>> -> memref<768xf32, #tpu.memory_space<vmem>>
      %dma_start3A_181 = arith.constant 0 : i32
      %dma_start3A_182 = tpu.memref_slice %arg2[%add3A_173, %dma_start3A_181] : memref<8192x768xf32, #tpu.memory_space<hbm>> -> memref<1x768xf32, #tpu.memory_space<hbm>>
      %dma_start3A_183 = tpu.memref_squeeze %dma_start3A_182 : memref<1x768xf32, #tpu.memory_space<hbm>> -> memref<768xf32, #tpu.memory_space<hbm>>
      tpu.enqueue_dma source(%dma_start3A_183 : memref<768xf32, #tpu.memory_space<hbm>>) target(%dma_start3A_180 : memref<768xf32, #tpu.memory_space<vmem>>) target_semaphore(%arg14 : memref<!tpu.dma_semaphore, #tpu.memory_space<semaphore_mem>>)
      %mul3A_184 = arith.constant 16 : i32
      %mul3A_185 = arith.muli %scan3A_39, %mul3A_184 : i32
      %add3A_186 = arith.addi %mul3A_2, %mul3A_185 : i32
      %add3A_187 = arith.constant 9 : i32
      %add3A_188 = arith.addi %add3A_186, %add3A_187 : i32
      %dma_start3A_189 = arith.constant 8064 : i32
      %dma_start3A_190 = tpu.memref_slice %arg12[%dma_start3A_189] : memref<14336xf32, #tpu.memory_space<vmem>> -> memref<768xf32, #tpu.memory_space<vmem>>
      %dma_start3A_191 = arith.constant 0 : i32
      %dma_start3A_192 = tpu.memref_slice %arg2[%add3A_188, %dma_start3A_191] : memref<8192x768xf32, #tpu.memory_space<hbm>> -> memref<1x768xf32, #tpu.memory_space<hbm>>
      %dma_start3A_193 = tpu.memref_squeeze %dma_start3A_192 : memref<1x768xf32, #tpu.memory_space<hbm>> -> memref<768xf32, #tpu.memory_space<hbm>>
      %dma_start3A_194 = arith.constant 8064 : i32
      %dma_start3A_195 = tpu.memref_slice %arg12[%dma_start3A_194] : memref<14336xf32, #tpu.memory_space<vmem>> -> memref<768xf32, #tpu.memory_space<vmem>>
      %dma_start3A_196 = arith.constant 0 : i32
      %dma_start3A_197 = tpu.memref_slice %arg2[%add3A_188, %dma_start3A_196] : memref<8192x768xf32, #tpu.memory_space<hbm>> -> memref<1x768xf32, #tpu.memory_space<hbm>>
      %dma_start3A_198 = tpu.memref_squeeze %dma_start3A_197 : memref<1x768xf32, #tpu.memory_space<hbm>> -> memref<768xf32, #tpu.memory_space<hbm>>
      tpu.enqueue_dma source(%dma_start3A_198 : memref<768xf32, #tpu.memory_space<hbm>>) target(%dma_start3A_195 : memref<768xf32, #tpu.memory_space<vmem>>) target_semaphore(%arg14 : memref<!tpu.dma_semaphore, #tpu.memory_space<semaphore_mem>>)
      %mul3A_199 = arith.constant 16 : i32
      %mul3A_200 = arith.muli %scan3A_39, %mul3A_199 : i32
      %add3A_201 = arith.addi %mul3A_2, %mul3A_200 : i32
      %add3A_202 = arith.constant 10 : i32
      %add3A_203 = arith.addi %add3A_201, %add3A_202 : i32
      %dma_start3A_204 = arith.constant 8960 : i32
      %dma_start3A_205 = tpu.memref_slice %arg12[%dma_start3A_204] : memref<14336xf32, #tpu.memory_space<vmem>> -> memref<768xf32, #tpu.memory_space<vmem>>
      %dma_start3A_206 = arith.constant 0 : i32
      %dma_start3A_207 = tpu.memref_slice %arg2[%add3A_203, %dma_start3A_206] : memref<8192x768xf32, #tpu.memory_space<hbm>> -> memref<1x768xf32, #tpu.memory_space<hbm>>
      %dma_start3A_208 = tpu.memref_squeeze %dma_start3A_207 : memref<1x768xf32, #tpu.memory_space<hbm>> -> memref<768xf32, #tpu.memory_space<hbm>>
      %dma_start3A_209 = arith.constant 8960 : i32
      %dma_start3A_210 = tpu.memref_slice %arg12[%dma_start3A_209] : memref<14336xf32, #tpu.memory_space<vmem>> -> memref<768xf32, #tpu.memory_space<vmem>>
      %dma_start3A_211 = arith.constant 0 : i32
      %dma_start3A_212 = tpu.memref_slice %arg2[%add3A_203, %dma_start3A_211] : memref<8192x768xf32, #tpu.memory_space<hbm>> -> memref<1x768xf32, #tpu.memory_space<hbm>>
      %dma_start3A_213 = tpu.memref_squeeze %dma_start3A_212 : memref<1x768xf32, #tpu.memory_space<hbm>> -> memref<768xf32, #tpu.memory_space<hbm>>
      tpu.enqueue_dma source(%dma_start3A_213 : memref<768xf32, #tpu.memory_space<hbm>>) target(%dma_start3A_210 : memref<768xf32, #tpu.memory_space<vmem>>) target_semaphore(%arg14 : memref<!tpu.dma_semaphore, #tpu.memory_space<semaphore_mem>>)
      %mul3A_214 = arith.constant 16 : i32
      %mul3A_215 = arith.muli %scan3A_39, %mul3A_214 : i32
      %add3A_216 = arith.addi %mul3A_2, %mul3A_215 : i32
      %add3A_217 = arith.constant 11 : i32
      %add3A_218 = arith.addi %add3A_216, %add3A_217 : i32
      %dma_start3A_219 = arith.constant 9856 : i32
      %dma_start3A_220 = tpu.memref_slice %arg12[%dma_start3A_219] : memref<14336xf32, #tpu.memory_space<vmem>> -> memref<768xf32, #tpu.memory_space<vmem>>
      %dma_start3A_221 = arith.constant 0 : i32
      %dma_start3A_222 = tpu.memref_slice %arg2[%add3A_218, %dma_start3A_221] : memref<8192x768xf32, #tpu.memory_space<hbm>> -> memref<1x768xf32, #tpu.memory_space<hbm>>
      %dma_start3A_223 = tpu.memref_squeeze %dma_start3A_222 : memref<1x768xf32, #tpu.memory_space<hbm>> -> memref<768xf32, #tpu.memory_space<hbm>>
      %dma_start3A_224 = arith.constant 9856 : i32
      %dma_start3A_225 = tpu.memref_slice %arg12[%dma_start3A_224] : memref<14336xf32, #tpu.memory_space<vmem>> -> memref<768xf32, #tpu.memory_space<vmem>>
      %dma_start3A_226 = arith.constant 0 : i32
      %dma_start3A_227 = tpu.memref_slice %arg2[%add3A_218, %dma_start3A_226] : memref<8192x768xf32, #tpu.memory_space<hbm>> -> memref<1x768xf32, #tpu.memory_space<hbm>>
      %dma_start3A_228 = tpu.memref_squeeze %dma_start3A_227 : memref<1x768xf32, #tpu.memory_space<hbm>> -> memref<768xf32, #tpu.memory_space<hbm>>
      tpu.enqueue_dma source(%dma_start3A_228 : memref<768xf32, #tpu.memory_space<hbm>>) target(%dma_start3A_225 : memref<768xf32, #tpu.memory_space<vmem>>) target_semaphore(%arg14 : memref<!tpu.dma_semaphore, #tpu.memory_space<semaphore_mem>>)
      %mul3A_229 = arith.constant 16 : i32
      %mul3A_230 = arith.muli %scan3A_39, %mul3A_229 : i32
      %add3A_231 = arith.addi %mul3A_2, %mul3A_230 : i32
      %add3A_232 = arith.constant 12 : i32
      %add3A_233 = arith.addi %add3A_231, %add3A_232 : i32
      %dma_start3A_234 = arith.constant 10752 : i32
      %dma_start3A_235 = tpu.memref_slice %arg12[%dma_start3A_234] : memref<14336xf32, #tpu.memory_space<vmem>> -> memref<768xf32, #tpu.memory_space<vmem>>
      %dma_start3A_236 = arith.constant 0 : i32
      %dma_start3A_237 = tpu.memref_slice %arg2[%add3A_233, %dma_start3A_236] : memref<8192x768xf32, #tpu.memory_space<hbm>> -> memref<1x768xf32, #tpu.memory_space<hbm>>
      %dma_start3A_238 = tpu.memref_squeeze %dma_start3A_237 : memref<1x768xf32, #tpu.memory_space<hbm>> -> memref<768xf32, #tpu.memory_space<hbm>>
      %dma_start3A_239 = arith.constant 10752 : i32
      %dma_start3A_240 = tpu.memref_slice %arg12[%dma_start3A_239] : memref<14336xf32, #tpu.memory_space<vmem>> -> memref<768xf32, #tpu.memory_space<vmem>>
      %dma_start3A_241 = arith.constant 0 : i32
      %dma_start3A_242 = tpu.memref_slice %arg2[%add3A_233, %dma_start3A_241] : memref<8192x768xf32, #tpu.memory_space<hbm>> -> memref<1x768xf32, #tpu.memory_space<hbm>>
      %dma_start3A_243 = tpu.memref_squeeze %dma_start3A_242 : memref<1x768xf32, #tpu.memory_space<hbm>> -> memref<768xf32, #tpu.memory_space<hbm>>
      tpu.enqueue_dma source(%dma_start3A_243 : memref<768xf32, #tpu.memory_space<hbm>>) target(%dma_start3A_240 : memref<768xf32, #tpu.memory_space<vmem>>) target_semaphore(%arg14 : memref<!tpu.dma_semaphore, #tpu.memory_space<semaphore_mem>>)
      %mul3A_244 = arith.constant 16 : i32
      %mul3A_245 = arith.muli %scan3A_39, %mul3A_244 : i32
      %add3A_246 = arith.addi %mul3A_2, %mul3A_245 : i32
      %add3A_247 = arith.constant 13 : i32
      %add3A_248 = arith.addi %add3A_246, %add3A_247 : i32
      %dma_start3A_249 = arith.constant 11648 : i32
      %dma_start3A_250 = tpu.memref_slice %arg12[%dma_start3A_249] : memref<14336xf32, #tpu.memory_space<vmem>> -> memref<768xf32, #tpu.memory_space<vmem>>
      %dma_start3A_251 = arith.constant 0 : i32
      %dma_start3A_252 = tpu.memref_slice %arg2[%add3A_248, %dma_start3A_251] : memref<8192x768xf32, #tpu.memory_space<hbm>> -> memref<1x768xf32, #tpu.memory_space<hbm>>
      %dma_start3A_253 = tpu.memref_squeeze %dma_start3A_252 : memref<1x768xf32, #tpu.memory_space<hbm>> -> memref<768xf32, #tpu.memory_space<hbm>>
      %dma_start3A_254 = arith.constant 11648 : i32
      %dma_start3A_255 = tpu.memref_slice %arg12[%dma_start3A_254] : memref<14336xf32, #tpu.memory_space<vmem>> -> memref<768xf32, #tpu.memory_space<vmem>>
      %dma_start3A_256 = arith.constant 0 : i32
      %dma_start3A_257 = tpu.memref_slice %arg2[%add3A_248, %dma_start3A_256] : memref<8192x768xf32, #tpu.memory_space<hbm>> -> memref<1x768xf32, #tpu.memory_space<hbm>>
      %dma_start3A_258 = tpu.memref_squeeze %dma_start3A_257 : memref<1x768xf32, #tpu.memory_space<hbm>> -> memref<768xf32, #tpu.memory_space<hbm>>
      tpu.enqueue_dma source(%dma_start3A_258 : memref<768xf32, #tpu.memory_space<hbm>>) target(%dma_start3A_255 : memref<768xf32, #tpu.memory_space<vmem>>) target_semaphore(%arg14 : memref<!tpu.dma_semaphore, #tpu.memory_space<semaphore_mem>>)
      %mul3A_259 = arith.constant 16 : i32
      %mul3A_260 = arith.muli %scan3A_39, %mul3A_259 : i32
      %add3A_261 = arith.addi %mul3A_2, %mul3A_260 : i32
      %add3A_262 = arith.constant 14 : i32
      %add3A_263 = arith.addi %add3A_261, %add3A_262 : i32
      %dma_start3A_264 = arith.constant 12544 : i32
      %dma_start3A_265 = tpu.memref_slice %arg12[%dma_start3A_264] : memref<14336xf32, #tpu.memory_space<vmem>> -> memref<768xf32, #tpu.memory_space<vmem>>
      %dma_start3A_266 = arith.constant 0 : i32
      %dma_start3A_267 = tpu.memref_slice %arg2[%add3A_263, %dma_start3A_266] : memref<8192x768xf32, #tpu.memory_space<hbm>> -> memref<1x768xf32, #tpu.memory_space<hbm>>
      %dma_start3A_268 = tpu.memref_squeeze %dma_start3A_267 : memref<1x768xf32, #tpu.memory_space<hbm>> -> memref<768xf32, #tpu.memory_space<hbm>>
      %dma_start3A_269 = arith.constant 12544 : i32
      %dma_start3A_270 = tpu.memref_slice %arg12[%dma_start3A_269] : memref<14336xf32, #tpu.memory_space<vmem>> -> memref<768xf32, #tpu.memory_space<vmem>>
      %dma_start3A_271 = arith.constant 0 : i32
      %dma_start3A_272 = tpu.memref_slice %arg2[%add3A_263, %dma_start3A_271] : memref<8192x768xf32, #tpu.memory_space<hbm>> -> memref<1x768xf32, #tpu.memory_space<hbm>>
      %dma_start3A_273 = tpu.memref_squeeze %dma_start3A_272 : memref<1x768xf32, #tpu.memory_space<hbm>> -> memref<768xf32, #tpu.memory_space<hbm>>
      tpu.enqueue_dma source(%dma_start3A_273 : memref<768xf32, #tpu.memory_space<hbm>>) target(%dma_start3A_270 : memref<768xf32, #tpu.memory_space<vmem>>) target_semaphore(%arg14 : memref<!tpu.dma_semaphore, #tpu.memory_space<semaphore_mem>>)
      %mul3A_274 = arith.constant 16 : i32
      %mul3A_275 = arith.muli %scan3A_39, %mul3A_274 : i32
      %add3A_276 = arith.addi %mul3A_2, %mul3A_275 : i32
      %add3A_277 = arith.constant 15 : i32
      %add3A_278 = arith.addi %add3A_276, %add3A_277 : i32
      %dma_start3A_279 = arith.constant 13440 : i32
      %dma_start3A_280 = tpu.memref_slice %arg12[%dma_start3A_279] : memref<14336xf32, #tpu.memory_space<vmem>> -> memref<768xf32, #tpu.memory_space<vmem>>
      %dma_start3A_281 = arith.constant 0 : i32
      %dma_start3A_282 = tpu.memref_slice %arg2[%add3A_278, %dma_start3A_281] : memref<8192x768xf32, #tpu.memory_space<hbm>> -> memref<1x768xf32, #tpu.memory_space<hbm>>
      %dma_start3A_283 = tpu.memref_squeeze %dma_start3A_282 : memref<1x768xf32, #tpu.memory_space<hbm>> -> memref<768xf32, #tpu.memory_space<hbm>>
      %dma_start3A_284 = arith.constant 13440 : i32
      %dma_start3A_285 = tpu.memref_slice %arg12[%dma_start3A_284] : memref<14336xf32, #tpu.memory_space<vmem>> -> memref<768xf32, #tpu.memory_space<vmem>>
      %dma_start3A_286 = arith.constant 0 : i32
      %dma_start3A_287 = tpu.memref_slice %arg2[%add3A_278, %dma_start3A_286] : memref<8192x768xf32, #tpu.memory_space<hbm>> -> memref<1x768xf32, #tpu.memory_space<hbm>>
      %dma_start3A_288 = tpu.memref_squeeze %dma_start3A_287 : memref<1x768xf32, #tpu.memory_space<hbm>> -> memref<768xf32, #tpu.memory_space<hbm>>
      tpu.enqueue_dma source(%dma_start3A_288 : memref<768xf32, #tpu.memory_space<hbm>>) target(%dma_start3A_285 : memref<768xf32, #tpu.memory_space<vmem>>) target_semaphore(%arg14 : memref<!tpu.dma_semaphore, #tpu.memory_space<semaphore_mem>>)
      %dma_wait3A = arith.constant 0 : i32
      %dma_wait3A_289 = arith.constant 0 : i32
      %dma_wait3A_290 = tpu.memref_slice %arg12[%dma_wait3A_289] : memref<14336xf32, #tpu.memory_space<vmem>> -> memref<768xf32, #tpu.memory_space<vmem>>
      %dma_wait3A_291 = arith.constant 0 : i32
      %dma_wait3A_292 = tpu.memref_slice %arg2[%dma_wait3A, %dma_wait3A_291] : memref<8192x768xf32, #tpu.memory_space<hbm>> -> memref<1x768xf32, #tpu.memory_space<hbm>>
      %dma_wait3A_293 = tpu.memref_squeeze %dma_wait3A_292 : memref<1x768xf32, #tpu.memory_space<hbm>> -> memref<768xf32, #tpu.memory_space<hbm>>
      %dma_wait3A_294 = arith.constant 0 : i32
      %dma_wait3A_295 = tpu.memref_slice %arg12[%dma_wait3A_294] : memref<14336xf32, #tpu.memory_space<vmem>> -> memref<768xf32, #tpu.memory_space<vmem>>
      %dma_wait3A_296 = arith.constant 0 : i32
      %dma_wait3A_297 = tpu.memref_slice %arg2[%dma_wait3A, %dma_wait3A_296] : memref<8192x768xf32, #tpu.memory_space<hbm>> -> memref<1x768xf32, #tpu.memory_space<hbm>>
      %dma_wait3A_298 = tpu.memref_squeeze %dma_wait3A_297 : memref<1x768xf32, #tpu.memory_space<hbm>> -> memref<768xf32, #tpu.memory_space<hbm>>
      tpu.wait_dma2 semaphore(%arg14 : memref<!tpu.dma_semaphore, #tpu.memory_space<semaphore_mem>>) src(%dma_wait3A_298 : memref<768xf32, #tpu.memory_space<hbm>>) dst(%dma_wait3A_295 : memref<768xf32, #tpu.memory_space<vmem>>)
      %dma_wait3A_299 = arith.constant 0 : i32
      %dma_wait3A_300 = arith.constant 896 : i32
      %dma_wait3A_301 = tpu.memref_slice %arg12[%dma_wait3A_300] : memref<14336xf32, #tpu.memory_space<vmem>> -> memref<768xf32, #tpu.memory_space<vmem>>
      %dma_wait3A_302 = arith.constant 0 : i32
      %dma_wait3A_303 = tpu.memref_slice %arg2[%dma_wait3A_299, %dma_wait3A_302] : memref<8192x768xf32, #tpu.memory_space<hbm>> -> memref<1x768xf32, #tpu.memory_space<hbm>>
      %dma_wait3A_304 = tpu.memref_squeeze %dma_wait3A_303 : memref<1x768xf32, #tpu.memory_space<hbm>> -> memref<768xf32, #tpu.memory_space<hbm>>
      %dma_wait3A_305 = arith.constant 896 : i32
      %dma_wait3A_306 = tpu.memref_slice %arg12[%dma_wait3A_305] : memref<14336xf32, #tpu.memory_space<vmem>> -> memref<768xf32, #tpu.memory_space<vmem>>
      %dma_wait3A_307 = arith.constant 0 : i32
      %dma_wait3A_308 = tpu.memref_slice %arg2[%dma_wait3A_299, %dma_wait3A_307] : memref<8192x768xf32, #tpu.memory_space<hbm>> -> memref<1x768xf32, #tpu.memory_space<hbm>>
      %dma_wait3A_309 = tpu.memref_squeeze %dma_wait3A_308 : memref<1x768xf32, #tpu.memory_space<hbm>> -> memref<768xf32, #tpu.memory_space<hbm>>
      tpu.wait_dma2 semaphore(%arg14 : memref<!tpu.dma_semaphore, #tpu.memory_space<semaphore_mem>>) src(%dma_wait3A_309 : memref<768xf32, #tpu.memory_space<hbm>>) dst(%dma_wait3A_306 : memref<768xf32, #tpu.memory_space<vmem>>)
      %dma_wait3A_310 = arith.constant 0 : i32
      %dma_wait3A_311 = arith.constant 1792 : i32
      %dma_wait3A_312 = tpu.memref_slice %arg12[%dma_wait3A_311] : memref<14336xf32, #tpu.memory_space<vmem>> -> memref<768xf32, #tpu.memory_space<vmem>>
      %dma_wait3A_313 = arith.constant 0 : i32
      %dma_wait3A_314 = tpu.memref_slice %arg2[%dma_wait3A_310, %dma_wait3A_313] : memref<8192x768xf32, #tpu.memory_space<hbm>> -> memref<1x768xf32, #tpu.memory_space<hbm>>
      %dma_wait3A_315 = tpu.memref_squeeze %dma_wait3A_314 : memref<1x768xf32, #tpu.memory_space<hbm>> -> memref<768xf32, #tpu.memory_space<hbm>>
      %dma_wait3A_316 = arith.constant 1792 : i32
      %dma_wait3A_317 = tpu.memref_slice %arg12[%dma_wait3A_316] : memref<14336xf32, #tpu.memory_space<vmem>> -> memref<768xf32, #tpu.memory_space<vmem>>
      %dma_wait3A_318 = arith.constant 0 : i32
      %dma_wait3A_319 = tpu.memref_slice %arg2[%dma_wait3A_310, %dma_wait3A_318] : memref<8192x768xf32, #tpu.memory_space<hbm>> -> memref<1x768xf32, #tpu.memory_space<hbm>>
      %dma_wait3A_320 = tpu.memref_squeeze %dma_wait3A_319 : memref<1x768xf32, #tpu.memory_space<hbm>> -> memref<768xf32, #tpu.memory_space<hbm>>
      tpu.wait_dma2 semaphore(%arg14 : memref<!tpu.dma_semaphore, #tpu.memory_space<semaphore_mem>>) src(%dma_wait3A_320 : memref<768xf32, #tpu.memory_space<hbm>>) dst(%dma_wait3A_317 : memref<768xf32, #tpu.memory_space<vmem>>)
      %dma_wait3A_321 = arith.constant 0 : i32
      %dma_wait3A_322 = arith.constant 2688 : i32
      %dma_wait3A_323 = tpu.memref_slice %arg12[%dma_wait3A_322] : memref<14336xf32, #tpu.memory_space<vmem>> -> memref<768xf32, #tpu.memory_space<vmem>>
      %dma_wait3A_324 = arith.constant 0 : i32
      %dma_wait3A_325 = tpu.memref_slice %arg2[%dma_wait3A_321, %dma_wait3A_324] : memref<8192x768xf32, #tpu.memory_space<hbm>> -> memref<1x768xf32, #tpu.memory_space<hbm>>
      %dma_wait3A_326 = tpu.memref_squeeze %dma_wait3A_325 : memref<1x768xf32, #tpu.memory_space<hbm>> -> memref<768xf32, #tpu.memory_space<hbm>>
      %dma_wait3A_327 = arith.constant 2688 : i32
      %dma_wait3A_328 = tpu.memref_slice %arg12[%dma_wait3A_327] : memref<14336xf32, #tpu.memory_space<vmem>> -> memref<768xf32, #tpu.memory_space<vmem>>
      %dma_wait3A_329 = arith.constant 0 : i32
      %dma_wait3A_330 = tpu.memref_slice %arg2[%dma_wait3A_321, %dma_wait3A_329] : memref<8192x768xf32, #tpu.memory_space<hbm>> -> memref<1x768xf32, #tpu.memory_space<hbm>>
      %dma_wait3A_331 = tpu.memref_squeeze %dma_wait3A_330 : memref<1x768xf32, #tpu.memory_space<hbm>> -> memref<768xf32, #tpu.memory_space<hbm>>
      tpu.wait_dma2 semaphore(%arg14 : memref<!tpu.dma_semaphore, #tpu.memory_space<semaphore_mem>>) src(%dma_wait3A_331 : memref<768xf32, #tpu.memory_space<hbm>>) dst(%dma_wait3A_328 : memref<768xf32, #tpu.memory_space<vmem>>)
      %dma_wait3A_332 = arith.constant 0 : i32
      %dma_wait3A_333 = arith.constant 3584 : i32
      %dma_wait3A_334 = tpu.memref_slice %arg12[%dma_wait3A_333] : memref<14336xf32, #tpu.memory_space<vmem>> -> memref<768xf32, #tpu.memory_space<vmem>>
      %dma_wait3A_335 = arith.constant 0 : i32
      %dma_wait3A_336 = tpu.memref_slice %arg2[%dma_wait3A_332, %dma_wait3A_335] : memref<8192x768xf32, #tpu.memory_space<hbm>> -> memref<1x768xf32, #tpu.memory_space<hbm>>
      %dma_wait3A_337 = tpu.memref_squeeze %dma_wait3A_336 : memref<1x768xf32, #tpu.memory_space<hbm>> -> memref<768xf32, #tpu.memory_space<hbm>>
      %dma_wait3A_338 = arith.constant 3584 : i32
      %dma_wait3A_339 = tpu.memref_slice %arg12[%dma_wait3A_338] : memref<14336xf32, #tpu.memory_space<vmem>> -> memref<768xf32, #tpu.memory_space<vmem>>
      %dma_wait3A_340 = arith.constant 0 : i32
      %dma_wait3A_341 = tpu.memref_slice %arg2[%dma_wait3A_332, %dma_wait3A_340] : memref<8192x768xf32, #tpu.memory_space<hbm>> -> memref<1x768xf32, #tpu.memory_space<hbm>>
      %dma_wait3A_342 = tpu.memref_squeeze %dma_wait3A_341 : memref<1x768xf32, #tpu.memory_space<hbm>> -> memref<768xf32, #tpu.memory_space<hbm>>
      tpu.wait_dma2 semaphore(%arg14 : memref<!tpu.dma_semaphore, #tpu.memory_space<semaphore_mem>>) src(%dma_wait3A_342 : memref<768xf32, #tpu.memory_space<hbm>>) dst(%dma_wait3A_339 : memref<768xf32, #tpu.memory_space<vmem>>)
      %dma_wait3A_343 = arith.constant 0 : i32
      %dma_wait3A_344 = arith.constant 4480 : i32
      %dma_wait3A_345 = tpu.memref_slice %arg12[%dma_wait3A_344] : memref<14336xf32, #tpu.memory_space<vmem>> -> memref<768xf32, #tpu.memory_space<vmem>>
      %dma_wait3A_346 = arith.constant 0 : i32
      %dma_wait3A_347 = tpu.memref_slice %arg2[%dma_wait3A_343, %dma_wait3A_346] : memref<8192x768xf32, #tpu.memory_space<hbm>> -> memref<1x768xf32, #tpu.memory_space<hbm>>
      %dma_wait3A_348 = tpu.memref_squeeze %dma_wait3A_347 : memref<1x768xf32, #tpu.memory_space<hbm>> -> memref<768xf32, #tpu.memory_space<hbm>>
      %dma_wait3A_349 = arith.constant 4480 : i32
      %dma_wait3A_350 = tpu.memref_slice %arg12[%dma_wait3A_349] : memref<14336xf32, #tpu.memory_space<vmem>> -> memref<768xf32, #tpu.memory_space<vmem>>
      %dma_wait3A_351 = arith.constant 0 : i32
      %dma_wait3A_352 = tpu.memref_slice %arg2[%dma_wait3A_343, %dma_wait3A_351] : memref<8192x768xf32, #tpu.memory_space<hbm>> -> memref<1x768xf32, #tpu.memory_space<hbm>>
      %dma_wait3A_353 = tpu.memref_squeeze %dma_wait3A_352 : memref<1x768xf32, #tpu.memory_space<hbm>> -> memref<768xf32, #tpu.memory_space<hbm>>
      tpu.wait_dma2 semaphore(%arg14 : memref<!tpu.dma_semaphore, #tpu.memory_space<semaphore_mem>>) src(%dma_wait3A_353 : memref<768xf32, #tpu.memory_space<hbm>>) dst(%dma_wait3A_350 : memref<768xf32, #tpu.memory_space<vmem>>)
      %dma_wait3A_354 = arith.constant 0 : i32
      %dma_wait3A_355 = arith.constant 5376 : i32
      %dma_wait3A_356 = tpu.memref_slice %arg12[%dma_wait3A_355] : memref<14336xf32, #tpu.memory_space<vmem>> -> memref<768xf32, #tpu.memory_space<vmem>>
      %dma_wait3A_357 = arith.constant 0 : i32
      %dma_wait3A_358 = tpu.memref_slice %arg2[%dma_wait3A_354, %dma_wait3A_357] : memref<8192x768xf32, #tpu.memory_space<hbm>> -> memref<1x768xf32, #tpu.memory_space<hbm>>
      %dma_wait3A_359 = tpu.memref_squeeze %dma_wait3A_358 : memref<1x768xf32, #tpu.memory_space<hbm>> -> memref<768xf32, #tpu.memory_space<hbm>>
      %dma_wait3A_360 = arith.constant 5376 : i32
      %dma_wait3A_361 = tpu.memref_slice %arg12[%dma_wait3A_360] : memref<14336xf32, #tpu.memory_space<vmem>> -> memref<768xf32, #tpu.memory_space<vmem>>
      %dma_wait3A_362 = arith.constant 0 : i32
      %dma_wait3A_363 = tpu.memref_slice %arg2[%dma_wait3A_354, %dma_wait3A_362] : memref<8192x768xf32, #tpu.memory_space<hbm>> -> memref<1x768xf32, #tpu.memory_space<hbm>>
      %dma_wait3A_364 = tpu.memref_squeeze %dma_wait3A_363 : memref<1x768xf32, #tpu.memory_space<hbm>> -> memref<768xf32, #tpu.memory_space<hbm>>
      tpu.wait_dma2 semaphore(%arg14 : memref<!tpu.dma_semaphore, #tpu.memory_space<semaphore_mem>>) src(%dma_wait3A_364 : memref<768xf32, #tpu.memory_space<hbm>>) dst(%dma_wait3A_361 : memref<768xf32, #tpu.memory_space<vmem>>)
      %dma_wait3A_365 = arith.constant 0 : i32
      %dma_wait3A_366 = arith.constant 6272 : i32
      %dma_wait3A_367 = tpu.memref_slice %arg12[%dma_wait3A_366] : memref<14336xf32, #tpu.memory_space<vmem>> -> memref<768xf32, #tpu.memory_space<vmem>>
      %dma_wait3A_368 = arith.constant 0 : i32
      %dma_wait3A_369 = tpu.memref_slice %arg2[%dma_wait3A_365, %dma_wait3A_368] : memref<8192x768xf32, #tpu.memory_space<hbm>> -> memref<1x768xf32, #tpu.memory_space<hbm>>
      %dma_wait3A_370 = tpu.memref_squeeze %dma_wait3A_369 : memref<1x768xf32, #tpu.memory_space<hbm>> -> memref<768xf32, #tpu.memory_space<hbm>>
      %dma_wait3A_371 = arith.constant 6272 : i32
      %dma_wait3A_372 = tpu.memref_slice %arg12[%dma_wait3A_371] : memref<14336xf32, #tpu.memory_space<vmem>> -> memref<768xf32, #tpu.memory_space<vmem>>
      %dma_wait3A_373 = arith.constant 0 : i32
      %dma_wait3A_374 = tpu.memref_slice %arg2[%dma_wait3A_365, %dma_wait3A_373] : memref<8192x768xf32, #tpu.memory_space<hbm>> -> memref<1x768xf32, #tpu.memory_space<hbm>>
      %dma_wait3A_375 = tpu.memref_squeeze %dma_wait3A_374 : memref<1x768xf32, #tpu.memory_space<hbm>> -> memref<768xf32, #tpu.memory_space<hbm>>
      tpu.wait_dma2 semaphore(%arg14 : memref<!tpu.dma_semaphore, #tpu.memory_space<semaphore_mem>>) src(%dma_wait3A_375 : memref<768xf32, #tpu.memory_space<hbm>>) dst(%dma_wait3A_372 : memref<768xf32, #tpu.memory_space<vmem>>)
      %dma_wait3A_376 = arith.constant 0 : i32
      %dma_wait3A_377 = arith.constant 7168 : i32
      %dma_wait3A_378 = tpu.memref_slice %arg12[%dma_wait3A_377] : memref<14336xf32, #tpu.memory_space<vmem>> -> memref<768xf32, #tpu.memory_space<vmem>>
      %dma_wait3A_379 = arith.constant 0 : i32
      %dma_wait3A_380 = tpu.memref_slice %arg2[%dma_wait3A_376, %dma_wait3A_379] : memref<8192x768xf32, #tpu.memory_space<hbm>> -> memref<1x768xf32, #tpu.memory_space<hbm>>
      %dma_wait3A_381 = tpu.memref_squeeze %dma_wait3A_380 : memref<1x768xf32, #tpu.memory_space<hbm>> -> memref<768xf32, #tpu.memory_space<hbm>>
      %dma_wait3A_382 = arith.constant 7168 : i32
      %dma_wait3A_383 = tpu.memref_slice %arg12[%dma_wait3A_382] : memref<14336xf32, #tpu.memory_space<vmem>> -> memref<768xf32, #tpu.memory_space<vmem>>
      %dma_wait3A_384 = arith.constant 0 : i32
      %dma_wait3A_385 = tpu.memref_slice %arg2[%dma_wait3A_376, %dma_wait3A_384] : memref<8192x768xf32, #tpu.memory_space<hbm>> -> memref<1x768xf32, #tpu.memory_space<hbm>>
      %dma_wait3A_386 = tpu.memref_squeeze %dma_wait3A_385 : memref<1x768xf32, #tpu.memory_space<hbm>> -> memref<768xf32, #tpu.memory_space<hbm>>
      tpu.wait_dma2 semaphore(%arg14 : memref<!tpu.dma_semaphore, #tpu.memory_space<semaphore_mem>>) src(%dma_wait3A_386 : memref<768xf32, #tpu.memory_space<hbm>>) dst(%dma_wait3A_383 : memref<768xf32, #tpu.memory_space<vmem>>)
      %dma_wait3A_387 = arith.constant 0 : i32
      %dma_wait3A_388 = arith.constant 8064 : i32
      %dma_wait3A_389 = tpu.memref_slice %arg12[%dma_wait3A_388] : memref<14336xf32, #tpu.memory_space<vmem>> -> memref<768xf32, #tpu.memory_space<vmem>>
      %dma_wait3A_390 = arith.constant 0 : i32
      %dma_wait3A_391 = tpu.memref_slice %arg2[%dma_wait3A_387, %dma_wait3A_390] : memref<8192x768xf32, #tpu.memory_space<hbm>> -> memref<1x768xf32, #tpu.memory_space<hbm>>
      %dma_wait3A_392 = tpu.memref_squeeze %dma_wait3A_391 : memref<1x768xf32, #tpu.memory_space<hbm>> -> memref<768xf32, #tpu.memory_space<hbm>>
      %dma_wait3A_393 = arith.constant 8064 : i32
      %dma_wait3A_394 = tpu.memref_slice %arg12[%dma_wait3A_393] : memref<14336xf32, #tpu.memory_space<vmem>> -> memref<768xf32, #tpu.memory_space<vmem>>
      %dma_wait3A_395 = arith.constant 0 : i32
      %dma_wait3A_396 = tpu.memref_slice %arg2[%dma_wait3A_387, %dma_wait3A_395] : memref<8192x768xf32, #tpu.memory_space<hbm>> -> memref<1x768xf32, #tpu.memory_space<hbm>>
      %dma_wait3A_397 = tpu.memref_squeeze %dma_wait3A_396 : memref<1x768xf32, #tpu.memory_space<hbm>> -> memref<768xf32, #tpu.memory_space<hbm>>
      tpu.wait_dma2 semaphore(%arg14 : memref<!tpu.dma_semaphore, #tpu.memory_space<semaphore_mem>>) src(%dma_wait3A_397 : memref<768xf32, #tpu.memory_space<hbm>>) dst(%dma_wait3A_394 : memref<768xf32, #tpu.memory_space<vmem>>)
      %dma_wait3A_398 = arith.constant 0 : i32
      %dma_wait3A_399 = arith.constant 8960 : i32
      %dma_wait3A_400 = tpu.memref_slice %arg12[%dma_wait3A_399] : memref<14336xf32, #tpu.memory_space<vmem>> -> memref<768xf32, #tpu.memory_space<vmem>>
      %dma_wait3A_401 = arith.constant 0 : i32
      %dma_wait3A_402 = tpu.memref_slice %arg2[%dma_wait3A_398, %dma_wait3A_401] : memref<8192x768xf32, #tpu.memory_space<hbm>> -> memref<1x768xf32, #tpu.memory_space<hbm>>
      %dma_wait3A_403 = tpu.memref_squeeze %dma_wait3A_402 : memref<1x768xf32, #tpu.memory_space<hbm>> -> memref<768xf32, #tpu.memory_space<hbm>>
      %dma_wait3A_404 = arith.constant 8960 : i32
      %dma_wait3A_405 = tpu.memref_slice %arg12[%dma_wait3A_404] : memref<14336xf32, #tpu.memory_space<vmem>> -> memref<768xf32, #tpu.memory_space<vmem>>
      %dma_wait3A_406 = arith.constant 0 : i32
      %dma_wait3A_407 = tpu.memref_slice %arg2[%dma_wait3A_398, %dma_wait3A_406] : memref<8192x768xf32, #tpu.memory_space<hbm>> -> memref<1x768xf32, #tpu.memory_space<hbm>>
      %dma_wait3A_408 = tpu.memref_squeeze %dma_wait3A_407 : memref<1x768xf32, #tpu.memory_space<hbm>> -> memref<768xf32, #tpu.memory_space<hbm>>
      tpu.wait_dma2 semaphore(%arg14 : memref<!tpu.dma_semaphore, #tpu.memory_space<semaphore_mem>>) src(%dma_wait3A_408 : memref<768xf32, #tpu.memory_space<hbm>>) dst(%dma_wait3A_405 : memref<768xf32, #tpu.memory_space<vmem>>)
      %dma_wait3A_409 = arith.constant 0 : i32
      %dma_wait3A_410 = arith.constant 9856 : i32
      %dma_wait3A_411 = tpu.memref_slice %arg12[%dma_wait3A_410] : memref<14336xf32, #tpu.memory_space<vmem>> -> memref<768xf32, #tpu.memory_space<vmem>>
      %dma_wait3A_412 = arith.constant 0 : i32
      %dma_wait3A_413 = tpu.memref_slice %arg2[%dma_wait3A_409, %dma_wait3A_412] : memref<8192x768xf32, #tpu.memory_space<hbm>> -> memref<1x768xf32, #tpu.memory_space<hbm>>
      %dma_wait3A_414 = tpu.memref_squeeze %dma_wait3A_413 : memref<1x768xf32, #tpu.memory_space<hbm>> -> memref<768xf32, #tpu.memory_space<hbm>>
      %dma_wait3A_415 = arith.constant 9856 : i32
      %dma_wait3A_416 = tpu.memref_slice %arg12[%dma_wait3A_415] : memref<14336xf32, #tpu.memory_space<vmem>> -> memref<768xf32, #tpu.memory_space<vmem>>
      %dma_wait3A_417 = arith.constant 0 : i32
      %dma_wait3A_418 = tpu.memref_slice %arg2[%dma_wait3A_409, %dma_wait3A_417] : memref<8192x768xf32, #tpu.memory_space<hbm>> -> memref<1x768xf32, #tpu.memory_space<hbm>>
      %dma_wait3A_419 = tpu.memref_squeeze %dma_wait3A_418 : memref<1x768xf32, #tpu.memory_space<hbm>> -> memref<768xf32, #tpu.memory_space<hbm>>
      tpu.wait_dma2 semaphore(%arg14 : memref<!tpu.dma_semaphore, #tpu.memory_space<semaphore_mem>>) src(%dma_wait3A_419 : memref<768xf32, #tpu.memory_space<hbm>>) dst(%dma_wait3A_416 : memref<768xf32, #tpu.memory_space<vmem>>)
      %dma_wait3A_420 = arith.constant 0 : i32
      %dma_wait3A_421 = arith.constant 10752 : i32
      %dma_wait3A_422 = tpu.memref_slice %arg12[%dma_wait3A_421] : memref<14336xf32, #tpu.memory_space<vmem>> -> memref<768xf32, #tpu.memory_space<vmem>>
      %dma_wait3A_423 = arith.constant 0 : i32
      %dma_wait3A_424 = tpu.memref_slice %arg2[%dma_wait3A_420, %dma_wait3A_423] : memref<8192x768xf32, #tpu.memory_space<hbm>> -> memref<1x768xf32, #tpu.memory_space<hbm>>
      %dma_wait3A_425 = tpu.memref_squeeze %dma_wait3A_424 : memref<1x768xf32, #tpu.memory_space<hbm>> -> memref<768xf32, #tpu.memory_space<hbm>>
      %dma_wait3A_426 = arith.constant 10752 : i32
      %dma_wait3A_427 = tpu.memref_slice %arg12[%dma_wait3A_426] : memref<14336xf32, #tpu.memory_space<vmem>> -> memref<768xf32, #tpu.memory_space<vmem>>
      %dma_wait3A_428 = arith.constant 0 : i32
      %dma_wait3A_429 = tpu.memref_slice %arg2[%dma_wait3A_420, %dma_wait3A_428] : memref<8192x768xf32, #tpu.memory_space<hbm>> -> memref<1x768xf32, #tpu.memory_space<hbm>>
      %dma_wait3A_430 = tpu.memref_squeeze %dma_wait3A_429 : memref<1x768xf32, #tpu.memory_space<hbm>> -> memref<768xf32, #tpu.memory_space<hbm>>
      tpu.wait_dma2 semaphore(%arg14 : memref<!tpu.dma_semaphore, #tpu.memory_space<semaphore_mem>>) src(%dma_wait3A_430 : memref<768xf32, #tpu.memory_space<hbm>>) dst(%dma_wait3A_427 : memref<768xf32, #tpu.memory_space<vmem>>)
      %dma_wait3A_431 = arith.constant 0 : i32
      %dma_wait3A_432 = arith.constant 11648 : i32
      %dma_wait3A_433 = tpu.memref_slice %arg12[%dma_wait3A_432] : memref<14336xf32, #tpu.memory_space<vmem>> -> memref<768xf32, #tpu.memory_space<vmem>>
      %dma_wait3A_434 = arith.constant 0 : i32
      %dma_wait3A_435 = tpu.memref_slice %arg2[%dma_wait3A_431, %dma_wait3A_434] : memref<8192x768xf32, #tpu.memory_space<hbm>> -> memref<1x768xf32, #tpu.memory_space<hbm>>
      %dma_wait3A_436 = tpu.memref_squeeze %dma_wait3A_435 : memref<1x768xf32, #tpu.memory_space<hbm>> -> memref<768xf32, #tpu.memory_space<hbm>>
      %dma_wait3A_437 = arith.constant 11648 : i32
      %dma_wait3A_438 = tpu.memref_slice %arg12[%dma_wait3A_437] : memref<14336xf32, #tpu.memory_space<vmem>> -> memref<768xf32, #tpu.memory_space<vmem>>
      %dma_wait3A_439 = arith.constant 0 : i32
      %dma_wait3A_440 = tpu.memref_slice %arg2[%dma_wait3A_431, %dma_wait3A_439] : memref<8192x768xf32, #tpu.memory_space<hbm>> -> memref<1x768xf32, #tpu.memory_space<hbm>>
      %dma_wait3A_441 = tpu.memref_squeeze %dma_wait3A_440 : memref<1x768xf32, #tpu.memory_space<hbm>> -> memref<768xf32, #tpu.memory_space<hbm>>
      tpu.wait_dma2 semaphore(%arg14 : memref<!tpu.dma_semaphore, #tpu.memory_space<semaphore_mem>>) src(%dma_wait3A_441 : memref<768xf32, #tpu.memory_space<hbm>>) dst(%dma_wait3A_438 : memref<768xf32, #tpu.memory_space<vmem>>)
      %dma_wait3A_442 = arith.constant 0 : i32
      %dma_wait3A_443 = arith.constant 12544 : i32
      %dma_wait3A_444 = tpu.memref_slice %arg12[%dma_wait3A_443] : memref<14336xf32, #tpu.memory_space<vmem>> -> memref<768xf32, #tpu.memory_space<vmem>>
      %dma_wait3A_445 = arith.constant 0 : i32
      %dma_wait3A_446 = tpu.memref_slice %arg2[%dma_wait3A_442, %dma_wait3A_445] : memref<8192x768xf32, #tpu.memory_space<hbm>> -> memref<1x768xf32, #tpu.memory_space<hbm>>
      %dma_wait3A_447 = tpu.memref_squeeze %dma_wait3A_446 : memref<1x768xf32, #tpu.memory_space<hbm>> -> memref<768xf32, #tpu.memory_space<hbm>>
      %dma_wait3A_448 = arith.constant 12544 : i32
      %dma_wait3A_449 = tpu.memref_slice %arg12[%dma_wait3A_448] : memref<14336xf32, #tpu.memory_space<vmem>> -> memref<768xf32, #tpu.memory_space<vmem>>
      %dma_wait3A_450 = arith.constant 0 : i32
      %dma_wait3A_451 = tpu.memref_slice %arg2[%dma_wait3A_442, %dma_wait3A_450] : memref<8192x768xf32, #tpu.memory_space<hbm>> -> memref<1x768xf32, #tpu.memory_space<hbm>>
      %dma_wait3A_452 = tpu.memref_squeeze %dma_wait3A_451 : memref<1x768xf32, #tpu.memory_space<hbm>> -> memref<768xf32, #tpu.memory_space<hbm>>
      tpu.wait_dma2 semaphore(%arg14 : memref<!tpu.dma_semaphore, #tpu.memory_space<semaphore_mem>>) src(%dma_wait3A_452 : memref<768xf32, #tpu.memory_space<hbm>>) dst(%dma_wait3A_449 : memref<768xf32, #tpu.memory_space<vmem>>)
      %dma_wait3A_453 = arith.constant 0 : i32
      %dma_wait3A_454 = arith.constant 13440 : i32
      %dma_wait3A_455 = tpu.memref_slice %arg12[%dma_wait3A_454] : memref<14336xf32, #tpu.memory_space<vmem>> -> memref<768xf32, #tpu.memory_space<vmem>>
      %dma_wait3A_456 = arith.constant 0 : i32
      %dma_wait3A_457 = tpu.memref_slice %arg2[%dma_wait3A_453, %dma_wait3A_456] : memref<8192x768xf32, #tpu.memory_space<hbm>> -> memref<1x768xf32, #tpu.memory_space<hbm>>
      %dma_wait3A_458 = tpu.memref_squeeze %dma_wait3A_457 : memref<1x768xf32, #tpu.memory_space<hbm>> -> memref<768xf32, #tpu.memory_space<hbm>>
      %dma_wait3A_459 = arith.constant 13440 : i32
      %dma_wait3A_460 = tpu.memref_slice %arg12[%dma_wait3A_459] : memref<14336xf32, #tpu.memory_space<vmem>> -> memref<768xf32, #tpu.memory_space<vmem>>
      %dma_wait3A_461 = arith.constant 0 : i32
      %dma_wait3A_462 = tpu.memref_slice %arg2[%dma_wait3A_453, %dma_wait3A_461] : memref<8192x768xf32, #tpu.memory_space<hbm>> -> memref<1x768xf32, #tpu.memory_space<hbm>>
      %dma_wait3A_463 = tpu.memref_squeeze %dma_wait3A_462 : memref<1x768xf32, #tpu.memory_space<hbm>> -> memref<768xf32, #tpu.memory_space<hbm>>
      tpu.wait_dma2 semaphore(%arg14 : memref<!tpu.dma_semaphore, #tpu.memory_space<semaphore_mem>>) src(%dma_wait3A_463 : memref<768xf32, #tpu.memory_space<hbm>>) dst(%dma_wait3A_460 : memref<768xf32, #tpu.memory_space<vmem>>)
      %eq3A_464 = arith.constant 0 : i32
      %eq3A_465 = vector.broadcast %eq3A_464 : i32 to vector<16xi32>
      %eq3A_466 = arith.cmpi eq, %iota3A, %eq3A_465 : vector<16xi32>
      %slice3A = vector.extract_strided_slice %get3A_44 {offsets = [0], sizes = [1], strides = [1]} : vector<16xf32> to vector<1xf32>
      %squeeze3A = vector.extract %slice3A[0] : f32 from vector<1xf32>
      %add3A_467 = vector.broadcast %squeeze3A : f32 to vector<16xf32>
      %add3A_468 = arith.addf %broadcast_in_dim3A_31, %add3A_467 : vector<16xf32>
      %eq3A_469 = arith.constant 1 : i32
      %eq3A_470 = vector.broadcast %eq3A_469 : i32 to vector<16xi32>
      %eq3A_471 = arith.cmpi eq, %iota3A, %eq3A_470 : vector<16xi32>
      %slice3A_472 = vector.extract_strided_slice %get3A_49 {offsets = [0], sizes = [1], strides = [1]} : vector<16xf32> to vector<1xf32>
      %squeeze3A_473 = vector.extract %slice3A_472[0] : f32 from vector<1xf32>
      %add3A_474 = vector.broadcast %squeeze3A_473 : f32 to vector<16xf32>
      %add3A_475 = arith.addf %broadcast_in_dim3A_31, %add3A_474 : vector<16xf32>
      %select_n3A = arith.select %eq3A_471, %add3A_475, %broadcast_in_dim3A_31 : vector<16xi1>, vector<16xf32>
      %select_n3A_476 = arith.select %eq3A_466, %add3A_468, %select_n3A : vector<16xi1>, vector<16xf32>
      %swap3A_477 = arith.constant 768 : index
      %swap3A_478 = tpu.vector_load %arg12[%swap3A_477] {strides = array<i32>} : memref<14336xf32, #tpu.memory_space<vmem>>, vector<16xf32>,
      %swap3A_479 = vector.shape_cast %swap3A_478 : vector<16xf32> to vector<16xf32>
      %swap3A_480 = vector.shape_cast %select_n3A_476 : vector<16xf32> to vector<16xf32>
      tpu.vector_store %arg12[%swap3A_477], %swap3A_480 {strides = array<i32>} : memref<14336xf32, #tpu.memory_space<vmem>>, vector<16xf32>,
      %eq3A_481 = arith.constant 0 : i32
      %eq3A_482 = vector.broadcast %eq3A_481 : i32 to vector<16xi32>
      %eq3A_483 = arith.cmpi eq, %iota3A, %eq3A_482 : vector<16xi32>
      %slice3A_484 = vector.extract_strided_slice %get3A_44 {offsets = [1], sizes = [1], strides = [1]} : vector<16xf32> to vector<1xf32>
      %squeeze3A_485 = vector.extract %slice3A_484[0] : f32 from vector<1xf32>
      %add3A_486 = vector.broadcast %squeeze3A_485 : f32 to vector<16xf32>
      %add3A_487 = arith.addf %broadcast_in_dim3A_31, %add3A_486 : vector<16xf32>
      %eq3A_488 = arith.constant 1 : i32
      %eq3A_489 = vector.broadcast %eq3A_488 : i32 to vector<16xi32>
      %eq3A_490 = arith.cmpi eq, %iota3A, %eq3A_489 : vector<16xi32>
      %slice3A_491 = vector.extract_strided_slice %get3A_49 {offsets = [1], sizes = [1], strides = [1]} : vector<16xf32> to vector<1xf32>
      %squeeze3A_492 = vector.extract %slice3A_491[0] : f32 from vector<1xf32>
      %add3A_493 = vector.broadcast %squeeze3A_492 : f32 to vector<16xf32>
      %add3A_494 = arith.addf %broadcast_in_dim3A_31, %add3A_493 : vector<16xf32>
      %select_n3A_495 = arith.select %eq3A_490, %add3A_494, %broadcast_in_dim3A_31 : vector<16xi1>, vector<16xf32>
      %select_n3A_496 = arith.select %eq3A_483, %add3A_487, %select_n3A_495 : vector<16xi1>, vector<16xf32>
      %swap3A_497 = arith.constant 1664 : index
      %swap3A_498 = tpu.vector_load %arg12[%swap3A_497] {strides = array<i32>} : memref<14336xf32, #tpu.memory_space<vmem>>, vector<16xf32>,
      %swap3A_499 = vector.shape_cast %swap3A_498 : vector<16xf32> to vector<16xf32>
      %swap3A_500 = vector.shape_cast %select_n3A_496 : vector<16xf32> to vector<16xf32>
      tpu.vector_store %arg12[%swap3A_497], %swap3A_500 {strides = array<i32>} : memref<14336xf32, #tpu.memory_space<vmem>>, vector<16xf32>,
      %eq3A_501 = arith.constant 0 : i32
      %eq3A_502 = vector.broadcast %eq3A_501 : i32 to vector<16xi32>
      %eq3A_503 = arith.cmpi eq, %iota3A, %eq3A_502 : vector<16xi32>
      %slice3A_504 = vector.extract_strided_slice %get3A_44 {offsets = [2], sizes = [1], strides = [1]} : vector<16xf32> to vector<1xf32>
      %squeeze3A_505 = vector.extract %slice3A_504[0] : f32 from vector<1xf32>
      %add3A_506 = vector.broadcast %squeeze3A_505 : f32 to vector<16xf32>
      %add3A_507 = arith.addf %broadcast_in_dim3A_31, %add3A_506 : vector<16xf32>
      %eq3A_508 = arith.constant 1 : i32
      %eq3A_509 = vector.broadcast %eq3A_508 : i32 to vector<16xi32>
      %eq3A_510 = arith.cmpi eq, %iota3A, %eq3A_509 : vector<16xi32>
      %slice3A_511 = vector.extract_strided_slice %get3A_49 {offsets = [2], sizes = [1], strides = [1]} : vector<16xf32> to vector<1xf32>
      %squeeze3A_512 = vector.extract %slice3A_511[0] : f32 from vector<1xf32>
      %add3A_513 = vector.broadcast %squeeze3A_512 : f32 to vector<16xf32>
      %add3A_514 = arith.addf %broadcast_in_dim3A_31, %add3A_513 : vector<16xf32>
      %select_n3A_515 = arith.select %eq3A_510, %add3A_514, %broadcast_in_dim3A_31 : vector<16xi1>, vector<16xf32>
      %select_n3A_516 = arith.select %eq3A_503, %add3A_507, %select_n3A_515 : vector<16xi1>, vector<16xf32>
      %swap3A_517 = arith.constant 2560 : index
      %swap3A_518 = tpu.vector_load %arg12[%swap3A_517] {strides = array<i32>} : memref<14336xf32, #tpu.memory_space<vmem>>, vector<16xf32>,
      %swap3A_519 = vector.shape_cast %swap3A_518 : vector<16xf32> to vector<16xf32>
      %swap3A_520 = vector.shape_cast %select_n3A_516 : vector<16xf32> to vector<16xf32>
      tpu.vector_store %arg12[%swap3A_517], %swap3A_520 {strides = array<i32>} : memref<14336xf32, #tpu.memory_space<vmem>>, vector<16xf32>,
      %eq3A_521 = arith.constant 0 : i32
      %eq3A_522 = vector.broadcast %eq3A_521 : i32 to vector<16xi32>
      %eq3A_523 = arith.cmpi eq, %iota3A, %eq3A_522 : vector<16xi32>
      %slice3A_524 = vector.extract_strided_slice %get3A_44 {offsets = [3], sizes = [1], strides = [1]} : vector<16xf32> to vector<1xf32>
      %squeeze3A_525 = vector.extract %slice3A_524[0] : f32 from vector<1xf32>
      %add3A_526 = vector.broadcast %squeeze3A_525 : f32 to vector<16xf32>
      %add3A_527 = arith.addf %broadcast_in_dim3A_31, %add3A_526 : vector<16xf32>
      %eq3A_528 = arith.constant 1 : i32
      %eq3A_529 = vector.broadcast %eq3A_528 : i32 to vector<16xi32>
      %eq3A_530 = arith.cmpi eq, %iota3A, %eq3A_529 : vector<16xi32>
      %slice3A_531 = vector.extract_strided_slice %get3A_49 {offsets = [3], sizes = [1], strides = [1]} : vector<16xf32> to vector<1xf32>
      %squeeze3A_532 = vector.extract %slice3A_531[0] : f32 from vector<1xf32>
      %add3A_533 = vector.broadcast %squeeze3A_532 : f32 to vector<16xf32>
      %add3A_534 = arith.addf %broadcast_in_dim3A_31, %add3A_533 : vector<16xf32>
      %select_n3A_535 = arith.select %eq3A_530, %add3A_534, %broadcast_in_dim3A_31 : vector<16xi1>, vector<16xf32>
      %select_n3A_536 = arith.select %eq3A_523, %add3A_527, %select_n3A_535 : vector<16xi1>, vector<16xf32>
      %swap3A_537 = arith.constant 3456 : index
      %swap3A_538 = tpu.vector_load %arg12[%swap3A_537] {strides = array<i32>} : memref<14336xf32, #tpu.memory_space<vmem>>, vector<16xf32>,
      %swap3A_539 = vector.shape_cast %swap3A_538 : vector<16xf32> to vector<16xf32>
      %swap3A_540 = vector.shape_cast %select_n3A_536 : vector<16xf32> to vector<16xf32>
      tpu.vector_store %arg12[%swap3A_537], %swap3A_540 {strides = array<i32>} : memref<14336xf32, #tpu.memory_space<vmem>>, vector<16xf32>,
      %eq3A_541 = arith.constant 0 : i32
      %eq3A_542 = vector.broadcast %eq3A_541 : i32 to vector<16xi32>
      %eq3A_543 = arith.cmpi eq, %iota3A, %eq3A_542 : vector<16xi32>
      %slice3A_544 = vector.extract_strided_slice %get3A_44 {offsets = [4], sizes = [1], strides = [1]} : vector<16xf32> to vector<1xf32>
      %squeeze3A_545 = vector.extract %slice3A_544[0] : f32 from vector<1xf32>
      %add3A_546 = vector.broadcast %squeeze3A_545 : f32 to vector<16xf32>
      %add3A_547 = arith.addf %broadcast_in_dim3A_31, %add3A_546 : vector<16xf32>
      %eq3A_548 = arith.constant 1 : i32
      %eq3A_549 = vector.broadcast %eq3A_548 : i32 to vector<16xi32>
      %eq3A_550 = arith.cmpi eq, %iota3A, %eq3A_549 : vector<16xi32>
      %slice3A_551 = vector.extract_strided_slice %get3A_49 {offsets = [4], sizes = [1], strides = [1]} : vector<16xf32> to vector<1xf32>
      %squeeze3A_552 = vector.extract %slice3A_551[0] : f32 from vector<1xf32>
      %add3A_553 = vector.broadcast %squeeze3A_552 : f32 to vector<16xf32>
      %add3A_554 = arith.addf %broadcast_in_dim3A_31, %add3A_553 : vector<16xf32>
      %select_n3A_555 = arith.select %eq3A_550, %add3A_554, %broadcast_in_dim3A_31 : vector<16xi1>, vector<16xf32>
      %select_n3A_556 = arith.select %eq3A_543, %add3A_547, %select_n3A_555 : vector<16xi1>, vector<16xf32>
      %swap3A_557 = arith.constant 4352 : index
      %swap3A_558 = tpu.vector_load %arg12[%swap3A_557] {strides = array<i32>} : memref<14336xf32, #tpu.memory_space<vmem>>, vector<16xf32>,
      %swap3A_559 = vector.shape_cast %swap3A_558 : vector<16xf32> to vector<16xf32>
      %swap3A_560 = vector.shape_cast %select_n3A_556 : vector<16xf32> to vector<16xf32>
      tpu.vector_store %arg12[%swap3A_557], %swap3A_560 {strides = array<i32>} : memref<14336xf32, #tpu.memory_space<vmem>>, vector<16xf32>,
      %eq3A_561 = arith.constant 0 : i32
      %eq3A_562 = vector.broadcast %eq3A_561 : i32 to vector<16xi32>
      %eq3A_563 = arith.cmpi eq, %iota3A, %eq3A_562 : vector<16xi32>
      %slice3A_564 = vector.extract_strided_slice %get3A_44 {offsets = [5], sizes = [1], strides = [1]} : vector<16xf32> to vector<1xf32>
      %squeeze3A_565 = vector.extract %slice3A_564[0] : f32 from vector<1xf32>
      %add3A_566 = vector.broadcast %squeeze3A_565 : f32 to vector<16xf32>
      %add3A_567 = arith.addf %broadcast_in_dim3A_31, %add3A_566 : vector<16xf32>
      %eq3A_568 = arith.constant 1 : i32
      %eq3A_569 = vector.broadcast %eq3A_568 : i32 to vector<16xi32>
      %eq3A_570 = arith.cmpi eq, %iota3A, %eq3A_569 : vector<16xi32>
      %slice3A_571 = vector.extract_strided_slice %get3A_49 {offsets = [5], sizes = [1], strides = [1]} : vector<16xf32> to vector<1xf32>
      %squeeze3A_572 = vector.extract %slice3A_571[0] : f32 from vector<1xf32>
      %add3A_573 = vector.broadcast %squeeze3A_572 : f32 to vector<16xf32>
      %add3A_574 = arith.addf %broadcast_in_dim3A_31, %add3A_573 : vector<16xf32>
      %select_n3A_575 = arith.select %eq3A_570, %add3A_574, %broadcast_in_dim3A_31 : vector<16xi1>, vector<16xf32>
      %select_n3A_576 = arith.select %eq3A_563, %add3A_567, %select_n3A_575 : vector<16xi1>, vector<16xf32>
      %swap3A_577 = arith.constant 5248 : index
      %swap3A_578 = tpu.vector_load %arg12[%swap3A_577] {strides = array<i32>} : memref<14336xf32, #tpu.memory_space<vmem>>, vector<16xf32>,
      %swap3A_579 = vector.shape_cast %swap3A_578 : vector<16xf32> to vector<16xf32>
      %swap3A_580 = vector.shape_cast %select_n3A_576 : vector<16xf32> to vector<16xf32>
      tpu.vector_store %arg12[%swap3A_577], %swap3A_580 {strides = array<i32>} : memref<14336xf32, #tpu.memory_space<vmem>>, vector<16xf32>,
      %eq3A_581 = arith.constant 0 : i32
      %eq3A_582 = vector.broadcast %eq3A_581 : i32 to vector<16xi32>
      %eq3A_583 = arith.cmpi eq, %iota3A, %eq3A_582 : vector<16xi32>
      %slice3A_584 = vector.extract_strided_slice %get3A_44 {offsets = [6], sizes = [1], strides = [1]} : vector<16xf32> to vector<1xf32>
      %squeeze3A_585 = vector.extract %slice3A_584[0] : f32 from vector<1xf32>
      %add3A_586 = vector.broadcast %squeeze3A_585 : f32 to vector<16xf32>
      %add3A_587 = arith.addf %broadcast_in_dim3A_31, %add3A_586 : vector<16xf32>
      %eq3A_588 = arith.constant 1 : i32
      %eq3A_589 = vector.broadcast %eq3A_588 : i32 to vector<16xi32>
      %eq3A_590 = arith.cmpi eq, %iota3A, %eq3A_589 : vector<16xi32>
      %slice3A_591 = vector.extract_strided_slice %get3A_49 {offsets = [6], sizes = [1], strides = [1]} : vector<16xf32> to vector<1xf32>
      %squeeze3A_592 = vector.extract %slice3A_591[0] : f32 from vector<1xf32>
      %add3A_593 = vector.broadcast %squeeze3A_592 : f32 to vector<16xf32>
      %add3A_594 = arith.addf %broadcast_in_dim3A_31, %add3A_593 : vector<16xf32>
      %select_n3A_595 = arith.select %eq3A_590, %add3A_594, %broadcast_in_dim3A_31 : vector<16xi1>, vector<16xf32>
      %select_n3A_596 = arith.select %eq3A_583, %add3A_587, %select_n3A_595 : vector<16xi1>, vector<16xf32>
      %swap3A_597 = arith.constant 6144 : index
      %swap3A_598 = tpu.vector_load %arg12[%swap3A_597] {strides = array<i32>} : memref<14336xf32, #tpu.memory_space<vmem>>, vector<16xf32>,
      %swap3A_599 = vector.shape_cast %swap3A_598 : vector<16xf32> to vector<16xf32>
      %swap3A_600 = vector.shape_cast %select_n3A_596 : vector<16xf32> to vector<16xf32>
      tpu.vector_store %arg12[%swap3A_597], %swap3A_600 {strides = array<i32>} : memref<14336xf32, #tpu.memory_space<vmem>>, vector<16xf32>,
      %eq3A_601 = arith.constant 0 : i32
      %eq3A_602 = vector.broadcast %eq3A_601 : i32 to vector<16xi32>
      %eq3A_603 = arith.cmpi eq, %iota3A, %eq3A_602 : vector<16xi32>
      %slice3A_604 = vector.extract_strided_slice %get3A_44 {offsets = [7], sizes = [1], strides = [1]} : vector<16xf32> to vector<1xf32>
      %squeeze3A_605 = vector.extract %slice3A_604[0] : f32 from vector<1xf32>
      %add3A_606 = vector.broadcast %squeeze3A_605 : f32 to vector<16xf32>
      %add3A_607 = arith.addf %broadcast_in_dim3A_31, %add3A_606 : vector<16xf32>
      %eq3A_608 = arith.constant 1 : i32
      %eq3A_609 = vector.broadcast %eq3A_608 : i32 to vector<16xi32>
      %eq3A_610 = arith.cmpi eq, %iota3A, %eq3A_609 : vector<16xi32>
      %slice3A_611 = vector.extract_strided_slice %get3A_49 {offsets = [7], sizes = [1], strides = [1]} : vector<16xf32> to vector<1xf32>
      %squeeze3A_612 = vector.extract %slice3A_611[0] : f32 from vector<1xf32>
      %add3A_613 = vector.broadcast %squeeze3A_612 : f32 to vector<16xf32>
      %add3A_614 = arith.addf %broadcast_in_dim3A_31, %add3A_613 : vector<16xf32>
      %select_n3A_615 = arith.select %eq3A_610, %add3A_614, %broadcast_in_dim3A_31 : vector<16xi1>, vector<16xf32>
      %select_n3A_616 = arith.select %eq3A_603, %add3A_607, %select_n3A_615 : vector<16xi1>, vector<16xf32>
      %swap3A_617 = arith.constant 7040 : index
      %swap3A_618 = tpu.vector_load %arg12[%swap3A_617] {strides = array<i32>} : memref<14336xf32, #tpu.memory_space<vmem>>, vector<16xf32>,
      %swap3A_619 = vector.shape_cast %swap3A_618 : vector<16xf32> to vector<16xf32>
      %swap3A_620 = vector.shape_cast %select_n3A_616 : vector<16xf32> to vector<16xf32>
      tpu.vector_store %arg12[%swap3A_617], %swap3A_620 {strides = array<i32>} : memref<14336xf32, #tpu.memory_space<vmem>>, vector<16xf32>,
      %eq3A_621 = arith.constant 0 : i32
      %eq3A_622 = vector.broadcast %eq3A_621 : i32 to vector<16xi32>
      %eq3A_623 = arith.cmpi eq, %iota3A, %eq3A_622 : vector<16xi32>
      %slice3A_624 = vector.extract_strided_slice %get3A_44 {offsets = [8], sizes = [1], strides = [1]} : vector<16xf32> to vector<1xf32>
      %squeeze3A_625 = vector.extract %slice3A_624[0] : f32 from vector<1xf32>
      %add3A_626 = vector.broadcast %squeeze3A_625 : f32 to vector<16xf32>
      %add3A_627 = arith.addf %broadcast_in_dim3A_31, %add3A_626 : vector<16xf32>
      %eq3A_628 = arith.constant 1 : i32
      %eq3A_629 = vector.broadcast %eq3A_628 : i32 to vector<16xi32>
      %eq3A_630 = arith.cmpi eq, %iota3A, %eq3A_629 : vector<16xi32>
      %slice3A_631 = vector.extract_strided_slice %get3A_49 {offsets = [8], sizes = [1], strides = [1]} : vector<16xf32> to vector<1xf32>
      %squeeze3A_632 = vector.extract %slice3A_631[0] : f32 from vector<1xf32>
      %add3A_633 = vector.broadcast %squeeze3A_632 : f32 to vector<16xf32>
      %add3A_634 = arith.addf %broadcast_in_dim3A_31, %add3A_633 : vector<16xf32>
      %select_n3A_635 = arith.select %eq3A_630, %add3A_634, %broadcast_in_dim3A_31 : vector<16xi1>, vector<16xf32>
      %select_n3A_636 = arith.select %eq3A_623, %add3A_627, %select_n3A_635 : vector<16xi1>, vector<16xf32>
      %swap3A_637 = arith.constant 7936 : index
      %swap3A_638 = tpu.vector_load %arg12[%swap3A_637] {strides = array<i32>} : memref<14336xf32, #tpu.memory_space<vmem>>, vector<16xf32>,
      %swap3A_639 = vector.shape_cast %swap3A_638 : vector<16xf32> to vector<16xf32>
      %swap3A_640 = vector.shape_cast %select_n3A_636 : vector<16xf32> to vector<16xf32>
      tpu.vector_store %arg12[%swap3A_637], %swap3A_640 {strides = array<i32>} : memref<14336xf32, #tpu.memory_space<vmem>>, vector<16xf32>,
      %eq3A_641 = arith.constant 0 : i32
      %eq3A_642 = vector.broadcast %eq3A_641 : i32 to vector<16xi32>
      %eq3A_643 = arith.cmpi eq, %iota3A, %eq3A_642 : vector<16xi32>
      %slice3A_644 = vector.extract_strided_slice %get3A_44 {offsets = [9], sizes = [1], strides = [1]} : vector<16xf32> to vector<1xf32>
      %squeeze3A_645 = vector.extract %slice3A_644[0] : f32 from vector<1xf32>
      %add3A_646 = vector.broadcast %squeeze3A_645 : f32 to vector<16xf32>
      %add3A_647 = arith.addf %broadcast_in_dim3A_31, %add3A_646 : vector<16xf32>
      %eq3A_648 = arith.constant 1 : i32
      %eq3A_649 = vector.broadcast %eq3A_648 : i32 to vector<16xi32>
      %eq3A_650 = arith.cmpi eq, %iota3A, %eq3A_649 : vector<16xi32>
      %slice3A_651 = vector.extract_strided_slice %get3A_49 {offsets = [9], sizes = [1], strides = [1]} : vector<16xf32> to vector<1xf32>
      %squeeze3A_652 = vector.extract %slice3A_651[0] : f32 from vector<1xf32>
      %add3A_653 = vector.broadcast %squeeze3A_652 : f32 to vector<16xf32>
      %add3A_654 = arith.addf %broadcast_in_dim3A_31, %add3A_653 : vector<16xf32>
      %select_n3A_655 = arith.select %eq3A_650, %add3A_654, %broadcast_in_dim3A_31 : vector<16xi1>, vector<16xf32>
      %select_n3A_656 = arith.select %eq3A_643, %add3A_647, %select_n3A_655 : vector<16xi1>, vector<16xf32>
      %swap3A_657 = arith.constant 8832 : index
      %swap3A_658 = tpu.vector_load %arg12[%swap3A_657] {strides = array<i32>} : memref<14336xf32, #tpu.memory_space<vmem>>, vector<16xf32>,
      %swap3A_659 = vector.shape_cast %swap3A_658 : vector<16xf32> to vector<16xf32>
      %swap3A_660 = vector.shape_cast %select_n3A_656 : vector<16xf32> to vector<16xf32>
      tpu.vector_store %arg12[%swap3A_657], %swap3A_660 {strides = array<i32>} : memref<14336xf32, #tpu.memory_space<vmem>>, vector<16xf32>,
      %eq3A_661 = arith.constant 0 : i32
      %eq3A_662 = vector.broadcast %eq3A_661 : i32 to vector<16xi32>
      %eq3A_663 = arith.cmpi eq, %iota3A, %eq3A_662 : vector<16xi32>
      %slice3A_664 = vector.extract_strided_slice %get3A_44 {offsets = [10], sizes = [1], strides = [1]} : vector<16xf32> to vector<1xf32>
      %squeeze3A_665 = vector.extract %slice3A_664[0] : f32 from vector<1xf32>
      %add3A_666 = vector.broadcast %squeeze3A_665 : f32 to vector<16xf32>
      %add3A_667 = arith.addf %broadcast_in_dim3A_31, %add3A_666 : vector<16xf32>
      %eq3A_668 = arith.constant 1 : i32
      %eq3A_669 = vector.broadcast %eq3A_668 : i32 to vector<16xi32>
      %eq3A_670 = arith.cmpi eq, %iota3A, %eq3A_669 : vector<16xi32>
      %slice3A_671 = vector.extract_strided_slice %get3A_49 {offsets = [10], sizes = [1], strides = [1]} : vector<16xf32> to vector<1xf32>
      %squeeze3A_672 = vector.extract %slice3A_671[0] : f32 from vector<1xf32>
      %add3A_673 = vector.broadcast %squeeze3A_672 : f32 to vector<16xf32>
      %add3A_674 = arith.addf %broadcast_in_dim3A_31, %add3A_673 : vector<16xf32>
      %select_n3A_675 = arith.select %eq3A_670, %add3A_674, %broadcast_in_dim3A_31 : vector<16xi1>, vector<16xf32>
      %select_n3A_676 = arith.select %eq3A_663, %add3A_667, %select_n3A_675 : vector<16xi1>, vector<16xf32>
      %swap3A_677 = arith.constant 9728 : index
      %swap3A_678 = tpu.vector_load %arg12[%swap3A_677] {strides = array<i32>} : memref<14336xf32, #tpu.memory_space<vmem>>, vector<16xf32>,
      %swap3A_679 = vector.shape_cast %swap3A_678 : vector<16xf32> to vector<16xf32>
      %swap3A_680 = vector.shape_cast %select_n3A_676 : vector<16xf32> to vector<16xf32>
      tpu.vector_store %arg12[%swap3A_677], %swap3A_680 {strides = array<i32>} : memref<14336xf32, #tpu.memory_space<vmem>>, vector<16xf32>,
      %eq3A_681 = arith.constant 0 : i32
      %eq3A_682 = vector.broadcast %eq3A_681 : i32 to vector<16xi32>
      %eq3A_683 = arith.cmpi eq, %iota3A, %eq3A_682 : vector<16xi32>
      %slice3A_684 = vector.extract_strided_slice %get3A_44 {offsets = [11], sizes = [1], strides = [1]} : vector<16xf32> to vector<1xf32>
      %squeeze3A_685 = vector.extract %slice3A_684[0] : f32 from vector<1xf32>
      %add3A_686 = vector.broadcast %squeeze3A_685 : f32 to vector<16xf32>
      %add3A_687 = arith.addf %broadcast_in_dim3A_31, %add3A_686 : vector<16xf32>
      %eq3A_688 = arith.constant 1 : i32
      %eq3A_689 = vector.broadcast %eq3A_688 : i32 to vector<16xi32>
      %eq3A_690 = arith.cmpi eq, %iota3A, %eq3A_689 : vector<16xi32>
      %slice3A_691 = vector.extract_strided_slice %get3A_49 {offsets = [11], sizes = [1], strides = [1]} : vector<16xf32> to vector<1xf32>
      %squeeze3A_692 = vector.extract %slice3A_691[0] : f32 from vector<1xf32>
      %add3A_693 = vector.broadcast %squeeze3A_692 : f32 to vector<16xf32>
      %add3A_694 = arith.addf %broadcast_in_dim3A_31, %add3A_693 : vector<16xf32>
      %select_n3A_695 = arith.select %eq3A_690, %add3A_694, %broadcast_in_dim3A_31 : vector<16xi1>, vector<16xf32>
      %select_n3A_696 = arith.select %eq3A_683, %add3A_687, %select_n3A_695 : vector<16xi1>, vector<16xf32>
      %swap3A_697 = arith.constant 10624 : index
      %swap3A_698 = tpu.vector_load %arg12[%swap3A_697] {strides = array<i32>} : memref<14336xf32, #tpu.memory_space<vmem>>, vector<16xf32>,
      %swap3A_699 = vector.shape_cast %swap3A_698 : vector<16xf32> to vector<16xf32>
      %swap3A_700 = vector.shape_cast %select_n3A_696 : vector<16xf32> to vector<16xf32>
      tpu.vector_store %arg12[%swap3A_697], %swap3A_700 {strides = array<i32>} : memref<14336xf32, #tpu.memory_space<vmem>>, vector<16xf32>,
      %eq3A_701 = arith.constant 0 : i32
      %eq3A_702 = vector.broadcast %eq3A_701 : i32 to vector<16xi32>
      %eq3A_703 = arith.cmpi eq, %iota3A, %eq3A_702 : vector<16xi32>
      %slice3A_704 = vector.extract_strided_slice %get3A_44 {offsets = [12], sizes = [1], strides = [1]} : vector<16xf32> to vector<1xf32>
      %squeeze3A_705 = vector.extract %slice3A_704[0] : f32 from vector<1xf32>
      %add3A_706 = vector.broadcast %squeeze3A_705 : f32 to vector<16xf32>
      %add3A_707 = arith.addf %broadcast_in_dim3A_31, %add3A_706 : vector<16xf32>
      %eq3A_708 = arith.constant 1 : i32
      %eq3A_709 = vector.broadcast %eq3A_708 : i32 to vector<16xi32>
      %eq3A_710 = arith.cmpi eq, %iota3A, %eq3A_709 : vector<16xi32>
      %slice3A_711 = vector.extract_strided_slice %get3A_49 {offsets = [12], sizes = [1], strides = [1]} : vector<16xf32> to vector<1xf32>
      %squeeze3A_712 = vector.extract %slice3A_711[0] : f32 from vector<1xf32>
      %add3A_713 = vector.broadcast %squeeze3A_712 : f32 to vector<16xf32>
      %add3A_714 = arith.addf %broadcast_in_dim3A_31, %add3A_713 : vector<16xf32>
      %select_n3A_715 = arith.select %eq3A_710, %add3A_714, %broadcast_in_dim3A_31 : vector<16xi1>, vector<16xf32>
      %select_n3A_716 = arith.select %eq3A_703, %add3A_707, %select_n3A_715 : vector<16xi1>, vector<16xf32>
      %swap3A_717 = arith.constant 11520 : index
      %swap3A_718 = tpu.vector_load %arg12[%swap3A_717] {strides = array<i32>} : memref<14336xf32, #tpu.memory_space<vmem>>, vector<16xf32>,
      %swap3A_719 = vector.shape_cast %swap3A_718 : vector<16xf32> to vector<16xf32>
      %swap3A_720 = vector.shape_cast %select_n3A_716 : vector<16xf32> to vector<16xf32>
      tpu.vector_store %arg12[%swap3A_717], %swap3A_720 {strides = array<i32>} : memref<14336xf32, #tpu.memory_space<vmem>>, vector<16xf32>,
      %eq3A_721 = arith.constant 0 : i32
      %eq3A_722 = vector.broadcast %eq3A_721 : i32 to vector<16xi32>
      %eq3A_723 = arith.cmpi eq, %iota3A, %eq3A_722 : vector<16xi32>
      %slice3A_724 = vector.extract_strided_slice %get3A_44 {offsets = [13], sizes = [1], strides = [1]} : vector<16xf32> to vector<1xf32>
      %squeeze3A_725 = vector.extract %slice3A_724[0] : f32 from vector<1xf32>
      %add3A_726 = vector.broadcast %squeeze3A_725 : f32 to vector<16xf32>
      %add3A_727 = arith.addf %broadcast_in_dim3A_31, %add3A_726 : vector<16xf32>
      %eq3A_728 = arith.constant 1 : i32
      %eq3A_729 = vector.broadcast %eq3A_728 : i32 to vector<16xi32>
      %eq3A_730 = arith.cmpi eq, %iota3A, %eq3A_729 : vector<16xi32>
      %slice3A_731 = vector.extract_strided_slice %get3A_49 {offsets = [13], sizes = [1], strides = [1]} : vector<16xf32> to vector<1xf32>
      %squeeze3A_732 = vector.extract %slice3A_731[0] : f32 from vector<1xf32>
      %add3A_733 = vector.broadcast %squeeze3A_732 : f32 to vector<16xf32>
      %add3A_734 = arith.addf %broadcast_in_dim3A_31, %add3A_733 : vector<16xf32>
      %select_n3A_735 = arith.select %eq3A_730, %add3A_734, %broadcast_in_dim3A_31 : vector<16xi1>, vector<16xf32>
      %select_n3A_736 = arith.select %eq3A_723, %add3A_727, %select_n3A_735 : vector<16xi1>, vector<16xf32>
      %swap3A_737 = arith.constant 12416 : index
      %swap3A_738 = tpu.vector_load %arg12[%swap3A_737] {strides = array<i32>} : memref<14336xf32, #tpu.memory_space<vmem>>, vector<16xf32>,
      %swap3A_739 = vector.shape_cast %swap3A_738 : vector<16xf32> to vector<16xf32>
      %swap3A_740 = vector.shape_cast %select_n3A_736 : vector<16xf32> to vector<16xf32>
      tpu.vector_store %arg12[%swap3A_737], %swap3A_740 {strides = array<i32>} : memref<14336xf32, #tpu.memory_space<vmem>>, vector<16xf32>,
      %eq3A_741 = arith.constant 0 : i32
      %eq3A_742 = vector.broadcast %eq3A_741 : i32 to vector<16xi32>
      %eq3A_743 = arith.cmpi eq, %iota3A, %eq3A_742 : vector<16xi32>
      %slice3A_744 = vector.extract_strided_slice %get3A_44 {offsets = [14], sizes = [1], strides = [1]} : vector<16xf32> to vector<1xf32>
      %squeeze3A_745 = vector.extract %slice3A_744[0] : f32 from vector<1xf32>
      %add3A_746 = vector.broadcast %squeeze3A_745 : f32 to vector<16xf32>
      %add3A_747 = arith.addf %broadcast_in_dim3A_31, %add3A_746 : vector<16xf32>
      %eq3A_748 = arith.constant 1 : i32
      %eq3A_749 = vector.broadcast %eq3A_748 : i32 to vector<16xi32>
      %eq3A_750 = arith.cmpi eq, %iota3A, %eq3A_749 : vector<16xi32>
      %slice3A_751 = vector.extract_strided_slice %get3A_49 {offsets = [14], sizes = [1], strides = [1]} : vector<16xf32> to vector<1xf32>
      %squeeze3A_752 = vector.extract %slice3A_751[0] : f32 from vector<1xf32>
      %add3A_753 = vector.broadcast %squeeze3A_752 : f32 to vector<16xf32>
      %add3A_754 = arith.addf %broadcast_in_dim3A_31, %add3A_753 : vector<16xf32>
      %select_n3A_755 = arith.select %eq3A_750, %add3A_754, %broadcast_in_dim3A_31 : vector<16xi1>, vector<16xf32>
      %select_n3A_756 = arith.select %eq3A_743, %add3A_747, %select_n3A_755 : vector<16xi1>, vector<16xf32>
      %swap3A_757 = arith.constant 13312 : index
      %swap3A_758 = tpu.vector_load %arg12[%swap3A_757] {strides = array<i32>} : memref<14336xf32, #tpu.memory_space<vmem>>, vector<16xf32>,
      %swap3A_759 = vector.shape_cast %swap3A_758 : vector<16xf32> to vector<16xf32>
      %swap3A_760 = vector.shape_cast %select_n3A_756 : vector<16xf32> to vector<16xf32>
      tpu.vector_store %arg12[%swap3A_757], %swap3A_760 {strides = array<i32>} : memref<14336xf32, #tpu.memory_space<vmem>>, vector<16xf32>,
      %eq3A_761 = arith.constant 0 : i32
      %eq3A_762 = vector.broadcast %eq3A_761 : i32 to vector<16xi32>
      %eq3A_763 = arith.cmpi eq, %iota3A, %eq3A_762 : vector<16xi32>
      %slice3A_764 = vector.extract_strided_slice %get3A_44 {offsets = [15], sizes = [1], strides = [1]} : vector<16xf32> to vector<1xf32>
      %squeeze3A_765 = vector.extract %slice3A_764[0] : f32 from vector<1xf32>
      %add3A_766 = vector.broadcast %squeeze3A_765 : f32 to vector<16xf32>
      %add3A_767 = arith.addf %broadcast_in_dim3A_31, %add3A_766 : vector<16xf32>
      %eq3A_768 = arith.constant 1 : i32
      %eq3A_769 = vector.broadcast %eq3A_768 : i32 to vector<16xi32>
      %eq3A_770 = arith.cmpi eq, %iota3A, %eq3A_769 : vector<16xi32>
      %slice3A_771 = vector.extract_strided_slice %get3A_49 {offsets = [15], sizes = [1], strides = [1]} : vector<16xf32> to vector<1xf32>
      %squeeze3A_772 = vector.extract %slice3A_771[0] : f32 from vector<1xf32>
      %add3A_773 = vector.broadcast %squeeze3A_772 : f32 to vector<16xf32>
      %add3A_774 = arith.addf %broadcast_in_dim3A_31, %add3A_773 : vector<16xf32>
      %select_n3A_775 = arith.select %eq3A_770, %add3A_774, %broadcast_in_dim3A_31 : vector<16xi1>, vector<16xf32>
      %select_n3A_776 = arith.select %eq3A_763, %add3A_767, %select_n3A_775 : vector<16xi1>, vector<16xf32>
      %swap3A_777 = arith.constant 14208 : index
      %swap3A_778 = tpu.vector_load %arg12[%swap3A_777] {strides = array<i32>} : memref<14336xf32, #tpu.memory_space<vmem>>, vector<16xf32>,
      %swap3A_779 = vector.shape_cast %swap3A_778 : vector<16xf32> to vector<16xf32>
      %swap3A_780 = vector.shape_cast %select_n3A_776 : vector<16xf32> to vector<16xf32>
      tpu.vector_store %arg12[%swap3A_777], %swap3A_780 {strides = array<i32>} : memref<14336xf32, #tpu.memory_space<vmem>>, vector<16xf32>,
      %slice3A_781 = vector.extract_strided_slice %get3A_44 {offsets = [0], sizes = [1], strides = [1]} : vector<16xf32> to vector<1xf32>
      %squeeze3A_782 = vector.extract %slice3A_781[0] : f32 from vector<1xf32>
      %gt3A = arith.constant 0.000000e+00 : f32
      %gt3A_783 = arith.cmpf ogt, %squeeze3A_782, %gt3A : f32
      %slice3A_784 = vector.extract_strided_slice %get3A_49 {offsets = [0], sizes = [1], strides = [1]} : vector<16xf32> to vector<1xf32>
      %squeeze3A_785 = vector.extract %slice3A_784[0] : f32 from vector<1xf32>
      %gt3A_786 = arith.constant 0.000000e+00 : f32
      %gt3A_787 = arith.cmpf ogt, %squeeze3A_785, %gt3A_786 : f32
      %or3A = arith.ori %gt3A_783, %gt3A_787 : i1
      %convert_element_type3A_788 = arith.extui %or3A : i1 to i32
      %cond3A_789 = arith.constant 0 : i32
      %cond3A_790 = arith.cmpi ne, %convert_element_type3A_788, %cond3A_789 : i32
      scf.if %cond3A_790 {
        %add3A_1226 = arith.addi %add3A_27, %scan3A_40 : i32
        %dma_start3A_1227 = arith.constant 0 : i32
        %dma_start3A_1228 = tpu.memref_slice %arg12[%dma_start3A_1227] : memref<14336xf32, #tpu.memory_space<vmem>> -> memref<896xf32, #tpu.memory_space<vmem>>
        %dma_start3A_1229 = arith.constant 0 : i32
        %dma_start3A_1230 = tpu.memref_slice %arg5[%add3A_1226, %dma_start3A_1229] : memref<8704x896xf32, #tpu.memory_space<hbm>> -> memref<1x896xf32, #tpu.memory_space<hbm>>
        %dma_start3A_1231 = tpu.memref_squeeze %dma_start3A_1230 : memref<1x896xf32, #tpu.memory_space<hbm>> -> memref<896xf32, #tpu.memory_space<hbm>>
        %dma_start3A_1232 = arith.constant 0 : i32
        %dma_start3A_1233 = tpu.memref_slice %arg5[%add3A_1226, %dma_start3A_1232] : memref<8704x896xf32, #tpu.memory_space<hbm>> -> memref<1x896xf32, #tpu.memory_space<hbm>>
        %dma_start3A_1234 = tpu.memref_squeeze %dma_start3A_1233 : memref<1x896xf32, #tpu.memory_space<hbm>> -> memref<896xf32, #tpu.memory_space<hbm>>
        %dma_start3A_1235 = arith.constant 0 : i32
        %dma_start3A_1236 = tpu.memref_slice %arg12[%dma_start3A_1235] : memref<14336xf32, #tpu.memory_space<vmem>> -> memref<896xf32, #tpu.memory_space<vmem>>
        tpu.enqueue_dma source(%dma_start3A_1236 : memref<896xf32, #tpu.memory_space<vmem>>) target(%dma_start3A_1234 : memref<896xf32, #tpu.memory_space<hbm>>) target_semaphore(%arg15 : memref<!tpu.dma_semaphore, #tpu.memory_space<semaphore_mem>>)
      } else {
      }
      %jit3A = arith.constant 1 : i32
      %jit3A_791 = arith.constant 0 : i32
      %select_n3A_792 = arith.select %or3A, %jit3A, %jit3A_791 : i32
      %add3A_793 = arith.addi %scan3A_40, %select_n3A_792 : i32
      %slice3A_794 = vector.extract_strided_slice %get3A_44 {offsets = [1], sizes = [1], strides = [1]} : vector<16xf32> to vector<1xf32>
      %squeeze3A_795 = vector.extract %slice3A_794[0] : f32 from vector<1xf32>
      %gt3A_796 = arith.constant 0.000000e+00 : f32
      %gt3A_797 = arith.cmpf ogt, %squeeze3A_795, %gt3A_796 : f32
      %slice3A_798 = vector.extract_strided_slice %get3A_49 {offsets = [1], sizes = [1], strides = [1]} : vector<16xf32> to vector<1xf32>
      %squeeze3A_799 = vector.extract %slice3A_798[0] : f32 from vector<1xf32>
      %gt3A_800 = arith.constant 0.000000e+00 : f32
      %gt3A_801 = arith.cmpf ogt, %squeeze3A_799, %gt3A_800 : f32
      %or3A_802 = arith.ori %gt3A_797, %gt3A_801 : i1
      %convert_element_type3A_803 = arith.extui %or3A_802 : i1 to i32
      %cond3A_804 = arith.constant 0 : i32
      %cond3A_805 = arith.cmpi ne, %convert_element_type3A_803, %cond3A_804 : i32
      scf.if %cond3A_805 {
        %add3A_1226 = arith.addi %add3A_27, %add3A_793 : i32
        %dma_start3A_1227 = arith.constant 896 : i32
        %dma_start3A_1228 = tpu.memref_slice %arg12[%dma_start3A_1227] : memref<14336xf32, #tpu.memory_space<vmem>> -> memref<896xf32, #tpu.memory_space<vmem>>
        %dma_start3A_1229 = arith.constant 0 : i32
        %dma_start3A_1230 = tpu.memref_slice %arg5[%add3A_1226, %dma_start3A_1229] : memref<8704x896xf32, #tpu.memory_space<hbm>> -> memref<1x896xf32, #tpu.memory_space<hbm>>
        %dma_start3A_1231 = tpu.memref_squeeze %dma_start3A_1230 : memref<1x896xf32, #tpu.memory_space<hbm>> -> memref<896xf32, #tpu.memory_space<hbm>>
        %dma_start3A_1232 = arith.constant 0 : i32
        %dma_start3A_1233 = tpu.memref_slice %arg5[%add3A_1226, %dma_start3A_1232] : memref<8704x896xf32, #tpu.memory_space<hbm>> -> memref<1x896xf32, #tpu.memory_space<hbm>>
        %dma_start3A_1234 = tpu.memref_squeeze %dma_start3A_1233 : memref<1x896xf32, #tpu.memory_space<hbm>> -> memref<896xf32, #tpu.memory_space<hbm>>
        %dma_start3A_1235 = arith.constant 896 : i32
        %dma_start3A_1236 = tpu.memref_slice %arg12[%dma_start3A_1235] : memref<14336xf32, #tpu.memory_space<vmem>> -> memref<896xf32, #tpu.memory_space<vmem>>
        tpu.enqueue_dma source(%dma_start3A_1236 : memref<896xf32, #tpu.memory_space<vmem>>) target(%dma_start3A_1234 : memref<896xf32, #tpu.memory_space<hbm>>) target_semaphore(%arg15 : memref<!tpu.dma_semaphore, #tpu.memory_space<semaphore_mem>>)
      } else {
      }
      %jit3A_806 = arith.constant 1 : i32
      %jit3A_807 = arith.constant 0 : i32
      %select_n3A_808 = arith.select %or3A_802, %jit3A_806, %jit3A_807 : i32
      %add3A_809 = arith.addi %add3A_793, %select_n3A_808 : i32
      %slice3A_810 = vector.extract_strided_slice %get3A_44 {offsets = [2], sizes = [1], strides = [1]} : vector<16xf32> to vector<1xf32>
      %squeeze3A_811 = vector.extract %slice3A_810[0] : f32 from vector<1xf32>
      %gt3A_812 = arith.constant 0.000000e+00 : f32
      %gt3A_813 = arith.cmpf ogt, %squeeze3A_811, %gt3A_812 : f32
      %slice3A_814 = vector.extract_strided_slice %get3A_49 {offsets = [2], sizes = [1], strides = [1]} : vector<16xf32> to vector<1xf32>
      %squeeze3A_815 = vector.extract %slice3A_814[0] : f32 from vector<1xf32>
      %gt3A_816 = arith.constant 0.000000e+00 : f32
      %gt3A_817 = arith.cmpf ogt, %squeeze3A_815, %gt3A_816 : f32
      %or3A_818 = arith.ori %gt3A_813, %gt3A_817 : i1
      %convert_element_type3A_819 = arith.extui %or3A_818 : i1 to i32
      %cond3A_820 = arith.constant 0 : i32
      %cond3A_821 = arith.cmpi ne, %convert_element_type3A_819, %cond3A_820 : i32
      scf.if %cond3A_821 {
        %add3A_1226 = arith.addi %add3A_27, %add3A_809 : i32
        %dma_start3A_1227 = arith.constant 1792 : i32
        %dma_start3A_1228 = tpu.memref_slice %arg12[%dma_start3A_1227] : memref<14336xf32, #tpu.memory_space<vmem>> -> memref<896xf32, #tpu.memory_space<vmem>>
        %dma_start3A_1229 = arith.constant 0 : i32
        %dma_start3A_1230 = tpu.memref_slice %arg5[%add3A_1226, %dma_start3A_1229] : memref<8704x896xf32, #tpu.memory_space<hbm>> -> memref<1x896xf32, #tpu.memory_space<hbm>>
        %dma_start3A_1231 = tpu.memref_squeeze %dma_start3A_1230 : memref<1x896xf32, #tpu.memory_space<hbm>> -> memref<896xf32, #tpu.memory_space<hbm>>
        %dma_start3A_1232 = arith.constant 0 : i32
        %dma_start3A_1233 = tpu.memref_slice %arg5[%add3A_1226, %dma_start3A_1232] : memref<8704x896xf32, #tpu.memory_space<hbm>> -> memref<1x896xf32, #tpu.memory_space<hbm>>
        %dma_start3A_1234 = tpu.memref_squeeze %dma_start3A_1233 : memref<1x896xf32, #tpu.memory_space<hbm>> -> memref<896xf32, #tpu.memory_space<hbm>>
        %dma_start3A_1235 = arith.constant 1792 : i32
        %dma_start3A_1236 = tpu.memref_slice %arg12[%dma_start3A_1235] : memref<14336xf32, #tpu.memory_space<vmem>> -> memref<896xf32, #tpu.memory_space<vmem>>
        tpu.enqueue_dma source(%dma_start3A_1236 : memref<896xf32, #tpu.memory_space<vmem>>) target(%dma_start3A_1234 : memref<896xf32, #tpu.memory_space<hbm>>) target_semaphore(%arg15 : memref<!tpu.dma_semaphore, #tpu.memory_space<semaphore_mem>>)
      } else {
      }
      %jit3A_822 = arith.constant 1 : i32
      %jit3A_823 = arith.constant 0 : i32
      %select_n3A_824 = arith.select %or3A_818, %jit3A_822, %jit3A_823 : i32
      %add3A_825 = arith.addi %add3A_809, %select_n3A_824 : i32
      %slice3A_826 = vector.extract_strided_slice %get3A_44 {offsets = [3], sizes = [1], strides = [1]} : vector<16xf32> to vector<1xf32>
      %squeeze3A_827 = vector.extract %slice3A_826[0] : f32 from vector<1xf32>
      %gt3A_828 = arith.constant 0.000000e+00 : f32
      %gt3A_829 = arith.cmpf ogt, %squeeze3A_827, %gt3A_828 : f32
      %slice3A_830 = vector.extract_strided_slice %get3A_49 {offsets = [3], sizes = [1], strides = [1]} : vector<16xf32> to vector<1xf32>
      %squeeze3A_831 = vector.extract %slice3A_830[0] : f32 from vector<1xf32>
      %gt3A_832 = arith.constant 0.000000e+00 : f32
      %gt3A_833 = arith.cmpf ogt, %squeeze3A_831, %gt3A_832 : f32
      %or3A_834 = arith.ori %gt3A_829, %gt3A_833 : i1
      %convert_element_type3A_835 = arith.extui %or3A_834 : i1 to i32
      %cond3A_836 = arith.constant 0 : i32
      %cond3A_837 = arith.cmpi ne, %convert_element_type3A_835, %cond3A_836 : i32
      scf.if %cond3A_837 {
        %add3A_1226 = arith.addi %add3A_27, %add3A_825 : i32
        %dma_start3A_1227 = arith.constant 2688 : i32
        %dma_start3A_1228 = tpu.memref_slice %arg12[%dma_start3A_1227] : memref<14336xf32, #tpu.memory_space<vmem>> -> memref<896xf32, #tpu.memory_space<vmem>>
        %dma_start3A_1229 = arith.constant 0 : i32
        %dma_start3A_1230 = tpu.memref_slice %arg5[%add3A_1226, %dma_start3A_1229] : memref<8704x896xf32, #tpu.memory_space<hbm>> -> memref<1x896xf32, #tpu.memory_space<hbm>>
        %dma_start3A_1231 = tpu.memref_squeeze %dma_start3A_1230 : memref<1x896xf32, #tpu.memory_space<hbm>> -> memref<896xf32, #tpu.memory_space<hbm>>
        %dma_start3A_1232 = arith.constant 0 : i32
        %dma_start3A_1233 = tpu.memref_slice %arg5[%add3A_1226, %dma_start3A_1232] : memref<8704x896xf32, #tpu.memory_space<hbm>> -> memref<1x896xf32, #tpu.memory_space<hbm>>
        %dma_start3A_1234 = tpu.memref_squeeze %dma_start3A_1233 : memref<1x896xf32, #tpu.memory_space<hbm>> -> memref<896xf32, #tpu.memory_space<hbm>>
        %dma_start3A_1235 = arith.constant 2688 : i32
        %dma_start3A_1236 = tpu.memref_slice %arg12[%dma_start3A_1235] : memref<14336xf32, #tpu.memory_space<vmem>> -> memref<896xf32, #tpu.memory_space<vmem>>
        tpu.enqueue_dma source(%dma_start3A_1236 : memref<896xf32, #tpu.memory_space<vmem>>) target(%dma_start3A_1234 : memref<896xf32, #tpu.memory_space<hbm>>) target_semaphore(%arg15 : memref<!tpu.dma_semaphore, #tpu.memory_space<semaphore_mem>>)
      } else {
      }
      %jit3A_838 = arith.constant 1 : i32
      %jit3A_839 = arith.constant 0 : i32
      %select_n3A_840 = arith.select %or3A_834, %jit3A_838, %jit3A_839 : i32
      %add3A_841 = arith.addi %add3A_825, %select_n3A_840 : i32
      %slice3A_842 = vector.extract_strided_slice %get3A_44 {offsets = [4], sizes = [1], strides = [1]} : vector<16xf32> to vector<1xf32>
      %squeeze3A_843 = vector.extract %slice3A_842[0] : f32 from vector<1xf32>
      %gt3A_844 = arith.constant 0.000000e+00 : f32
      %gt3A_845 = arith.cmpf ogt, %squeeze3A_843, %gt3A_844 : f32
      %slice3A_846 = vector.extract_strided_slice %get3A_49 {offsets = [4], sizes = [1], strides = [1]} : vector<16xf32> to vector<1xf32>
      %squeeze3A_847 = vector.extract %slice3A_846[0] : f32 from vector<1xf32>
      %gt3A_848 = arith.constant 0.000000e+00 : f32
      %gt3A_849 = arith.cmpf ogt, %squeeze3A_847, %gt3A_848 : f32
      %or3A_850 = arith.ori %gt3A_845, %gt3A_849 : i1
      %convert_element_type3A_851 = arith.extui %or3A_850 : i1 to i32
      %cond3A_852 = arith.constant 0 : i32
      %cond3A_853 = arith.cmpi ne, %convert_element_type3A_851, %cond3A_852 : i32
      scf.if %cond3A_853 {
        %add3A_1226 = arith.addi %add3A_27, %add3A_841 : i32
        %dma_start3A_1227 = arith.constant 3584 : i32
        %dma_start3A_1228 = tpu.memref_slice %arg12[%dma_start3A_1227] : memref<14336xf32, #tpu.memory_space<vmem>> -> memref<896xf32, #tpu.memory_space<vmem>>
        %dma_start3A_1229 = arith.constant 0 : i32
        %dma_start3A_1230 = tpu.memref_slice %arg5[%add3A_1226, %dma_start3A_1229] : memref<8704x896xf32, #tpu.memory_space<hbm>> -> memref<1x896xf32, #tpu.memory_space<hbm>>
        %dma_start3A_1231 = tpu.memref_squeeze %dma_start3A_1230 : memref<1x896xf32, #tpu.memory_space<hbm>> -> memref<896xf32, #tpu.memory_space<hbm>>
        %dma_start3A_1232 = arith.constant 0 : i32
        %dma_start3A_1233 = tpu.memref_slice %arg5[%add3A_1226, %dma_start3A_1232] : memref<8704x896xf32, #tpu.memory_space<hbm>> -> memref<1x896xf32, #tpu.memory_space<hbm>>
        %dma_start3A_1234 = tpu.memref_squeeze %dma_start3A_1233 : memref<1x896xf32, #tpu.memory_space<hbm>> -> memref<896xf32, #tpu.memory_space<hbm>>
        %dma_start3A_1235 = arith.constant 3584 : i32
        %dma_start3A_1236 = tpu.memref_slice %arg12[%dma_start3A_1235] : memref<14336xf32, #tpu.memory_space<vmem>> -> memref<896xf32, #tpu.memory_space<vmem>>
        tpu.enqueue_dma source(%dma_start3A_1236 : memref<896xf32, #tpu.memory_space<vmem>>) target(%dma_start3A_1234 : memref<896xf32, #tpu.memory_space<hbm>>) target_semaphore(%arg15 : memref<!tpu.dma_semaphore, #tpu.memory_space<semaphore_mem>>)
      } else {
      }
      %jit3A_854 = arith.constant 1 : i32
      %jit3A_855 = arith.constant 0 : i32
      %select_n3A_856 = arith.select %or3A_850, %jit3A_854, %jit3A_855 : i32
      %add3A_857 = arith.addi %add3A_841, %select_n3A_856 : i32
      %slice3A_858 = vector.extract_strided_slice %get3A_44 {offsets = [5], sizes = [1], strides = [1]} : vector<16xf32> to vector<1xf32>
      %squeeze3A_859 = vector.extract %slice3A_858[0] : f32 from vector<1xf32>
      %gt3A_860 = arith.constant 0.000000e+00 : f32
      %gt3A_861 = arith.cmpf ogt, %squeeze3A_859, %gt3A_860 : f32
      %slice3A_862 = vector.extract_strided_slice %get3A_49 {offsets = [5], sizes = [1], strides = [1]} : vector<16xf32> to vector<1xf32>
      %squeeze3A_863 = vector.extract %slice3A_862[0] : f32 from vector<1xf32>
      %gt3A_864 = arith.constant 0.000000e+00 : f32
      %gt3A_865 = arith.cmpf ogt, %squeeze3A_863, %gt3A_864 : f32
      %or3A_866 = arith.ori %gt3A_861, %gt3A_865 : i1
      %convert_element_type3A_867 = arith.extui %or3A_866 : i1 to i32
      %cond3A_868 = arith.constant 0 : i32
      %cond3A_869 = arith.cmpi ne, %convert_element_type3A_867, %cond3A_868 : i32
      scf.if %cond3A_869 {
        %add3A_1226 = arith.addi %add3A_27, %add3A_857 : i32
        %dma_start3A_1227 = arith.constant 4480 : i32
        %dma_start3A_1228 = tpu.memref_slice %arg12[%dma_start3A_1227] : memref<14336xf32, #tpu.memory_space<vmem>> -> memref<896xf32, #tpu.memory_space<vmem>>
        %dma_start3A_1229 = arith.constant 0 : i32
        %dma_start3A_1230 = tpu.memref_slice %arg5[%add3A_1226, %dma_start3A_1229] : memref<8704x896xf32, #tpu.memory_space<hbm>> -> memref<1x896xf32, #tpu.memory_space<hbm>>
        %dma_start3A_1231 = tpu.memref_squeeze %dma_start3A_1230 : memref<1x896xf32, #tpu.memory_space<hbm>> -> memref<896xf32, #tpu.memory_space<hbm>>
        %dma_start3A_1232 = arith.constant 0 : i32
        %dma_start3A_1233 = tpu.memref_slice %arg5[%add3A_1226, %dma_start3A_1232] : memref<8704x896xf32, #tpu.memory_space<hbm>> -> memref<1x896xf32, #tpu.memory_space<hbm>>
        %dma_start3A_1234 = tpu.memref_squeeze %dma_start3A_1233 : memref<1x896xf32, #tpu.memory_space<hbm>> -> memref<896xf32, #tpu.memory_space<hbm>>
        %dma_start3A_1235 = arith.constant 4480 : i32
        %dma_start3A_1236 = tpu.memref_slice %arg12[%dma_start3A_1235] : memref<14336xf32, #tpu.memory_space<vmem>> -> memref<896xf32, #tpu.memory_space<vmem>>
        tpu.enqueue_dma source(%dma_start3A_1236 : memref<896xf32, #tpu.memory_space<vmem>>) target(%dma_start3A_1234 : memref<896xf32, #tpu.memory_space<hbm>>) target_semaphore(%arg15 : memref<!tpu.dma_semaphore, #tpu.memory_space<semaphore_mem>>)
      } else {
      }
      %jit3A_870 = arith.constant 1 : i32
      %jit3A_871 = arith.constant 0 : i32
      %select_n3A_872 = arith.select %or3A_866, %jit3A_870, %jit3A_871 : i32
      %add3A_873 = arith.addi %add3A_857, %select_n3A_872 : i32
      %slice3A_874 = vector.extract_strided_slice %get3A_44 {offsets = [6], sizes = [1], strides = [1]} : vector<16xf32> to vector<1xf32>
      %squeeze3A_875 = vector.extract %slice3A_874[0] : f32 from vector<1xf32>
      %gt3A_876 = arith.constant 0.000000e+00 : f32
      %gt3A_877 = arith.cmpf ogt, %squeeze3A_875, %gt3A_876 : f32
      %slice3A_878 = vector.extract_strided_slice %get3A_49 {offsets = [6], sizes = [1], strides = [1]} : vector<16xf32> to vector<1xf32>
      %squeeze3A_879 = vector.extract %slice3A_878[0] : f32 from vector<1xf32>
      %gt3A_880 = arith.constant 0.000000e+00 : f32
      %gt3A_881 = arith.cmpf ogt, %squeeze3A_879, %gt3A_880 : f32
      %or3A_882 = arith.ori %gt3A_877, %gt3A_881 : i1
      %convert_element_type3A_883 = arith.extui %or3A_882 : i1 to i32
      %cond3A_884 = arith.constant 0 : i32
      %cond3A_885 = arith.cmpi ne, %convert_element_type3A_883, %cond3A_884 : i32
      scf.if %cond3A_885 {
        %add3A_1226 = arith.addi %add3A_27, %add3A_873 : i32
        %dma_start3A_1227 = arith.constant 5376 : i32
        %dma_start3A_1228 = tpu.memref_slice %arg12[%dma_start3A_1227] : memref<14336xf32, #tpu.memory_space<vmem>> -> memref<896xf32, #tpu.memory_space<vmem>>
        %dma_start3A_1229 = arith.constant 0 : i32
        %dma_start3A_1230 = tpu.memref_slice %arg5[%add3A_1226, %dma_start3A_1229] : memref<8704x896xf32, #tpu.memory_space<hbm>> -> memref<1x896xf32, #tpu.memory_space<hbm>>
        %dma_start3A_1231 = tpu.memref_squeeze %dma_start3A_1230 : memref<1x896xf32, #tpu.memory_space<hbm>> -> memref<896xf32, #tpu.memory_space<hbm>>
        %dma_start3A_1232 = arith.constant 0 : i32
        %dma_start3A_1233 = tpu.memref_slice %arg5[%add3A_1226, %dma_start3A_1232] : memref<8704x896xf32, #tpu.memory_space<hbm>> -> memref<1x896xf32, #tpu.memory_space<hbm>>
        %dma_start3A_1234 = tpu.memref_squeeze %dma_start3A_1233 : memref<1x896xf32, #tpu.memory_space<hbm>> -> memref<896xf32, #tpu.memory_space<hbm>>
        %dma_start3A_1235 = arith.constant 5376 : i32
        %dma_start3A_1236 = tpu.memref_slice %arg12[%dma_start3A_1235] : memref<14336xf32, #tpu.memory_space<vmem>> -> memref<896xf32, #tpu.memory_space<vmem>>
        tpu.enqueue_dma source(%dma_start3A_1236 : memref<896xf32, #tpu.memory_space<vmem>>) target(%dma_start3A_1234 : memref<896xf32, #tpu.memory_space<hbm>>) target_semaphore(%arg15 : memref<!tpu.dma_semaphore, #tpu.memory_space<semaphore_mem>>)
      } else {
      }
      %jit3A_886 = arith.constant 1 : i32
      %jit3A_887 = arith.constant 0 : i32
      %select_n3A_888 = arith.select %or3A_882, %jit3A_886, %jit3A_887 : i32
      %add3A_889 = arith.addi %add3A_873, %select_n3A_888 : i32
      %slice3A_890 = vector.extract_strided_slice %get3A_44 {offsets = [7], sizes = [1], strides = [1]} : vector<16xf32> to vector<1xf32>
      %squeeze3A_891 = vector.extract %slice3A_890[0] : f32 from vector<1xf32>
      %gt3A_892 = arith.constant 0.000000e+00 : f32
      %gt3A_893 = arith.cmpf ogt, %squeeze3A_891, %gt3A_892 : f32
      %slice3A_894 = vector.extract_strided_slice %get3A_49 {offsets = [7], sizes = [1], strides = [1]} : vector<16xf32> to vector<1xf32>
      %squeeze3A_895 = vector.extract %slice3A_894[0] : f32 from vector<1xf32>
      %gt3A_896 = arith.constant 0.000000e+00 : f32
      %gt3A_897 = arith.cmpf ogt, %squeeze3A_895, %gt3A_896 : f32
      %or3A_898 = arith.ori %gt3A_893, %gt3A_897 : i1
      %convert_element_type3A_899 = arith.extui %or3A_898 : i1 to i32
      %cond3A_900 = arith.constant 0 : i32
      %cond3A_901 = arith.cmpi ne, %convert_element_type3A_899, %cond3A_900 : i32
      scf.if %cond3A_901 {
        %add3A_1226 = arith.addi %add3A_27, %add3A_889 : i32
        %dma_start3A_1227 = arith.constant 6272 : i32
        %dma_start3A_1228 = tpu.memref_slice %arg12[%dma_start3A_1227] : memref<14336xf32, #tpu.memory_space<vmem>> -> memref<896xf32, #tpu.memory_space<vmem>>
        %dma_start3A_1229 = arith.constant 0 : i32
        %dma_start3A_1230 = tpu.memref_slice %arg5[%add3A_1226, %dma_start3A_1229] : memref<8704x896xf32, #tpu.memory_space<hbm>> -> memref<1x896xf32, #tpu.memory_space<hbm>>
        %dma_start3A_1231 = tpu.memref_squeeze %dma_start3A_1230 : memref<1x896xf32, #tpu.memory_space<hbm>> -> memref<896xf32, #tpu.memory_space<hbm>>
        %dma_start3A_1232 = arith.constant 0 : i32
        %dma_start3A_1233 = tpu.memref_slice %arg5[%add3A_1226, %dma_start3A_1232] : memref<8704x896xf32, #tpu.memory_space<hbm>> -> memref<1x896xf32, #tpu.memory_space<hbm>>
        %dma_start3A_1234 = tpu.memref_squeeze %dma_start3A_1233 : memref<1x896xf32, #tpu.memory_space<hbm>> -> memref<896xf32, #tpu.memory_space<hbm>>
        %dma_start3A_1235 = arith.constant 6272 : i32
        %dma_start3A_1236 = tpu.memref_slice %arg12[%dma_start3A_1235] : memref<14336xf32, #tpu.memory_space<vmem>> -> memref<896xf32, #tpu.memory_space<vmem>>
        tpu.enqueue_dma source(%dma_start3A_1236 : memref<896xf32, #tpu.memory_space<vmem>>) target(%dma_start3A_1234 : memref<896xf32, #tpu.memory_space<hbm>>) target_semaphore(%arg15 : memref<!tpu.dma_semaphore, #tpu.memory_space<semaphore_mem>>)
      } else {
      }
      %jit3A_902 = arith.constant 1 : i32
      %jit3A_903 = arith.constant 0 : i32
      %select_n3A_904 = arith.select %or3A_898, %jit3A_902, %jit3A_903 : i32
      %add3A_905 = arith.addi %add3A_889, %select_n3A_904 : i32
      %slice3A_906 = vector.extract_strided_slice %get3A_44 {offsets = [8], sizes = [1], strides = [1]} : vector<16xf32> to vector<1xf32>
      %squeeze3A_907 = vector.extract %slice3A_906[0] : f32 from vector<1xf32>
      %gt3A_908 = arith.constant 0.000000e+00 : f32
      %gt3A_909 = arith.cmpf ogt, %squeeze3A_907, %gt3A_908 : f32
      %slice3A_910 = vector.extract_strided_slice %get3A_49 {offsets = [8], sizes = [1], strides = [1]} : vector<16xf32> to vector<1xf32>
      %squeeze3A_911 = vector.extract %slice3A_910[0] : f32 from vector<1xf32>
      %gt3A_912 = arith.constant 0.000000e+00 : f32
      %gt3A_913 = arith.cmpf ogt, %squeeze3A_911, %gt3A_912 : f32
      %or3A_914 = arith.ori %gt3A_909, %gt3A_913 : i1
      %convert_element_type3A_915 = arith.extui %or3A_914 : i1 to i32
      %cond3A_916 = arith.constant 0 : i32
      %cond3A_917 = arith.cmpi ne, %convert_element_type3A_915, %cond3A_916 : i32
      scf.if %cond3A_917 {
        %add3A_1226 = arith.addi %add3A_27, %add3A_905 : i32
        %dma_start3A_1227 = arith.constant 7168 : i32
        %dma_start3A_1228 = tpu.memref_slice %arg12[%dma_start3A_1227] : memref<14336xf32, #tpu.memory_space<vmem>> -> memref<896xf32, #tpu.memory_space<vmem>>
        %dma_start3A_1229 = arith.constant 0 : i32
        %dma_start3A_1230 = tpu.memref_slice %arg5[%add3A_1226, %dma_start3A_1229] : memref<8704x896xf32, #tpu.memory_space<hbm>> -> memref<1x896xf32, #tpu.memory_space<hbm>>
        %dma_start3A_1231 = tpu.memref_squeeze %dma_start3A_1230 : memref<1x896xf32, #tpu.memory_space<hbm>> -> memref<896xf32, #tpu.memory_space<hbm>>
        %dma_start3A_1232 = arith.constant 0 : i32
        %dma_start3A_1233 = tpu.memref_slice %arg5[%add3A_1226, %dma_start3A_1232] : memref<8704x896xf32, #tpu.memory_space<hbm>> -> memref<1x896xf32, #tpu.memory_space<hbm>>
        %dma_start3A_1234 = tpu.memref_squeeze %dma_start3A_1233 : memref<1x896xf32, #tpu.memory_space<hbm>> -> memref<896xf32, #tpu.memory_space<hbm>>
        %dma_start3A_1235 = arith.constant 7168 : i32
        %dma_start3A_1236 = tpu.memref_slice %arg12[%dma_start3A_1235] : memref<14336xf32, #tpu.memory_space<vmem>> -> memref<896xf32, #tpu.memory_space<vmem>>
        tpu.enqueue_dma source(%dma_start3A_1236 : memref<896xf32, #tpu.memory_space<vmem>>) target(%dma_start3A_1234 : memref<896xf32, #tpu.memory_space<hbm>>) target_semaphore(%arg15 : memref<!tpu.dma_semaphore, #tpu.memory_space<semaphore_mem>>)
      } else {
      }
      %jit3A_918 = arith.constant 1 : i32
      %jit3A_919 = arith.constant 0 : i32
      %select_n3A_920 = arith.select %or3A_914, %jit3A_918, %jit3A_919 : i32
      %add3A_921 = arith.addi %add3A_905, %select_n3A_920 : i32
      %slice3A_922 = vector.extract_strided_slice %get3A_44 {offsets = [9], sizes = [1], strides = [1]} : vector<16xf32> to vector<1xf32>
      %squeeze3A_923 = vector.extract %slice3A_922[0] : f32 from vector<1xf32>
      %gt3A_924 = arith.constant 0.000000e+00 : f32
      %gt3A_925 = arith.cmpf ogt, %squeeze3A_923, %gt3A_924 : f32
      %slice3A_926 = vector.extract_strided_slice %get3A_49 {offsets = [9], sizes = [1], strides = [1]} : vector<16xf32> to vector<1xf32>
      %squeeze3A_927 = vector.extract %slice3A_926[0] : f32 from vector<1xf32>
      %gt3A_928 = arith.constant 0.000000e+00 : f32
      %gt3A_929 = arith.cmpf ogt, %squeeze3A_927, %gt3A_928 : f32
      %or3A_930 = arith.ori %gt3A_925, %gt3A_929 : i1
      %convert_element_type3A_931 = arith.extui %or3A_930 : i1 to i32
      %cond3A_932 = arith.constant 0 : i32
      %cond3A_933 = arith.cmpi ne, %convert_element_type3A_931, %cond3A_932 : i32
      scf.if %cond3A_933 {
        %add3A_1226 = arith.addi %add3A_27, %add3A_921 : i32
        %dma_start3A_1227 = arith.constant 8064 : i32
        %dma_start3A_1228 = tpu.memref_slice %arg12[%dma_start3A_1227] : memref<14336xf32, #tpu.memory_space<vmem>> -> memref<896xf32, #tpu.memory_space<vmem>>
        %dma_start3A_1229 = arith.constant 0 : i32
        %dma_start3A_1230 = tpu.memref_slice %arg5[%add3A_1226, %dma_start3A_1229] : memref<8704x896xf32, #tpu.memory_space<hbm>> -> memref<1x896xf32, #tpu.memory_space<hbm>>
        %dma_start3A_1231 = tpu.memref_squeeze %dma_start3A_1230 : memref<1x896xf32, #tpu.memory_space<hbm>> -> memref<896xf32, #tpu.memory_space<hbm>>
        %dma_start3A_1232 = arith.constant 0 : i32
        %dma_start3A_1233 = tpu.memref_slice %arg5[%add3A_1226, %dma_start3A_1232] : memref<8704x896xf32, #tpu.memory_space<hbm>> -> memref<1x896xf32, #tpu.memory_space<hbm>>
        %dma_start3A_1234 = tpu.memref_squeeze %dma_start3A_1233 : memref<1x896xf32, #tpu.memory_space<hbm>> -> memref<896xf32, #tpu.memory_space<hbm>>
        %dma_start3A_1235 = arith.constant 8064 : i32
        %dma_start3A_1236 = tpu.memref_slice %arg12[%dma_start3A_1235] : memref<14336xf32, #tpu.memory_space<vmem>> -> memref<896xf32, #tpu.memory_space<vmem>>
        tpu.enqueue_dma source(%dma_start3A_1236 : memref<896xf32, #tpu.memory_space<vmem>>) target(%dma_start3A_1234 : memref<896xf32, #tpu.memory_space<hbm>>) target_semaphore(%arg15 : memref<!tpu.dma_semaphore, #tpu.memory_space<semaphore_mem>>)
      } else {
      }
      %jit3A_934 = arith.constant 1 : i32
      %jit3A_935 = arith.constant 0 : i32
      %select_n3A_936 = arith.select %or3A_930, %jit3A_934, %jit3A_935 : i32
      %add3A_937 = arith.addi %add3A_921, %select_n3A_936 : i32
      %slice3A_938 = vector.extract_strided_slice %get3A_44 {offsets = [10], sizes = [1], strides = [1]} : vector<16xf32> to vector<1xf32>
      %squeeze3A_939 = vector.extract %slice3A_938[0] : f32 from vector<1xf32>
      %gt3A_940 = arith.constant 0.000000e+00 : f32
      %gt3A_941 = arith.cmpf ogt, %squeeze3A_939, %gt3A_940 : f32
      %slice3A_942 = vector.extract_strided_slice %get3A_49 {offsets = [10], sizes = [1], strides = [1]} : vector<16xf32> to vector<1xf32>
      %squeeze3A_943 = vector.extract %slice3A_942[0] : f32 from vector<1xf32>
      %gt3A_944 = arith.constant 0.000000e+00 : f32
      %gt3A_945 = arith.cmpf ogt, %squeeze3A_943, %gt3A_944 : f32
      %or3A_946 = arith.ori %gt3A_941, %gt3A_945 : i1
      %convert_element_type3A_947 = arith.extui %or3A_946 : i1 to i32
      %cond3A_948 = arith.constant 0 : i32
      %cond3A_949 = arith.cmpi ne, %convert_element_type3A_947, %cond3A_948 : i32
      scf.if %cond3A_949 {
        %add3A_1226 = arith.addi %add3A_27, %add3A_937 : i32
        %dma_start3A_1227 = arith.constant 8960 : i32
        %dma_start3A_1228 = tpu.memref_slice %arg12[%dma_start3A_1227] : memref<14336xf32, #tpu.memory_space<vmem>> -> memref<896xf32, #tpu.memory_space<vmem>>
        %dma_start3A_1229 = arith.constant 0 : i32
        %dma_start3A_1230 = tpu.memref_slice %arg5[%add3A_1226, %dma_start3A_1229] : memref<8704x896xf32, #tpu.memory_space<hbm>> -> memref<1x896xf32, #tpu.memory_space<hbm>>
        %dma_start3A_1231 = tpu.memref_squeeze %dma_start3A_1230 : memref<1x896xf32, #tpu.memory_space<hbm>> -> memref<896xf32, #tpu.memory_space<hbm>>
        %dma_start3A_1232 = arith.constant 0 : i32
        %dma_start3A_1233 = tpu.memref_slice %arg5[%add3A_1226, %dma_start3A_1232] : memref<8704x896xf32, #tpu.memory_space<hbm>> -> memref<1x896xf32, #tpu.memory_space<hbm>>
        %dma_start3A_1234 = tpu.memref_squeeze %dma_start3A_1233 : memref<1x896xf32, #tpu.memory_space<hbm>> -> memref<896xf32, #tpu.memory_space<hbm>>
        %dma_start3A_1235 = arith.constant 8960 : i32
        %dma_start3A_1236 = tpu.memref_slice %arg12[%dma_start3A_1235] : memref<14336xf32, #tpu.memory_space<vmem>> -> memref<896xf32, #tpu.memory_space<vmem>>
        tpu.enqueue_dma source(%dma_start3A_1236 : memref<896xf32, #tpu.memory_space<vmem>>) target(%dma_start3A_1234 : memref<896xf32, #tpu.memory_space<hbm>>) target_semaphore(%arg15 : memref<!tpu.dma_semaphore, #tpu.memory_space<semaphore_mem>>)
      } else {
      }
      %jit3A_950 = arith.constant 1 : i32
      %jit3A_951 = arith.constant 0 : i32
      %select_n3A_952 = arith.select %or3A_946, %jit3A_950, %jit3A_951 : i32
      %add3A_953 = arith.addi %add3A_937, %select_n3A_952 : i32
      %slice3A_954 = vector.extract_strided_slice %get3A_44 {offsets = [11], sizes = [1], strides = [1]} : vector<16xf32> to vector<1xf32>
      %squeeze3A_955 = vector.extract %slice3A_954[0] : f32 from vector<1xf32>
      %gt3A_956 = arith.constant 0.000000e+00 : f32
      %gt3A_957 = arith.cmpf ogt, %squeeze3A_955, %gt3A_956 : f32
      %slice3A_958 = vector.extract_strided_slice %get3A_49 {offsets = [11], sizes = [1], strides = [1]} : vector<16xf32> to vector<1xf32>
      %squeeze3A_959 = vector.extract %slice3A_958[0] : f32 from vector<1xf32>
      %gt3A_960 = arith.constant 0.000000e+00 : f32
      %gt3A_961 = arith.cmpf ogt, %squeeze3A_959, %gt3A_960 : f32
      %or3A_962 = arith.ori %gt3A_957, %gt3A_961 : i1
      %convert_element_type3A_963 = arith.extui %or3A_962 : i1 to i32
      %cond3A_964 = arith.constant 0 : i32
      %cond3A_965 = arith.cmpi ne, %convert_element_type3A_963, %cond3A_964 : i32
      scf.if %cond3A_965 {
        %add3A_1226 = arith.addi %add3A_27, %add3A_953 : i32
        %dma_start3A_1227 = arith.constant 9856 : i32
        %dma_start3A_1228 = tpu.memref_slice %arg12[%dma_start3A_1227] : memref<14336xf32, #tpu.memory_space<vmem>> -> memref<896xf32, #tpu.memory_space<vmem>>
        %dma_start3A_1229 = arith.constant 0 : i32
        %dma_start3A_1230 = tpu.memref_slice %arg5[%add3A_1226, %dma_start3A_1229] : memref<8704x896xf32, #tpu.memory_space<hbm>> -> memref<1x896xf32, #tpu.memory_space<hbm>>
        %dma_start3A_1231 = tpu.memref_squeeze %dma_start3A_1230 : memref<1x896xf32, #tpu.memory_space<hbm>> -> memref<896xf32, #tpu.memory_space<hbm>>
        %dma_start3A_1232 = arith.constant 0 : i32
        %dma_start3A_1233 = tpu.memref_slice %arg5[%add3A_1226, %dma_start3A_1232] : memref<8704x896xf32, #tpu.memory_space<hbm>> -> memref<1x896xf32, #tpu.memory_space<hbm>>
        %dma_start3A_1234 = tpu.memref_squeeze %dma_start3A_1233 : memref<1x896xf32, #tpu.memory_space<hbm>> -> memref<896xf32, #tpu.memory_space<hbm>>
        %dma_start3A_1235 = arith.constant 9856 : i32
        %dma_start3A_1236 = tpu.memref_slice %arg12[%dma_start3A_1235] : memref<14336xf32, #tpu.memory_space<vmem>> -> memref<896xf32, #tpu.memory_space<vmem>>
        tpu.enqueue_dma source(%dma_start3A_1236 : memref<896xf32, #tpu.memory_space<vmem>>) target(%dma_start3A_1234 : memref<896xf32, #tpu.memory_space<hbm>>) target_semaphore(%arg15 : memref<!tpu.dma_semaphore, #tpu.memory_space<semaphore_mem>>)
      } else {
      }
      %jit3A_966 = arith.constant 1 : i32
      %jit3A_967 = arith.constant 0 : i32
      %select_n3A_968 = arith.select %or3A_962, %jit3A_966, %jit3A_967 : i32
      %add3A_969 = arith.addi %add3A_953, %select_n3A_968 : i32
      %slice3A_970 = vector.extract_strided_slice %get3A_44 {offsets = [12], sizes = [1], strides = [1]} : vector<16xf32> to vector<1xf32>
      %squeeze3A_971 = vector.extract %slice3A_970[0] : f32 from vector<1xf32>
      %gt3A_972 = arith.constant 0.000000e+00 : f32
      %gt3A_973 = arith.cmpf ogt, %squeeze3A_971, %gt3A_972 : f32
      %slice3A_974 = vector.extract_strided_slice %get3A_49 {offsets = [12], sizes = [1], strides = [1]} : vector<16xf32> to vector<1xf32>
      %squeeze3A_975 = vector.extract %slice3A_974[0] : f32 from vector<1xf32>
      %gt3A_976 = arith.constant 0.000000e+00 : f32
      %gt3A_977 = arith.cmpf ogt, %squeeze3A_975, %gt3A_976 : f32
      %or3A_978 = arith.ori %gt3A_973, %gt3A_977 : i1
      %convert_element_type3A_979 = arith.extui %or3A_978 : i1 to i32
      %cond3A_980 = arith.constant 0 : i32
      %cond3A_981 = arith.cmpi ne, %convert_element_type3A_979, %cond3A_980 : i32
      scf.if %cond3A_981 {
        %add3A_1226 = arith.addi %add3A_27, %add3A_969 : i32
        %dma_start3A_1227 = arith.constant 10752 : i32
        %dma_start3A_1228 = tpu.memref_slice %arg12[%dma_start3A_1227] : memref<14336xf32, #tpu.memory_space<vmem>> -> memref<896xf32, #tpu.memory_space<vmem>>
        %dma_start3A_1229 = arith.constant 0 : i32
        %dma_start3A_1230 = tpu.memref_slice %arg5[%add3A_1226, %dma_start3A_1229] : memref<8704x896xf32, #tpu.memory_space<hbm>> -> memref<1x896xf32, #tpu.memory_space<hbm>>
        %dma_start3A_1231 = tpu.memref_squeeze %dma_start3A_1230 : memref<1x896xf32, #tpu.memory_space<hbm>> -> memref<896xf32, #tpu.memory_space<hbm>>
        %dma_start3A_1232 = arith.constant 0 : i32
        %dma_start3A_1233 = tpu.memref_slice %arg5[%add3A_1226, %dma_start3A_1232] : memref<8704x896xf32, #tpu.memory_space<hbm>> -> memref<1x896xf32, #tpu.memory_space<hbm>>
        %dma_start3A_1234 = tpu.memref_squeeze %dma_start3A_1233 : memref<1x896xf32, #tpu.memory_space<hbm>> -> memref<896xf32, #tpu.memory_space<hbm>>
        %dma_start3A_1235 = arith.constant 10752 : i32
        %dma_start3A_1236 = tpu.memref_slice %arg12[%dma_start3A_1235] : memref<14336xf32, #tpu.memory_space<vmem>> -> memref<896xf32, #tpu.memory_space<vmem>>
        tpu.enqueue_dma source(%dma_start3A_1236 : memref<896xf32, #tpu.memory_space<vmem>>) target(%dma_start3A_1234 : memref<896xf32, #tpu.memory_space<hbm>>) target_semaphore(%arg15 : memref<!tpu.dma_semaphore, #tpu.memory_space<semaphore_mem>>)
      } else {
      }
      %jit3A_982 = arith.constant 1 : i32
      %jit3A_983 = arith.constant 0 : i32
      %select_n3A_984 = arith.select %or3A_978, %jit3A_982, %jit3A_983 : i32
      %add3A_985 = arith.addi %add3A_969, %select_n3A_984 : i32
      %slice3A_986 = vector.extract_strided_slice %get3A_44 {offsets = [13], sizes = [1], strides = [1]} : vector<16xf32> to vector<1xf32>
      %squeeze3A_987 = vector.extract %slice3A_986[0] : f32 from vector<1xf32>
      %gt3A_988 = arith.constant 0.000000e+00 : f32
      %gt3A_989 = arith.cmpf ogt, %squeeze3A_987, %gt3A_988 : f32
      %slice3A_990 = vector.extract_strided_slice %get3A_49 {offsets = [13], sizes = [1], strides = [1]} : vector<16xf32> to vector<1xf32>
      %squeeze3A_991 = vector.extract %slice3A_990[0] : f32 from vector<1xf32>
      %gt3A_992 = arith.constant 0.000000e+00 : f32
      %gt3A_993 = arith.cmpf ogt, %squeeze3A_991, %gt3A_992 : f32
      %or3A_994 = arith.ori %gt3A_989, %gt3A_993 : i1
      %convert_element_type3A_995 = arith.extui %or3A_994 : i1 to i32
      %cond3A_996 = arith.constant 0 : i32
      %cond3A_997 = arith.cmpi ne, %convert_element_type3A_995, %cond3A_996 : i32
      scf.if %cond3A_997 {
        %add3A_1226 = arith.addi %add3A_27, %add3A_985 : i32
        %dma_start3A_1227 = arith.constant 11648 : i32
        %dma_start3A_1228 = tpu.memref_slice %arg12[%dma_start3A_1227] : memref<14336xf32, #tpu.memory_space<vmem>> -> memref<896xf32, #tpu.memory_space<vmem>>
        %dma_start3A_1229 = arith.constant 0 : i32
        %dma_start3A_1230 = tpu.memref_slice %arg5[%add3A_1226, %dma_start3A_1229] : memref<8704x896xf32, #tpu.memory_space<hbm>> -> memref<1x896xf32, #tpu.memory_space<hbm>>
        %dma_start3A_1231 = tpu.memref_squeeze %dma_start3A_1230 : memref<1x896xf32, #tpu.memory_space<hbm>> -> memref<896xf32, #tpu.memory_space<hbm>>
        %dma_start3A_1232 = arith.constant 0 : i32
        %dma_start3A_1233 = tpu.memref_slice %arg5[%add3A_1226, %dma_start3A_1232] : memref<8704x896xf32, #tpu.memory_space<hbm>> -> memref<1x896xf32, #tpu.memory_space<hbm>>
        %dma_start3A_1234 = tpu.memref_squeeze %dma_start3A_1233 : memref<1x896xf32, #tpu.memory_space<hbm>> -> memref<896xf32, #tpu.memory_space<hbm>>
        %dma_start3A_1235 = arith.constant 11648 : i32
        %dma_start3A_1236 = tpu.memref_slice %arg12[%dma_start3A_1235] : memref<14336xf32, #tpu.memory_space<vmem>> -> memref<896xf32, #tpu.memory_space<vmem>>
        tpu.enqueue_dma source(%dma_start3A_1236 : memref<896xf32, #tpu.memory_space<vmem>>) target(%dma_start3A_1234 : memref<896xf32, #tpu.memory_space<hbm>>) target_semaphore(%arg15 : memref<!tpu.dma_semaphore, #tpu.memory_space<semaphore_mem>>)
      } else {
      }
      %jit3A_998 = arith.constant 1 : i32
      %jit3A_999 = arith.constant 0 : i32
      %select_n3A_1000 = arith.select %or3A_994, %jit3A_998, %jit3A_999 : i32
      %add3A_1001 = arith.addi %add3A_985, %select_n3A_1000 : i32
      %slice3A_1002 = vector.extract_strided_slice %get3A_44 {offsets = [14], sizes = [1], strides = [1]} : vector<16xf32> to vector<1xf32>
      %squeeze3A_1003 = vector.extract %slice3A_1002[0] : f32 from vector<1xf32>
      %gt3A_1004 = arith.constant 0.000000e+00 : f32
      %gt3A_1005 = arith.cmpf ogt, %squeeze3A_1003, %gt3A_1004 : f32
      %slice3A_1006 = vector.extract_strided_slice %get3A_49 {offsets = [14], sizes = [1], strides = [1]} : vector<16xf32> to vector<1xf32>
      %squeeze3A_1007 = vector.extract %slice3A_1006[0] : f32 from vector<1xf32>
      %gt3A_1008 = arith.constant 0.000000e+00 : f32
      %gt3A_1009 = arith.cmpf ogt, %squeeze3A_1007, %gt3A_1008 : f32
      %or3A_1010 = arith.ori %gt3A_1005, %gt3A_1009 : i1
      %convert_element_type3A_1011 = arith.extui %or3A_1010 : i1 to i32
      %cond3A_1012 = arith.constant 0 : i32
      %cond3A_1013 = arith.cmpi ne, %convert_element_type3A_1011, %cond3A_1012 : i32
      scf.if %cond3A_1013 {
        %add3A_1226 = arith.addi %add3A_27, %add3A_1001 : i32
        %dma_start3A_1227 = arith.constant 12544 : i32
        %dma_start3A_1228 = tpu.memref_slice %arg12[%dma_start3A_1227] : memref<14336xf32, #tpu.memory_space<vmem>> -> memref<896xf32, #tpu.memory_space<vmem>>
        %dma_start3A_1229 = arith.constant 0 : i32
        %dma_start3A_1230 = tpu.memref_slice %arg5[%add3A_1226, %dma_start3A_1229] : memref<8704x896xf32, #tpu.memory_space<hbm>> -> memref<1x896xf32, #tpu.memory_space<hbm>>
        %dma_start3A_1231 = tpu.memref_squeeze %dma_start3A_1230 : memref<1x896xf32, #tpu.memory_space<hbm>> -> memref<896xf32, #tpu.memory_space<hbm>>
        %dma_start3A_1232 = arith.constant 0 : i32
        %dma_start3A_1233 = tpu.memref_slice %arg5[%add3A_1226, %dma_start3A_1232] : memref<8704x896xf32, #tpu.memory_space<hbm>> -> memref<1x896xf32, #tpu.memory_space<hbm>>
        %dma_start3A_1234 = tpu.memref_squeeze %dma_start3A_1233 : memref<1x896xf32, #tpu.memory_space<hbm>> -> memref<896xf32, #tpu.memory_space<hbm>>
        %dma_start3A_1235 = arith.constant 12544 : i32
        %dma_start3A_1236 = tpu.memref_slice %arg12[%dma_start3A_1235] : memref<14336xf32, #tpu.memory_space<vmem>> -> memref<896xf32, #tpu.memory_space<vmem>>
        tpu.enqueue_dma source(%dma_start3A_1236 : memref<896xf32, #tpu.memory_space<vmem>>) target(%dma_start3A_1234 : memref<896xf32, #tpu.memory_space<hbm>>) target_semaphore(%arg15 : memref<!tpu.dma_semaphore, #tpu.memory_space<semaphore_mem>>)
      } else {
      }
      %jit3A_1014 = arith.constant 1 : i32
      %jit3A_1015 = arith.constant 0 : i32
      %select_n3A_1016 = arith.select %or3A_1010, %jit3A_1014, %jit3A_1015 : i32
      %add3A_1017 = arith.addi %add3A_1001, %select_n3A_1016 : i32
      %slice3A_1018 = vector.extract_strided_slice %get3A_44 {offsets = [15], sizes = [1], strides = [1]} : vector<16xf32> to vector<1xf32>
      %squeeze3A_1019 = vector.extract %slice3A_1018[0] : f32 from vector<1xf32>
      %gt3A_1020 = arith.constant 0.000000e+00 : f32
      %gt3A_1021 = arith.cmpf ogt, %squeeze3A_1019, %gt3A_1020 : f32
      %slice3A_1022 = vector.extract_strided_slice %get3A_49 {offsets = [15], sizes = [1], strides = [1]} : vector<16xf32> to vector<1xf32>
      %squeeze3A_1023 = vector.extract %slice3A_1022[0] : f32 from vector<1xf32>
      %gt3A_1024 = arith.constant 0.000000e+00 : f32
      %gt3A_1025 = arith.cmpf ogt, %squeeze3A_1023, %gt3A_1024 : f32
      %or3A_1026 = arith.ori %gt3A_1021, %gt3A_1025 : i1
      %convert_element_type3A_1027 = arith.extui %or3A_1026 : i1 to i32
      %cond3A_1028 = arith.constant 0 : i32
      %cond3A_1029 = arith.cmpi ne, %convert_element_type3A_1027, %cond3A_1028 : i32
      scf.if %cond3A_1029 {
        %add3A_1226 = arith.addi %add3A_27, %add3A_1017 : i32
        %dma_start3A_1227 = arith.constant 13440 : i32
        %dma_start3A_1228 = tpu.memref_slice %arg12[%dma_start3A_1227] : memref<14336xf32, #tpu.memory_space<vmem>> -> memref<896xf32, #tpu.memory_space<vmem>>
        %dma_start3A_1229 = arith.constant 0 : i32
        %dma_start3A_1230 = tpu.memref_slice %arg5[%add3A_1226, %dma_start3A_1229] : memref<8704x896xf32, #tpu.memory_space<hbm>> -> memref<1x896xf32, #tpu.memory_space<hbm>>
        %dma_start3A_1231 = tpu.memref_squeeze %dma_start3A_1230 : memref<1x896xf32, #tpu.memory_space<hbm>> -> memref<896xf32, #tpu.memory_space<hbm>>
        %dma_start3A_1232 = arith.constant 0 : i32
        %dma_start3A_1233 = tpu.memref_slice %arg5[%add3A_1226, %dma_start3A_1232] : memref<8704x896xf32, #tpu.memory_space<hbm>> -> memref<1x896xf32, #tpu.memory_space<hbm>>
        %dma_start3A_1234 = tpu.memref_squeeze %dma_start3A_1233 : memref<1x896xf32, #tpu.memory_space<hbm>> -> memref<896xf32, #tpu.memory_space<hbm>>
        %dma_start3A_1235 = arith.constant 13440 : i32
        %dma_start3A_1236 = tpu.memref_slice %arg12[%dma_start3A_1235] : memref<14336xf32, #tpu.memory_space<vmem>> -> memref<896xf32, #tpu.memory_space<vmem>>
        tpu.enqueue_dma source(%dma_start3A_1236 : memref<896xf32, #tpu.memory_space<vmem>>) target(%dma_start3A_1234 : memref<896xf32, #tpu.memory_space<hbm>>) target_semaphore(%arg15 : memref<!tpu.dma_semaphore, #tpu.memory_space<semaphore_mem>>)
      } else {
      }
      %jit3A_1030 = arith.constant 1 : i32
      %jit3A_1031 = arith.constant 0 : i32
      %select_n3A_1032 = arith.select %or3A_1026, %jit3A_1030, %jit3A_1031 : i32
      %add3A_1033 = arith.addi %add3A_1017, %select_n3A_1032 : i32
      %slice3A_1034 = vector.extract_strided_slice %get3A_44 {offsets = [0], sizes = [1], strides = [1]} : vector<16xf32> to vector<1xf32>
      %squeeze3A_1035 = vector.extract %slice3A_1034[0] : f32 from vector<1xf32>
      %gt3A_1036 = arith.constant 0.000000e+00 : f32
      %gt3A_1037 = arith.cmpf ogt, %squeeze3A_1035, %gt3A_1036 : f32
      %slice3A_1038 = vector.extract_strided_slice %get3A_49 {offsets = [0], sizes = [1], strides = [1]} : vector<16xf32> to vector<1xf32>
      %squeeze3A_1039 = vector.extract %slice3A_1038[0] : f32 from vector<1xf32>
      %gt3A_1040 = arith.constant 0.000000e+00 : f32
      %gt3A_1041 = arith.cmpf ogt, %squeeze3A_1039, %gt3A_1040 : f32
      %or3A_1042 = arith.ori %gt3A_1037, %gt3A_1041 : i1
      %convert_element_type3A_1043 = arith.extui %or3A_1042 : i1 to i32
      %cond3A_1044 = arith.constant 0 : i32
      %cond3A_1045 = arith.cmpi ne, %convert_element_type3A_1043, %cond3A_1044 : i32
      scf.if %cond3A_1045 {
        %dma_wait3A_1226 = arith.constant 0 : i32
        %dma_wait3A_1227 = arith.constant 0 : i32
        %dma_wait3A_1228 = tpu.memref_slice %arg12[%dma_wait3A_1227] : memref<14336xf32, #tpu.memory_space<vmem>> -> memref<896xf32, #tpu.memory_space<vmem>>
        %dma_wait3A_1229 = arith.constant 0 : i32
        %dma_wait3A_1230 = tpu.memref_slice %arg5[%dma_wait3A_1226, %dma_wait3A_1229] : memref<8704x896xf32, #tpu.memory_space<hbm>> -> memref<1x896xf32, #tpu.memory_space<hbm>>
        %dma_wait3A_1231 = tpu.memref_squeeze %dma_wait3A_1230 : memref<1x896xf32, #tpu.memory_space<hbm>> -> memref<896xf32, #tpu.memory_space<hbm>>
        %dma_wait3A_1232 = arith.constant 0 : i32
        %dma_wait3A_1233 = tpu.memref_slice %arg5[%dma_wait3A_1226, %dma_wait3A_1232] : memref<8704x896xf32, #tpu.memory_space<hbm>> -> memref<1x896xf32, #tpu.memory_space<hbm>>
        %dma_wait3A_1234 = tpu.memref_squeeze %dma_wait3A_1233 : memref<1x896xf32, #tpu.memory_space<hbm>> -> memref<896xf32, #tpu.memory_space<hbm>>
        %dma_wait3A_1235 = arith.constant 0 : i32
        %dma_wait3A_1236 = tpu.memref_slice %arg12[%dma_wait3A_1235] : memref<14336xf32, #tpu.memory_space<vmem>> -> memref<896xf32, #tpu.memory_space<vmem>>
        tpu.wait_dma2 semaphore(%arg15 : memref<!tpu.dma_semaphore, #tpu.memory_space<semaphore_mem>>) src(%dma_wait3A_1236 : memref<896xf32, #tpu.memory_space<vmem>>) dst(%dma_wait3A_1234 : memref<896xf32, #tpu.memory_space<hbm>>)
      } else {
      }
      %slice3A_1046 = vector.extract_strided_slice %get3A_44 {offsets = [1], sizes = [1], strides = [1]} : vector<16xf32> to vector<1xf32>
      %squeeze3A_1047 = vector.extract %slice3A_1046[0] : f32 from vector<1xf32>
      %gt3A_1048 = arith.constant 0.000000e+00 : f32
      %gt3A_1049 = arith.cmpf ogt, %squeeze3A_1047, %gt3A_1048 : f32
      %slice3A_1050 = vector.extract_strided_slice %get3A_49 {offsets = [1], sizes = [1], strides = [1]} : vector<16xf32> to vector<1xf32>
      %squeeze3A_1051 = vector.extract %slice3A_1050[0] : f32 from vector<1xf32>
      %gt3A_1052 = arith.constant 0.000000e+00 : f32
      %gt3A_1053 = arith.cmpf ogt, %squeeze3A_1051, %gt3A_1052 : f32
      %or3A_1054 = arith.ori %gt3A_1049, %gt3A_1053 : i1
      %convert_element_type3A_1055 = arith.extui %or3A_1054 : i1 to i32
      %cond3A_1056 = arith.constant 0 : i32
      %cond3A_1057 = arith.cmpi ne, %convert_element_type3A_1055, %cond3A_1056 : i32
      scf.if %cond3A_1057 {
        %dma_wait3A_1226 = arith.constant 0 : i32
        %dma_wait3A_1227 = arith.constant 896 : i32
        %dma_wait3A_1228 = tpu.memref_slice %arg12[%dma_wait3A_1227] : memref<14336xf32, #tpu.memory_space<vmem>> -> memref<896xf32, #tpu.memory_space<vmem>>
        %dma_wait3A_1229 = arith.constant 0 : i32
        %dma_wait3A_1230 = tpu.memref_slice %arg5[%dma_wait3A_1226, %dma_wait3A_1229] : memref<8704x896xf32, #tpu.memory_space<hbm>> -> memref<1x896xf32, #tpu.memory_space<hbm>>
        %dma_wait3A_1231 = tpu.memref_squeeze %dma_wait3A_1230 : memref<1x896xf32, #tpu.memory_space<hbm>> -> memref<896xf32, #tpu.memory_space<hbm>>
        %dma_wait3A_1232 = arith.constant 0 : i32
        %dma_wait3A_1233 = tpu.memref_slice %arg5[%dma_wait3A_1226, %dma_wait3A_1232] : memref<8704x896xf32, #tpu.memory_space<hbm>> -> memref<1x896xf32, #tpu.memory_space<hbm>>
        %dma_wait3A_1234 = tpu.memref_squeeze %dma_wait3A_1233 : memref<1x896xf32, #tpu.memory_space<hbm>> -> memref<896xf32, #tpu.memory_space<hbm>>
        %dma_wait3A_1235 = arith.constant 896 : i32
        %dma_wait3A_1236 = tpu.memref_slice %arg12[%dma_wait3A_1235] : memref<14336xf32, #tpu.memory_space<vmem>> -> memref<896xf32, #tpu.memory_space<vmem>>
        tpu.wait_dma2 semaphore(%arg15 : memref<!tpu.dma_semaphore, #tpu.memory_space<semaphore_mem>>) src(%dma_wait3A_1236 : memref<896xf32, #tpu.memory_space<vmem>>) dst(%dma_wait3A_1234 : memref<896xf32, #tpu.memory_space<hbm>>)
      } else {
      }
      %slice3A_1058 = vector.extract_strided_slice %get3A_44 {offsets = [2], sizes = [1], strides = [1]} : vector<16xf32> to vector<1xf32>
      %squeeze3A_1059 = vector.extract %slice3A_1058[0] : f32 from vector<1xf32>
      %gt3A_1060 = arith.constant 0.000000e+00 : f32
      %gt3A_1061 = arith.cmpf ogt, %squeeze3A_1059, %gt3A_1060 : f32
      %slice3A_1062 = vector.extract_strided_slice %get3A_49 {offsets = [2], sizes = [1], strides = [1]} : vector<16xf32> to vector<1xf32>
      %squeeze3A_1063 = vector.extract %slice3A_1062[0] : f32 from vector<1xf32>
      %gt3A_1064 = arith.constant 0.000000e+00 : f32
      %gt3A_1065 = arith.cmpf ogt, %squeeze3A_1063, %gt3A_1064 : f32
      %or3A_1066 = arith.ori %gt3A_1061, %gt3A_1065 : i1
      %convert_element_type3A_1067 = arith.extui %or3A_1066 : i1 to i32
      %cond3A_1068 = arith.constant 0 : i32
      %cond3A_1069 = arith.cmpi ne, %convert_element_type3A_1067, %cond3A_1068 : i32
      scf.if %cond3A_1069 {
        %dma_wait3A_1226 = arith.constant 0 : i32
        %dma_wait3A_1227 = arith.constant 1792 : i32
        %dma_wait3A_1228 = tpu.memref_slice %arg12[%dma_wait3A_1227] : memref<14336xf32, #tpu.memory_space<vmem>> -> memref<896xf32, #tpu.memory_space<vmem>>
        %dma_wait3A_1229 = arith.constant 0 : i32
        %dma_wait3A_1230 = tpu.memref_slice %arg5[%dma_wait3A_1226, %dma_wait3A_1229] : memref<8704x896xf32, #tpu.memory_space<hbm>> -> memref<1x896xf32, #tpu.memory_space<hbm>>
        %dma_wait3A_1231 = tpu.memref_squeeze %dma_wait3A_1230 : memref<1x896xf32, #tpu.memory_space<hbm>> -> memref<896xf32, #tpu.memory_space<hbm>>
        %dma_wait3A_1232 = arith.constant 0 : i32
        %dma_wait3A_1233 = tpu.memref_slice %arg5[%dma_wait3A_1226, %dma_wait3A_1232] : memref<8704x896xf32, #tpu.memory_space<hbm>> -> memref<1x896xf32, #tpu.memory_space<hbm>>
        %dma_wait3A_1234 = tpu.memref_squeeze %dma_wait3A_1233 : memref<1x896xf32, #tpu.memory_space<hbm>> -> memref<896xf32, #tpu.memory_space<hbm>>
        %dma_wait3A_1235 = arith.constant 1792 : i32
        %dma_wait3A_1236 = tpu.memref_slice %arg12[%dma_wait3A_1235] : memref<14336xf32, #tpu.memory_space<vmem>> -> memref<896xf32, #tpu.memory_space<vmem>>
        tpu.wait_dma2 semaphore(%arg15 : memref<!tpu.dma_semaphore, #tpu.memory_space<semaphore_mem>>) src(%dma_wait3A_1236 : memref<896xf32, #tpu.memory_space<vmem>>) dst(%dma_wait3A_1234 : memref<896xf32, #tpu.memory_space<hbm>>)
      } else {
      }
      %slice3A_1070 = vector.extract_strided_slice %get3A_44 {offsets = [3], sizes = [1], strides = [1]} : vector<16xf32> to vector<1xf32>
      %squeeze3A_1071 = vector.extract %slice3A_1070[0] : f32 from vector<1xf32>
      %gt3A_1072 = arith.constant 0.000000e+00 : f32
      %gt3A_1073 = arith.cmpf ogt, %squeeze3A_1071, %gt3A_1072 : f32
      %slice3A_1074 = vector.extract_strided_slice %get3A_49 {offsets = [3], sizes = [1], strides = [1]} : vector<16xf32> to vector<1xf32>
      %squeeze3A_1075 = vector.extract %slice3A_1074[0] : f32 from vector<1xf32>
      %gt3A_1076 = arith.constant 0.000000e+00 : f32
      %gt3A_1077 = arith.cmpf ogt, %squeeze3A_1075, %gt3A_1076 : f32
      %or3A_1078 = arith.ori %gt3A_1073, %gt3A_1077 : i1
      %convert_element_type3A_1079 = arith.extui %or3A_1078 : i1 to i32
      %cond3A_1080 = arith.constant 0 : i32
      %cond3A_1081 = arith.cmpi ne, %convert_element_type3A_1079, %cond3A_1080 : i32
      scf.if %cond3A_1081 {
        %dma_wait3A_1226 = arith.constant 0 : i32
        %dma_wait3A_1227 = arith.constant 2688 : i32
        %dma_wait3A_1228 = tpu.memref_slice %arg12[%dma_wait3A_1227] : memref<14336xf32, #tpu.memory_space<vmem>> -> memref<896xf32, #tpu.memory_space<vmem>>
        %dma_wait3A_1229 = arith.constant 0 : i32
        %dma_wait3A_1230 = tpu.memref_slice %arg5[%dma_wait3A_1226, %dma_wait3A_1229] : memref<8704x896xf32, #tpu.memory_space<hbm>> -> memref<1x896xf32, #tpu.memory_space<hbm>>
        %dma_wait3A_1231 = tpu.memref_squeeze %dma_wait3A_1230 : memref<1x896xf32, #tpu.memory_space<hbm>> -> memref<896xf32, #tpu.memory_space<hbm>>
        %dma_wait3A_1232 = arith.constant 0 : i32
        %dma_wait3A_1233 = tpu.memref_slice %arg5[%dma_wait3A_1226, %dma_wait3A_1232] : memref<8704x896xf32, #tpu.memory_space<hbm>> -> memref<1x896xf32, #tpu.memory_space<hbm>>
        %dma_wait3A_1234 = tpu.memref_squeeze %dma_wait3A_1233 : memref<1x896xf32, #tpu.memory_space<hbm>> -> memref<896xf32, #tpu.memory_space<hbm>>
        %dma_wait3A_1235 = arith.constant 2688 : i32
        %dma_wait3A_1236 = tpu.memref_slice %arg12[%dma_wait3A_1235] : memref<14336xf32, #tpu.memory_space<vmem>> -> memref<896xf32, #tpu.memory_space<vmem>>
        tpu.wait_dma2 semaphore(%arg15 : memref<!tpu.dma_semaphore, #tpu.memory_space<semaphore_mem>>) src(%dma_wait3A_1236 : memref<896xf32, #tpu.memory_space<vmem>>) dst(%dma_wait3A_1234 : memref<896xf32, #tpu.memory_space<hbm>>)
      } else {
      }
      %slice3A_1082 = vector.extract_strided_slice %get3A_44 {offsets = [4], sizes = [1], strides = [1]} : vector<16xf32> to vector<1xf32>
      %squeeze3A_1083 = vector.extract %slice3A_1082[0] : f32 from vector<1xf32>
      %gt3A_1084 = arith.constant 0.000000e+00 : f32
      %gt3A_1085 = arith.cmpf ogt, %squeeze3A_1083, %gt3A_1084 : f32
      %slice3A_1086 = vector.extract_strided_slice %get3A_49 {offsets = [4], sizes = [1], strides = [1]} : vector<16xf32> to vector<1xf32>
      %squeeze3A_1087 = vector.extract %slice3A_1086[0] : f32 from vector<1xf32>
      %gt3A_1088 = arith.constant 0.000000e+00 : f32
      %gt3A_1089 = arith.cmpf ogt, %squeeze3A_1087, %gt3A_1088 : f32
      %or3A_1090 = arith.ori %gt3A_1085, %gt3A_1089 : i1
      %convert_element_type3A_1091 = arith.extui %or3A_1090 : i1 to i32
      %cond3A_1092 = arith.constant 0 : i32
      %cond3A_1093 = arith.cmpi ne, %convert_element_type3A_1091, %cond3A_1092 : i32
      scf.if %cond3A_1093 {
        %dma_wait3A_1226 = arith.constant 0 : i32
        %dma_wait3A_1227 = arith.constant 3584 : i32
        %dma_wait3A_1228 = tpu.memref_slice %arg12[%dma_wait3A_1227] : memref<14336xf32, #tpu.memory_space<vmem>> -> memref<896xf32, #tpu.memory_space<vmem>>
        %dma_wait3A_1229 = arith.constant 0 : i32
        %dma_wait3A_1230 = tpu.memref_slice %arg5[%dma_wait3A_1226, %dma_wait3A_1229] : memref<8704x896xf32, #tpu.memory_space<hbm>> -> memref<1x896xf32, #tpu.memory_space<hbm>>
        %dma_wait3A_1231 = tpu.memref_squeeze %dma_wait3A_1230 : memref<1x896xf32, #tpu.memory_space<hbm>> -> memref<896xf32, #tpu.memory_space<hbm>>
        %dma_wait3A_1232 = arith.constant 0 : i32
        %dma_wait3A_1233 = tpu.memref_slice %arg5[%dma_wait3A_1226, %dma_wait3A_1232] : memref<8704x896xf32, #tpu.memory_space<hbm>> -> memref<1x896xf32, #tpu.memory_space<hbm>>
        %dma_wait3A_1234 = tpu.memref_squeeze %dma_wait3A_1233 : memref<1x896xf32, #tpu.memory_space<hbm>> -> memref<896xf32, #tpu.memory_space<hbm>>
        %dma_wait3A_1235 = arith.constant 3584 : i32
        %dma_wait3A_1236 = tpu.memref_slice %arg12[%dma_wait3A_1235] : memref<14336xf32, #tpu.memory_space<vmem>> -> memref<896xf32, #tpu.memory_space<vmem>>
        tpu.wait_dma2 semaphore(%arg15 : memref<!tpu.dma_semaphore, #tpu.memory_space<semaphore_mem>>) src(%dma_wait3A_1236 : memref<896xf32, #tpu.memory_space<vmem>>) dst(%dma_wait3A_1234 : memref<896xf32, #tpu.memory_space<hbm>>)
      } else {
      }
      %slice3A_1094 = vector.extract_strided_slice %get3A_44 {offsets = [5], sizes = [1], strides = [1]} : vector<16xf32> to vector<1xf32>
      %squeeze3A_1095 = vector.extract %slice3A_1094[0] : f32 from vector<1xf32>
      %gt3A_1096 = arith.constant 0.000000e+00 : f32
      %gt3A_1097 = arith.cmpf ogt, %squeeze3A_1095, %gt3A_1096 : f32
      %slice3A_1098 = vector.extract_strided_slice %get3A_49 {offsets = [5], sizes = [1], strides = [1]} : vector<16xf32> to vector<1xf32>
      %squeeze3A_1099 = vector.extract %slice3A_1098[0] : f32 from vector<1xf32>
      %gt3A_1100 = arith.constant 0.000000e+00 : f32
      %gt3A_1101 = arith.cmpf ogt, %squeeze3A_1099, %gt3A_1100 : f32
      %or3A_1102 = arith.ori %gt3A_1097, %gt3A_1101 : i1
      %convert_element_type3A_1103 = arith.extui %or3A_1102 : i1 to i32
      %cond3A_1104 = arith.constant 0 : i32
      %cond3A_1105 = arith.cmpi ne, %convert_element_type3A_1103, %cond3A_1104 : i32
      scf.if %cond3A_1105 {
        %dma_wait3A_1226 = arith.constant 0 : i32
        %dma_wait3A_1227 = arith.constant 4480 : i32
        %dma_wait3A_1228 = tpu.memref_slice %arg12[%dma_wait3A_1227] : memref<14336xf32, #tpu.memory_space<vmem>> -> memref<896xf32, #tpu.memory_space<vmem>>
        %dma_wait3A_1229 = arith.constant 0 : i32
        %dma_wait3A_1230 = tpu.memref_slice %arg5[%dma_wait3A_1226, %dma_wait3A_1229] : memref<8704x896xf32, #tpu.memory_space<hbm>> -> memref<1x896xf32, #tpu.memory_space<hbm>>
        %dma_wait3A_1231 = tpu.memref_squeeze %dma_wait3A_1230 : memref<1x896xf32, #tpu.memory_space<hbm>> -> memref<896xf32, #tpu.memory_space<hbm>>
        %dma_wait3A_1232 = arith.constant 0 : i32
        %dma_wait3A_1233 = tpu.memref_slice %arg5[%dma_wait3A_1226, %dma_wait3A_1232] : memref<8704x896xf32, #tpu.memory_space<hbm>> -> memref<1x896xf32, #tpu.memory_space<hbm>>
        %dma_wait3A_1234 = tpu.memref_squeeze %dma_wait3A_1233 : memref<1x896xf32, #tpu.memory_space<hbm>> -> memref<896xf32, #tpu.memory_space<hbm>>
        %dma_wait3A_1235 = arith.constant 4480 : i32
        %dma_wait3A_1236 = tpu.memref_slice %arg12[%dma_wait3A_1235] : memref<14336xf32, #tpu.memory_space<vmem>> -> memref<896xf32, #tpu.memory_space<vmem>>
        tpu.wait_dma2 semaphore(%arg15 : memref<!tpu.dma_semaphore, #tpu.memory_space<semaphore_mem>>) src(%dma_wait3A_1236 : memref<896xf32, #tpu.memory_space<vmem>>) dst(%dma_wait3A_1234 : memref<896xf32, #tpu.memory_space<hbm>>)
      } else {
      }
      %slice3A_1106 = vector.extract_strided_slice %get3A_44 {offsets = [6], sizes = [1], strides = [1]} : vector<16xf32> to vector<1xf32>
      %squeeze3A_1107 = vector.extract %slice3A_1106[0] : f32 from vector<1xf32>
      %gt3A_1108 = arith.constant 0.000000e+00 : f32
      %gt3A_1109 = arith.cmpf ogt, %squeeze3A_1107, %gt3A_1108 : f32
      %slice3A_1110 = vector.extract_strided_slice %get3A_49 {offsets = [6], sizes = [1], strides = [1]} : vector<16xf32> to vector<1xf32>
      %squeeze3A_1111 = vector.extract %slice3A_1110[0] : f32 from vector<1xf32>
      %gt3A_1112 = arith.constant 0.000000e+00 : f32
      %gt3A_1113 = arith.cmpf ogt, %squeeze3A_1111, %gt3A_1112 : f32
      %or3A_1114 = arith.ori %gt3A_1109, %gt3A_1113 : i1
      %convert_element_type3A_1115 = arith.extui %or3A_1114 : i1 to i32
      %cond3A_1116 = arith.constant 0 : i32
      %cond3A_1117 = arith.cmpi ne, %convert_element_type3A_1115, %cond3A_1116 : i32
      scf.if %cond3A_1117 {
        %dma_wait3A_1226 = arith.constant 0 : i32
        %dma_wait3A_1227 = arith.constant 5376 : i32
        %dma_wait3A_1228 = tpu.memref_slice %arg12[%dma_wait3A_1227] : memref<14336xf32, #tpu.memory_space<vmem>> -> memref<896xf32, #tpu.memory_space<vmem>>
        %dma_wait3A_1229 = arith.constant 0 : i32
        %dma_wait3A_1230 = tpu.memref_slice %arg5[%dma_wait3A_1226, %dma_wait3A_1229] : memref<8704x896xf32, #tpu.memory_space<hbm>> -> memref<1x896xf32, #tpu.memory_space<hbm>>
        %dma_wait3A_1231 = tpu.memref_squeeze %dma_wait3A_1230 : memref<1x896xf32, #tpu.memory_space<hbm>> -> memref<896xf32, #tpu.memory_space<hbm>>
        %dma_wait3A_1232 = arith.constant 0 : i32
        %dma_wait3A_1233 = tpu.memref_slice %arg5[%dma_wait3A_1226, %dma_wait3A_1232] : memref<8704x896xf32, #tpu.memory_space<hbm>> -> memref<1x896xf32, #tpu.memory_space<hbm>>
        %dma_wait3A_1234 = tpu.memref_squeeze %dma_wait3A_1233 : memref<1x896xf32, #tpu.memory_space<hbm>> -> memref<896xf32, #tpu.memory_space<hbm>>
        %dma_wait3A_1235 = arith.constant 5376 : i32
        %dma_wait3A_1236 = tpu.memref_slice %arg12[%dma_wait3A_1235] : memref<14336xf32, #tpu.memory_space<vmem>> -> memref<896xf32, #tpu.memory_space<vmem>>
        tpu.wait_dma2 semaphore(%arg15 : memref<!tpu.dma_semaphore, #tpu.memory_space<semaphore_mem>>) src(%dma_wait3A_1236 : memref<896xf32, #tpu.memory_space<vmem>>) dst(%dma_wait3A_1234 : memref<896xf32, #tpu.memory_space<hbm>>)
      } else {
      }
      %slice3A_1118 = vector.extract_strided_slice %get3A_44 {offsets = [7], sizes = [1], strides = [1]} : vector<16xf32> to vector<1xf32>
      %squeeze3A_1119 = vector.extract %slice3A_1118[0] : f32 from vector<1xf32>
      %gt3A_1120 = arith.constant 0.000000e+00 : f32
      %gt3A_1121 = arith.cmpf ogt, %squeeze3A_1119, %gt3A_1120 : f32
      %slice3A_1122 = vector.extract_strided_slice %get3A_49 {offsets = [7], sizes = [1], strides = [1]} : vector<16xf32> to vector<1xf32>
      %squeeze3A_1123 = vector.extract %slice3A_1122[0] : f32 from vector<1xf32>
      %gt3A_1124 = arith.constant 0.000000e+00 : f32
      %gt3A_1125 = arith.cmpf ogt, %squeeze3A_1123, %gt3A_1124 : f32
      %or3A_1126 = arith.ori %gt3A_1121, %gt3A_1125 : i1
      %convert_element_type3A_1127 = arith.extui %or3A_1126 : i1 to i32
      %cond3A_1128 = arith.constant 0 : i32
      %cond3A_1129 = arith.cmpi ne, %convert_element_type3A_1127, %cond3A_1128 : i32
      scf.if %cond3A_1129 {
        %dma_wait3A_1226 = arith.constant 0 : i32
        %dma_wait3A_1227 = arith.constant 6272 : i32
        %dma_wait3A_1228 = tpu.memref_slice %arg12[%dma_wait3A_1227] : memref<14336xf32, #tpu.memory_space<vmem>> -> memref<896xf32, #tpu.memory_space<vmem>>
        %dma_wait3A_1229 = arith.constant 0 : i32
        %dma_wait3A_1230 = tpu.memref_slice %arg5[%dma_wait3A_1226, %dma_wait3A_1229] : memref<8704x896xf32, #tpu.memory_space<hbm>> -> memref<1x896xf32, #tpu.memory_space<hbm>>
        %dma_wait3A_1231 = tpu.memref_squeeze %dma_wait3A_1230 : memref<1x896xf32, #tpu.memory_space<hbm>> -> memref<896xf32, #tpu.memory_space<hbm>>
        %dma_wait3A_1232 = arith.constant 0 : i32
        %dma_wait3A_1233 = tpu.memref_slice %arg5[%dma_wait3A_1226, %dma_wait3A_1232] : memref<8704x896xf32, #tpu.memory_space<hbm>> -> memref<1x896xf32, #tpu.memory_space<hbm>>
        %dma_wait3A_1234 = tpu.memref_squeeze %dma_wait3A_1233 : memref<1x896xf32, #tpu.memory_space<hbm>> -> memref<896xf32, #tpu.memory_space<hbm>>
        %dma_wait3A_1235 = arith.constant 6272 : i32
        %dma_wait3A_1236 = tpu.memref_slice %arg12[%dma_wait3A_1235] : memref<14336xf32, #tpu.memory_space<vmem>> -> memref<896xf32, #tpu.memory_space<vmem>>
        tpu.wait_dma2 semaphore(%arg15 : memref<!tpu.dma_semaphore, #tpu.memory_space<semaphore_mem>>) src(%dma_wait3A_1236 : memref<896xf32, #tpu.memory_space<vmem>>) dst(%dma_wait3A_1234 : memref<896xf32, #tpu.memory_space<hbm>>)
      } else {
      }
      %slice3A_1130 = vector.extract_strided_slice %get3A_44 {offsets = [8], sizes = [1], strides = [1]} : vector<16xf32> to vector<1xf32>
      %squeeze3A_1131 = vector.extract %slice3A_1130[0] : f32 from vector<1xf32>
      %gt3A_1132 = arith.constant 0.000000e+00 : f32
      %gt3A_1133 = arith.cmpf ogt, %squeeze3A_1131, %gt3A_1132 : f32
      %slice3A_1134 = vector.extract_strided_slice %get3A_49 {offsets = [8], sizes = [1], strides = [1]} : vector<16xf32> to vector<1xf32>
      %squeeze3A_1135 = vector.extract %slice3A_1134[0] : f32 from vector<1xf32>
      %gt3A_1136 = arith.constant 0.000000e+00 : f32
      %gt3A_1137 = arith.cmpf ogt, %squeeze3A_1135, %gt3A_1136 : f32
      %or3A_1138 = arith.ori %gt3A_1133, %gt3A_1137 : i1
      %convert_element_type3A_1139 = arith.extui %or3A_1138 : i1 to i32
      %cond3A_1140 = arith.constant 0 : i32
      %cond3A_1141 = arith.cmpi ne, %convert_element_type3A_1139, %cond3A_1140 : i32
      scf.if %cond3A_1141 {
        %dma_wait3A_1226 = arith.constant 0 : i32
        %dma_wait3A_1227 = arith.constant 7168 : i32
        %dma_wait3A_1228 = tpu.memref_slice %arg12[%dma_wait3A_1227] : memref<14336xf32, #tpu.memory_space<vmem>> -> memref<896xf32, #tpu.memory_space<vmem>>
        %dma_wait3A_1229 = arith.constant 0 : i32
        %dma_wait3A_1230 = tpu.memref_slice %arg5[%dma_wait3A_1226, %dma_wait3A_1229] : memref<8704x896xf32, #tpu.memory_space<hbm>> -> memref<1x896xf32, #tpu.memory_space<hbm>>
        %dma_wait3A_1231 = tpu.memref_squeeze %dma_wait3A_1230 : memref<1x896xf32, #tpu.memory_space<hbm>> -> memref<896xf32, #tpu.memory_space<hbm>>
        %dma_wait3A_1232 = arith.constant 0 : i32
        %dma_wait3A_1233 = tpu.memref_slice %arg5[%dma_wait3A_1226, %dma_wait3A_1232] : memref<8704x896xf32, #tpu.memory_space<hbm>> -> memref<1x896xf32, #tpu.memory_space<hbm>>
        %dma_wait3A_1234 = tpu.memref_squeeze %dma_wait3A_1233 : memref<1x896xf32, #tpu.memory_space<hbm>> -> memref<896xf32, #tpu.memory_space<hbm>>
        %dma_wait3A_1235 = arith.constant 7168 : i32
        %dma_wait3A_1236 = tpu.memref_slice %arg12[%dma_wait3A_1235] : memref<14336xf32, #tpu.memory_space<vmem>> -> memref<896xf32, #tpu.memory_space<vmem>>
        tpu.wait_dma2 semaphore(%arg15 : memref<!tpu.dma_semaphore, #tpu.memory_space<semaphore_mem>>) src(%dma_wait3A_1236 : memref<896xf32, #tpu.memory_space<vmem>>) dst(%dma_wait3A_1234 : memref<896xf32, #tpu.memory_space<hbm>>)
      } else {
      }
      %slice3A_1142 = vector.extract_strided_slice %get3A_44 {offsets = [9], sizes = [1], strides = [1]} : vector<16xf32> to vector<1xf32>
      %squeeze3A_1143 = vector.extract %slice3A_1142[0] : f32 from vector<1xf32>
      %gt3A_1144 = arith.constant 0.000000e+00 : f32
      %gt3A_1145 = arith.cmpf ogt, %squeeze3A_1143, %gt3A_1144 : f32
      %slice3A_1146 = vector.extract_strided_slice %get3A_49 {offsets = [9], sizes = [1], strides = [1]} : vector<16xf32> to vector<1xf32>
      %squeeze3A_1147 = vector.extract %slice3A_1146[0] : f32 from vector<1xf32>
      %gt3A_1148 = arith.constant 0.000000e+00 : f32
      %gt3A_1149 = arith.cmpf ogt, %squeeze3A_1147, %gt3A_1148 : f32
      %or3A_1150 = arith.ori %gt3A_1145, %gt3A_1149 : i1
      %convert_element_type3A_1151 = arith.extui %or3A_1150 : i1 to i32
      %cond3A_1152 = arith.constant 0 : i32
      %cond3A_1153 = arith.cmpi ne, %convert_element_type3A_1151, %cond3A_1152 : i32
      scf.if %cond3A_1153 {
        %dma_wait3A_1226 = arith.constant 0 : i32
        %dma_wait3A_1227 = arith.constant 8064 : i32
        %dma_wait3A_1228 = tpu.memref_slice %arg12[%dma_wait3A_1227] : memref<14336xf32, #tpu.memory_space<vmem>> -> memref<896xf32, #tpu.memory_space<vmem>>
        %dma_wait3A_1229 = arith.constant 0 : i32
        %dma_wait3A_1230 = tpu.memref_slice %arg5[%dma_wait3A_1226, %dma_wait3A_1229] : memref<8704x896xf32, #tpu.memory_space<hbm>> -> memref<1x896xf32, #tpu.memory_space<hbm>>
        %dma_wait3A_1231 = tpu.memref_squeeze %dma_wait3A_1230 : memref<1x896xf32, #tpu.memory_space<hbm>> -> memref<896xf32, #tpu.memory_space<hbm>>
        %dma_wait3A_1232 = arith.constant 0 : i32
        %dma_wait3A_1233 = tpu.memref_slice %arg5[%dma_wait3A_1226, %dma_wait3A_1232] : memref<8704x896xf32, #tpu.memory_space<hbm>> -> memref<1x896xf32, #tpu.memory_space<hbm>>
        %dma_wait3A_1234 = tpu.memref_squeeze %dma_wait3A_1233 : memref<1x896xf32, #tpu.memory_space<hbm>> -> memref<896xf32, #tpu.memory_space<hbm>>
        %dma_wait3A_1235 = arith.constant 8064 : i32
        %dma_wait3A_1236 = tpu.memref_slice %arg12[%dma_wait3A_1235] : memref<14336xf32, #tpu.memory_space<vmem>> -> memref<896xf32, #tpu.memory_space<vmem>>
        tpu.wait_dma2 semaphore(%arg15 : memref<!tpu.dma_semaphore, #tpu.memory_space<semaphore_mem>>) src(%dma_wait3A_1236 : memref<896xf32, #tpu.memory_space<vmem>>) dst(%dma_wait3A_1234 : memref<896xf32, #tpu.memory_space<hbm>>)
      } else {
      }
      %slice3A_1154 = vector.extract_strided_slice %get3A_44 {offsets = [10], sizes = [1], strides = [1]} : vector<16xf32> to vector<1xf32>
      %squeeze3A_1155 = vector.extract %slice3A_1154[0] : f32 from vector<1xf32>
      %gt3A_1156 = arith.constant 0.000000e+00 : f32
      %gt3A_1157 = arith.cmpf ogt, %squeeze3A_1155, %gt3A_1156 : f32
      %slice3A_1158 = vector.extract_strided_slice %get3A_49 {offsets = [10], sizes = [1], strides = [1]} : vector<16xf32> to vector<1xf32>
      %squeeze3A_1159 = vector.extract %slice3A_1158[0] : f32 from vector<1xf32>
      %gt3A_1160 = arith.constant 0.000000e+00 : f32
      %gt3A_1161 = arith.cmpf ogt, %squeeze3A_1159, %gt3A_1160 : f32
      %or3A_1162 = arith.ori %gt3A_1157, %gt3A_1161 : i1
      %convert_element_type3A_1163 = arith.extui %or3A_1162 : i1 to i32
      %cond3A_1164 = arith.constant 0 : i32
      %cond3A_1165 = arith.cmpi ne, %convert_element_type3A_1163, %cond3A_1164 : i32
      scf.if %cond3A_1165 {
        %dma_wait3A_1226 = arith.constant 0 : i32
        %dma_wait3A_1227 = arith.constant 8960 : i32
        %dma_wait3A_1228 = tpu.memref_slice %arg12[%dma_wait3A_1227] : memref<14336xf32, #tpu.memory_space<vmem>> -> memref<896xf32, #tpu.memory_space<vmem>>
        %dma_wait3A_1229 = arith.constant 0 : i32
        %dma_wait3A_1230 = tpu.memref_slice %arg5[%dma_wait3A_1226, %dma_wait3A_1229] : memref<8704x896xf32, #tpu.memory_space<hbm>> -> memref<1x896xf32, #tpu.memory_space<hbm>>
        %dma_wait3A_1231 = tpu.memref_squeeze %dma_wait3A_1230 : memref<1x896xf32, #tpu.memory_space<hbm>> -> memref<896xf32, #tpu.memory_space<hbm>>
        %dma_wait3A_1232 = arith.constant 0 : i32
        %dma_wait3A_1233 = tpu.memref_slice %arg5[%dma_wait3A_1226, %dma_wait3A_1232] : memref<8704x896xf32, #tpu.memory_space<hbm>> -> memref<1x896xf32, #tpu.memory_space<hbm>>
        %dma_wait3A_1234 = tpu.memref_squeeze %dma_wait3A_1233 : memref<1x896xf32, #tpu.memory_space<hbm>> -> memref<896xf32, #tpu.memory_space<hbm>>
        %dma_wait3A_1235 = arith.constant 8960 : i32
        %dma_wait3A_1236 = tpu.memref_slice %arg12[%dma_wait3A_1235] : memref<14336xf32, #tpu.memory_space<vmem>> -> memref<896xf32, #tpu.memory_space<vmem>>
        tpu.wait_dma2 semaphore(%arg15 : memref<!tpu.dma_semaphore, #tpu.memory_space<semaphore_mem>>) src(%dma_wait3A_1236 : memref<896xf32, #tpu.memory_space<vmem>>) dst(%dma_wait3A_1234 : memref<896xf32, #tpu.memory_space<hbm>>)
      } else {
      }
      %slice3A_1166 = vector.extract_strided_slice %get3A_44 {offsets = [11], sizes = [1], strides = [1]} : vector<16xf32> to vector<1xf32>
      %squeeze3A_1167 = vector.extract %slice3A_1166[0] : f32 from vector<1xf32>
      %gt3A_1168 = arith.constant 0.000000e+00 : f32
      %gt3A_1169 = arith.cmpf ogt, %squeeze3A_1167, %gt3A_1168 : f32
      %slice3A_1170 = vector.extract_strided_slice %get3A_49 {offsets = [11], sizes = [1], strides = [1]} : vector<16xf32> to vector<1xf32>
      %squeeze3A_1171 = vector.extract %slice3A_1170[0] : f32 from vector<1xf32>
      %gt3A_1172 = arith.constant 0.000000e+00 : f32
      %gt3A_1173 = arith.cmpf ogt, %squeeze3A_1171, %gt3A_1172 : f32
      %or3A_1174 = arith.ori %gt3A_1169, %gt3A_1173 : i1
      %convert_element_type3A_1175 = arith.extui %or3A_1174 : i1 to i32
      %cond3A_1176 = arith.constant 0 : i32
      %cond3A_1177 = arith.cmpi ne, %convert_element_type3A_1175, %cond3A_1176 : i32
      scf.if %cond3A_1177 {
        %dma_wait3A_1226 = arith.constant 0 : i32
        %dma_wait3A_1227 = arith.constant 9856 : i32
        %dma_wait3A_1228 = tpu.memref_slice %arg12[%dma_wait3A_1227] : memref<14336xf32, #tpu.memory_space<vmem>> -> memref<896xf32, #tpu.memory_space<vmem>>
        %dma_wait3A_1229 = arith.constant 0 : i32
        %dma_wait3A_1230 = tpu.memref_slice %arg5[%dma_wait3A_1226, %dma_wait3A_1229] : memref<8704x896xf32, #tpu.memory_space<hbm>> -> memref<1x896xf32, #tpu.memory_space<hbm>>
        %dma_wait3A_1231 = tpu.memref_squeeze %dma_wait3A_1230 : memref<1x896xf32, #tpu.memory_space<hbm>> -> memref<896xf32, #tpu.memory_space<hbm>>
        %dma_wait3A_1232 = arith.constant 0 : i32
        %dma_wait3A_1233 = tpu.memref_slice %arg5[%dma_wait3A_1226, %dma_wait3A_1232] : memref<8704x896xf32, #tpu.memory_space<hbm>> -> memref<1x896xf32, #tpu.memory_space<hbm>>
        %dma_wait3A_1234 = tpu.memref_squeeze %dma_wait3A_1233 : memref<1x896xf32, #tpu.memory_space<hbm>> -> memref<896xf32, #tpu.memory_space<hbm>>
        %dma_wait3A_1235 = arith.constant 9856 : i32
        %dma_wait3A_1236 = tpu.memref_slice %arg12[%dma_wait3A_1235] : memref<14336xf32, #tpu.memory_space<vmem>> -> memref<896xf32, #tpu.memory_space<vmem>>
        tpu.wait_dma2 semaphore(%arg15 : memref<!tpu.dma_semaphore, #tpu.memory_space<semaphore_mem>>) src(%dma_wait3A_1236 : memref<896xf32, #tpu.memory_space<vmem>>) dst(%dma_wait3A_1234 : memref<896xf32, #tpu.memory_space<hbm>>)
      } else {
      }
      %slice3A_1178 = vector.extract_strided_slice %get3A_44 {offsets = [12], sizes = [1], strides = [1]} : vector<16xf32> to vector<1xf32>
      %squeeze3A_1179 = vector.extract %slice3A_1178[0] : f32 from vector<1xf32>
      %gt3A_1180 = arith.constant 0.000000e+00 : f32
      %gt3A_1181 = arith.cmpf ogt, %squeeze3A_1179, %gt3A_1180 : f32
      %slice3A_1182 = vector.extract_strided_slice %get3A_49 {offsets = [12], sizes = [1], strides = [1]} : vector<16xf32> to vector<1xf32>
      %squeeze3A_1183 = vector.extract %slice3A_1182[0] : f32 from vector<1xf32>
      %gt3A_1184 = arith.constant 0.000000e+00 : f32
      %gt3A_1185 = arith.cmpf ogt, %squeeze3A_1183, %gt3A_1184 : f32
      %or3A_1186 = arith.ori %gt3A_1181, %gt3A_1185 : i1
      %convert_element_type3A_1187 = arith.extui %or3A_1186 : i1 to i32
      %cond3A_1188 = arith.constant 0 : i32
      %cond3A_1189 = arith.cmpi ne, %convert_element_type3A_1187, %cond3A_1188 : i32
      scf.if %cond3A_1189 {
        %dma_wait3A_1226 = arith.constant 0 : i32
        %dma_wait3A_1227 = arith.constant 10752 : i32
        %dma_wait3A_1228 = tpu.memref_slice %arg12[%dma_wait3A_1227] : memref<14336xf32, #tpu.memory_space<vmem>> -> memref<896xf32, #tpu.memory_space<vmem>>
        %dma_wait3A_1229 = arith.constant 0 : i32
        %dma_wait3A_1230 = tpu.memref_slice %arg5[%dma_wait3A_1226, %dma_wait3A_1229] : memref<8704x896xf32, #tpu.memory_space<hbm>> -> memref<1x896xf32, #tpu.memory_space<hbm>>
        %dma_wait3A_1231 = tpu.memref_squeeze %dma_wait3A_1230 : memref<1x896xf32, #tpu.memory_space<hbm>> -> memref<896xf32, #tpu.memory_space<hbm>>
        %dma_wait3A_1232 = arith.constant 0 : i32
        %dma_wait3A_1233 = tpu.memref_slice %arg5[%dma_wait3A_1226, %dma_wait3A_1232] : memref<8704x896xf32, #tpu.memory_space<hbm>> -> memref<1x896xf32, #tpu.memory_space<hbm>>
        %dma_wait3A_1234 = tpu.memref_squeeze %dma_wait3A_1233 : memref<1x896xf32, #tpu.memory_space<hbm>> -> memref<896xf32, #tpu.memory_space<hbm>>
        %dma_wait3A_1235 = arith.constant 10752 : i32
        %dma_wait3A_1236 = tpu.memref_slice %arg12[%dma_wait3A_1235] : memref<14336xf32, #tpu.memory_space<vmem>> -> memref<896xf32, #tpu.memory_space<vmem>>
        tpu.wait_dma2 semaphore(%arg15 : memref<!tpu.dma_semaphore, #tpu.memory_space<semaphore_mem>>) src(%dma_wait3A_1236 : memref<896xf32, #tpu.memory_space<vmem>>) dst(%dma_wait3A_1234 : memref<896xf32, #tpu.memory_space<hbm>>)
      } else {
      }
      %slice3A_1190 = vector.extract_strided_slice %get3A_44 {offsets = [13], sizes = [1], strides = [1]} : vector<16xf32> to vector<1xf32>
      %squeeze3A_1191 = vector.extract %slice3A_1190[0] : f32 from vector<1xf32>
      %gt3A_1192 = arith.constant 0.000000e+00 : f32
      %gt3A_1193 = arith.cmpf ogt, %squeeze3A_1191, %gt3A_1192 : f32
      %slice3A_1194 = vector.extract_strided_slice %get3A_49 {offsets = [13], sizes = [1], strides = [1]} : vector<16xf32> to vector<1xf32>
      %squeeze3A_1195 = vector.extract %slice3A_1194[0] : f32 from vector<1xf32>
      %gt3A_1196 = arith.constant 0.000000e+00 : f32
      %gt3A_1197 = arith.cmpf ogt, %squeeze3A_1195, %gt3A_1196 : f32
      %or3A_1198 = arith.ori %gt3A_1193, %gt3A_1197 : i1
      %convert_element_type3A_1199 = arith.extui %or3A_1198 : i1 to i32
      %cond3A_1200 = arith.constant 0 : i32
      %cond3A_1201 = arith.cmpi ne, %convert_element_type3A_1199, %cond3A_1200 : i32
      scf.if %cond3A_1201 {
        %dma_wait3A_1226 = arith.constant 0 : i32
        %dma_wait3A_1227 = arith.constant 11648 : i32
        %dma_wait3A_1228 = tpu.memref_slice %arg12[%dma_wait3A_1227] : memref<14336xf32, #tpu.memory_space<vmem>> -> memref<896xf32, #tpu.memory_space<vmem>>
        %dma_wait3A_1229 = arith.constant 0 : i32
        %dma_wait3A_1230 = tpu.memref_slice %arg5[%dma_wait3A_1226, %dma_wait3A_1229] : memref<8704x896xf32, #tpu.memory_space<hbm>> -> memref<1x896xf32, #tpu.memory_space<hbm>>
        %dma_wait3A_1231 = tpu.memref_squeeze %dma_wait3A_1230 : memref<1x896xf32, #tpu.memory_space<hbm>> -> memref<896xf32, #tpu.memory_space<hbm>>
        %dma_wait3A_1232 = arith.constant 0 : i32
        %dma_wait3A_1233 = tpu.memref_slice %arg5[%dma_wait3A_1226, %dma_wait3A_1232] : memref<8704x896xf32, #tpu.memory_space<hbm>> -> memref<1x896xf32, #tpu.memory_space<hbm>>
        %dma_wait3A_1234 = tpu.memref_squeeze %dma_wait3A_1233 : memref<1x896xf32, #tpu.memory_space<hbm>> -> memref<896xf32, #tpu.memory_space<hbm>>
        %dma_wait3A_1235 = arith.constant 11648 : i32
        %dma_wait3A_1236 = tpu.memref_slice %arg12[%dma_wait3A_1235] : memref<14336xf32, #tpu.memory_space<vmem>> -> memref<896xf32, #tpu.memory_space<vmem>>
        tpu.wait_dma2 semaphore(%arg15 : memref<!tpu.dma_semaphore, #tpu.memory_space<semaphore_mem>>) src(%dma_wait3A_1236 : memref<896xf32, #tpu.memory_space<vmem>>) dst(%dma_wait3A_1234 : memref<896xf32, #tpu.memory_space<hbm>>)
      } else {
      }
      %slice3A_1202 = vector.extract_strided_slice %get3A_44 {offsets = [14], sizes = [1], strides = [1]} : vector<16xf32> to vector<1xf32>
      %squeeze3A_1203 = vector.extract %slice3A_1202[0] : f32 from vector<1xf32>
      %gt3A_1204 = arith.constant 0.000000e+00 : f32
      %gt3A_1205 = arith.cmpf ogt, %squeeze3A_1203, %gt3A_1204 : f32
      %slice3A_1206 = vector.extract_strided_slice %get3A_49 {offsets = [14], sizes = [1], strides = [1]} : vector<16xf32> to vector<1xf32>
      %squeeze3A_1207 = vector.extract %slice3A_1206[0] : f32 from vector<1xf32>
      %gt3A_1208 = arith.constant 0.000000e+00 : f32
      %gt3A_1209 = arith.cmpf ogt, %squeeze3A_1207, %gt3A_1208 : f32
      %or3A_1210 = arith.ori %gt3A_1205, %gt3A_1209 : i1
      %convert_element_type3A_1211 = arith.extui %or3A_1210 : i1 to i32
      %cond3A_1212 = arith.constant 0 : i32
      %cond3A_1213 = arith.cmpi ne, %convert_element_type3A_1211, %cond3A_1212 : i32
      scf.if %cond3A_1213 {
        %dma_wait3A_1226 = arith.constant 0 : i32
        %dma_wait3A_1227 = arith.constant 12544 : i32
        %dma_wait3A_1228 = tpu.memref_slice %arg12[%dma_wait3A_1227] : memref<14336xf32, #tpu.memory_space<vmem>> -> memref<896xf32, #tpu.memory_space<vmem>>
        %dma_wait3A_1229 = arith.constant 0 : i32
        %dma_wait3A_1230 = tpu.memref_slice %arg5[%dma_wait3A_1226, %dma_wait3A_1229] : memref<8704x896xf32, #tpu.memory_space<hbm>> -> memref<1x896xf32, #tpu.memory_space<hbm>>
        %dma_wait3A_1231 = tpu.memref_squeeze %dma_wait3A_1230 : memref<1x896xf32, #tpu.memory_space<hbm>> -> memref<896xf32, #tpu.memory_space<hbm>>
        %dma_wait3A_1232 = arith.constant 0 : i32
        %dma_wait3A_1233 = tpu.memref_slice %arg5[%dma_wait3A_1226, %dma_wait3A_1232] : memref<8704x896xf32, #tpu.memory_space<hbm>> -> memref<1x896xf32, #tpu.memory_space<hbm>>
        %dma_wait3A_1234 = tpu.memref_squeeze %dma_wait3A_1233 : memref<1x896xf32, #tpu.memory_space<hbm>> -> memref<896xf32, #tpu.memory_space<hbm>>
        %dma_wait3A_1235 = arith.constant 12544 : i32
        %dma_wait3A_1236 = tpu.memref_slice %arg12[%dma_wait3A_1235] : memref<14336xf32, #tpu.memory_space<vmem>> -> memref<896xf32, #tpu.memory_space<vmem>>
        tpu.wait_dma2 semaphore(%arg15 : memref<!tpu.dma_semaphore, #tpu.memory_space<semaphore_mem>>) src(%dma_wait3A_1236 : memref<896xf32, #tpu.memory_space<vmem>>) dst(%dma_wait3A_1234 : memref<896xf32, #tpu.memory_space<hbm>>)
      } else {
      }
      %slice3A_1214 = vector.extract_strided_slice %get3A_44 {offsets = [15], sizes = [1], strides = [1]} : vector<16xf32> to vector<1xf32>
      %squeeze3A_1215 = vector.extract %slice3A_1214[0] : f32 from vector<1xf32>
      %gt3A_1216 = arith.constant 0.000000e+00 : f32
      %gt3A_1217 = arith.cmpf ogt, %squeeze3A_1215, %gt3A_1216 : f32
      %slice3A_1218 = vector.extract_strided_slice %get3A_49 {offsets = [15], sizes = [1], strides = [1]} : vector<16xf32> to vector<1xf32>
      %squeeze3A_1219 = vector.extract %slice3A_1218[0] : f32 from vector<1xf32>
      %gt3A_1220 = arith.constant 0.000000e+00 : f32
      %gt3A_1221 = arith.cmpf ogt, %squeeze3A_1219, %gt3A_1220 : f32
      %or3A_1222 = arith.ori %gt3A_1217, %gt3A_1221 : i1
      %convert_element_type3A_1223 = arith.extui %or3A_1222 : i1 to i32
      %cond3A_1224 = arith.constant 0 : i32
      %cond3A_1225 = arith.cmpi ne, %convert_element_type3A_1223, %cond3A_1224 : i32
      scf.if %cond3A_1225 {
        %dma_wait3A_1226 = arith.constant 0 : i32
        %dma_wait3A_1227 = arith.constant 13440 : i32
        %dma_wait3A_1228 = tpu.memref_slice %arg12[%dma_wait3A_1227] : memref<14336xf32, #tpu.memory_space<vmem>> -> memref<896xf32, #tpu.memory_space<vmem>>
        %dma_wait3A_1229 = arith.constant 0 : i32
        %dma_wait3A_1230 = tpu.memref_slice %arg5[%dma_wait3A_1226, %dma_wait3A_1229] : memref<8704x896xf32, #tpu.memory_space<hbm>> -> memref<1x896xf32, #tpu.memory_space<hbm>>
        %dma_wait3A_1231 = tpu.memref_squeeze %dma_wait3A_1230 : memref<1x896xf32, #tpu.memory_space<hbm>> -> memref<896xf32, #tpu.memory_space<hbm>>
        %dma_wait3A_1232 = arith.constant 0 : i32
        %dma_wait3A_1233 = tpu.memref_slice %arg5[%dma_wait3A_1226, %dma_wait3A_1232] : memref<8704x896xf32, #tpu.memory_space<hbm>> -> memref<1x896xf32, #tpu.memory_space<hbm>>
        %dma_wait3A_1234 = tpu.memref_squeeze %dma_wait3A_1233 : memref<1x896xf32, #tpu.memory_space<hbm>> -> memref<896xf32, #tpu.memory_space<hbm>>
        %dma_wait3A_1235 = arith.constant 13440 : i32
        %dma_wait3A_1236 = tpu.memref_slice %arg12[%dma_wait3A_1235] : memref<14336xf32, #tpu.memory_space<vmem>> -> memref<896xf32, #tpu.memory_space<vmem>>
        tpu.wait_dma2 semaphore(%arg15 : memref<!tpu.dma_semaphore, #tpu.memory_space<semaphore_mem>>) src(%dma_wait3A_1236 : memref<896xf32, #tpu.memory_space<vmem>>) dst(%dma_wait3A_1234 : memref<896xf32, #tpu.memory_space<hbm>>)
      } else {
      }
      scf.yield %add3A_1033 : i32
    }
    %scan3A_38 = arith.constant 16 : i32
    return
  }
}

module attributes {stable_mosaic.version = 14 : i64} {
  func.func @_gate_kernel(%arg0: i32, %arg1: memref<2048x768xf32, #tpu.memory_space<vmem>>, %arg2: memref<768x16xf32, #tpu.memory_space<vmem>>, %arg3: memref<16x1xf32, #tpu.memory_space<vmem>>, %arg4: memref<8x2048xf32, #tpu.memory_space<vmem>>) attributes {dimension_semantics = [#tpu.dimension_semantics<arbitrary>], iteration_bounds = array<i64: 4>, scalar_prefetch = 0 : i64, scratch_operands = 0 : i64, tpu.core_type = #tpu.core_type<tc>, window_params = [{transform_indices = @transform_0, window_bounds = array<i64: 2048, 768>}, {pipeline_mode = #tpu.pipeline_mode<synchronous>, transform_indices = @transform_1, window_bounds = array<i64: 768, 16>}, {pipeline_mode = #tpu.pipeline_mode<synchronous>, transform_indices = @transform_2, window_bounds = array<i64: 16, 1>}, {transform_indices = @transform_3, window_bounds = array<i64: 8, 2048>}]} {
    %get3A = arith.constant 0 : index
    %get3A_0 = arith.constant 0 : index
    %get3A_1 = vector.load %arg2[%get3A, %get3A_0] : memref<768x16xf32, #tpu.memory_space<vmem>>, vector<768x16xf32>
    %get3A_2 = arith.constant 0 : index
    %get3A_3 = arith.constant 0 : index
    %get3A_4 = vector.load %arg1[%get3A_2, %get3A_3] : memref<2048x768xf32, #tpu.memory_space<vmem>>, vector<2048x768xf32>
    %dot_general3A = arith.constant dense<0.000000e+00> : vector<16x2048xf32>
    %dot_general3A_5 = tpu.matmul %get3A_1, %get3A_4, %dot_general3A {dimension_numbers = #tpu.dot_dimension_numbers<[0], [1], [1], [0], [0, 1, 1, 0], [], []>, transpose_lhs_hint = false} : vector<768x16xf32>, vector<2048x768xf32>, vector<16x2048xf32> -> vector<16x2048xf32>
    %get3A_6 = arith.constant 0 : index
    %get3A_7 = arith.constant 0 : index
    %get3A_8 = vector.load %arg3[%get3A_6, %get3A_7] : memref<16x1xf32, #tpu.memory_space<vmem>>, vector<16x1xf32>
    %add3A = vector.broadcast %get3A_8 : vector<16x1xf32> to vector<16x2048xf32>
    %add3A_9 = arith.addf %dot_general3A_5, %add3A : vector<16x2048xf32>
    %reduce_max3A = arith.constant dense<0xFF800000> : vector<16xf32>
    %reduce_max3A_10 = vector.multi_reduction <maximumf>, %add3A_9, %reduce_max3A [1] : vector<16x2048xf32> to vector<16xf32>
    %broadcast_in_dim3A = vector.shape_cast %reduce_max3A_10 : vector<16xf32> to vector<16x1xf32>
    %sub3A = vector.broadcast %broadcast_in_dim3A : vector<16x1xf32> to vector<16x2048xf32>
    %sub3A_11 = arith.subf %add3A_9, %sub3A : vector<16x2048xf32>
    %exp3A = math.exp %sub3A_11 : vector<16x2048xf32>
    %reduce_sum3A = arith.constant dense<0.000000e+00> : vector<16xf32>
    %reduce_sum3A_12 = vector.multi_reduction <add>, %exp3A, %reduce_sum3A [1] : vector<16x2048xf32> to vector<16xf32>
    %broadcast_in_dim3A_13 = vector.shape_cast %reduce_sum3A_12 : vector<16xf32> to vector<16x1xf32>
    %div3A = vector.broadcast %broadcast_in_dim3A_13 : vector<16x1xf32> to vector<16x2048xf32>
    %div3A_14 = arith.divf %exp3A, %div3A : vector<16x2048xf32>
    %slice3A = vector.extract_strided_slice %div3A_14 {offsets = [0, 0], sizes = [1, 2048], strides = [1, 1]} : vector<16x2048xf32> to vector<1x2048xf32>
    %slice3A_15 = vector.extract_strided_slice %div3A_14 {offsets = [1, 0], sizes = [1, 2048], strides = [1, 1]} : vector<16x2048xf32> to vector<1x2048xf32>
    %gt3A = vector.broadcast %slice3A : vector<1x2048xf32> to vector<16x2048xf32>
    %gt3A_16 = arith.cmpf ogt, %div3A_14, %gt3A : vector<16x2048xf32>
    %convert_element_type3A = arith.extui %gt3A_16 : vector<16x2048xi1> to vector<16x2048xi32>
    %reduce_sum3A_17 = arith.constant dense<0> : vector<2048xi32>
    %reduce_sum3A_18 = vector.multi_reduction <add>, %convert_element_type3A, %reduce_sum3A_17 [0] : vector<16x2048xi32> to vector<2048xi32>
    %broadcast_in_dim3A_19 = vector.shape_cast %reduce_sum3A_18 : vector<2048xi32> to vector<1x2048xi32>
    %gt3A_20 = vector.broadcast %slice3A_15 : vector<1x2048xf32> to vector<16x2048xf32>
    %gt3A_21 = arith.cmpf ogt, %div3A_14, %gt3A_20 : vector<16x2048xf32>
    %convert_element_type3A_22 = arith.extui %gt3A_21 : vector<16x2048xi1> to vector<16x2048xi32>
    %reduce_sum3A_23 = arith.constant dense<0> : vector<2048xi32>
    %reduce_sum3A_24 = vector.multi_reduction <add>, %convert_element_type3A_22, %reduce_sum3A_23 [0] : vector<16x2048xi32> to vector<2048xi32>
    %broadcast_in_dim3A_25 = vector.shape_cast %reduce_sum3A_24 : vector<2048xi32> to vector<1x2048xi32>
    %eq3A = arith.cmpf oeq, %slice3A, %slice3A_15 : vector<1x2048xf32>
    %convert_element_type3A_26 = arith.extui %eq3A : vector<1x2048xi1> to vector<1x2048xi32>
    %add3A_27 = arith.addi %broadcast_in_dim3A_25, %convert_element_type3A_26 : vector<1x2048xi32>
    %lt3A = arith.constant 2 : i32
    %lt3A_28 = vector.broadcast %lt3A : i32 to vector<1x2048xi32>
    %lt3A_29 = arith.cmpi slt, %broadcast_in_dim3A_19, %lt3A_28 : vector<1x2048xi32>
    %jit3A = arith.constant 0.000000e+00 : f32
    %broadcast_in_dim3A_30 = vector.broadcast %jit3A : f32 to vector<1x2048xf32>
    %select_n3A = arith.select %lt3A_29, %slice3A, %broadcast_in_dim3A_30 : vector<1x2048xi1>, vector<1x2048xf32>
    %lt3A_31 = arith.constant 2 : i32
    %lt3A_32 = vector.broadcast %lt3A_31 : i32 to vector<1x2048xi32>
    %lt3A_33 = arith.cmpi slt, %add3A_27, %lt3A_32 : vector<1x2048xi32>
    %jit3A_34 = arith.constant 0.000000e+00 : f32
    %broadcast_in_dim3A_35 = vector.broadcast %jit3A_34 : f32 to vector<1x2048xf32>
    %select_n3A_36 = arith.select %lt3A_33, %slice3A_15, %broadcast_in_dim3A_35 : vector<1x2048xi1>, vector<1x2048xf32>
    %iota3A = tpu.iota {dimensions = array<i32: 0>} : vector<8x2048xi32>
    %eq3A_37 = arith.constant 0 : i32
    %eq3A_38 = vector.broadcast %eq3A_37 : i32 to vector<8x2048xi32>
    %eq3A_39 = arith.cmpi eq, %iota3A, %eq3A_38 : vector<8x2048xi32>
    %eq3A_40 = arith.constant 1 : i32
    %eq3A_41 = vector.broadcast %eq3A_40 : i32 to vector<8x2048xi32>
    %eq3A_42 = arith.cmpi eq, %iota3A, %eq3A_41 : vector<8x2048xi32>
    %jit3A_43 = arith.constant 0.000000e+00 : f32
    %broadcast_in_dim3A_44 = vector.shape_cast %select_n3A_36 : vector<1x2048xf32> to vector<1x2048xf32>
    %broadcast_in_dim3A_45 = vector.broadcast %broadcast_in_dim3A_44 : vector<1x2048xf32> to vector<8x2048xf32>
    %broadcast_in_dim3A_46 = vector.broadcast %jit3A_43 : f32 to vector<8x2048xf32>
    %select_n3A_47 = arith.select %eq3A_42, %broadcast_in_dim3A_45, %broadcast_in_dim3A_46 : vector<8x2048xi1>, vector<8x2048xf32>
    %broadcast_in_dim3A_48 = vector.shape_cast %select_n3A : vector<1x2048xf32> to vector<1x2048xf32>
    %broadcast_in_dim3A_49 = vector.broadcast %broadcast_in_dim3A_48 : vector<1x2048xf32> to vector<8x2048xf32>
    %select_n3A_50 = arith.select %eq3A_39, %broadcast_in_dim3A_49, %select_n3A_47 : vector<8x2048xi1>, vector<8x2048xf32>
    %swap3A = arith.constant 0 : index
    %swap3A_51 = arith.constant 0 : index
    %swap3A_52 = vector.load %arg4[%swap3A, %swap3A_51] : memref<8x2048xf32, #tpu.memory_space<vmem>>, vector<8x2048xf32>
    tpu.vector_store %arg4[%swap3A, %swap3A_51], %select_n3A_50 {strides = array<i32>} : memref<8x2048xf32, #tpu.memory_space<vmem>>, vector<8x2048xf32>,
    return
  }
  func.func @transform_0(%arg0: i32) -> (i32, i32) {
    %c0_i32 = arith.constant 0 : i32
    %c0_i32_0 = arith.constant 0 : i32
    return %arg0, %c0_i32 : i32, i32
  }
  func.func @transform_1(%arg0: i32) -> (i32, i32) {
    %c0_i32 = arith.constant 0 : i32
    %c0_i32_0 = arith.constant 0 : i32
    %c0_i32_1 = arith.constant 0 : i32
    return %c0_i32, %c0_i32_0 : i32, i32
  }
  func.func @transform_2(%arg0: i32) -> (i32, i32) {
    %c0_i32 = arith.constant 0 : i32
    %c0_i32_0 = arith.constant 0 : i32
    %c0_i32_1 = arith.constant 0 : i32
    return %c0_i32, %c0_i32_0 : i32, i32
  }
  func.func @transform_3(%arg0: i32) -> (i32, i32) {
    %c0_i32 = arith.constant 0 : i32
    %c0_i32_0 = arith.constant 0 : i32
    return %c0_i32, %arg0 : i32, i32
  }
}

module attributes {stable_mosaic.version = 14 : i64} {
  func.func @_ffn_kernel(%arg0: i32, %arg1: memref<2xi32, #tpu.memory_space<smem>>, %arg2: memref<256x896xf32, #tpu.memory_space<vmem>>, %arg3: memref<2x768x3072xbf16, #tpu.memory_space<vmem>>, %arg4: memref<2x3072xf32, #tpu.memory_space<vmem>>, %arg5: memref<2x3072x768xbf16, #tpu.memory_space<vmem>>, %arg6: memref<2x768xf32, #tpu.memory_space<vmem>>, %arg7: memref<256x768xf32, #tpu.memory_space<vmem>>) attributes {dimension_semantics = [#tpu.dimension_semantics<arbitrary>], iteration_bounds = array<i64: 32>, scalar_prefetch = 1 : i64, scratch_operands = 0 : i64, tpu.core_type = #tpu.core_type<tc>, window_params = [{transform_indices = @transform_0, window_bounds = array<i64: 256, 896>}, {pipeline_mode = #tpu.pipeline_mode<synchronous>, transform_indices = @transform_1, window_bounds = array<i64: 2, 768, 3072>}, {pipeline_mode = #tpu.pipeline_mode<synchronous>, transform_indices = @transform_2, window_bounds = array<i64: 2, 3072>}, {pipeline_mode = #tpu.pipeline_mode<synchronous>, transform_indices = @transform_3, window_bounds = array<i64: 2, 3072, 768>}, {pipeline_mode = #tpu.pipeline_mode<synchronous>, transform_indices = @transform_4, window_bounds = array<i64: 2, 768>}, {transform_indices = @transform_5, window_bounds = array<i64: 256, 768>}]} {
    %jit3A = arith.constant 16 : i32
    %div3A = arith.divsi %arg0, %jit3A : i32
    %sign3A = arith.constant 0 : i32
    %sign3A_0 = arith.cmpi sgt, %arg0, %sign3A : i32
    %sign3A_1 = arith.extui %sign3A_0 : i1 to i32
    %sign3A_2 = arith.constant 0 : i32
    %sign3A_3 = arith.cmpi slt, %arg0, %sign3A_2 : i32
    %sign3A_4 = arith.extui %sign3A_3 : i1 to i32
    %sign3A_5 = arith.subi %sign3A_1, %sign3A_4 : i32
    %sign3A_6 = arith.constant 0 : i32
    %sign3A_7 = arith.cmpi sgt, %jit3A, %sign3A_6 : i32
    %sign3A_8 = arith.extui %sign3A_7 : i1 to i32
    %sign3A_9 = arith.constant 0 : i32
    %sign3A_10 = arith.cmpi slt, %jit3A, %sign3A_9 : i32
    %sign3A_11 = arith.extui %sign3A_10 : i1 to i32
    %sign3A_12 = arith.subi %sign3A_8, %sign3A_11 : i32
    %ne3A = arith.cmpi ne, %sign3A_5, %sign3A_12 : i32
    %rem3A = arith.remsi %arg0, %jit3A : i32
    %ne3A_13 = arith.constant 0 : i32
    %ne3A_14 = arith.cmpi ne, %rem3A, %ne3A_13 : i32
    %and3A = arith.andi %ne3A, %ne3A_14 : i1
    %sub3A = arith.constant 1 : i32
    %sub3A_15 = arith.subi %div3A, %sub3A : i32
    %select_n3A = arith.select %and3A, %sub3A_15, %div3A : i32
    %jit3A_16 = arith.constant 16 : i32
    %eq3A = arith.constant 0 : i32
    %eq3A_17 = arith.cmpi eq, %jit3A_16, %eq3A : i32
    %jit3A_18 = arith.constant 1 : i32
    %select_n3A_19 = arith.select %eq3A_17, %jit3A_18, %jit3A_16 : i32
    %rem3A_20 = arith.remsi %arg0, %select_n3A_19 : i32
    %ne3A_21 = arith.constant 0 : i32
    %ne3A_22 = arith.cmpi ne, %rem3A_20, %ne3A_21 : i32
    %lt3A = arith.constant 0 : i32
    %lt3A_23 = arith.cmpi slt, %rem3A_20, %lt3A : i32
    %lt3A_24 = arith.constant 0 : i32
    %lt3A_25 = arith.cmpi slt, %select_n3A_19, %lt3A_24 : i32
    %ne3A_26 = arith.xori %lt3A_23, %lt3A_25 : i1
    %and3A_27 = arith.andi %ne3A_26, %ne3A_22 : i1
    %add3A = arith.addi %rem3A_20, %select_n3A_19 : i32
    %select_n3A_28 = arith.select %and3A_27, %add3A, %rem3A_20 : i32
    %mul3A = arith.constant 256 : i32
    %mul3A_29 = arith.muli %select_n3A_28, %mul3A : i32
    %get3A = arith.index_cast %select_n3A : i32 to index
    %get3A_30 = memref.load %arg1[%get3A] : memref<2xi32, #tpu.memory_space<smem>>
    %lt3A_31 = arith.cmpi slt, %mul3A_29, %get3A_30 : i32
    %convert_element_type3A = arith.extui %lt3A_31 : i1 to i32
    %cond3A = arith.constant 0 : i32
    %cond3A_32 = arith.cmpi ne, %convert_element_type3A, %cond3A : i32
    scf.if %cond3A_32 {
      %get3A_33 = arith.constant 0 : index
      %get3A_34 = arith.constant 0 : index
      %get3A_35 = vector.load %arg2[%get3A_33, %get3A_34] : memref<256x896xf32, #tpu.memory_space<vmem>>, vector<256x896xf32>
      %slice3A = vector.extract_strided_slice %get3A_35 {offsets = [0, 0], sizes = [256, 768], strides = [1, 1]} : vector<256x896xf32> to vector<256x768xf32>
      %convert_element_type3A_36 = arith.truncf %slice3A : vector<256x768xf32> to vector<256x768xbf16>
      %slice3A_37 = vector.extract_strided_slice %get3A_35 {offsets = [0, 768], sizes = [256, 1], strides = [1, 1]} : vector<256x896xf32> to vector<256x1xf32>
      %slice3A_38 = vector.extract_strided_slice %get3A_35 {offsets = [0, 769], sizes = [256, 1], strides = [1, 1]} : vector<256x896xf32> to vector<256x1xf32>
      %broadcast_in_dim3A = arith.constant 0.000000e+00 : f32
      %broadcast_in_dim3A_39 = vector.broadcast %broadcast_in_dim3A : f32 to vector<256x768xf32>
      %get3A_40 = arith.constant 0 : index
      %get3A_41 = arith.constant 0 : index
      %get3A_42 = arith.constant 0 : index
      %get3A_43 = vector.load %arg3[%get3A_40, %get3A_41, %get3A_42] : memref<2x768x3072xbf16, #tpu.memory_space<vmem>>, vector<1x768x3072xbf16>
      %get3A_44 = vector.shape_cast %get3A_43 : vector<1x768x3072xbf16> to vector<768x3072xbf16>
      %dot_general3A = arith.constant dense<0.000000e+00> : vector<256x3072xf32>
      %dot_general3A_45 = tpu.matmul %convert_element_type3A_36, %get3A_44, %dot_general3A {dimension_numbers = #tpu.dot_dimension_numbers<[1], [0], [0], [1], [0, 0, 1, 1], [], []>, transpose_lhs_hint = false} : vector<256x768xbf16>, vector<768x3072xbf16>, vector<256x3072xf32> -> vector<256x3072xf32>
      %get3A_46 = arith.constant 0 : index
      %get3A_47 = arith.constant 0 : index
      %get3A_48 = vector.load %arg4[%get3A_46, %get3A_47] : memref<2x3072xf32, #tpu.memory_space<vmem>>, vector<1x3072xf32>
      %get3A_49 = vector.shape_cast %get3A_48 : vector<1x3072xf32> to vector<3072xf32>
      %broadcast_in_dim3A_50 = vector.shape_cast %get3A_49 : vector<3072xf32> to vector<1x3072xf32>
      %add3A_51 = vector.broadcast %broadcast_in_dim3A_50 : vector<1x3072xf32> to vector<256x3072xf32>
      %add3A_52 = arith.addf %dot_general3A_45, %add3A_51 : vector<256x3072xf32>
      %mul3A_53 = arith.constant 5.000000e-01 : f32
      %mul3A_54 = vector.broadcast %mul3A_53 : f32 to vector<256x3072xf32>
      %mul3A_55 = arith.mulf %add3A_52, %mul3A_54 : vector<256x3072xf32>
      %mul3A_56 = arith.constant 0.707106769 : f32
      %mul3A_57 = vector.broadcast %mul3A_56 : f32 to vector<256x3072xf32>
      %mul3A_58 = arith.mulf %add3A_52, %mul3A_57 : vector<256x3072xf32>
      %erf3A = math.erf %mul3A_58 : vector<256x3072xf32>
      %add3A_59 = arith.constant 1.000000e+00 : f32
      %add3A_60 = vector.broadcast %add3A_59 : f32 to vector<256x3072xf32>
      %add3A_61 = arith.addf %add3A_60, %erf3A : vector<256x3072xf32>
      %mul3A_62 = arith.mulf %mul3A_55, %add3A_61 : vector<256x3072xf32>
      %convert_element_type3A_63 = arith.truncf %mul3A_62 : vector<256x3072xf32> to vector<256x3072xbf16>
      %get3A_64 = arith.constant 0 : index
      %get3A_65 = arith.constant 0 : index
      %get3A_66 = arith.constant 0 : index
      %get3A_67 = vector.load %arg5[%get3A_64, %get3A_65, %get3A_66] : memref<2x3072x768xbf16, #tpu.memory_space<vmem>>, vector<1x3072x768xbf16>
      %get3A_68 = vector.shape_cast %get3A_67 : vector<1x3072x768xbf16> to vector<3072x768xbf16>
      %dot_general3A_69 = arith.constant dense<0.000000e+00> : vector<256x768xf32>
      %dot_general3A_70 = tpu.matmul %convert_element_type3A_63, %get3A_68, %dot_general3A_69 {dimension_numbers = #tpu.dot_dimension_numbers<[1], [0], [0], [1], [0, 0, 1, 1], [], []>, transpose_lhs_hint = false} : vector<256x3072xbf16>, vector<3072x768xbf16>, vector<256x768xf32> -> vector<256x768xf32>
      %get3A_71 = arith.constant 0 : index
      %get3A_72 = arith.constant 0 : index
      %get3A_73 = vector.load %arg6[%get3A_71, %get3A_72] : memref<2x768xf32, #tpu.memory_space<vmem>>, vector<1x768xf32>
      %get3A_74 = vector.shape_cast %get3A_73 : vector<1x768xf32> to vector<768xf32>
      %broadcast_in_dim3A_75 = vector.shape_cast %get3A_74 : vector<768xf32> to vector<1x768xf32>
      %add3A_76 = vector.broadcast %broadcast_in_dim3A_75 : vector<1x768xf32> to vector<256x768xf32>
      %add3A_77 = arith.addf %dot_general3A_70, %add3A_76 : vector<256x768xf32>
      %reduce_max3A = arith.constant dense<0xFF800000> : vector<256xf32>
      %reduce_max3A_78 = vector.multi_reduction <maximumf>, %add3A_77, %reduce_max3A [1] : vector<256x768xf32> to vector<256xf32>
      %broadcast_in_dim3A_79 = vector.shape_cast %reduce_max3A_78 : vector<256xf32> to vector<256x1xf32>
      %sub3A_80 = vector.broadcast %broadcast_in_dim3A_79 : vector<256x1xf32> to vector<256x768xf32>
      %sub3A_81 = arith.subf %add3A_77, %sub3A_80 : vector<256x768xf32>
      %exp3A = math.exp %sub3A_81 : vector<256x768xf32>
      %reduce_sum3A = arith.constant dense<0.000000e+00> : vector<256xf32>
      %reduce_sum3A_82 = vector.multi_reduction <add>, %exp3A, %reduce_sum3A [1] : vector<256x768xf32> to vector<256xf32>
      %broadcast_in_dim3A_83 = vector.shape_cast %reduce_sum3A_82 : vector<256xf32> to vector<256x1xf32>
      %div3A_84 = vector.broadcast %broadcast_in_dim3A_83 : vector<256x1xf32> to vector<256x768xf32>
      %div3A_85 = arith.divf %exp3A, %div3A_84 : vector<256x768xf32>
      %mul3A_86 = vector.broadcast %slice3A_37 : vector<256x1xf32> to vector<256x768xf32>
      %mul3A_87 = arith.mulf %mul3A_86, %div3A_85 : vector<256x768xf32>
      %add3A_88 = arith.addf %broadcast_in_dim3A_39, %mul3A_87 : vector<256x768xf32>
      %get3A_89 = arith.constant 1 : index
      %get3A_90 = arith.constant 0 : index
      %get3A_91 = arith.constant 0 : index
      %get3A_92 = vector.load %arg3[%get3A_89, %get3A_90, %get3A_91] : memref<2x768x3072xbf16, #tpu.memory_space<vmem>>, vector<1x768x3072xbf16>
      %get3A_93 = vector.shape_cast %get3A_92 : vector<1x768x3072xbf16> to vector<768x3072xbf16>
      %dot_general3A_94 = arith.constant dense<0.000000e+00> : vector<256x3072xf32>
      %dot_general3A_95 = tpu.matmul %convert_element_type3A_36, %get3A_93, %dot_general3A_94 {dimension_numbers = #tpu.dot_dimension_numbers<[1], [0], [0], [1], [0, 0, 1, 1], [], []>, transpose_lhs_hint = false} : vector<256x768xbf16>, vector<768x3072xbf16>, vector<256x3072xf32> -> vector<256x3072xf32>
      %get3A_96 = arith.constant 1 : index
      %get3A_97 = arith.constant 0 : index
      %get3A_98 = vector.load %arg4[%get3A_96, %get3A_97] : memref<2x3072xf32, #tpu.memory_space<vmem>>, vector<1x3072xf32>
      %get3A_99 = vector.shape_cast %get3A_98 : vector<1x3072xf32> to vector<3072xf32>
      %broadcast_in_dim3A_100 = vector.shape_cast %get3A_99 : vector<3072xf32> to vector<1x3072xf32>
      %add3A_101 = vector.broadcast %broadcast_in_dim3A_100 : vector<1x3072xf32> to vector<256x3072xf32>
      %add3A_102 = arith.addf %dot_general3A_95, %add3A_101 : vector<256x3072xf32>
      %mul3A_103 = arith.constant 5.000000e-01 : f32
      %mul3A_104 = vector.broadcast %mul3A_103 : f32 to vector<256x3072xf32>
      %mul3A_105 = arith.mulf %add3A_102, %mul3A_104 : vector<256x3072xf32>
      %mul3A_106 = arith.constant 0.707106769 : f32
      %mul3A_107 = vector.broadcast %mul3A_106 : f32 to vector<256x3072xf32>
      %mul3A_108 = arith.mulf %add3A_102, %mul3A_107 : vector<256x3072xf32>
      %erf3A_109 = math.erf %mul3A_108 : vector<256x3072xf32>
      %add3A_110 = arith.constant 1.000000e+00 : f32
      %add3A_111 = vector.broadcast %add3A_110 : f32 to vector<256x3072xf32>
      %add3A_112 = arith.addf %add3A_111, %erf3A_109 : vector<256x3072xf32>
      %mul3A_113 = arith.mulf %mul3A_105, %add3A_112 : vector<256x3072xf32>
      %convert_element_type3A_114 = arith.truncf %mul3A_113 : vector<256x3072xf32> to vector<256x3072xbf16>
      %get3A_115 = arith.constant 1 : index
      %get3A_116 = arith.constant 0 : index
      %get3A_117 = arith.constant 0 : index
      %get3A_118 = vector.load %arg5[%get3A_115, %get3A_116, %get3A_117] : memref<2x3072x768xbf16, #tpu.memory_space<vmem>>, vector<1x3072x768xbf16>
      %get3A_119 = vector.shape_cast %get3A_118 : vector<1x3072x768xbf16> to vector<3072x768xbf16>
      %dot_general3A_120 = arith.constant dense<0.000000e+00> : vector<256x768xf32>
      %dot_general3A_121 = tpu.matmul %convert_element_type3A_114, %get3A_119, %dot_general3A_120 {dimension_numbers = #tpu.dot_dimension_numbers<[1], [0], [0], [1], [0, 0, 1, 1], [], []>, transpose_lhs_hint = false} : vector<256x3072xbf16>, vector<3072x768xbf16>, vector<256x768xf32> -> vector<256x768xf32>
      %get3A_122 = arith.constant 1 : index
      %get3A_123 = arith.constant 0 : index
      %get3A_124 = vector.load %arg6[%get3A_122, %get3A_123] : memref<2x768xf32, #tpu.memory_space<vmem>>, vector<1x768xf32>
      %get3A_125 = vector.shape_cast %get3A_124 : vector<1x768xf32> to vector<768xf32>
      %broadcast_in_dim3A_126 = vector.shape_cast %get3A_125 : vector<768xf32> to vector<1x768xf32>
      %add3A_127 = vector.broadcast %broadcast_in_dim3A_126 : vector<1x768xf32> to vector<256x768xf32>
      %add3A_128 = arith.addf %dot_general3A_121, %add3A_127 : vector<256x768xf32>
      %reduce_max3A_129 = arith.constant dense<0xFF800000> : vector<256xf32>
      %reduce_max3A_130 = vector.multi_reduction <maximumf>, %add3A_128, %reduce_max3A_129 [1] : vector<256x768xf32> to vector<256xf32>
      %broadcast_in_dim3A_131 = vector.shape_cast %reduce_max3A_130 : vector<256xf32> to vector<256x1xf32>
      %sub3A_132 = vector.broadcast %broadcast_in_dim3A_131 : vector<256x1xf32> to vector<256x768xf32>
      %sub3A_133 = arith.subf %add3A_128, %sub3A_132 : vector<256x768xf32>
      %exp3A_134 = math.exp %sub3A_133 : vector<256x768xf32>
      %reduce_sum3A_135 = arith.constant dense<0.000000e+00> : vector<256xf32>
      %reduce_sum3A_136 = vector.multi_reduction <add>, %exp3A_134, %reduce_sum3A_135 [1] : vector<256x768xf32> to vector<256xf32>
      %broadcast_in_dim3A_137 = vector.shape_cast %reduce_sum3A_136 : vector<256xf32> to vector<256x1xf32>
      %div3A_138 = vector.broadcast %broadcast_in_dim3A_137 : vector<256x1xf32> to vector<256x768xf32>
      %div3A_139 = arith.divf %exp3A_134, %div3A_138 : vector<256x768xf32>
      %mul3A_140 = vector.broadcast %slice3A_38 : vector<256x1xf32> to vector<256x768xf32>
      %mul3A_141 = arith.mulf %mul3A_140, %div3A_139 : vector<256x768xf32>
      %add3A_142 = arith.addf %add3A_88, %mul3A_141 : vector<256x768xf32>
      %swap3A = arith.constant 0 : index
      %swap3A_143 = arith.constant 0 : index
      %swap3A_144 = vector.load %arg7[%swap3A, %swap3A_143] : memref<256x768xf32, #tpu.memory_space<vmem>>, vector<256x768xf32>
      tpu.vector_store %arg7[%swap3A, %swap3A_143], %add3A_142 {strides = array<i32>} : memref<256x768xf32, #tpu.memory_space<vmem>>, vector<256x768xf32>,
    } else {
    }
    return
  }
  func.func @transform_0(%arg0: i32, %arg1: memref<2xi32, #tpu.memory_space<smem>>) -> (i32, i32) {
    %jit3A = arith.constant 16 : i32
    %div3A = arith.divsi %arg0, %jit3A : i32
    %sign3A = arith.constant 0 : i32
    %sign3A_0 = arith.cmpi sgt, %arg0, %sign3A : i32
    %sign3A_1 = arith.extui %sign3A_0 : i1 to i32
    %sign3A_2 = arith.constant 0 : i32
    %sign3A_3 = arith.cmpi slt, %arg0, %sign3A_2 : i32
    %sign3A_4 = arith.extui %sign3A_3 : i1 to i32
    %sign3A_5 = arith.subi %sign3A_1, %sign3A_4 : i32
    %sign3A_6 = arith.constant 0 : i32
    %sign3A_7 = arith.cmpi sgt, %jit3A, %sign3A_6 : i32
    %sign3A_8 = arith.extui %sign3A_7 : i1 to i32
    %sign3A_9 = arith.constant 0 : i32
    %sign3A_10 = arith.cmpi slt, %jit3A, %sign3A_9 : i32
    %sign3A_11 = arith.extui %sign3A_10 : i1 to i32
    %sign3A_12 = arith.subi %sign3A_8, %sign3A_11 : i32
    %ne3A = arith.cmpi ne, %sign3A_5, %sign3A_12 : i32
    %rem3A = arith.remsi %arg0, %jit3A : i32
    %ne3A_13 = arith.constant 0 : i32
    %ne3A_14 = arith.cmpi ne, %rem3A, %ne3A_13 : i32
    %and3A = arith.andi %ne3A, %ne3A_14 : i1
    %sub3A = arith.constant 1 : i32
    %sub3A_15 = arith.subi %div3A, %sub3A : i32
    %select_n3A = arith.select %and3A, %sub3A_15, %div3A : i32
    %mul3A = arith.constant 17 : i32
    %mul3A_16 = arith.muli %select_n3A, %mul3A : i32
    %jit3A_17 = arith.constant 16 : i32
    %eq3A = arith.constant 0 : i32
    %eq3A_18 = arith.cmpi eq, %jit3A_17, %eq3A : i32
    %jit3A_19 = arith.constant 1 : i32
    %select_n3A_20 = arith.select %eq3A_18, %jit3A_19, %jit3A_17 : i32
    %rem3A_21 = arith.remsi %arg0, %select_n3A_20 : i32
    %ne3A_22 = arith.constant 0 : i32
    %ne3A_23 = arith.cmpi ne, %rem3A_21, %ne3A_22 : i32
    %lt3A = arith.constant 0 : i32
    %lt3A_24 = arith.cmpi slt, %rem3A_21, %lt3A : i32
    %lt3A_25 = arith.constant 0 : i32
    %lt3A_26 = arith.cmpi slt, %select_n3A_20, %lt3A_25 : i32
    %ne3A_27 = arith.xori %lt3A_24, %lt3A_26 : i1
    %and3A_28 = arith.andi %ne3A_27, %ne3A_23 : i1
    %add3A = arith.addi %rem3A_21, %select_n3A_20 : i32
    %select_n3A_29 = arith.select %and3A_28, %add3A, %rem3A_21 : i32
    %jit3A_30 = arith.constant 16 : i32
    %div3A_31 = arith.divsi %arg0, %jit3A_30 : i32
    %sign3A_32 = arith.constant 0 : i32
    %sign3A_33 = arith.cmpi sgt, %arg0, %sign3A_32 : i32
    %sign3A_34 = arith.extui %sign3A_33 : i1 to i32
    %sign3A_35 = arith.constant 0 : i32
    %sign3A_36 = arith.cmpi slt, %arg0, %sign3A_35 : i32
    %sign3A_37 = arith.extui %sign3A_36 : i1 to i32
    %sign3A_38 = arith.subi %sign3A_34, %sign3A_37 : i32
    %sign3A_39 = arith.constant 0 : i32
    %sign3A_40 = arith.cmpi sgt, %jit3A_30, %sign3A_39 : i32
    %sign3A_41 = arith.extui %sign3A_40 : i1 to i32
    %sign3A_42 = arith.constant 0 : i32
    %sign3A_43 = arith.cmpi slt, %jit3A_30, %sign3A_42 : i32
    %sign3A_44 = arith.extui %sign3A_43 : i1 to i32
    %sign3A_45 = arith.subi %sign3A_41, %sign3A_44 : i32
    %ne3A_46 = arith.cmpi ne, %sign3A_38, %sign3A_45 : i32
    %rem3A_47 = arith.remsi %arg0, %jit3A_30 : i32
    %ne3A_48 = arith.constant 0 : i32
    %ne3A_49 = arith.cmpi ne, %rem3A_47, %ne3A_48 : i32
    %and3A_50 = arith.andi %ne3A_46, %ne3A_49 : i1
    %sub3A_51 = arith.constant 1 : i32
    %sub3A_52 = arith.subi %div3A_31, %sub3A_51 : i32
    %select_n3A_53 = arith.select %and3A_50, %sub3A_52, %div3A_31 : i32
    %get3A = arith.index_cast %select_n3A_53 : i32 to index
    %get3A_54 = memref.load %arg1[%get3A] : memref<2xi32, #tpu.memory_space<smem>>
    %sub3A_55 = arith.constant 1 : i32
    %sub3A_56 = arith.subi %get3A_54, %sub3A_55 : i32
    %max3A = arith.constant 0 : i32
    %max3A_57 = arith.maxsi %sub3A_56, %max3A : i32
    %jit3A_58 = arith.constant 256 : i32
    %div3A_59 = arith.divsi %max3A_57, %jit3A_58 : i32
    %sign3A_60 = arith.constant 0 : i32
    %sign3A_61 = arith.cmpi sgt, %max3A_57, %sign3A_60 : i32
    %sign3A_62 = arith.extui %sign3A_61 : i1 to i32
    %sign3A_63 = arith.constant 0 : i32
    %sign3A_64 = arith.cmpi slt, %max3A_57, %sign3A_63 : i32
    %sign3A_65 = arith.extui %sign3A_64 : i1 to i32
    %sign3A_66 = arith.subi %sign3A_62, %sign3A_65 : i32
    %sign3A_67 = arith.constant 0 : i32
    %sign3A_68 = arith.cmpi sgt, %jit3A_58, %sign3A_67 : i32
    %sign3A_69 = arith.extui %sign3A_68 : i1 to i32
    %sign3A_70 = arith.constant 0 : i32
    %sign3A_71 = arith.cmpi slt, %jit3A_58, %sign3A_70 : i32
    %sign3A_72 = arith.extui %sign3A_71 : i1 to i32
    %sign3A_73 = arith.subi %sign3A_69, %sign3A_72 : i32
    %ne3A_74 = arith.cmpi ne, %sign3A_66, %sign3A_73 : i32
    %rem3A_75 = arith.remsi %max3A_57, %jit3A_58 : i32
    %ne3A_76 = arith.constant 0 : i32
    %ne3A_77 = arith.cmpi ne, %rem3A_75, %ne3A_76 : i32
    %and3A_78 = arith.andi %ne3A_74, %ne3A_77 : i1
    %sub3A_79 = arith.constant 1 : i32
    %sub3A_80 = arith.subi %div3A_59, %sub3A_79 : i32
    %select_n3A_81 = arith.select %and3A_78, %sub3A_80, %div3A_59 : i32
    %min3A = arith.minsi %select_n3A_29, %select_n3A_81 : i32
    %add3A_82 = arith.addi %mul3A_16, %min3A : i32
    %c0_i32 = arith.constant 0 : i32
    %c0_i32_83 = arith.constant 0 : i32
    return %add3A_82, %c0_i32 : i32, i32
  }
  func.func @transform_1(%arg0: i32, %arg1: memref<2xi32, #tpu.memory_space<smem>>) -> (i32, i32, i32) {
    %c0_i32 = arith.constant 0 : i32
    %c0_i32_0 = arith.constant 0 : i32
    %c0_i32_1 = arith.constant 0 : i32
    %c0_i32_2 = arith.constant 0 : i32
    return %c0_i32, %c0_i32_0, %c0_i32_1 : i32, i32, i32
  }
  func.func @transform_2(%arg0: i32, %arg1: memref<2xi32, #tpu.memory_space<smem>>) -> (i32, i32) {
    %c0_i32 = arith.constant 0 : i32
    %c0_i32_0 = arith.constant 0 : i32
    %c0_i32_1 = arith.constant 0 : i32
    return %c0_i32, %c0_i32_0 : i32, i32
  }
  func.func @transform_3(%arg0: i32, %arg1: memref<2xi32, #tpu.memory_space<smem>>) -> (i32, i32, i32) {
    %c0_i32 = arith.constant 0 : i32
    %c0_i32_0 = arith.constant 0 : i32
    %c0_i32_1 = arith.constant 0 : i32
    %c0_i32_2 = arith.constant 0 : i32
    return %c0_i32, %c0_i32_0, %c0_i32_1 : i32, i32, i32
  }
  func.func @transform_4(%arg0: i32, %arg1: memref<2xi32, #tpu.memory_space<smem>>) -> (i32, i32) {
    %c0_i32 = arith.constant 0 : i32
    %c0_i32_0 = arith.constant 0 : i32
    %c0_i32_1 = arith.constant 0 : i32
    return %c0_i32, %c0_i32_0 : i32, i32
  }
  func.func @transform_5(%arg0: i32, %arg1: memref<2xi32, #tpu.memory_space<smem>>) -> (i32, i32) {
    %jit3A = arith.constant 16 : i32
    %div3A = arith.divsi %arg0, %jit3A : i32
    %sign3A = arith.constant 0 : i32
    %sign3A_0 = arith.cmpi sgt, %arg0, %sign3A : i32
    %sign3A_1 = arith.extui %sign3A_0 : i1 to i32
    %sign3A_2 = arith.constant 0 : i32
    %sign3A_3 = arith.cmpi slt, %arg0, %sign3A_2 : i32
    %sign3A_4 = arith.extui %sign3A_3 : i1 to i32
    %sign3A_5 = arith.subi %sign3A_1, %sign3A_4 : i32
    %sign3A_6 = arith.constant 0 : i32
    %sign3A_7 = arith.cmpi sgt, %jit3A, %sign3A_6 : i32
    %sign3A_8 = arith.extui %sign3A_7 : i1 to i32
    %sign3A_9 = arith.constant 0 : i32
    %sign3A_10 = arith.cmpi slt, %jit3A, %sign3A_9 : i32
    %sign3A_11 = arith.extui %sign3A_10 : i1 to i32
    %sign3A_12 = arith.subi %sign3A_8, %sign3A_11 : i32
    %ne3A = arith.cmpi ne, %sign3A_5, %sign3A_12 : i32
    %rem3A = arith.remsi %arg0, %jit3A : i32
    %ne3A_13 = arith.constant 0 : i32
    %ne3A_14 = arith.cmpi ne, %rem3A, %ne3A_13 : i32
    %and3A = arith.andi %ne3A, %ne3A_14 : i1
    %sub3A = arith.constant 1 : i32
    %sub3A_15 = arith.subi %div3A, %sub3A : i32
    %select_n3A = arith.select %and3A, %sub3A_15, %div3A : i32
    %mul3A = arith.constant 17 : i32
    %mul3A_16 = arith.muli %select_n3A, %mul3A : i32
    %jit3A_17 = arith.constant 16 : i32
    %eq3A = arith.constant 0 : i32
    %eq3A_18 = arith.cmpi eq, %jit3A_17, %eq3A : i32
    %jit3A_19 = arith.constant 1 : i32
    %select_n3A_20 = arith.select %eq3A_18, %jit3A_19, %jit3A_17 : i32
    %rem3A_21 = arith.remsi %arg0, %select_n3A_20 : i32
    %ne3A_22 = arith.constant 0 : i32
    %ne3A_23 = arith.cmpi ne, %rem3A_21, %ne3A_22 : i32
    %lt3A = arith.constant 0 : i32
    %lt3A_24 = arith.cmpi slt, %rem3A_21, %lt3A : i32
    %lt3A_25 = arith.constant 0 : i32
    %lt3A_26 = arith.cmpi slt, %select_n3A_20, %lt3A_25 : i32
    %ne3A_27 = arith.xori %lt3A_24, %lt3A_26 : i1
    %and3A_28 = arith.andi %ne3A_27, %ne3A_23 : i1
    %add3A = arith.addi %rem3A_21, %select_n3A_20 : i32
    %select_n3A_29 = arith.select %and3A_28, %add3A, %rem3A_21 : i32
    %jit3A_30 = arith.constant 16 : i32
    %div3A_31 = arith.divsi %arg0, %jit3A_30 : i32
    %sign3A_32 = arith.constant 0 : i32
    %sign3A_33 = arith.cmpi sgt, %arg0, %sign3A_32 : i32
    %sign3A_34 = arith.extui %sign3A_33 : i1 to i32
    %sign3A_35 = arith.constant 0 : i32
    %sign3A_36 = arith.cmpi slt, %arg0, %sign3A_35 : i32
    %sign3A_37 = arith.extui %sign3A_36 : i1 to i32
    %sign3A_38 = arith.subi %sign3A_34, %sign3A_37 : i32
    %sign3A_39 = arith.constant 0 : i32
    %sign3A_40 = arith.cmpi sgt, %jit3A_30, %sign3A_39 : i32
    %sign3A_41 = arith.extui %sign3A_40 : i1 to i32
    %sign3A_42 = arith.constant 0 : i32
    %sign3A_43 = arith.cmpi slt, %jit3A_30, %sign3A_42 : i32
    %sign3A_44 = arith.extui %sign3A_43 : i1 to i32
    %sign3A_45 = arith.subi %sign3A_41, %sign3A_44 : i32
    %ne3A_46 = arith.cmpi ne, %sign3A_38, %sign3A_45 : i32
    %rem3A_47 = arith.remsi %arg0, %jit3A_30 : i32
    %ne3A_48 = arith.constant 0 : i32
    %ne3A_49 = arith.cmpi ne, %rem3A_47, %ne3A_48 : i32
    %and3A_50 = arith.andi %ne3A_46, %ne3A_49 : i1
    %sub3A_51 = arith.constant 1 : i32
    %sub3A_52 = arith.subi %div3A_31, %sub3A_51 : i32
    %select_n3A_53 = arith.select %and3A_50, %sub3A_52, %div3A_31 : i32
    %get3A = arith.index_cast %select_n3A_53 : i32 to index
    %get3A_54 = memref.load %arg1[%get3A] : memref<2xi32, #tpu.memory_space<smem>>
    %sub3A_55 = arith.constant 1 : i32
    %sub3A_56 = arith.subi %get3A_54, %sub3A_55 : i32
    %max3A = arith.constant 0 : i32
    %max3A_57 = arith.maxsi %sub3A_56, %max3A : i32
    %jit3A_58 = arith.constant 256 : i32
    %div3A_59 = arith.divsi %max3A_57, %jit3A_58 : i32
    %sign3A_60 = arith.constant 0 : i32
    %sign3A_61 = arith.cmpi sgt, %max3A_57, %sign3A_60 : i32
    %sign3A_62 = arith.extui %sign3A_61 : i1 to i32
    %sign3A_63 = arith.constant 0 : i32
    %sign3A_64 = arith.cmpi slt, %max3A_57, %sign3A_63 : i32
    %sign3A_65 = arith.extui %sign3A_64 : i1 to i32
    %sign3A_66 = arith.subi %sign3A_62, %sign3A_65 : i32
    %sign3A_67 = arith.constant 0 : i32
    %sign3A_68 = arith.cmpi sgt, %jit3A_58, %sign3A_67 : i32
    %sign3A_69 = arith.extui %sign3A_68 : i1 to i32
    %sign3A_70 = arith.constant 0 : i32
    %sign3A_71 = arith.cmpi slt, %jit3A_58, %sign3A_70 : i32
    %sign3A_72 = arith.extui %sign3A_71 : i1 to i32
    %sign3A_73 = arith.subi %sign3A_69, %sign3A_72 : i32
    %ne3A_74 = arith.cmpi ne, %sign3A_66, %sign3A_73 : i32
    %rem3A_75 = arith.remsi %max3A_57, %jit3A_58 : i32
    %ne3A_76 = arith.constant 0 : i32
    %ne3A_77 = arith.cmpi ne, %rem3A_75, %ne3A_76 : i32
    %and3A_78 = arith.andi %ne3A_74, %ne3A_77 : i1
    %sub3A_79 = arith.constant 1 : i32
    %sub3A_80 = arith.subi %div3A_59, %sub3A_79 : i32
    %select_n3A_81 = arith.select %and3A_78, %sub3A_80, %div3A_59 : i32
    %min3A = arith.minsi %select_n3A_29, %select_n3A_81 : i32
    %add3A_82 = arith.addi %mul3A_16, %min3A : i32
    %c0_i32 = arith.constant 0 : i32
    %c0_i32_83 = arith.constant 0 : i32
    return %add3A_82, %c0_i32 : i32, i32
  }
}

</mosaic_0001>

<sc_bundles>
// kernel: kernel.6.cloned.1.call-start
scs
__scs_entry_jumppad:
0x0: {  	(pc) =	sbr.rel $0x88, $3  }
0x1: {  	(tag) =	ssettag $0x0;
	lr =	simm.s32 $0x1  }
0x2: {  	[smem:$0x3F9A] =	sst lr;
	_ =	strace $0xD0000000  }
0x3: {  	_ = 	snop  }
0x4: {  	_ = 	snop  }
0x5: {  	_ = 	snop  }
0x6: {  	_ = 	snop  }
0x7: {  	_ = 	snop  }
__scs_overlays_trampoline_lowered:
0x8: {  	[smem:$0x3FA9] =	sst s0  }
0x9: {  	[smem:$0x3FAA] =	sst s1  }
0xa: {  	[smem:$0x3FAB] =	sst s2  }
0xb: {  	[smem:$0x3FAC] =	sst s3  }
0xc: {  	[smem:$0x3FAD] =	sst s4  }
0xd: {  	[smem:$0x3FAE] =	sst s5  }
0xe: {  	[smem:$0x3FAF] =	sst s6  }
0xf: {  	[smem:$0x3FB0] =	sst s7  }
0x10: {  	[smem:$0x3FB1] =	sst s8  }
0x11: {  	[smem:$0x3FB2] =	sst s9;
	s0 =	simm.s32 @!p0 $0x0  }
0x12: {  	s1 =	sld [smem:$0x3F98];
	s0 =	simm.s32 @p0 $0x1  }
0x13: {  	[smem:$0x3FB3] =	sst s0;
	s0 =	simm.s32 @!p1 $0x0  }
0x14: {  	s2 =	sld [smem:$0x3F97];
	s0 =	simm.s32 @p1 $0x1  }
0x15: {  	[smem:$0x3FB4] =	sst s0;
	s0 =	simm.s32 @!p2 $0x0  }
0x16: {  	s3 =	sld [smem:$0x3FDB];
	s0 =	simm.s32 @p2 $0x1  }
0x17: {  	s4 =	simm.s32 $0x1BF5;
	[smem:$0x3FB6] =	sst s0  }
0x18: {  	s0 =	sld [smem:$0x3F99];
	_ =	swait.ge [sflag:s4], $0x0  }
0x19: {  	s7 =	sld [smem:$0x3F9A]  }
0x1a: {  	s8 =	sadd.s32 $0xFFFFE003, lr  }
0x1b: {  	s9 =	sadd.s32 $0xFFFFFEF7, lr;
	s5 =	simm.s32 $0xFFFFFFFF;
	p2 =	slt.u32 s8, $0xFFFFF086  }
0x1c: {  	p1 =	slt.u32 s9, $0xF7A;
	s5 =	simm.s32 @!p2 $0x0  }
0x1d: {  	s5 =	simm.s32 @p1 $0x1;
	p0 =	seq.s32 s7, s2  }
0x1e: {  	s7 =	smul.u32 @!p0 $0xF7A, s2;
	p2 =	seq.s32 @!p0 s5, $0x0  }
0x1f: {  	s9 =	smul.u32 $0xF7A, s1;
	s8 =	simm.s32 @!p0 $0x1BF5;
	p2 =	por !p2, p0  }
0x20: {  	[sflag:s8] =	ssyncset.s32 @!p0 $0xFFFFF086;
	s6 =	sadd.s32 @!p0 s3, s7;
	s7 =	simm.s32 @!p0 $0x108  }
0x21: {  	s3 =	sadd.s32 s3, s9;
	s6 =	sadd.s32 @!p0 $0x88, s6;
	s7 =	simm.s32 @p2 $0x1082  }
0x22: {  	[simem:s7], [sflag:s8] =	dma.local @!p0 [hbm:s6], $0xF7A  }
0x23: {  	s9 =	sor.u32 $0xD0000000, s2;
	s6 =	simm.s32 $0x108;
	_ =	swait.ge @!p0 [sflag:s8], $0x0  }
0x24: {  	s3 =	sadd.s32 $0x88, s3;
	s6 =	simm.s32 @!p1 $0x1082;
	[sflag:s4] =	ssyncset.s32 $0xFFFFF086  }
0x25: {  	[simem:s6], [sflag:s4] =	dma.local [hbm:s3], $0xF7A  }
0x26: {  	[smem:$0x3F9A] =	sst s1;
	(tag) =	ssettag s2;
	_ =	strace s9  }
0x27: {  	s1 =	sld [smem:$0x3FAA]  }
0x28: {  	s2 =	sld [smem:$0x3FAB]  }
0x29: {  	s4 =	sld [smem:$0x3FAD]  }
0x2a: {  	p0 =	seq.s32 s5, $0x0;
	s5 =	sld [smem:$0x3FAE]  }
0x2b: {  	s6 =	sld [smem:$0x3FAF]  }
0x2c: {  	s7 =	sld [smem:$0x3FB0]  }
0x2d: {  	s3 =	simm.s32 $0x108;
	s8 =	sld [smem:$0x3FB1]  }
0x2e: {  	s3 =	simm.s32 @!p0 $0x1082;
	s9 =	sld [smem:$0x3FB2]  }
0x2f: {  	lr =	sadd.s32 s0, s3;
	s0 =	sld [smem:$0x3FA9]  }
0x30: {  	s3 =	sld [smem:$0x3FAC]  }
0x31: {  	[smem:$0x3FB5] =	sst s10  }
0x32: {  	s10 =	sld [smem:$0x3FB3];
	_ =	sdelay $0x3  }
0x33: {  	p0 =	seq.s32 s10, $0x1;
	s10 =	sld [smem:$0x3FB5];
	_ =	sdelay $0x3  }
0x34: {  	[smem:$0x3FB5] =	sst s10  }
0x35: {  	s10 =	sld [smem:$0x3FB4];
	_ =	sdelay $0x3  }
0x36: {  	p1 =	seq.s32 s10, $0x1;
	s10 =	sld [smem:$0x3FB5];
	_ =	sdelay $0x3  }
0x37: {  	[smem:$0x3FB5] =	sst s10  }
0x38: {  	s10 =	sld [smem:$0x3FB6]  }
0x39: {  	_ = 	snop;
	(pc) =	sbr.ind lr, $3  }
0x3a: {  	_ = 	snop  }
0x3b: {  	_ = 	snop  }
0x3c: {  	p2 =	seq.s32 s10, $0x1;
	s10 =	sld [smem:$0x3FB5]  }
0x3d: {  	_ =	shalt  }
0x3e: {  	_ =	shalt  }
0x3f: {  	_ =	shalt  }
0x40: {  	_ =	shalt  }
0x41: {  	_ =	shalt  }
0x42: {  	_ =	shalt  }
0x43: {  	_ =	shalt  }
0x44: {  	_ =	shalt  }
0x45: {  	_ =	shalt  }
0x46: {  	_ =	shalt  }
0x47: {  	_ =	shalt  }
0x48: {  	_ =	shalt  }
0x49: {  	_ =	shalt  }
0x4a: {  	_ =	shalt  }
0x4b: {  	_ =	shalt  }
0x4c: {  	_ =	shalt  }
0x4d: {  	_ =	shalt  }
0x4e: {  	_ =	shalt  }
0x4f: {  	_ =	shalt  }
0x50: {  	_ =	shalt  }
0x51: {  	_ =	shalt  }
0x52: {  	_ =	shalt  }
0x53: {  	_ =	shalt  }
0x54: {  	_ =	shalt  }
0x55: {  	_ =	shalt  }
0x56: {  	_ =	shalt  }
0x57: {  	_ =	shalt  }
0x58: {  	_ =	shalt  }
0x59: {  	_ =	shalt  }
0x5a: {  	_ =	shalt  }
0x5b: {  	_ =	shalt  }
0x5c: {  	_ =	shalt  }
0x5d: {  	_ =	shalt  }
0x5e: {  	_ =	shalt  }
0x5f: {  	_ =	shalt  }
0x60: {  	_ =	shalt  }
0x61: {  	_ =	shalt  }
0x62: {  	_ =	shalt  }
0x63: {  	_ =	shalt  }
0x64: {  	_ =	shalt  }
0x65: {  	_ =	shalt  }
0x66: {  	_ =	shalt  }
0x67: {  	_ =	shalt  }
0x68: {  	_ =	shalt  }
0x69: {  	_ =	shalt  }
0x6a: {  	_ =	shalt  }
0x6b: {  	_ =	shalt  }
0x6c: {  	_ =	shalt  }
0x6d: {  	_ =	shalt  }
0x6e: {  	_ =	shalt  }
0x6f: {  	_ =	shalt  }
0x70: {  	_ =	shalt  }
0x71: {  	_ =	shalt  }
0x72: {  	_ =	shalt  }
0x73: {  	_ =	shalt  }
0x74: {  	_ =	shalt  }
0x75: {  	_ =	shalt  }
0x76: {  	_ =	shalt  }
0x77: {  	_ =	shalt  }
0x78: {  	_ =	shalt  }
0x79: {  	_ =	shalt  }
0x7a: {  	_ =	shalt  }
0x7b: {  	_ =	shalt  }
0x7c: {  	_ =	shalt  }
0x7d: {  	_ =	shalt  }
0x7e: {  	_ =	shalt  }
0x7f: {  	_ =	shalt  }
0x80: {  	_ =	shalt  }
0x81: {  	_ =	shalt  }
0x82: {  	_ =	shalt  }
0x83: {  	_ =	shalt  }
0x84: {  	_ =	shalt  }
0x85: {  	_ =	shalt  }
0x86: {  	_ =	shalt  }
0x87: {  	_ =	shalt  }
.Lfunc_end0:
.L_simem_size_0:
called_computation_lowered:
.L_overlay_start_0:
0x88: {  	s2 =	sld [smem:$0x3FD9]  }
0x89: {  	s3 =	sld [smem:$0x3FFE];
	_ =	sdelay $0x1  }
0x8a: {  	s1 =	srdreg.scid  }
0x8b: {  	s0 =	sand.u32 $0x1, s1  }
0x8c: {  	s17 =	sshll.u32 s0, $0xA;
	s2 =	sadd.s32 s3, s2  }
0x8d: {  	s2 =	sadd.s32 s2, s17  }
0x8e: {  	[smem:$0x3FC1] =	sst s2  }
0x8f: {  	_ = 	snop  }
0x90: {  	s2 =	sld [smem:$0x3FC9]  }
0x91: {  	s18 =	sld [smem:$0x3FD0];
	(tm) =	ssettm $0x1  }
0x92: {  	s4 =	sld [smem:$0x3FFB];
	_ =	sdelay $0x3  }
0x93: {  	_ =	strace s4  }
0x94: {  	s4 =	sld [smem:$0x3FFC];
	_ =	sdelay $0x3  }
0x95: {  	_ =	strace s4  }
0x96: {  	s4 =	sld [smem:$0x3FFD];
	_ =	sdelay $0x3  }
0x97: {  	_ =	strace s4  }
0x98: {  	_ =	strace $0x8FFFFFFF  }
0x99: {  	s19 =	sld [smem:$0x3FDB];
	_ =	sdelay $0x1  }
0x9a: {  	s5 =	simm.s32 $_scs_section_size  }
0x9b: {  	s6 =	simm.s32 $_size__tile_overlayer_lowered;
	s7 =	simm.s32 $_tile_overlayer_lowered  }
0x9c: {  	s22 =	simm.s32 $0x1BFF;
	s21 =	sshll.u32 s7, $0x1;
	s4 =	sadd.s32 s5, s19  }
0x9d: {  	s8 =	simm.s32 $0x0;
	s20 =	sshll.u32 s6, $0x1;
	s6 =	sadd.s32 s21, s4  }
0x9e: {  	[timem:s8], [sflag:s22] =	dma.local [hbm:s6], s20  }
0x9f: {  	_ =	swait.ge [sflag:s22], s20  }
0xa0: {  	s5 =	ssub.s32 $0x0, s20;
	[sflag:s22] =	ssyncset.done $0x0  }
0xa1: {  	[sflag:s22] =	ssyncadd.s32 s5;
	_ =	sdelay $0x1  }
0xa2: {  	s23 =	simm.s32 $0x1B8B  }
0xa3: {  	_ =	swait.ge [sflag:s23], $0x1  }
0xa4: {  	[sflag:s23] =	ssyncset.done $0x0  }
0xa5: {  	s25 =	simm.s32 $0x1B8E;
	s24 =	sld [smem:$0x3FFE];
	[sflag:s23] =	ssyncadd.s32 $0xFFFFFFFF  }
0xa6: {  	s26 =	simm.s32 $execute0_lowered;
	[smem:$0x3FD2] =	sst s25  }
0xa7: {  	s6 =	sshll.u32 s26, $0x1;
	_ =	strace $0x80000046;
	[dreg:$0x1] =	wrdreg $0xFFFFFFFF  }
0xa8: {  	s28 =	simm.s32 $_size_execute0_lowered;
	s4 =	sadd.s32 s4, s6;
	[dreg:$0x0] =	wrdreg $0x0  }
0xa9: {  	s6 =	sshll.u32 s28, $0x1;
	[dreg:$0x2] =	wrdreg s4  }
0xaa: {  	[dreg:$0x3] =	wrdreg s6  }
0xab: {  	[dreg:$0x4] =	wrdreg $0xC0  }
0xac: {  	_ =	task [dreg:s8], $0x5FFFF  }
0xad: {  	[dreg:$0x1] =	wrdreg $0xFFFFFFFF  }
0xae: {  	[dreg:$0x0] =	wrdreg $0x60  }
0xaf: {  	[dreg:$0x2] =	wrdreg s2  }
0xb0: {  	[dreg:$0x3] =	wrdreg s24  }
0xb1: {  	[dreg:$0x4] =	wrdreg s18  }
0xb2: {  	[dreg:$0x5] =	wrdreg $0x3B800  }
0xb3: {  	[dreg:$0x6] =	wrdreg $0x9  }
0xb4: {  	_ =	task.clear_ibuf [dreg:s8], $0x7FFFF;
	_ =	strace $0x90000046  }
0xb5: {  	s29 =	simm.s32 $0x9;
	_ =	strace $0x80000048  }
0xb6: {  	_ =	swait.ge [sflag:s29], $0x1  }
0xb7: {  	[sflag:s29] =	ssyncadd.s32 $0xFFFFFFFF  }
0xb8: {  	_ =	strace $0x90000048  }
0xb9: {  	_ =	sfence  }
0xba: {  	s30 =	sld [smem:$0x0];
	_ =	sdelay $0x2  }
0xbb: {  	s31 =	sshll.u32 s1, $0xD;
	s1 =	sshrl.u32 s1, $0x2  }
0xbc: {  	s3 =	sand.u32 $0x4000, s31;
	s1 =	sadd.s32 s1, s30  }
0xbd: {  	s0 =	sor.u32 s3, s0;
	s1 =	sshll.u32 s1, $0x11  }
0xbe: {  	s0 =	sor.u32 s1, s0  }
0xbf: {  	s0 =	sadd.s32 $0x8F2B, s0  }
0xc0: {  	[sflag:s0] =	ssyncadd.remote.s32 $0x1  }
0xc1: {  	_ =	sfence.sel $0xFFFF  }
0xc2: {  	[dreg:$0x0] =	wrdreg $0xFFFFFFFF;
	(pc) =	sbr.abs _section_cstart, $3  }
0xc3: {  	[dreg:$0x1] =	wrdreg $0xFFFFFFFF  }
0xc4: {  	_ =	task.clear_ibuf [dreg:s8], $0x2FFFF;
	_ =	strace $0x9FFFFFFF  }
0xc5: {  	(tm) =	ssettm $0x7FFFFFFF  }
tec
execute0_lowered:
.L_overlay_start_1:
0x0: {  	(tag) =	ssettag $0x1  }
0x1: {  	s0 =	rddreg [dreg:$0x0]  }
0x2: {  	s1 =	rddreg [dreg:$0x1]  }
0x3: {  	s3 =	rddreg [dreg:$0x2]  }
0x4: {  	s10 =	rddreg [dreg:$0x3];
	s9 =	simm.s32 $0x0  }
0x5: {  	s4 =	srdreg.scid;
	s12 =	simm.s32 $0x700;
	[smem:$0x7FF] =	sst s9  }
0x6: {  	s14 =	simm.s32 $0xA80;
	_ =	strace $0x80000047;
	[dreg:$0x7] =	wrdreg s12  }
0x7: {  	s2 =	stileid.u32;
	s15 =	simm.s32 $0xE00;
	[dreg:$0x8] =	wrdreg s14  }
0x8: {  	s16 =	simm.s32 $0x1180;
	s18 =	simm.s32 $0x1500;
	[dreg:$0x9] =	wrdreg s15  }
0x9: {  	s19 =	simm.s32 $0x1880;
	s21 =	simm.s32 $0x1C00;
	[dreg:$0xa] =	wrdreg s16  }
0xa: {  	s22 =	simm.s32 $0x1F80;
	s24 =	simm.s32 $0x2300;
	[dreg:$0xb] =	wrdreg s18  }
0xb: {  	s5 =	sand.u32 $0x1, s4;
	s25 =	sshll.u32 s2, $0x1;
	[dreg:$0xc] =	wrdreg s19  }
0xc: {  	s6 =	sshll.u32 s2, $0x9;
	s7 =	sshll.u32 s5, $0x8;
	[dreg:$0xd] =	wrdreg s21  }
0xd: {  	s8 =	sor.u32 s5, s25;
	s30 =	ssub.s32 $0x2, s5;
	[dreg:$0xe] =	wrdreg s22  }
0xe: {  	s9 =	smul.u32 $0x1100, s5;
	[dreg:$0xf] =	wrdreg s24;
	s25 =	simm.s32 $0x2680  }
0xf: {  	s26 =	sor.u32 s7, s6;
	s28 =	sshll.u32 s8, $0x5;
	s8 =	sshll.u32 s8, $0x4  }
0x10: {  	s31 =	sshrl.u32 s30, $0x1;
	[dreg:$0x10] =	wrdreg s25;
	s4 =	sshrl.u32 s26, $0x3  }
0x11: {  	s6 =	sadd.s32 s28, s1;
	[dreg:$0x16] =	wrdreg s9;
	s26 =	simm.s32 $0x2A00  }
0x12: {  	s11 =	ssub.s32 s30, s31;
	s28 =	simm.s32 $0x2D80;
	[dreg:$0x11] =	wrdreg s26  }
0x13: {  	s30 =	simm.s32 $0x3480;
	s31 =	simm.s32 $0x3800;
	[dreg:$0x12] =	wrdreg s28  }
0x14: {  	s29 =	smul.u32 $0x300, s4;
	s4 =	sadd.s32 $0x1200, s1;
	[dreg:$0x14] =	wrdreg s30  }
0x15: {  	s1 =	sadd.s32 s8, s1;
	s8 =	simm.s32 $0x380;
	[dreg:$0x15] =	wrdreg s31  }
0x16: {  	s13 =	sadd.s32 $0xE00, s6;
	[dreg:$0x6] =	wrdreg s8  }
0x17: {  	s6 =	sadd.s32 $0xA00, s6;
	[dreg:$0x17] =	wrdreg s13  }
0x18: {  	s17 =	sshll.u32 s2, $0x4;
	s23 =	smax.u32 s11, $0x1;
	[dreg:$0x18] =	wrdreg s6  }
0x19: {  	p0 =	sne.s32 s2, $0x0;
	s1 =	sadd.s32 $0xEF200, s1;
	[dreg:$0x1c] =	wrdreg s23  }
0x1a: {  	s20 =	sshll.u32 s5, $0x4;
	s0 =	sadd.s32 s29, s0;
	[dreg:$0x19] =	wrdreg s1  }
0x1b: {  	s14 =	simm.s32 $0x1;
	s1 =	sadd.s32 s17, s10;
	[dreg:$0x5] =	wrdreg s0  }
0x1c: {  	s16 =	simm.s32 $0x80;
	[dreg:$0x1a] =	wrdreg s1;
	s1 =	sadd.s32 s3, s20  }
0x1d: {  	s29 =	simm.s32 $0x3100;
	[dreg:$0x1b] =	wrdreg s1;
	s1 =	simm.s32 @!p0 $0x0  }
0x1e: {  	vm0 =	vcmask $0x704;
	s9 =	simm.s32 $0x3;
	[dreg:$0x13] =	wrdreg s29;
	s1 =	simm.s32 @p0 $0x1  }
0x1f: {  	vm1 =	vmmov $0x1;
	vm2 =	vcmask $0x3F08;
	vm3 =	vcmask $0x3F04;
	s17 =	simm.s32 $0x400;
	[smem:$0x7FD] =	sst s1;
	s1 =	simm.s32 $0x0  }
.LBB2_1:
0x20: {  	[dreg:$0x1d] =	wrdreg s1  }
0x21: {  	s0 =	simm.s32 $0x0;
	s21 =	rddreg [dreg:$0x17]  }
0x22: {  	[tilespmem:s0], [sflag:$0x3] =	stream.linear.gather [hbm4b:s21+s0], $0x100, $0x38;
	[tilespmem:$0x3B90] =	vst v63  }
0x23: {  	_ =	swait.ge [sflag:s9], $0x100  }
0x24: {  	[sflag:s9] =	ssyncset.done $0x0  }
0x25: {  	s3 =	simm.s32 $0x100;
	s22 =	rddreg [dreg:$0x18];
	[sflag:s9] =	ssyncadd.s32 $0xFFFFFF00  }
0x26: {  	[tilespmem:s3], [sflag:$0x3] =	stream.linear.gather [hbm4b:s22+s0], $0x100, $0x38;
	[tilespmem:$0x3B90] =	vst v63  }
0x27: {  	_ =	swait.ge [sflag:s9], $0x100  }
0x28: {  	[sflag:s9] =	ssyncset.done $0x0  }
0x29: {  	s23 =	simm.s32 $0x0;
	[sflag:s9] =	ssyncadd.s32 $0xFFFFFF00  }
0x2a: {  	v0 =	vld [tilespmem:s23+$0x0];
	_ =	sdelay $0x1  }
0x2b: {  	v1 =	vld [tilespmem:s23+$0x100];
	_ =	sdelay $0x2  }
0x2c: {  	(v2sf) =	vpush v0, $0xF  }
0x2d: {  	(v2sf) =	vpush v0, $0xD  }
0x2e: {  	(v2sf) =	vpush v1, $0xF  }
0x2f: {  	(v2sf) =	vpush v0, $0xC;
	_ =	sdelay $0x1  }
0x30: {  	(v2sf) =	vpush v0, $0xB;
	_ =	sdelay $0x1  }
0x31: {  	(v2sf) =	vpush v1, $0x8;
	_ =	sdelay $0x1  }
0x32: {  	(v2sf) =	vpush v1, $0x7  }
0x33: {  	(v2sf) =	vpush v0, $0xA;
	_ =	sdelay $0x1  }
0x34: {  	(v2sf) =	vpush v0, $0x9  }
0x35: {  	(v2sf) =	vpush v0, $0x8  }
0x36: {  	(v2sf) =	vpush v1, $0x9  }
0x37: {  	(v2sf) =	vpush v1, $0x6;
	s24 =	spop (v2sf)  }
0x38: {  	(v2sf) =	vpush v0, $0x7;
	s25 =	spop (v2sf)  }
0x39: {  	s26 =	spop (v2sf)  }
0x3a: {  	(v2sf) =	vpush v0, $0x6;
	s5 =	spop (v2sf)  }
0x3b: {  	(v2sf) =	vpush v0, $0x5;
	p4 =	sgt.f32 s24, $0.0e+00;
	p1 =	sgt.f32 s5, $0.0e+00  }
0x3c: {  	p0 =	sgt.f32 s25, $0.0e+00;
	s6 =	spop (v2sf)  }
0x3d: {  	p5 =	sgt.f32 s26, $0.0e+00;
	p3 =	sgt.f32 s6, $0.0e+00;
	s0 =	simm.s32 @!p1 $0x0  }
0x3e: {  	(v2sf) =	vpush v1, $0x5;
	s1 =	simm.s32 @!p0 $0x0;
	s13 =	spop (v2sf);
	s0 =	simm.s32 @p1 $0x1  }
0x3f: {  	s1 =	simm.s32 @p0 $0x1;
	[smem:$0x7F5] =	sst s0;
	s0 =	simm.s32 @!p3 $0x0  }
0x40: {  	(v2sf) =	vpush v0, $0x4;
	p0 =	por p4, p5;
	s21 =	spop (v2sf);
	s0 =	simm.s32 @p3 $0x1  }
0x41: {  	(v2sf) =	vpush v1, $0x4;
	s19 =	spop (v2sf);
	[smem:$0x7F6] =	sst s0;
	s0 =	simm.s32 @!p0 $0x0  }
0x42: {  	(v2sf) =	vpush v0, $0x3;
	s0 =	simm.s32 @p0 $0x1;
	p0 =	sgt.f32 s19, $0.0e+00  }
0x43: {  	(v2sf) =	vpush v1, $0x3;
	s20 =	spop (v2sf)  }
0x44: {  	s22 =	spop (v2sf);
	[smem:$0x7F7] =	sst s0;
	s0 =	simm.s32 @!p0 $0x0  }
0x45: {  	s23 =	spop (v2sf);
	s0 =	simm.s32 @p0 $0x1;
	p0 =	sgt.f32 s20, $0.0e+00  }
0x46: {  	s24 =	spop (v2sf)  }
0x47: {  	s29 =	spop (v2sf);
	[smem:$0x7F8] =	sst s0;
	s0 =	simm.s32 @!p0 $0x0  }
0x48: {  	s0 =	simm.s32 @p0 $0x1;
	p0 =	sgt.f32 s29, $0.0e+00  }
0x49: {  	p2 =	sgt.f32 s13, $0.0e+00;
	s30 =	spop (v2sf)  }
0x4a: {  	(v2sf) =	vpush v0, $0x2;
	p6 =	sgt.f32 s22, $0.0e+00;
	s31 =	spop (v2sf);
	s5 =	simm.s32 @!p0 $0x0  }
0x4b: {  	(v2sf) =	vpush v0, $0x0;
	s5 =	simm.s32 @p0 $0x1;
	p0 =	sgt.f32 s31, $0.0e+00  }
0x4c: {  	[smem:$0x7F4] =	sst s1;
	(v2sf) =	vpush v1, $0x2;
	s19 =	simm.s32 $0x0;
	p3 =	por p6, p2  }
0x4d: {  	(v2sf) =	vpush v0, $0x1;
	p5 =	sgt.f32 s24, $0.0e+00;
	s25 =	spop (v2sf);
	s3 =	simm.s32 @!p0 $0x0  }
0x4e: {  	(v2sf) =	vpush v1, $0x0;
	p4 =	sgt.f32 s30, $0.0e+00;
	s3 =	simm.s32 @p0 $0x1;
	p0 =	sgt.f32 s25, $0.0e+00  }
0x4f: {  	(v2sf) =	vpush v1, $0x1;
	s20 =	simm.s32 $0x40;
	s1 =	spop (v2sf);
	[smem:$0x7F9] =	sst s0  }
0x50: {  	(v2sf) =	vpush v1, $0xA;
	s6 =	spop (v2sf);
	[smem:$0x7FB] =	sst s3;
	s3 =	simm.s32 @!p0 $0x0  }
0x51: {  	(v2sf) =	vpush v1, $0xB;
	s0 =	spop (v2sf);
	[smem:$0x7FA] =	sst s5;
	s3 =	simm.s32 @p0 $0x1  }
0x52: {  	(v2sf) =	vpush v1, $0xC;
	s28 =	spop (v2sf);
	s5 =	simm.s32 $0x80;
	[smem:$0x7FC] =	sst s3  }
.LBB2_2:
0x53: {  	s13 =	sshra.s32 s20, $0x2;
	s9 =	sld [smem:$0x7F7]  }
0x54: {  	s20 =	smov.u32 s5;
	s22 =	sadd.s32 $0x40, s5;
	s11 =	sld [smem:$0x7FB]  }
0x55: {  	s25 =	simm.s32 $0x1;
	p6 =	sgt.f32 s0, $0.0e+00;
	s12 =	sld [smem:$0x7FC]  }
0x56: {  	s26 =	simm.s32 $0x1;
	p2 =	sgt.f32 s1, $0.0e+00;
	s15 =	sld [smem:$0x7F8]  }
0x57: {  	p1 =	sgt.f32 s28, $0.0e+00;
	s18 =	sld [smem:$0x7F9];
	s28 =	simm.s32 $0x1  }
0x58: {  	p0 =	por p4, p5;
	p5 =	sgt.f32 s6, $0.0e+00;
	s26 =	simm.s32 @!p3 $0x0  }
0x59: {  	v2 =	vld [tilespmem:s13+$0x0];
	s6 =	simm.s32 $0x1;
	s25 =	simm.s32 @!p0 $0x0;
	p0 =	sne.s32 s5, $0x3C0  }
0x5a: {  	v3 =	vld [tilespmem:s13+$0x100];
	s13 =	simm.s32 $0x1;
	s5 =	simm.s32 @!p0 $0x0;
	s24 =	spop (v2sf)  }
0x5b: {  	s5 =	simm.s32 @p0 $0x1;
	s3 =	spop (v2sf);
	p0 =	sgt.f32 s24, $0.0e+00  }
0x5c: {  	p1 =	por p6, p1;
	p2 =	por p2, p5;
	s29 =	spop (v2sf)  }
0x5d: {  	p3 =	seq.s32 s11, $0x1;
	s30 =	spop (v2sf);
	s7 =	simm.s32 @!p0 $0x0  }
0x5e: {  	p4 =	seq.s32 s12, $0x1;
	s7 =	simm.s32 @p0 $0x1;
	s31 =	spop (v2sf)  }
0x5f: {  	p5 =	seq.s32 s15, $0x1;
	[smem:$0x7EF] =	sst s7;
	s7 =	spop (v2sf)  }
0x60: {  	s12 =	sld [smem:$0x7F4];
	p4 =	por p3, p4;
	(v2sf) =	vpush v1, $0xD;
	p0 =	sgt.f32 s7, $0.0e+00  }
0x61: {  	p6 =	seq.s32 s18, $0x1;
	[smem:$0x7F3] =	sst s5;
	s6 =	simm.s32 @!p4 $0x0  }
0x62: {  	s24 =	simm.s32 $0x1;
	p3 =	sgt.f32 s30, $0.0e+00;
	s0 =	simm.s32 @!p0 $0x0  }
0x63: {  	s8 =	spop (v2sf);
	s0 =	simm.s32 @p0 $0x1;
	p0 =	sgt.f32 s21, $0.0e+00  }
0x64: {  	s10 =	spop (v2sf);
	[smem:$0x7EE] =	sst s0;
	s0 =	simm.s32 @!p1 $0x0  }
0x65: {  	(v2sf) =	vpush v1, $0xE;
	s21 =	sld [smem:$0x7F6];
	s1 =	simm.s32 @!p0 $0x0;
	s0 =	simm.s32 @p1 $0x1  }
0x66: {  	p1 =	seq.s32 s9, $0x1;
	s1 =	simm.s32 @p0 $0x1;
	[smem:$0x7F2] =	sst s0  }
0x67: {  	s24 =	simm.s32 @!p1 $0x0;
	p1 =	sgt.f32 s31, $0.0e+00;
	s31 =	sld [smem:$0x7EF]  }
0x68: {  	s5 =	simm.s32 $0x1;
	s30 =	spop (v2sf);
	[smem:$0x7F0] =	sst s1  }
0x69: {  	(v2sf) =	vpush v0, $0xE;
	p0 =	sgt.f32 s8, $0.0e+00;
	s1 =	simm.s32 $0x1;
	s15 =	sld [smem:$0x7F2]  }
0x6a: {  	(v2sf) =	vpush v2, $0xF;
	s1 =	simm.s32 @!p2 $0x0;
	p2 =	sgt.f32 s23, $0.0e+00;
	s7 =	simm.s32 @!p1 $0x0  }
0x6b: {  	v0 =	vmov v2;
	p0 =	por p5, p0;
	s23 =	simm.s32 $0x1;
	s8 =	sld [smem:$0x7F0]  }
0x6c: {  	(v2sf) =	vpush v0, $0xD;
	s23 =	simm.s32 @!p0 $0x0;
	p0 =	sgt.f32 s29, $0.0e+00;
	s29 =	sld [smem:$0x7EE]  }
0x6d: {  	s7 =	simm.s32 @p1 $0x1;
	p1 =	sgt.f32 s10, $0.0e+00;
	s10 =	sld [smem:$0x7F5]  }
0x6e: {  	s0 =	simm.s32 $0x1;
	[smem:$0x7F1] =	sst s7;
	p2 =	por p6, p2  }
0x6f: {  	v1 =	vmov v3;
	p6 =	seq.s32 s21, $0x1;
	s7 =	sld [smem:$0x7FA];
	s9 =	spop (v2sf)  }
0x70: {  	(v2sf) =	vpush v1, $0xF;
	s21 =	simm.s32 $0x1;
	s0 =	simm.s32 @!p2 $0x0;
	p1 =	por p6, p1  }
0x71: {  	(v2sf) =	vpush v0, $0xC;
	p6 =	seq.s32 s31, $0x1;
	s11 =	sld [smem:$0x7F1];
	p5 =	seq.s32 s29, $0x1  }
0x72: {  	(v2sf) =	vpush v0, $0xB;
	p0 =	por p6, p0;
	p6 =	seq.s32 s8, $0x1;
	p2 =	por p3, p5  }
0x73: {  	p5 =	sgt.f32 s3, $0.0e+00;
	p3 =	sgt.f32 s30, $0.0e+00;
	p4 =	seq.s32 s7, $0x1  }
0x74: {  	(v2sf) =	vpush v1, $0x8;
	s3 =	simm.s32 $0x1;
	s29 =	spop (v2sf);
	p4 =	por p4, p6  }
0x75: {  	(v2sf) =	vpush v1, $0x7;
	p6 =	seq.s32 s11, $0x1;
	s13 =	simm.s32 @!p4 $0x0;
	p4 =	seq.s32 s10, $0x1  }
0x76: {  	(v2sf) =	vpush v0, $0xA;
	s3 =	simm.s32 @!p1 $0x0;
	p1 =	por p4, p3;
	p4 =	por p5, p6  }
0x77: {  	s21 =	simm.s32 @!p2 $0x0;
	p2 =	seq.s32 s12, $0x1;
	s28 =	simm.s32 @!p4 $0x0  }
0x78: {  	s30 =	spop (v2sf);
	s19 =	sadd.s32 s28, s19;
	s28 =	simm.s32 $0x1  }
0x79: {  	(v2sf) =	vpush v0, $0x9;
	s31 =	spop (v2sf);
	p3 =	sgt.f32 s9, $0.0e+00;
	s28 =	simm.s32 @!p0 $0x0  }
0x7a: {  	s19 =	sadd.s32 s21, s19;
	s21 =	simm.s32 $0x1;
	p0 =	seq.s32 s15, $0x1  }
0x7b: {  	(v2sf) =	vpush v0, $0x8;
	s18 =	spop (v2sf);
	s21 =	simm.s32 @!p0 $0x0;
	s19 =	sadd.s32 s28, s19  }
0x7c: {  	(v2sf) =	vpush v1, $0x9;
	s5 =	simm.s32 @!p1 $0x0;
	p1 =	sgt.f32 s30, $0.0e+00;
	s19 =	sadd.s32 s21, s19  }
0x7d: {  	(v2sf) =	vpush v1, $0x6;
	p2 =	por p2, p3;
	p3 =	sgt.f32 s18, $0.0e+00;
	s1 =	sadd.s32 s1, s19  }
0x7e: {  	(v2sf) =	vpush v0, $0x7;
	p4 =	sgt.f32 s31, $0.0e+00;
	p0 =	sgt.f32 s29, $0.0e+00;
	s1 =	sadd.s32 s6, s1  }
0x7f: {  	s28 =	spop (v2sf);
	s7 =	simm.s32 @!p3 $0x0;
	s1 =	sadd.s32 s25, s1  }
0x80: {  	(v2sf) =	vpush v0, $0x6;
	s7 =	simm.s32 @p3 $0x1;
	s8 =	spop (v2sf);
	s1 =	sadd.s32 s13, s1  }
0x81: {  	(v2sf) =	vpush v0, $0x5;
	[smem:$0x7F4] =	sst s7;
	s9 =	spop (v2sf);
	s1 =	sadd.s32 s26, s1  }
0x82: {  	p3 =	sgt.f32 s8, $0.0e+00;
	p0 =	por p1, p0;
	s0 =	sadd.s32 s0, s1  }
0x83: {  	s10 =	spop (v2sf);
	p5 =	sgt.f32 s9, $0.0e+00;
	s0 =	sadd.s32 s23, s0  }
0x84: {  	(v2sf) =	vpush v1, $0x5;
	s7 =	simm.s32 @!p3 $0x0;
	s21 =	spop (v2sf);
	s0 =	sadd.s32 s3, s0  }
0x85: {  	s11 =	spop (v2sf);
	s0 =	sadd.s32 s5, s0;
	s5 =	simm.s32 $0x1  }
0x86: {  	s7 =	simm.s32 @p3 $0x1;
	s5 =	simm.s32 @!p0 $0x0;
	p0 =	sgt.f32 s11, $0.0e+00  }
0x87: {  	s6 =	simm.s32 $0x1;
	p3 =	sgt.f32 s28, $0.0e+00;
	[smem:$0x7F5] =	sst s7  }
0x88: {  	s12 =	spop (v2sf);
	s1 =	simm.s32 @!p5 $0x0;
	s7 =	simm.s32 @!p0 $0x0  }
0x89: {  	s1 =	simm.s32 @p5 $0x1;
	s7 =	simm.s32 @p0 $0x1;
	p0 =	por p4, p3  }
0x8a: {  	(v2sf) =	vpush v0, $0x4;
	s15 =	spop (v2sf);
	[smem:$0x7F6] =	sst s1;
	s1 =	simm.s32 @!p0 $0x0  }
0x8b: {  	(v2sf) =	vpush v1, $0x4;
	s23 =	spop (v2sf);
	s1 =	simm.s32 @p0 $0x1;
	p0 =	sgt.f32 s12, $0.0e+00  }
0x8c: {  	(v2sf) =	vpush v0, $0x3;
	s6 =	simm.s32 @!p2 $0x0;
	s18 =	spop (v2sf)  }
0x8d: {  	(v2sf) =	vpush v1, $0x3;
	s25 =	spop (v2sf);
	s0 =	sadd.s32 s6, s0;
	s6 =	simm.s32 @!p0 $0x0  }
0x8e: {  	s6 =	simm.s32 @p0 $0x1;
	p0 =	sgt.f32 s25, $0.0e+00  }
0x8f: {  	s26 =	spop (v2sf)  }
0x90: {  	s29 =	spop (v2sf);
	s0 =	sadd.s32 s5, s0;
	s5 =	simm.s32 @!p0 $0x0  }
0x91: {  	s5 =	simm.s32 @p0 $0x1;
	p0 =	sgt.f32 s29, $0.0e+00;
	_ =	sdelay $0x1  }
0x92: {  	s30 =	spop (v2sf);
	s19 =	sadd.s32 s24, s0;
	s0 =	simm.s32 @!p0 $0x0  }
0x93: {  	s31 =	sld [smem:$0x7F3];
	(v2sf) =	vpush v0, $0x2;
	s0 =	simm.s32 @p0 $0x1;
	p0 =	sgt.f32 s30, $0.0e+00  }
0x94: {  	(v2sf) =	vpush v0, $0x0;
	p6 =	sgt.f32 s10, $0.0e+00;
	p1 =	sgt.f32 s15, $0.0e+00  }
0x95: {  	(v2sf) =	vpush v1, $0x2;
	p5 =	sgt.f32 s18, $0.0e+00;
	p4 =	sgt.f32 s26, $0.0e+00;
	s3 =	simm.s32 @!p0 $0x0  }
0x96: {  	(v2sf) =	vpush v0, $0x1;
	[smem:$0x7F8] =	sst s7;
	s3 =	simm.s32 @p0 $0x1;
	p0 =	seq.s32 s31, $0x1  }
.Ltmp0:
0x97: {  	(v2sf) =	vpush v1, $0x0;
	[smem:$0x7F7] =	sst s1;
	(pc) =	sbr.rel @p0 .LBB2_2-.Ltmp0, $4  }
0x98: {  	(v2sf) =	vpush v1, $0x1;
	s1 =	spop (v2sf);
	[smem:$0x7F9] =	sst s6  }
0x99: {  	(v2sf) =	vpush v1, $0xA;
	s6 =	spop (v2sf);
	[smem:$0x7FA] =	sst s5  }
0x9a: {  	(v2sf) =	vpush v1, $0xB;
	p3 =	por p1, p6;
	[smem:$0x7FB] =	sst s0;
	s0 =	spop (v2sf)  }
0x9b: {  	s5 =	smov.u32 s22;
	s28 =	spop (v2sf);
	(v2sf) =	vpush v1, $0xC;
	[smem:$0x7FC] =	sst s3  }
0x9c: {  	p2 =	sgt.f32 s23, $0.0e+00;
	s23 =	sld [smem:$0x7F7]  }
0x9d: {  	s13 =	sshra.s32 s20, $0x2;
	(v2sf) =	vpush v1, $0xD;
	s25 =	sld [smem:$0x7F8]  }
0x9e: {  	p0 =	por p4, p5;
	s22 =	simm.s32 $0x1;
	s26 =	sld [smem:$0x7F9]  }
0x9f: {  	s24 =	simm.s32 $0x1;
	p4 =	sgt.f32 s6, $0.0e+00;
	s8 =	sld [smem:$0x7FB]  }
0xa0: {  	p1 =	sgt.f32 s1, $0.0e+00;
	s20 =	simm.s32 $0x1;
	s9 =	sld [smem:$0x7FC];
	(v2sf) =	vpush v1, $0xE  }
0xa1: {  	s30 =	simm.s32 $0x1;
	s10 =	sld [smem:$0x7F6];
	s1 =	simm.s32 $0x1  }
0xa2: {  	s6 =	simm.s32 $0x1;
	s22 =	simm.s32 @!p0 $0x0;
	s7 =	spop (v2sf)  }
0xa3: {  	s24 =	simm.s32 @!p3 $0x0;
	p0 =	por p1, p4;
	s3 =	spop (v2sf)  }
0xa4: {  	p3 =	seq.s32 s23, $0x1;
	s30 =	simm.s32 @!p0 $0x0;
	s5 =	spop (v2sf)  }
0xa5: {  	v2 =	vld [tilespmem:s13+$0x0];
	p6 =	seq.s32 s25, $0x1;
	s25 =	simm.s32 $0x1;
	s29 =	spop (v2sf)  }
0xa6: {  	v3 =	vld [tilespmem:s13+$0x100];
	s20 =	simm.s32 @!p3 $0x0;
	p3 =	seq.s32 s26, $0x1;
	s13 =	spop (v2sf)  }
0xa7: {  	s26 =	simm.s32 $0x1;
	p1 =	por p3, p2;
	s15 =	spop (v2sf)  }
0xa8: {  	s26 =	simm.s32 @!p1 $0x0;
	p1 =	sgt.f32 s7, $0.0e+00;
	s18 =	spop (v2sf)  }
0xa9: {  	p4 =	seq.s32 s8, $0x1;
	p5 =	sgt.f32 s18, $0.0e+00;
	s31 =	spop (v2sf)  }
0xaa: {  	s23 =	simm.s32 $0x1;
	(v2sf) =	vpush v0, $0xE;
	p2 =	sgt.f32 s31, $0.0e+00;
	s11 =	spop (v2sf)  }
0xab: {  	(v2sf) =	vpush v2, $0xF;
	p0 =	por p6, p5;
	p5 =	seq.s32 s9, $0x1;
	p6 =	seq.s32 s10, $0x1  }
0xac: {  	(v2sf) =	vpush v2, $0xD;
	s12 =	spop (v2sf);
	p3 =	por p4, p5;
	s25 =	simm.s32 @!p0 $0x0  }
0xad: {  	(v2sf) =	vpush v3, $0xF;
	p0 =	por p6, p2;
	p2 =	sgt.f32 s0, $0.0e+00;
	p4 =	sgt.f32 s28, $0.0e+00  }
0xae: {  	(v2sf) =	vpush v2, $0xC;
	s9 =	simm.s32 $0x1;
	p5 =	sgt.f32 s15, $0.0e+00;
	p6 =	sgt.f32 s29, $0.0e+00  }
0xaf: {  	(v2sf) =	vpush v2, $0xB;
	s10 =	simm.s32 $0x1;
	s15 =	sld [smem:$0x7FA];
	s7 =	spop (v2sf)  }
0xb0: {  	(v2sf) =	vpush v3, $0x8;
	s28 =	sld [smem:$0x7F5];
	s1 =	simm.s32 @!p3 $0x0;
	s23 =	simm.s32 @!p0 $0x0  }
0xb1: {  	(v2sf) =	vpush v3, $0x7;
	p0 =	por p2, p4;
	p2 =	por p6, p5;
	p4 =	sgt.f32 s13, $0.0e+00  }
0xb2: {  	(v2sf) =	vpush v2, $0xA;
	p5 =	sgt.f32 s5, $0.0e+00;
	s13 =	simm.s32 $0x1;
	s0 =	simm.s32 @!p0 $0x0  }
0xb3: {  	(v2sf) =	vpush v2, $0x9;
	p6 =	seq.s32 s15, $0x1;
	s6 =	simm.s32 @!p2 $0x0;
	s15 =	simm.s32 $0x1  }
0xb4: {  	(v2sf) =	vpush v2, $0x8;
	s0 =	simm.s32 @p0 $0x1;
	p0 =	sgt.f32 s21, $0.0e+00;
	p1 =	por p1, p5  }
0xb5: {  	p5 =	seq.s32 s28, $0x1;
	[smem:$0x7EB] =	sst s0;
	(v2sf) =	vpush v3, $0x9;
	s9 =	simm.s32 @!p1 $0x0  }
0xb6: {  	s0 =	simm.s32 $0x1;
	(v2sf) =	vpush v3, $0x6;
	p3 =	por p6, p0;
	p6 =	sgt.f32 s3, $0.0e+00  }
0xb7: {  	p0 =	sgt.f32 s11, $0.0e+00;
	s31 =	sld [smem:$0x7EB];
	(v2sf) =	vpush v2, $0x7;
	s13 =	simm.s32 @!p3 $0x0  }
0xb8: {  	(v2sf) =	vpush v2, $0x6;
	p4 =	por p6, p4;
	p6 =	sgt.f32 s12, $0.0e+00;
	s12 =	sld [smem:$0x7F4]  }
0xb9: {  	s18 =	spop (v2sf);
	p0 =	por p5, p0;
	(v2sf) =	vpush v2, $0x5;
	s15 =	simm.s32 @!p4 $0x0  }
0xba: {  	p5 =	sgt.f32 s7, $0.0e+00;
	s3 =	spop (v2sf);
	s15 =	sadd.s32 s15, s19  }
0xbb: {  	(v2sf) =	vpush v3, $0x5;
	s29 =	spop (v2sf);
	p4 =	seq.s32 s12, $0x1;
	s15 =	sadd.s32 s6, s15  }
0xbc: {  	(v2sf) =	vpush v2, $0x4;
	[dreg:$0x1e] =	wrdreg s29;
	s29 =	simm.s32 $0x1;
	s8 =	spop (v2sf)  }
0xbd: {  	(v2sf) =	vpush v3, $0x4;
	s9 =	sadd.s32 s9, s15;
	s29 =	simm.s32 @!p0 $0x0;
	s28 =	spop (v2sf)  }
0xbe: {  	p0 =	seq.s32 s31, $0x1;
	p1 =	sgt.f32 s8, $0.0e+00;
	s21 =	spop (v2sf)  }
0xbf: {  	(v2sf) =	vpush v2, $0x3;
	s10 =	simm.s32 @!p0 $0x0;
	p0 =	por p4, p6;
	s11 =	spop (v2sf)  }
0xc0: {  	(v2sf) =	vpush v3, $0x3;
	p6 =	sgt.f32 s18, $0.0e+00;
	s0 =	simm.s32 @!p0 $0x0;
	s31 =	spop (v2sf)  }
0xc1: {  	(v2sf) =	vpush v2, $0x2;
	p0 =	sgt.f32 s3, $0.0e+00;
	s3 =	simm.s32 $0x1;
	s7 =	spop (v2sf)  }
0xc2: {  	(v2sf) =	vpush v2, $0x0;
	p4 =	sgt.f32 s11, $0.0e+00;
	p2 =	por p6, p5;
	s18 =	spop (v2sf)  }
0xc3: {  	(v2sf) =	vpush v3, $0x2;
	s3 =	simm.s32 @!p2 $0x0;
	p2 =	sgt.f32 s7, $0.0e+00;
	s12 =	spop (v2sf)  }
0xc4: {  	p0 =	por p0, p1;
	(v2sf) =	vpush v2, $0x1;
	p1 =	sgt.f32 s18, $0.0e+00;
	s5 =	spop (v2sf)  }
0xc5: {  	s9 =	sadd.s32 s10, s9;
	(v2sf) =	vpush v3, $0x0;
	p6 =	sgt.f32 s12, $0.0e+00;
	s8 =	spop (v2sf)  }
0xc6: {  	s9 =	sadd.s32 s30, s9;
	s6 =	spop (v2sf);
	p5 =	sgt.f32 s8, $0.0e+00  }
0xc7: {  	(v2sf) =	vpush v3, $0x1;
	s8 =	sadd.s32 s1, s9;
	s1 =	simm.s32 $0x1;
	s19 =	spop (v2sf)  }
0xc8: {  	(v2sf) =	vpush v3, $0xA;
	p4 =	por p6, p4;
	s22 =	sadd.s32 s22, s8;
	s15 =	spop (v2sf)  }
0xc9: {  	p3 =	sgt.f32 s19, $0.0e+00;
	s7 =	sadd.s32 s13, s22;
	s13 =	simm.s32 @!p0 $0x0  }
0xca: {  	s10 =	spop (v2sf);
	s7 =	sadd.s32 s24, s7;
	s13 =	simm.s32 @p0 $0x1  }
0xcb: {  	(v2sf) =	vpush v3, $0xB;
	s11 =	spop (v2sf);
	p5 =	por p3, p5;
	p3 =	sgt.f32 s15, $0.0e+00  }
0xcc: {  	[smem:$0x7ED] =	sst s13;
	s7 =	sadd.s32 s26, s7;
	s19 =	spop (v2sf)  }
0xcd: {  	s1 =	simm.s32 @!p5 $0x0;
	p6 =	sgt.f32 s11, $0.0e+00;
	s25 =	sadd.s32 s25, s7  }
0xce: {  	s9 =	spop (v2sf);
	p5 =	sgt.f32 s19, $0.0e+00;
	s19 =	simm.s32 $0x1  }
0xcf: {  	s12 =	spop (v2sf);
	s19 =	simm.s32 @!p4 $0x0;
	p4 =	sgt.f32 s9, $0.0e+00  }
0xd0: {  	s7 =	simm.s32 $0x1;
	s15 =	spop (v2sf);
	p0 =	sgt.f32 s12, $0.0e+00  }
0xd1: {  	p5 =	por p6, p5;
	p6 =	sgt.f32 s10, $0.0e+00;
	s30 =	spop (v2sf)  }
0xd2: {  	(v2sf) =	vpush v3, $0xC;
	s10 =	simm.s32 $0x1;
	s12 =	simm.s32 $0x1;
	s8 =	spop (v2sf)  }
0xd3: {  	s10 =	simm.s32 @!p5 $0x0;
	p0 =	por p4, p0;
	s9 =	spop (v2sf)  }
0xd4: {  	p3 =	por p3, p6;
	s13 =	simm.s32 @!p0 $0x0;
	s11 =	spop (v2sf)  }
0xd5: {  	s13 =	simm.s32 @p0 $0x1;
	p0 =	sgt.f32 s5, $0.0e+00;
	s5 =	sadd.s32 s23, s25  }
0xd6: {  	s22 =	spop (v2sf);
	[smem:$0x7EC] =	sst s13;
	s5 =	sadd.s32 s29, s5  }
0xd7: {  	(v2sf) =	vpush v3, $0xD;
	s24 =	spop (v2sf);
	p5 =	por p1, p0;
	p0 =	sgt.f32 s22, $0.0e+00  }
0xd8: {  	p1 =	sgt.f32 s9, $0.0e+00;
	s9 =	simm.s32 $0x1;
	s0 =	sadd.s32 s0, s5  }
0xd9: {  	s5 =	simm.s32 $0x1;
	p4 =	sgt.f32 s24, $0.0e+00;
	s12 =	simm.s32 @!p5 $0x0  }
0xda: {  	s9 =	simm.s32 @!p3 $0x0;
	p3 =	sgt.f32 s11, $0.0e+00;
	s26 =	spop (v2sf)  }
0xdb: {  	p2 =	por p2, p4;
	p4 =	sgt.f32 s21, $0.0e+00;
	p6 =	sgt.f32 s26, $0.0e+00  }
0xdc: {  	(v2sf) =	vpush v3, $0xE;
	s0 =	sadd.s32 s3, s0;
	s3 =	simm.s32 $0x1;
	s7 =	simm.s32 @!p2 $0x0  }
0xdd: {  	(v2sf) =	vpush v2, $0xE;
	p2 =	por p4, p6;
	p6 =	sgt.f32 s15, $0.0e+00;
	p4 =	sgt.f32 s8, $0.0e+00  }
0xde: {  	s11 =	sld [smem:$0x7EC];
	p1 =	por p1, p0;
	p0 =	sgt.f32 s31, $0.0e+00  }
0xdf: {  	s0 =	sadd.s32 s20, s0;
	p5 =	por p6, p4;
	p4 =	sgt.f32 s30, $0.0e+00  }
0xe0: {  	s20 =	sld [smem:$0x7ED];
	s3 =	simm.s32 @!p1 $0x0;
	p1 =	sgt.f32 s28, $0.0e+00  }
0xe1: {  	s13 =	spop (v2sf);
	p6 =	sgt.f32 s6, $0.0e+00;
	p4 =	por p4, p3  }
0xe2: {  	s8 =	rddreg [dreg:$0x1e];
	s6 =	simm.s32 $0x1;
	s5 =	simm.s32 @!p4 $0x0  }
0xe3: {  	s6 =	simm.s32 @!p5 $0x0;
	p3 =	por p6, p0;
	s0 =	sadd.s32 s5, s0  }
0xe4: {  	p0 =	seq.s32 s11, $0x1;
	s0 =	sadd.s32 s3, s0;
	s3 =	simm.s32 $0x1  }
0xe5: {  	p5 =	sgt.f32 s13, $0.0e+00;
	s3 =	simm.s32 @!p0 $0x0;
	s0 =	sadd.s32 s6, s0  }
0xe6: {  	s15 =	spop (v2sf);
	p4 =	sgt.f32 s8, $0.0e+00;
	s0 =	sadd.s32 s3, s0  }
0xe7: {  	p6 =	sgt.f32 s15, $0.0e+00;
	s5 =	simm.s32 $0x1;
	s0 =	sadd.s32 s10, s0  }
0xe8: {  	s5 =	simm.s32 @!p3 $0x0;
	s6 =	simm.s32 $0x1;
	s0 =	sadd.s32 s9, s0  }
0xe9: {  	p0 =	por p1, p5;
	p1 =	por p4, p6;
	s0 =	sadd.s32 s1, s0  }
0xea: {  	s6 =	simm.s32 @!p2 $0x0;
	s3 =	simm.s32 $0x1;
	s0 =	sadd.s32 s5, s0  }
0xeb: {  	s18 =	spop (v2sf);
	s3 =	simm.s32 @!p1 $0x0;
	s0 =	sadd.s32 s19, s0  }
0xec: {  	p3 =	sgt.f32 s18, $0.0e+00;
	s19 =	spop (v2sf);
	s0 =	sadd.s32 s12, s0  }
0xed: {  	s1 =	simm.s32 $0x1;
	p4 =	sgt.f32 s19, $0.0e+00;
	s0 =	sadd.s32 s7, s0  }
0xee: {  	s1 =	simm.s32 @!p0 $0x0;
	s5 =	simm.s32 $0x1;
	s0 =	sadd.s32 s6, s0  }
0xef: {  	p0 =	por p4, p3;
	s0 =	sadd.s32 s1, s0;
	s1 =	simm.s32 $0x1  }
0xf0: {  	s1 =	simm.s32 @!p0 $0x0;
	s0 =	sadd.s32 s3, s0;
	p0 =	seq.s32 s20, $0x1  }
0xf1: {  	s5 =	simm.s32 @!p0 $0x0;
	s0 =	sadd.s32 s1, s0  }
0xf2: {  	s0 =	sadd.s32 s5, s0  }
0xf3: {  	s22 =	simm.s32 $0x300;
	v0 =	vmov s0  }
0xf4: {  	s21 =	rddreg [dreg:$0x19];
	s9 =	simm.s32 $0x3;
	s0 =	simm.s32 $0x0;
	[tilespmem:$0x300] =	vst v0  }
0xf5: {  	[hbm4b:s21+s0] =	stream.linear.scatter [tilespmem:s22], [sflag:$0x3], $0x80, $0x38;
	[tilespmem:$0x3B90] =	vst v63  }
0xf6: {  	_ =	swait.ge [sflag:s9], $0x80  }
0xf7: {  	[sflag:s9] =	ssyncset.done $0x0  }
0xf8: {  	s23 =	rddreg [dreg:$0x1a];
	[sflag:s9] =	ssyncadd.s32 $0xFFFFFF80  }
0xf9: {  	[spmem:s23] =	stream.linear.scatter [tilespmem:s22], [sflag:$0x3], $0x10, $0x38;
	[tilespmem:$0x3B90] =	vst v63  }
0xfa: {  	_ =	swait.ge [sflag:s9], $0x10  }
0xfb: {  	[sflag:s9] =	ssyncset.done $0x0  }
0xfc: {  	[sflag:s9] =	ssyncadd.s32 $0xFFFFFFF0  }
0xfd: {  	[bflag:$0x0] =	sbarrier.arrive $0xFFFF  }
0xfe: {  	s24 =	simm.s32 $0x200;
	s25 =	rddreg [dreg:$0x3]  }
0xff: {  	[tilespmem:s24], [sflag:$0x3] =	stream.linear.gather [spmem:s25], $0x100, $0x38;
	[tilespmem:$0x3B90] =	vst v63  }
0x100: {  	_ =	swait.ge [sflag:s9], $0x100  }
0x101: {  	[sflag:s9] =	ssyncset.done $0x0  }
0x102: {  	[sflag:s9] =	ssyncadd.s32 $0xFFFFFF00  }
0x103: {  	v0 =	vld [tilespmem:s24+$0x0];
	_ =	sdelay $0x4  }
0x104: {  	(v2sf) =	vpush v0, $0x0;
	_ =	sdelay $0x4  }
0x105: {  	s26 =	simm.s32 $0x210  }
0x106: {  	v0 =	vld [tilespmem:s26+$0x0];
	_ =	sdelay $0x2  }
0x107: {  	s29 =	simm.s32 $0x220  }
0x108: {  	v1 =	vld [tilespmem:s29+$0x0]  }
0x109: {  	(v2sf) =	vpush v0, $0x0;
	_ =	sdelay $0x3  }
0x10a: {  	s28 =	spop (v2sf);
	(v2sf) =	vpush v1, $0x0  }
0x10b: {  	s19 =	simm.s32 $0x3;
	s20 =	simm.s32 $0x2  }
0x10c: {  	s3 =	simm.s32 $0x4;
	s1 =	simm.s32 $0x230;
	s5 =	sadd.s32 $0xF, s28  }
0x10d: {  	s21 =	simm.s32 $0x0;
	s22 =	simm.s32 $0x1;
	s30 =	sand.u32 $0xF, s5  }
0x10e: {  	p5 =	slt.s32 s5, $0x1;
	s31 =	sshra.s32 s5, $0x1F;
	p6 =	sne.s32 s30, $0x0  }
0x10f: {  	s23 =	simm.s32 $0x0;
	v0 =	vld [tilespmem:s1+$0x0];
	s6 =	sshrl.u32 s31, $0x1C;
	p1 =	por !p5, !p6  }
.LBB2_4:
0x110: {  	p0 =	sne.s32 s3, $0xF  }
0x111: {  	s5 =	sadd.s32 s6, s5;
	p1 =	por !p1, !p1;
	s6 =	smov.u32 s0  }
0x112: {  	s0 =	smov.u32 s22;
	s22 =	smov.u32 s20;
	s7 =	simm.s32 $0x1  }
0x113: {  	s20 =	smov.u32 s19;
	s5 =	sshrl.u32 s5, $0x4;
	s7 =	simm.s32 @!p1 $0x0  }
0x114: {  	s19 =	smov.u32 s3;
	p1 =	slt.u32 s6, s2;
	s5 =	ssub.s32 s5, s7  }
.Ltmp1:
0x115: {  	s7 =	spop (v2sf);
	s8 =	sshll.u32 s5, $0x4;
	(pc) =	sbr.rel @p0 .LBB2_4-.Ltmp1, $4  }
0x116: {  	(v2sf) =	vpush v0, $0x0;
	s5 =	sadd.s32 $0xF, s7;
	s23 =	sadd.s32 s23, s8;
	s8 =	simm.s32 @!p1 $0x0  }
0x117: {  	s1 =	sadd.s32 $0x10, s1;
	s6 =	sand.u32 $0xF, s5;
	s21 =	sadd.s32 s21, s8  }
0x118: {  	s7 =	sshra.s32 s5, $0x1F;
	p1 =	slt.s32 s5, $0x1;
	p2 =	sne.s32 s6, $0x0  }
0x119: {  	s3 =	sadd.s32 $0x1, s3;
	s6 =	sshrl.u32 s7, $0x1C;
	v0 =	vld [tilespmem:s1+$0x0];
	p1 =	por !p1, !p2  }
0x11a: {  	_ =	sdelay $0x3  }
0x11b: {  	(v2sf) =	vpush v0, $0x0;
	_ =	sdelay $0x2  }
0x11c: {  	s1 =	spop (v2sf);
	s3 =	sadd.s32 s6, s5  }
0x11d: {  	p0 =	por !p1, !p1;
	s5 =	simm.s32 $0x1;
	s7 =	simm.s32 $0x1  }
0x11e: {  	s30 =	sld [smem:$0x7FD];
	s3 =	sshrl.u32 s3, $0x4;
	s5 =	simm.s32 @!p0 $0x0  }
0x11f: {  	s1 =	sadd.s32 $0xF, s1;
	p0 =	slt.u32 s0, s2;
	s3 =	ssub.s32 s3, s5  }
0x120: {  	s10 =	sand.u32 $0xF, s1;
	s11 =	sshra.s32 s1, $0x1F;
	p3 =	slt.s32 s1, $0x1  }
0x121: {  	p2 =	sne.s32 s10, $0x0;
	s12 =	sshrl.u32 s11, $0x1C;
	s3 =	sshll.u32 s3, $0x4  }
0x122: {  	p1 =	por !p3, !p2;
	s13 =	sadd.s32 s12, s1;
	s1 =	simm.s32 $0x1  }
0x123: {  	s29 =	sadd.s32 s23, s3;
	s3 =	simm.s32 @!p0 $0x0;
	p0 =	slt.u32 s20, s2  }
0x124: {  	s20 =	simm.s32 $0x0;
	p1 =	por !p1, !p1;
	s15 =	spop (v2sf)  }
0x125: {  	s0 =	sshrl.u32 s13, $0x4;
	s1 =	simm.s32 @!p1 $0x0;
	s5 =	sadd.s32 $0xF, s15  }
0x126: {  	s0 =	ssub.s32 s0, s1;
	s18 =	sand.u32 $0xF, s5;
	s24 =	sshra.s32 s5, $0x1F  }
0x127: {  	p4 =	slt.s32 s5, $0x1;
	p5 =	sne.s32 s18, $0x0;
	s6 =	sshrl.u32 s24, $0x1C  }
0x128: {  	p1 =	por !p4, !p5;
	s5 =	sadd.s32 s6, s5;
	s25 =	spop (v2sf)  }
0x129: {  	s6 =	simm.s32 $0x1;
	p1 =	por !p1, !p1;
	s1 =	sadd.s32 $0xF, s25  }
0x12a: {  	s5 =	sshrl.u32 s5, $0x4;
	s6 =	simm.s32 @!p1 $0x0;
	s26 =	sand.u32 $0xF, s1  }
0x12b: {  	p3 =	slt.s32 s1, $0x1;
	s28 =	sshra.s32 s1, $0x1F;
	p6 =	sne.s32 s26, $0x0  }
0x12c: {  	s5 =	ssub.s32 s5, s6;
	s6 =	sshrl.u32 s28, $0x1C;
	p2 =	por !p3, !p6  }
0x12d: {  	s3 =	sadd.s32 s21, s3;
	s1 =	sadd.s32 s6, s1;
	p2 =	por !p2, !p2  }
0x12e: {  	s0 =	sshll.u32 s0, $0x4;
	s1 =	sshrl.u32 s1, $0x4;
	s7 =	simm.s32 @!p2 $0x0  }
0x12f: {  	s5 =	sshll.u32 s5, $0x4;
	s6 =	sadd.s32 s29, s0;
	s1 =	ssub.s32 s1, s7  }
0x130: {  	p1 =	slt.u32 s22, s2;
	s6 =	sadd.s32 s6, s5;
	s1 =	sshll.u32 s1, $0x4  }
0x131: {  	s0 =	simm.s32 @!p1 $0x0;
	p1 =	seq.s32 s30, $0x1;
	s6 =	sadd.s32 s6, s1  }
0x132: {  	s23 =	simm.s32 $0x0;
	s21 =	simm.s32 $0x100;
	s0 =	sadd.s32 s3, s0;
	v0 =	vmov @!p1 s6  }
0x133: {  	s3 =	simm.s32 @!p1 $0x0;
	s7 =	rddreg [dreg:$0x1b];
	s6 =	simm.s32 @!p1 $0x300;
	[tilespmem:$0x300] =	vst @!p1 v0  }
0x134: {  	[hbm4b:s7+s3] =	stream.linear.scatter @!p1 [tilespmem:s6], [sflag:$0x3], $0x80, $0x38;
	[tilespmem:$0x3B90] =	vst v63  }
0x135: {  	s5 =	simm.s32 @!p0 $0x0;
	p0 =	slt.u32 s19, s2;
	s3 =	simm.s32 @!p1 $0x3  }
0x136: {  	s0 =	sadd.s32 s0, s5;
	s1 =	simm.s32 @!p0 $0x0;
	_ =	swait.ge @!p1 [sflag:s3], $0x80  }
0x137: {  	s0 =	sadd.s32 s0, s1;
	[sflag:s3] =	ssyncset.done @!p1 $0x0;
	s31 =	rddreg [dreg:$0x16]  }
0x138: {  	s22 =	simm.s32 $0x0;
	s19 =	sadd.s32 s31, s0;
	[sflag:s3] =	ssyncadd.s32 @!p1 $0xFFFFFF80  }
.LBB2_6:
0x139: {  	s0 =	rddreg [dreg:$0x5]  }
0x13a: {  	s1 =	rddreg [dreg:$0x6];
	v1 =	vld [tilespmem:s20+$0x0];
	s0 =	sadd.s32 s22, s0  }
0x13b: {  	v0 =	vld [tilespmem:s21+$0x0];
	[tilespmem:s1], [sflag:$0x1] =	stream.strided.gather [hbm4b:s0+s16], $0x300, s17, s16, $0x38  }
0x13c: {  	s3 =	rddreg [dreg:$0x7];
	s31 =	sadd.s32 $0x10, s0  }
0x13d: {  	[tilespmem:s3], [sflag:$0x1] =	stream.strided.gather [hbm4b:s31+s16], $0x300, s17, s16, $0x38;
	[tilespmem:$0x3B90] =	vst v63  }
0x13e: {  	s5 =	rddreg [dreg:$0x8];
	s6 =	sadd.s32 $0x20, s0  }
0x13f: {  	[tilespmem:s5], [sflag:$0x1] =	stream.strided.gather [hbm4b:s6+s16], $0x300, s17, s16, $0x38;
	[tilespmem:$0x3B90] =	vst v63  }
0x140: {  	s7 =	rddreg [dreg:$0x9];
	s8 =	sadd.s32 $0x30, s0  }
0x141: {  	[tilespmem:s7], [sflag:$0x1] =	stream.strided.gather [hbm4b:s8+s16], $0x300, s17, s16, $0x38;
	[tilespmem:$0x3B90] =	vst v63  }
0x142: {  	s10 =	rddreg [dreg:$0xa];
	s11 =	sadd.s32 $0x40, s0  }
0x143: {  	[tilespmem:s10], [sflag:$0x1] =	stream.strided.gather [hbm4b:s11+s16], $0x300, s17, s16, $0x38;
	[tilespmem:$0x3B90] =	vst v63  }
0x144: {  	s12 =	rddreg [dreg:$0xb];
	s13 =	sadd.s32 $0x50, s0  }
0x145: {  	[tilespmem:s12], [sflag:$0x1] =	stream.strided.gather [hbm4b:s13+s16], $0x300, s17, s16, $0x38;
	[tilespmem:$0x3B90] =	vst v63  }
0x146: {  	s15 =	rddreg [dreg:$0xc];
	s18 =	sadd.s32 $0x60, s0  }
0x147: {  	[tilespmem:s15], [sflag:$0x1] =	stream.strided.gather [hbm4b:s18+s16], $0x300, s17, s16, $0x38;
	[tilespmem:$0x3B90] =	vst v63  }
0x148: {  	s24 =	rddreg [dreg:$0xd];
	s25 =	sadd.s32 $0x70, s0  }
0x149: {  	[tilespmem:s24], [sflag:$0x1] =	stream.strided.gather [hbm4b:s25+s16], $0x300, s17, s16, $0x38;
	[tilespmem:$0x3B90] =	vst v63  }
0x14a: {  	s26 =	rddreg [dreg:$0xe];
	s28 =	sadd.s32 $0x300, s0  }
0x14b: {  	[tilespmem:s26], [sflag:$0x1] =	stream.strided.gather [hbm4b:s28+s16], $0x300, s17, s16, $0x38;
	[tilespmem:$0x3B90] =	vst v63  }
0x14c: {  	s29 =	rddreg [dreg:$0xf];
	s30 =	sadd.s32 $0x310, s0  }
0x14d: {  	[tilespmem:s29], [sflag:$0x1] =	stream.strided.gather [hbm4b:s30+s16], $0x300, s17, s16, $0x38;
	[tilespmem:$0x3B90] =	vst v63  }
0x14e: {  	s31 =	rddreg [dreg:$0x10];
	s6 =	sadd.s32 $0x320, s0  }
0x14f: {  	[tilespmem:s31], [sflag:$0x1] =	stream.strided.gather [hbm4b:s6+s16], $0x300, s17, s16, $0x38;
	[tilespmem:$0x3B90] =	vst v63  }
0x150: {  	s7 =	rddreg [dreg:$0x11];
	s8 =	sadd.s32 $0x330, s0  }
0x151: {  	[tilespmem:s7], [sflag:$0x1] =	stream.strided.gather [hbm4b:s8+s16], $0x300, s17, s16, $0x38;
	[tilespmem:$0x3B90] =	vst v63  }
0x152: {  	s10 =	rddreg [dreg:$0x12];
	s11 =	sadd.s32 $0x340, s0  }
0x153: {  	[tilespmem:s10], [sflag:$0x1] =	stream.strided.gather [hbm4b:s11+s16], $0x300, s17, s16, $0x38;
	[tilespmem:$0x3B90] =	vst v63  }
0x154: {  	s12 =	rddreg [dreg:$0x13];
	s13 =	sadd.s32 $0x350, s0  }
0x155: {  	[tilespmem:s12], [sflag:$0x1] =	stream.strided.gather [hbm4b:s13+s16], $0x300, s17, s16, $0x38;
	[tilespmem:$0x3B90] =	vst v63  }
0x156: {  	s15 =	rddreg [dreg:$0x14];
	s18 =	sadd.s32 $0x360, s0  }
0x157: {  	[tilespmem:s15], [sflag:$0x1] =	stream.strided.gather [hbm4b:s18+s16], $0x300, s17, s16, $0x38;
	[tilespmem:$0x3B90] =	vst v63  }
0x158: {  	s0 =	sadd.s32 $0x370, s0;
	s24 =	rddreg [dreg:$0x15]  }
0x159: {  	[tilespmem:s24], [sflag:$0x1] =	stream.strided.gather [hbm4b:s0+s16], $0x300, s17, s16, $0x38;
	[tilespmem:$0x3B90] =	vst v63  }
0x15a: {  	_ =	swait.ge [sflag:s14], $0x300  }
0x15b: {  	[sflag:s14] =	ssyncset.done $0x0  }
0x15c: {  	[sflag:s14] =	ssyncadd.s32 $0xFFFFFD00  }
0x15d: {  	_ =	swait.ge [sflag:s14], $0x300  }
0x15e: {  	[sflag:s14] =	ssyncset.done $0x0  }
0x15f: {  	[sflag:s14] =	ssyncadd.s32 $0xFFFFFD00  }
0x160: {  	_ =	swait.ge [sflag:s14], $0x300  }
0x161: {  	[sflag:s14] =	ssyncset.done $0x0  }
0x162: {  	[sflag:s14] =	ssyncadd.s32 $0xFFFFFD00  }
0x163: {  	_ =	swait.ge [sflag:s14], $0x300  }
0x164: {  	[sflag:s14] =	ssyncset.done $0x0  }
0x165: {  	[sflag:s14] =	ssyncadd.s32 $0xFFFFFD00  }
0x166: {  	_ =	swait.ge [sflag:s14], $0x300  }
0x167: {  	[sflag:s14] =	ssyncset.done $0x0  }
0x168: {  	[sflag:s14] =	ssyncadd.s32 $0xFFFFFD00  }
0x169: {  	_ =	swait.ge [sflag:s14], $0x300  }
0x16a: {  	[sflag:s14] =	ssyncset.done $0x0  }
0x16b: {  	[sflag:s14] =	ssyncadd.s32 $0xFFFFFD00  }
0x16c: {  	_ =	swait.ge [sflag:s14], $0x300  }
0x16d: {  	[sflag:s14] =	ssyncset.done $0x0  }
0x16e: {  	[sflag:s14] =	ssyncadd.s32 $0xFFFFFD00  }
0x16f: {  	_ =	swait.ge [sflag:s14], $0x300  }
0x170: {  	[sflag:s14] =	ssyncset.done $0x0  }
0x171: {  	[sflag:s14] =	ssyncadd.s32 $0xFFFFFD00  }
0x172: {  	_ =	swait.ge [sflag:s14], $0x300  }
0x173: {  	[sflag:s14] =	ssyncset.done $0x0  }
0x174: {  	[sflag:s14] =	ssyncadd.s32 $0xFFFFFD00  }
0x175: {  	_ =	swait.ge [sflag:s14], $0x300  }
0x176: {  	[sflag:s14] =	ssyncset.done $0x0  }
0x177: {  	[sflag:s14] =	ssyncadd.s32 $0xFFFFFD00  }
0x178: {  	_ =	swait.ge [sflag:s14], $0x300  }
0x179: {  	[sflag:s14] =	ssyncset.done $0x0  }
0x17a: {  	[sflag:s14] =	ssyncadd.s32 $0xFFFFFD00  }
0x17b: {  	_ =	swait.ge [sflag:s14], $0x300  }
0x17c: {  	[sflag:s14] =	ssyncset.done $0x0  }
0x17d: {  	[sflag:s14] =	ssyncadd.s32 $0xFFFFFD00  }
0x17e: {  	_ =	swait.ge [sflag:s14], $0x300  }
0x17f: {  	[sflag:s14] =	ssyncset.done $0x0  }
0x180: {  	[sflag:s14] =	ssyncadd.s32 $0xFFFFFD00  }
0x181: {  	_ =	swait.ge [sflag:s14], $0x300  }
0x182: {  	[sflag:s14] =	ssyncset.done $0x0  }
0x183: {  	[sflag:s14] =	ssyncadd.s32 $0xFFFFFD00  }
0x184: {  	_ =	swait.ge [sflag:s14], $0x300  }
0x185: {  	[sflag:s14] =	ssyncset.done $0x0  }
0x186: {  	v2 =	vadd.f32 $0.0e+00, v0;
	[sflag:s14] =	ssyncadd.s32 $0xFFFFFD00  }
0x187: {  	v4 =	vadd.f32 $0.0e+00, v1;
	_ =	swait.ge [sflag:s14], $0x300  }
0x188: {  	v3 =	vbroadcast v2, $0x0;
	(v2sf) =	vpush v1, $0x0  }
0x189: {  	v5 =	vbroadcast v4, $0x1;
	v6 =	vbroadcast v2, $0x2;
	(v2sf) =	vpush v0, $0x0  }
0x18a: {  	v8 =	vbroadcast v4, $0x2;
	v9 =	vbroadcast v2, $0x3  }
0x18b: {  	v24 =	vbroadcast v4, $0x3;
	v26 =	vbroadcast v2, $0x4  }
0x18c: {  	v27 =	vbroadcast v4, $0x4;
	v10 =	vbroadcast v2, $0x5  }
0x18d: {  	v11 =	vbroadcast v4, $0x5;
	v12 =	vbroadcast v2, $0x6  }
0x18e: {  	v30 =	vbroadcast v4, $0x6;
	v33 =	vbroadcast v2, $0x7  }
0x18f: {  	v35 =	vbroadcast v4, $0x7;
	v36 =	vbroadcast v2, $0x8;
	(v2sf) =	vpush v1, $0x1  }
0x190: {  	v7 =	vsel vm2, $0x0, v2;
	v38 =	vbroadcast v4, $0x8;
	v39 =	vbroadcast v2, $0x9  }
0x191: {  	v42 =	vbroadcast v4, $0x9;
	v3 =	vnsel vm0, $0x0, v3;
	[sflag:s14] =	ssyncset.done $0x0;
	(v2sf) =	vpush v0, $0x1  }
0x192: {  	v45 =	vbroadcast v2, $0xA;
	v47 =	vbroadcast v4, $0xA;
	v3 =	vsel vm1, v4, v3;
	[sflag:s14] =	ssyncadd.s32 $0xFFFFFD00  }
0x193: {  	v48 =	vbroadcast v2, $0xB;
	v5 =	vsel vm3, v7, v5;
	v6 =	vnsel vm0, $0x0, v6;
	[tilespmem:$0x680] =	vst v3  }
0x194: {  	v50 =	vbroadcast v4, $0xB;
	v25 =	vnsel vm0, $0x0, v9;
	v6 =	vsel vm3, v6, v8;
	[tilespmem:$0xA00] =	vst v5  }
0x195: {  	v51 =	vbroadcast v2, $0xC;
	v9 =	vnsel vm0, $0x0, v26;
	v7 =	vsel vm3, v25, v24;
	[tilespmem:$0xD80] =	vst v6  }
0x196: {  	v53 =	vbroadcast v4, $0xC;
	v29 =	vnsel vm0, $0x0, v10;
	v28 =	vsel vm3, v9, v27;
	[tilespmem:$0x1100] =	vst v7  }
0x197: {  	v55 =	vbroadcast v2, $0xD;
	v32 =	vnsel vm0, $0x0, v12;
	v31 =	vsel vm3, v29, v11;
	[tilespmem:$0x1480] =	vst v28;
	s25 =	spop (v2sf)  }
0x198: {  	v57 =	vbroadcast v4, $0xD;
	v37 =	vnsel vm0, $0x0, v33;
	v34 =	vsel vm3, v32, v30;
	[tilespmem:$0x1800] =	vst v31;
	s26 =	spop (v2sf)  }
0x199: {  	v58 =	vbroadcast v2, $0xE;
	v41 =	vnsel vm0, $0x0, v36;
	v40 =	vsel vm3, v37, v35;
	[tilespmem:$0x1B80] =	vst v34;
	p0 =	sgt.f32 s25, $0.0e+00;
	p1 =	sgt.f32 s26, $0.0e+00  }
0x19a: {  	v60 =	vbroadcast v4, $0xE;
	v44 =	vnsel vm0, $0x0, v39;
	v43 =	vsel vm3, v41, v38;
	[tilespmem:$0x1F00] =	vst v40  }
0x19b: {  	v2 =	vbroadcast v2, $0xF;
	v54 =	vnsel vm0, $0x0, v51;
	v46 =	vsel vm3, v44, v42;
	[tilespmem:$0x2280] =	vst v43;
	p2 =	por p0, p1  }
0x19c: {  	v59 =	vnsel vm0, $0x0, v55;
	v62 =	vnsel vm0, $0x0, v58;
	v56 =	vsel vm3, v54, v53;
	[tilespmem:$0x2600] =	vst v46;
	s0 =	sadd.s32 @p2 s19, s23  }
0x19d: {  	v61 =	vsel vm3, v59, v57;
	v4 =	vbroadcast v4, $0xF;
	[tilespmem:$0x3080] =	vst v56;
	(v2sf) =	vpush v1, $0x2;
	s0 =	sshrl.u32 @p2 s0, $0x3  }
0x19e: {  	v2 =	vnsel vm0, $0x0, v2;
	v63 =	vsel vm3, v62, v60;
	[tilespmem:$0x3400] =	vst v61;
	s28 =	spop (v2sf);
	(v2sf) =	vpush v0, $0x2;
	s1 =	sshll.u32 @p2 s23, $0x7;
	s0 =	smul.u32 @p2 $0x1C00, s0  }
0x19f: {  	v49 =	vnsel vm0, $0x0, v45;
	v2 =	vsel vm3, v2, v4;
	[tilespmem:$0x3780] =	vst v63;
	s1 =	sand.u32 @p2 $0x380, s1  }
0x1a0: {  	v52 =	vnsel vm0, $0x0, v48;
	v3 =	vsel vm3, v49, v47;
	[tilespmem:$0x3B00] =	vst v2;
	s29 =	spop (v2sf);
	s0 =	sor.u32 @p2 s1, s0  }
0x1a1: {  	v5 =	vsel vm3, v52, v50;
	[tilespmem:$0x2980] =	vst v3;
	p3 =	sgt.f32 s28, $0.0e+00;
	s3 =	simm.s32 @p2 $0x400;
	s0 =	sshrl.u32 @p2 s0, $0x3  }
0x1a2: {  	[tilespmem:$0x2D00] =	vst v5;
	s5 =	simm.s32 @p2 $0x380;
	s1 =	simm.s32 @p2 $0x80;
	s0 =	sadd.s32 @p2 s4, s0  }
0x1a3: {  	[hbm4b:s0+s1] =	stream.strided.scatter @p2 [tilespmem:s5], [sflag:$0x2], $0x380, s3, s1, $0x38;
	[tilespmem:$0x3B90] =	vst v63  }
0x1a4: {  	p4 =	sgt.f32 s29, $0.0e+00;
	s0 =	simm.s32 @!p2 $0x0;
	s3 =	simm.s32 $0x1  }
0x1a5: {  	s0 =	simm.s32 @p2 $0x1;
	s3 =	simm.s32 @!p2 $0x0  }
0x1a6: {  	p2 =	por p3, p4;
	[smem:$0x7E1] =	sst s0;
	s0 =	sadd.s32 s3, s23  }
0x1a7: {  	s1 =	sadd.s32 @p2 s19, s0  }
0x1a8: {  	s1 =	sshrl.u32 @p2 s1, $0x3  }
0x1a9: {  	s3 =	sshll.u32 @p2 s0, $0x7;
	s1 =	smul.u32 @p2 $0x1C00, s1  }
0x1aa: {  	s3 =	sand.u32 @p2 $0x380, s3  }
0x1ab: {  	(v2sf) =	vpush v1, $0x3;
	s5 =	simm.s32 @p2 $0x400;
	s1 =	sor.u32 @p2 s3, s1  }
0x1ac: {  	s6 =	simm.s32 @p2 $0x700;
	s30 =	spop (v2sf);
	s1 =	sshrl.u32 @p2 s1, $0x3  }
0x1ad: {  	s31 =	spop (v2sf);
	s3 =	simm.s32 @p2 $0x80;
	s1 =	sadd.s32 @p2 s4, s1  }
0x1ae: {  	(v2sf) =	vpush v0, $0x3;
	[hbm4b:s1+s3] =	stream.strided.scatter @p2 [tilespmem:s6], [sflag:$0x2], $0x380, s5, s3, $0x38;
	[tilespmem:$0x3B90] =	vst v63  }
0x1af: {  	p5 =	sgt.f32 s30, $0.0e+00;
	p6 =	sgt.f32 s31, $0.0e+00;
	s5 =	simm.s32 $0x1  }
0x1b0: {  	s1 =	simm.s32 @!p2 $0x0;
	s5 =	simm.s32 @!p2 $0x0  }
0x1b1: {  	s1 =	simm.s32 @p2 $0x1;
	p2 =	por p5, p6;
	s0 =	sadd.s32 s5, s0  }
0x1b2: {  	[smem:$0x7E2] =	sst s1;
	s1 =	sadd.s32 @p2 s19, s0  }
0x1b3: {  	s1 =	sshrl.u32 @p2 s1, $0x3  }
0x1b4: {  	(v2sf) =	vpush v1, $0x4;
	s3 =	sshll.u32 @p2 s0, $0x7;
	s1 =	smul.u32 @p2 $0x1C00, s1  }
0x1b5: {  	s3 =	sand.u32 @p2 $0x380, s3  }
0x1b6: {  	s1 =	sor.u32 @p2 s3, s1  }
0x1b7: {  	s5 =	simm.s32 @p2 $0x400;
	s1 =	sshrl.u32 @p2 s1, $0x3  }
0x1b8: {  	s6 =	simm.s32 @p2 $0xA80;
	s3 =	simm.s32 @p2 $0x80;
	s1 =	sadd.s32 @p2 s4, s1  }
0x1b9: {  	[hbm4b:s1+s3] =	stream.strided.scatter @p2 [tilespmem:s6], [sflag:$0x2], $0x380, s5, s3, $0x38;
	[tilespmem:$0x3B90] =	vst v63  }
0x1ba: {  	s3 =	spop (v2sf);
	(v2sf) =	vpush v0, $0x4;
	_ =	sdelay $0x2  }
0x1bb: {  	s6 =	spop (v2sf)  }
0x1bc: {  	s5 =	simm.s32 $0x1;
	p3 =	sgt.f32 s3, $0.0e+00;
	p4 =	sgt.f32 s6, $0.0e+00  }
0x1bd: {  	s1 =	simm.s32 @!p2 $0x0;
	s5 =	simm.s32 @!p2 $0x0  }
0x1be: {  	s1 =	simm.s32 @p2 $0x1;
	(v2sf) =	vpush v1, $0x5;
	s0 =	sadd.s32 s5, s0;
	p2 =	por p3, p4  }
0x1bf: {  	[smem:$0x7E3] =	sst s1;
	s1 =	sadd.s32 @p2 s19, s0  }
0x1c0: {  	s1 =	sshrl.u32 @p2 s1, $0x3  }
0x1c1: {  	s7 =	spop (v2sf);
	(v2sf) =	vpush v0, $0x5;
	s3 =	sshll.u32 @p2 s0, $0x7;
	s1 =	smul.u32 @p2 $0x1C00, s1  }
0x1c2: {  	s3 =	sand.u32 @p2 $0x380, s3  }
0x1c3: {  	s1 =	sor.u32 @p2 s3, s1  }
0x1c4: {  	s5 =	simm.s32 @p2 $0x400;
	s1 =	sshrl.u32 @p2 s1, $0x3  }
0x1c5: {  	s6 =	simm.s32 @p2 $0xE00;
	s3 =	simm.s32 @p2 $0x80;
	s1 =	sadd.s32 @p2 s4, s1  }
0x1c6: {  	[hbm4b:s1+s3] =	stream.strided.scatter @p2 [tilespmem:s6], [sflag:$0x2], $0x380, s5, s3, $0x38;
	[tilespmem:$0x3B90] =	vst v63  }
0x1c7: {  	s8 =	spop (v2sf)  }
0x1c8: {  	p5 =	sgt.f32 s7, $0.0e+00;
	s5 =	simm.s32 $0x1;
	p6 =	sgt.f32 s8, $0.0e+00  }
0x1c9: {  	s1 =	simm.s32 @!p2 $0x0;
	s5 =	simm.s32 @!p2 $0x0;
	(v2sf) =	vpush v1, $0x6  }
0x1ca: {  	s1 =	simm.s32 @p2 $0x1;
	s0 =	sadd.s32 s5, s0;
	p2 =	por p5, p6  }
0x1cb: {  	[smem:$0x7E4] =	sst s1;
	s1 =	sadd.s32 @p2 s19, s0  }
0x1cc: {  	s1 =	sshrl.u32 @p2 s1, $0x3  }
0x1cd: {  	s10 =	spop (v2sf);
	(v2sf) =	vpush v0, $0x6;
	s3 =	sshll.u32 @p2 s0, $0x7;
	s1 =	smul.u32 @p2 $0x1C00, s1  }
0x1ce: {  	s3 =	sand.u32 @p2 $0x380, s3  }
0x1cf: {  	s1 =	sor.u32 @p2 s3, s1  }
0x1d0: {  	s11 =	spop (v2sf);
	s5 =	simm.s32 @p2 $0x400;
	s1 =	sshrl.u32 @p2 s1, $0x3  }
0x1d1: {  	s6 =	simm.s32 @p2 $0x1180;
	s3 =	simm.s32 @p2 $0x80;
	s1 =	sadd.s32 @p2 s4, s1  }
0x1d2: {  	[hbm4b:s1+s3] =	stream.strided.scatter @p2 [tilespmem:s6], [sflag:$0x2], $0x380, s5, s3, $0x38;
	[tilespmem:$0x3B90] =	vst v63  }
0x1d3: {  	p3 =	sgt.f32 s10, $0.0e+00;
	(v2sf) =	vpush v1, $0x7;
	p4 =	sgt.f32 s11, $0.0e+00;
	s5 =	simm.s32 $0x1  }
0x1d4: {  	s1 =	simm.s32 @!p2 $0x0;
	s5 =	simm.s32 @!p2 $0x0  }
0x1d5: {  	s1 =	simm.s32 @p2 $0x1;
	p2 =	por p3, p4;
	s0 =	sadd.s32 s5, s0  }
0x1d6: {  	[smem:$0x7E5] =	sst s1;
	s1 =	sadd.s32 @p2 s19, s0  }
0x1d7: {  	s1 =	sshrl.u32 @p2 s1, $0x3  }
0x1d8: {  	s3 =	sshll.u32 @p2 s0, $0x7;
	s12 =	spop (v2sf);
	(v2sf) =	vpush v0, $0x7;
	s1 =	smul.u32 @p2 $0x1C00, s1  }
0x1d9: {  	s3 =	sand.u32 @p2 $0x380, s3  }
0x1da: {  	s1 =	sor.u32 @p2 s3, s1  }
0x1db: {  	s5 =	simm.s32 @p2 $0x400;
	s6 =	simm.s32 @p2 $0x1500;
	s1 =	sshrl.u32 @p2 s1, $0x3  }
0x1dc: {  	s13 =	spop (v2sf);
	s3 =	simm.s32 @p2 $0x80;
	s1 =	sadd.s32 @p2 s4, s1  }
0x1dd: {  	[hbm4b:s1+s3] =	stream.strided.scatter @p2 [tilespmem:s6], [sflag:$0x2], $0x380, s5, s3, $0x38;
	[tilespmem:$0x3B90] =	vst v63  }
0x1de: {  	p5 =	sgt.f32 s12, $0.0e+00;
	p6 =	sgt.f32 s13, $0.0e+00;
	s5 =	simm.s32 $0x1  }
0x1df: {  	(v2sf) =	vpush v1, $0x8;
	s1 =	simm.s32 @!p2 $0x0;
	s5 =	simm.s32 @!p2 $0x0  }
0x1e0: {  	s1 =	simm.s32 @p2 $0x1;
	p2 =	por p5, p6;
	s0 =	sadd.s32 s5, s0  }
0x1e1: {  	[smem:$0x7E6] =	sst s1;
	s1 =	sadd.s32 @p2 s19, s0  }
0x1e2: {  	s15 =	spop (v2sf);
	(v2sf) =	vpush v0, $0x8;
	s1 =	sshrl.u32 @p2 s1, $0x3  }
0x1e3: {  	s3 =	sshll.u32 @p2 s0, $0x7;
	s1 =	smul.u32 @p2 $0x1C00, s1  }
0x1e4: {  	s3 =	sand.u32 @p2 $0x380, s3  }
0x1e5: {  	s1 =	sor.u32 @p2 s3, s1  }
0x1e6: {  	s5 =	simm.s32 @p2 $0x400;
	s6 =	simm.s32 @p2 $0x1880;
	s1 =	sshrl.u32 @p2 s1, $0x3  }
0x1e7: {  	s3 =	simm.s32 @p2 $0x80;
	s1 =	sadd.s32 @p2 s4, s1;
	s18 =	spop (v2sf)  }
0x1e8: {  	[hbm4b:s1+s3] =	stream.strided.scatter @p2 [tilespmem:s6], [sflag:$0x2], $0x380, s5, s3, $0x38;
	[tilespmem:$0x3B90] =	vst v63  }
0x1e9: {  	p3 =	sgt.f32 s15, $0.0e+00;
	s5 =	simm.s32 $0x1;
	p4 =	sgt.f32 s18, $0.0e+00  }
0x1ea: {  	(v2sf) =	vpush v1, $0x9;
	s1 =	simm.s32 @!p2 $0x0;
	s5 =	simm.s32 @!p2 $0x0  }
0x1eb: {  	s1 =	simm.s32 @p2 $0x1;
	p2 =	por p3, p4;
	s0 =	sadd.s32 s5, s0  }
0x1ec: {  	[smem:$0x7E7] =	sst s1;
	s1 =	sadd.s32 @p2 s19, s0  }
0x1ed: {  	s1 =	sshrl.u32 @p2 s1, $0x3  }
0x1ee: {  	s23 =	spop (v2sf);
	(v2sf) =	vpush v0, $0x9;
	s3 =	sshll.u32 @p2 s0, $0x7;
	s1 =	smul.u32 @p2 $0x1C00, s1  }
0x1ef: {  	s3 =	sand.u32 @p2 $0x380, s3  }
0x1f0: {  	s1 =	sor.u32 @p2 s3, s1  }
0x1f1: {  	s24 =	spop (v2sf);
	s5 =	simm.s32 @p2 $0x400;
	s1 =	sshrl.u32 @p2 s1, $0x3  }
0x1f2: {  	s6 =	simm.s32 @p2 $0x1C00;
	s3 =	simm.s32 @p2 $0x80;
	s1 =	sadd.s32 @p2 s4, s1  }
0x1f3: {  	[hbm4b:s1+s3] =	stream.strided.scatter @p2 [tilespmem:s6], [sflag:$0x2], $0x380, s5, s3, $0x38;
	[tilespmem:$0x3B90] =	vst v63  }
0x1f4: {  	p5 =	sgt.f32 s23, $0.0e+00;
	(v2sf) =	vpush v1, $0xA;
	p6 =	sgt.f32 s24, $0.0e+00;
	s5 =	simm.s32 $0x1  }
0x1f5: {  	s1 =	simm.s32 @!p2 $0x0;
	s5 =	simm.s32 @!p2 $0x0  }
0x1f6: {  	s1 =	simm.s32 @p2 $0x1;
	p2 =	por p5, p6;
	s0 =	sadd.s32 s5, s0  }
0x1f7: {  	[smem:$0x7E8] =	sst s1;
	s1 =	sadd.s32 @p2 s19, s0  }
0x1f8: {  	s1 =	sshrl.u32 @p2 s1, $0x3  }
0x1f9: {  	s3 =	sshll.u32 @p2 s0, $0x7;
	s25 =	spop (v2sf);
	(v2sf) =	vpush v0, $0xA;
	s1 =	smul.u32 @p2 $0x1C00, s1  }
0x1fa: {  	s3 =	sand.u32 @p2 $0x380, s3  }
0x1fb: {  	s1 =	sor.u32 @p2 s3, s1  }
0x1fc: {  	s5 =	simm.s32 @p2 $0x400;
	s6 =	simm.s32 @p2 $0x1F80;
	s1 =	sshrl.u32 @p2 s1, $0x3  }
0x1fd: {  	s26 =	spop (v2sf);
	s3 =	simm.s32 @p2 $0x80;
	s1 =	sadd.s32 @p2 s4, s1  }
0x1fe: {  	[hbm4b:s1+s3] =	stream.strided.scatter @p2 [tilespmem:s6], [sflag:$0x2], $0x380, s5, s3, $0x38;
	[tilespmem:$0x3B90] =	vst v63  }
0x1ff: {  	p3 =	sgt.f32 s25, $0.0e+00;
	p4 =	sgt.f32 s26, $0.0e+00;
	s5 =	simm.s32 $0x1  }
0x200: {  	s1 =	simm.s32 @!p2 $0x0;
	s5 =	simm.s32 @!p2 $0x0  }
0x201: {  	s1 =	simm.s32 @p2 $0x1;
	p2 =	por p3, p4;
	s0 =	sadd.s32 s5, s0  }
0x202: {  	(v2sf) =	vpush v1, $0xB;
	[smem:$0x7E9] =	sst s1;
	s1 =	sadd.s32 @p2 s19, s0  }
0x203: {  	s28 =	spop (v2sf);
	(v2sf) =	vpush v0, $0xB;
	s1 =	sshrl.u32 @p2 s1, $0x3  }
0x204: {  	s3 =	sshll.u32 @p2 s0, $0x7;
	s1 =	smul.u32 @p2 $0x1C00, s1  }
0x205: {  	s3 =	sand.u32 @p2 $0x380, s3  }
0x206: {  	s1 =	sor.u32 @p2 s3, s1  }
0x207: {  	s5 =	simm.s32 @p2 $0x400;
	s6 =	simm.s32 @p2 $0x2300;
	s1 =	sshrl.u32 @p2 s1, $0x3  }
0x208: {  	s3 =	simm.s32 @p2 $0x80;
	s1 =	sadd.s32 @p2 s4, s1;
	s29 =	spop (v2sf)  }
0x209: {  	[hbm4b:s1+s3] =	stream.strided.scatter @p2 [tilespmem:s6], [sflag:$0x2], $0x380, s5, s3, $0x38;
	[tilespmem:$0x3B90] =	vst v63  }
0x20a: {  	p5 =	sgt.f32 s28, $0.0e+00;
	s5 =	simm.s32 $0x1;
	p6 =	sgt.f32 s29, $0.0e+00  }
0x20b: {  	s1 =	simm.s32 @!p2 $0x0;
	s5 =	simm.s32 @!p2 $0x0  }
0x20c: {  	s1 =	simm.s32 @p2 $0x1;
	p6 =	por p5, p6;
	s0 =	sadd.s32 s5, s0  }
0x20d: {  	[smem:$0x7EA] =	sst s1;
	s1 =	sadd.s32 @p6 s19, s0  }
0x20e: {  	s1 =	sshrl.u32 @p6 s1, $0x3  }
0x20f: {  	s3 =	sshll.u32 @p6 s0, $0x7;
	s1 =	smul.u32 @p6 $0x1C00, s1  }
0x210: {  	s3 =	sand.u32 @p6 $0x380, s3  }
0x211: {  	(v2sf) =	vpush v1, $0xC;
	s30 =	spop (v2sf);
	s1 =	sor.u32 @p6 s3, s1  }
0x212: {  	s31 =	spop (v2sf);
	s5 =	simm.s32 @p6 $0x400;
	s1 =	sshrl.u32 @p6 s1, $0x3  }
0x213: {  	s6 =	simm.s32 @p6 $0x2680;
	s3 =	simm.s32 @p6 $0x80;
	s1 =	sadd.s32 @p6 s4, s1  }
0x214: {  	(v2sf) =	vpush v0, $0xC;
	[hbm4b:s1+s3] =	stream.strided.scatter @p6 [tilespmem:s6], [sflag:$0x2], $0x380, s5, s3, $0x38;
	[tilespmem:$0x3B90] =	vst v63  }
0x215: {  	p1 =	sgt.f32 s30, $0.0e+00;
	p2 =	sgt.f32 s31, $0.0e+00;
	s5 =	simm.s32 $0x1  }
0x216: {  	s5 =	simm.s32 @!p6 $0x0  }
0x217: {  	p5 =	por p1, p2;
	s0 =	sadd.s32 s5, s0  }
0x218: {  	s1 =	sadd.s32 @p5 s19, s0  }
0x219: {  	s1 =	sshrl.u32 @p5 s1, $0x3  }
0x21a: {  	(v2sf) =	vpush v1, $0xD;
	s3 =	sshll.u32 @p5 s0, $0x7;
	s1 =	smul.u32 @p5 $0x1C00, s1  }
0x21b: {  	s3 =	sand.u32 @p5 $0x380, s3  }
0x21c: {  	s1 =	sor.u32 @p5 s3, s1  }
0x21d: {  	s6 =	simm.s32 @p5 $0x2A00;
	s1 =	sshrl.u32 @p5 s1, $0x3  }
0x21e: {  	s5 =	simm.s32 @p5 $0x400;
	s3 =	simm.s32 @p5 $0x80;
	s1 =	sadd.s32 @p5 s4, s1  }
0x21f: {  	[hbm4b:s1+s3] =	stream.strided.scatter @p5 [tilespmem:s6], [sflag:$0x2], $0x380, s5, s3, $0x38;
	[tilespmem:$0x3B90] =	vst v63  }
0x220: {  	s3 =	spop (v2sf);
	(v2sf) =	vpush v0, $0xD;
	_ =	sdelay $0x2  }
0x221: {  	s6 =	spop (v2sf)  }
0x222: {  	s5 =	simm.s32 $0x1;
	p3 =	sgt.f32 s3, $0.0e+00;
	p4 =	sgt.f32 s6, $0.0e+00  }
0x223: {  	s5 =	simm.s32 @!p5 $0x0  }
0x224: {  	(v2sf) =	vpush v1, $0xE;
	s0 =	sadd.s32 s5, s0;
	p4 =	por p3, p4  }
0x225: {  	s1 =	sadd.s32 @p4 s19, s0  }
0x226: {  	s1 =	sshrl.u32 @p4 s1, $0x3  }
0x227: {  	s7 =	spop (v2sf);
	(v2sf) =	vpush v0, $0xE;
	s3 =	sshll.u32 @p4 s0, $0x7;
	s1 =	smul.u32 @p4 $0x1C00, s1  }
0x228: {  	s3 =	sand.u32 @p4 $0x380, s3  }
0x229: {  	s1 =	sor.u32 @p4 s3, s1  }
0x22a: {  	s5 =	simm.s32 @p4 $0x400;
	s1 =	sshrl.u32 @p4 s1, $0x3  }
0x22b: {  	s6 =	simm.s32 @p4 $0x2D80;
	s3 =	simm.s32 @p4 $0x80;
	s1 =	sadd.s32 @p4 s4, s1  }
0x22c: {  	[hbm4b:s1+s3] =	stream.strided.scatter @p4 [tilespmem:s6], [sflag:$0x2], $0x380, s5, s3, $0x38;
	[tilespmem:$0x3B90] =	vst v63  }
0x22d: {  	s8 =	spop (v2sf)  }
0x22e: {  	p2 =	sgt.f32 s7, $0.0e+00;
	s5 =	simm.s32 $0x1;
	p3 =	sgt.f32 s8, $0.0e+00  }
0x22f: {  	s5 =	simm.s32 @!p4 $0x0  }
0x230: {  	s0 =	sadd.s32 s5, s0;
	p3 =	por p2, p3  }
0x231: {  	s1 =	sadd.s32 @p3 s19, s0  }
0x232: {  	(v2sf) =	vpush v1, $0xF;
	s1 =	sshrl.u32 @p3 s1, $0x3  }
0x233: {  	s10 =	spop (v2sf);
	(v2sf) =	vpush v0, $0xF;
	s3 =	sshll.u32 @p3 s0, $0x7;
	s1 =	smul.u32 @p3 $0x1C00, s1  }
0x234: {  	s3 =	sand.u32 @p3 $0x380, s3  }
0x235: {  	s1 =	sor.u32 @p3 s3, s1  }
0x236: {  	s11 =	spop (v2sf);
	s5 =	simm.s32 @p3 $0x400;
	s1 =	sshrl.u32 @p3 s1, $0x3  }
0x237: {  	s6 =	simm.s32 @p3 $0x3100;
	s3 =	simm.s32 @p3 $0x80;
	s1 =	sadd.s32 @p3 s4, s1  }
0x238: {  	[hbm4b:s1+s3] =	stream.strided.scatter @p3 [tilespmem:s6], [sflag:$0x2], $0x380, s5, s3, $0x38;
	[tilespmem:$0x3B90] =	vst v63  }
0x239: {  	p1 =	sgt.f32 s10, $0.0e+00;
	p2 =	sgt.f32 s11, $0.0e+00;
	s5 =	simm.s32 $0x1  }
0x23a: {  	s5 =	simm.s32 @!p3 $0x0  }
0x23b: {  	p2 =	por p1, p2;
	s0 =	sadd.s32 s5, s0  }
0x23c: {  	s1 =	sadd.s32 @p2 s19, s0  }
0x23d: {  	s1 =	sshrl.u32 @p2 s1, $0x3  }
0x23e: {  	s3 =	sshll.u32 @p2 s0, $0x7;
	s1 =	smul.u32 @p2 $0x1C00, s1  }
0x23f: {  	s3 =	sand.u32 @p2 $0x380, s3  }
0x240: {  	s6 =	simm.s32 @p2 $0x3480;
	s1 =	sor.u32 @p2 s3, s1  }
0x241: {  	s5 =	simm.s32 @p2 $0x400;
	s12 =	spop (v2sf);
	s1 =	sshrl.u32 @p2 s1, $0x3  }
0x242: {  	s13 =	spop (v2sf);
	s3 =	simm.s32 @p2 $0x80;
	s1 =	sadd.s32 @p2 s4, s1  }
0x243: {  	[hbm4b:s1+s3] =	stream.strided.scatter @p2 [tilespmem:s6], [sflag:$0x2], $0x380, s5, s3, $0x38;
	[tilespmem:$0x3B90] =	vst v63  }
0x244: {  	p1 =	sgt.f32 s12, $0.0e+00;
	p0 =	sgt.f32 s13, $0.0e+00;
	s5 =	simm.s32 $0x1  }
0x245: {  	s5 =	simm.s32 @!p2 $0x0  }
0x246: {  	p1 =	por p1, p0;
	s0 =	sadd.s32 s5, s0  }
0x247: {  	s1 =	sadd.s32 @p1 s19, s0  }
0x248: {  	s1 =	sshrl.u32 @p1 s1, $0x3  }
0x249: {  	s15 =	sld [smem:$0x7E1];
	s3 =	sshll.u32 @p1 s0, $0x7;
	s1 =	smul.u32 @p1 $0x1C00, s1  }
0x24a: {  	s3 =	sand.u32 @p1 $0x380, s3  }
0x24b: {  	s1 =	sor.u32 @p1 s3, s1  }
0x24c: {  	p0 =	seq.s32 s15, $0x1;
	s6 =	simm.s32 @p1 $0x3800;
	s1 =	sshrl.u32 @p1 s1, $0x3  }
0x24d: {  	s5 =	simm.s32 @p1 $0x400;
	s3 =	simm.s32 @p1 $0x80;
	s1 =	sadd.s32 @p1 s4, s1  }
0x24e: {  	[hbm4b:s1+s3] =	stream.strided.scatter @p1 [tilespmem:s6], [sflag:$0x2], $0x380, s5, s3, $0x38;
	[tilespmem:$0x3B90] =	vst v63  }
0x24f: {  	s1 =	simm.s32 @p0 $0x2  }
0x250: {  	_ =	swait.ge @p0 [sflag:s1], $0x380  }
0x251: {  	s18 =	sld [smem:$0x7E2];
	_ =	sdelay $0x1  }
0x252: {  	[sflag:s1] =	ssyncset.done @p0 $0x0  }
0x253: {  	[sflag:s1] =	ssyncadd.s32 @p0 $0xFFFFFC80;
	p0 =	seq.s32 s18, $0x1  }
0x254: {  	s1 =	simm.s32 @p0 $0x2  }
0x255: {  	_ =	swait.ge @p0 [sflag:s1], $0x380  }
0x256: {  	s23 =	sld [smem:$0x7E3];
	_ =	sdelay $0x1  }
0x257: {  	[sflag:s1] =	ssyncset.done @p0 $0x0  }
0x258: {  	[sflag:s1] =	ssyncadd.s32 @p0 $0xFFFFFC80;
	p0 =	seq.s32 s23, $0x1  }
0x259: {  	s1 =	simm.s32 @p0 $0x2  }
0x25a: {  	_ =	swait.ge @p0 [sflag:s1], $0x380  }
0x25b: {  	s24 =	sld [smem:$0x7E4];
	_ =	sdelay $0x1  }
0x25c: {  	[sflag:s1] =	ssyncset.done @p0 $0x0  }
0x25d: {  	[sflag:s1] =	ssyncadd.s32 @p0 $0xFFFFFC80;
	p0 =	seq.s32 s24, $0x1  }
0x25e: {  	s1 =	simm.s32 @p0 $0x2  }
0x25f: {  	_ =	swait.ge @p0 [sflag:s1], $0x380  }
0x260: {  	s25 =	sld [smem:$0x7E5];
	_ =	sdelay $0x1  }
0x261: {  	[sflag:s1] =	ssyncset.done @p0 $0x0  }
0x262: {  	[sflag:s1] =	ssyncadd.s32 @p0 $0xFFFFFC80;
	p0 =	seq.s32 s25, $0x1  }
0x263: {  	s1 =	simm.s32 @p0 $0x2  }
0x264: {  	_ =	swait.ge @p0 [sflag:s1], $0x380  }
0x265: {  	s26 =	sld [smem:$0x7E6];
	_ =	sdelay $0x1  }
0x266: {  	[sflag:s1] =	ssyncset.done @p0 $0x0  }
0x267: {  	[sflag:s1] =	ssyncadd.s32 @p0 $0xFFFFFC80;
	p0 =	seq.s32 s26, $0x1  }
0x268: {  	s1 =	simm.s32 @p0 $0x2  }
0x269: {  	_ =	swait.ge @p0 [sflag:s1], $0x380  }
0x26a: {  	s28 =	sld [smem:$0x7E7];
	_ =	sdelay $0x1  }
0x26b: {  	[sflag:s1] =	ssyncset.done @p0 $0x0  }
0x26c: {  	[sflag:s1] =	ssyncadd.s32 @p0 $0xFFFFFC80;
	p0 =	seq.s32 s28, $0x1  }
0x26d: {  	s1 =	simm.s32 @p0 $0x2  }
0x26e: {  	_ =	swait.ge @p0 [sflag:s1], $0x380  }
0x26f: {  	s29 =	sld [smem:$0x7E8];
	_ =	sdelay $0x1  }
0x270: {  	[sflag:s1] =	ssyncset.done @p0 $0x0  }
0x271: {  	[sflag:s1] =	ssyncadd.s32 @p0 $0xFFFFFC80;
	p0 =	seq.s32 s29, $0x1  }
0x272: {  	s1 =	simm.s32 @p0 $0x2  }
0x273: {  	_ =	swait.ge @p0 [sflag:s1], $0x380  }
0x274: {  	s30 =	sld [smem:$0x7E9];
	_ =	sdelay $0x1  }
0x275: {  	[sflag:s1] =	ssyncset.done @p0 $0x0  }
0x276: {  	[sflag:s1] =	ssyncadd.s32 @p0 $0xFFFFFC80;
	p0 =	seq.s32 s30, $0x1  }
0x277: {  	s1 =	simm.s32 @p0 $0x2  }
0x278: {  	_ =	swait.ge @p0 [sflag:s1], $0x380  }
0x279: {  	s31 =	sld [smem:$0x7EA];
	_ =	sdelay $0x1  }
0x27a: {  	[sflag:s1] =	ssyncset.done @p0 $0x0  }
0x27b: {  	[sflag:s1] =	ssyncadd.s32 @p0 $0xFFFFFC80;
	p0 =	seq.s32 s31, $0x1  }
0x27c: {  	s1 =	simm.s32 @p0 $0x2  }
0x27d: {  	_ =	swait.ge @p0 [sflag:s1], $0x380  }
0x27e: {  	[sflag:s1] =	ssyncset.done @p0 $0x0  }
0x27f: {  	[sflag:s1] =	ssyncadd.s32 @p0 $0xFFFFFC80;
	s1 =	simm.s32 @p6 $0x2  }
0x280: {  	_ =	swait.ge @p6 [sflag:s1], $0x380  }
0x281: {  	[sflag:s1] =	ssyncset.done @p6 $0x0  }
0x282: {  	[sflag:s1] =	ssyncadd.s32 @p6 $0xFFFFFC80;
	s1 =	simm.s32 @p5 $0x2  }
0x283: {  	_ =	swait.ge @p5 [sflag:s1], $0x380  }
0x284: {  	[sflag:s1] =	ssyncset.done @p5 $0x0  }
0x285: {  	[sflag:s1] =	ssyncadd.s32 @p5 $0xFFFFFC80;
	s1 =	simm.s32 @p4 $0x2  }
0x286: {  	_ =	swait.ge @p4 [sflag:s1], $0x380  }
0x287: {  	[sflag:s1] =	ssyncset.done @p4 $0x0  }
0x288: {  	[sflag:s1] =	ssyncadd.s32 @p4 $0xFFFFFC80;
	s1 =	simm.s32 @p3 $0x2  }
0x289: {  	_ =	swait.ge @p3 [sflag:s1], $0x380  }
0x28a: {  	[sflag:s1] =	ssyncset.done @p3 $0x0  }
0x28b: {  	s22 =	sadd.s32 $0x600, s22;
	[sflag:s1] =	ssyncadd.s32 @p3 $0xFFFFFC80;
	s1 =	simm.s32 @p2 $0x2  }
0x28c: {  	p0 =	sne.s32 s22, $0x6000;
	_ =	swait.ge @p2 [sflag:s1], $0x380  }
.Ltmp2:
0x28d: {  	[sflag:s1] =	ssyncset.done @p2 $0x0;
	(pc) =	sbr.rel @p0 .LBB2_6-.Ltmp2, $4  }
0x28e: {  	[sflag:s1] =	ssyncadd.s32 @p2 $0xFFFFFC80;
	s1 =	simm.s32 @p1 $0x2  }
0x28f: {  	s3 =	simm.s32 $0x1;
	_ =	swait.ge @p1 [sflag:s1], $0x380  }
0x290: {  	s20 =	sadd.s32 $0x10, s20;
	s3 =	simm.s32 @!p1 $0x0;
	[sflag:s1] =	ssyncset.done @p1 $0x0  }
0x291: {  	s21 =	sadd.s32 $0x10, s21;
	s23 =	sadd.s32 s3, s0;
	[sflag:s1] =	ssyncadd.s32 @p1 $0xFFFFFC80  }
0x292: {  	s1 =	rddreg [dreg:$0x1d]  }
0x293: {  	s0 =	rddreg [dreg:$0x1c];
	s1 =	sadd.s32 $0x1, s1  }
0x294: {  	p0 =	sne.s32 s1, s0  }
.Ltmp3:
0x295: {  	_ = 	snop;
	(pc) =	sbr.rel @p0 .LBB2_1-.Ltmp3, $1  }
0x296: {  	_ =	sdelay $0x3  }
0x297: {  	_ =	sfence.sel $0x180000  }
0x298: {  	[bflag:$0x0] =	sbarrier.arrive $0xFFFF  }
0x299: {  	_ =	strace $0x90000047  }
0x29a: {  	[bflag:$0x2] =	sbarrier.arrive $0xFFFF  }
0x29b: {  	s1 =	sld [smem:$0x7FD];
	_ =	sdelay $0x2  }
0x29c: {  	s0 =	rddreg [dreg:$0x4];
	p0 =	seq.s32 s1, $0x1  }
0x29d: {  	s0 =	sadd.s32 @!p0 $0x100000, s0  }
0x29e: {  	[sflag:s0] =	ssyncadd.tile.s32 @!p0 $0x1;
	_ =	shalt  }
.Lfunc_end2:
_tile_overlayer_lowered:
.L_overlay_start_2:
0x29f: {  	(tag) =	ssettag $0x2  }
0x2a0: {  	s0 =	rddreg [dreg:$0x0];
	s2 =	stileid.u32  }
0x2a1: {  	s1 =	rddreg [dreg:$0x1];
	p0 =	sne.s32 s2, $0x0  }
0x2a2: {  	s3 =	rddreg [dreg:$0x2];
	[bflag:$0x3] =	sbarrier.arrive $0xFFFF;
	s2 =	simm.s32 @!p0 $0x1C03  }
0x2a3: {  	[timem:s3], [sflag:s2] =	dma.local @!p0 [hbm:s0], s1  }
0x2a4: {  	s0 =	simm.s32 @!p0 $0x3  }
0x2a5: {  	_ =	swait.ge @!p0 [sflag:s0], s1  }
0x2a6: {  	s1 =	ssub.s32 @!p0 $0x0, s1;
	[sflag:s0] =	ssyncset.done @!p0 $0x0  }
0x2a7: {  	[sflag:s0] =	ssyncadd.s32 @!p0 s1  }
0x2a8: {  	[bflag:$0x3] =	sbarrier.arrive $0xFFFF  }
0x2a9: {  	_ =	shalt  }

// kernel: kernel.9.cloned.1.call-start
scs
__scs_entry_jumppad:
0x0: {  	(pc) =	sbr.rel $0x88, $3  }
0x1: {  	(tag) =	ssettag $0x0;
	lr =	simm.s32 $0x1  }
0x2: {  	[smem:$0x3F9A] =	sst lr;
	_ =	strace $0xD0000000  }
0x3: {  	_ = 	snop  }
0x4: {  	_ = 	snop  }
0x5: {  	_ = 	snop  }
0x6: {  	_ = 	snop  }
0x7: {  	_ = 	snop  }
__scs_overlays_trampoline_lowered:
0x8: {  	[smem:$0x3FA9] =	sst s0  }
0x9: {  	[smem:$0x3FAA] =	sst s1  }
0xa: {  	[smem:$0x3FAB] =	sst s2  }
0xb: {  	[smem:$0x3FAC] =	sst s3  }
0xc: {  	[smem:$0x3FAD] =	sst s4  }
0xd: {  	[smem:$0x3FAE] =	sst s5  }
0xe: {  	[smem:$0x3FAF] =	sst s6  }
0xf: {  	[smem:$0x3FB0] =	sst s7  }
0x10: {  	[smem:$0x3FB1] =	sst s8  }
0x11: {  	[smem:$0x3FB2] =	sst s9;
	s0 =	simm.s32 @!p0 $0x0  }
0x12: {  	s1 =	sld [smem:$0x3F98];
	s0 =	simm.s32 @p0 $0x1  }
0x13: {  	[smem:$0x3FB3] =	sst s0;
	s0 =	simm.s32 @!p1 $0x0  }
0x14: {  	s2 =	sld [smem:$0x3F97];
	s0 =	simm.s32 @p1 $0x1  }
0x15: {  	[smem:$0x3FB4] =	sst s0;
	s0 =	simm.s32 @!p2 $0x0  }
0x16: {  	s3 =	sld [smem:$0x3FDB];
	s0 =	simm.s32 @p2 $0x1  }
0x17: {  	s4 =	simm.s32 $0x1BF5;
	[smem:$0x3FB6] =	sst s0  }
0x18: {  	s0 =	sld [smem:$0x3F99];
	_ =	swait.ge [sflag:s4], $0x0  }
0x19: {  	s7 =	sld [smem:$0x3F9A]  }
0x1a: {  	s8 =	sadd.s32 $0xFFFFE003, lr  }
0x1b: {  	s9 =	sadd.s32 $0xFFFFFEF7, lr;
	s5 =	simm.s32 $0xFFFFFFFF;
	p2 =	slt.u32 s8, $0xFFFFF086  }
0x1c: {  	p1 =	slt.u32 s9, $0xF7A;
	s5 =	simm.s32 @!p2 $0x0  }
0x1d: {  	s5 =	simm.s32 @p1 $0x1;
	p0 =	seq.s32 s7, s2  }
0x1e: {  	s7 =	smul.u32 @!p0 $0xF7A, s2;
	p2 =	seq.s32 @!p0 s5, $0x0  }
0x1f: {  	s9 =	smul.u32 $0xF7A, s1;
	s8 =	simm.s32 @!p0 $0x1BF5;
	p2 =	por !p2, p0  }
0x20: {  	[sflag:s8] =	ssyncset.s32 @!p0 $0xFFFFF086;
	s6 =	sadd.s32 @!p0 s3, s7;
	s7 =	simm.s32 @!p0 $0x108  }
0x21: {  	s3 =	sadd.s32 s3, s9;
	s6 =	sadd.s32 @!p0 $0x88, s6;
	s7 =	simm.s32 @p2 $0x1082  }
0x22: {  	[simem:s7], [sflag:s8] =	dma.local @!p0 [hbm:s6], $0xF7A  }
0x23: {  	s9 =	sor.u32 $0xD0000000, s2;
	s6 =	simm.s32 $0x108;
	_ =	swait.ge @!p0 [sflag:s8], $0x0  }
0x24: {  	s3 =	sadd.s32 $0x88, s3;
	s6 =	simm.s32 @!p1 $0x1082;
	[sflag:s4] =	ssyncset.s32 $0xFFFFF086  }
0x25: {  	[simem:s6], [sflag:s4] =	dma.local [hbm:s3], $0xF7A  }
0x26: {  	[smem:$0x3F9A] =	sst s1;
	(tag) =	ssettag s2;
	_ =	strace s9  }
0x27: {  	s1 =	sld [smem:$0x3FAA]  }
0x28: {  	s2 =	sld [smem:$0x3FAB]  }
0x29: {  	s4 =	sld [smem:$0x3FAD]  }
0x2a: {  	p0 =	seq.s32 s5, $0x0;
	s5 =	sld [smem:$0x3FAE]  }
0x2b: {  	s6 =	sld [smem:$0x3FAF]  }
0x2c: {  	s7 =	sld [smem:$0x3FB0]  }
0x2d: {  	s3 =	simm.s32 $0x108;
	s8 =	sld [smem:$0x3FB1]  }
0x2e: {  	s3 =	simm.s32 @!p0 $0x1082;
	s9 =	sld [smem:$0x3FB2]  }
0x2f: {  	lr =	sadd.s32 s0, s3;
	s0 =	sld [smem:$0x3FA9]  }
0x30: {  	s3 =	sld [smem:$0x3FAC]  }
0x31: {  	[smem:$0x3FB5] =	sst s10  }
0x32: {  	s10 =	sld [smem:$0x3FB3];
	_ =	sdelay $0x3  }
0x33: {  	p0 =	seq.s32 s10, $0x1;
	s10 =	sld [smem:$0x3FB5];
	_ =	sdelay $0x3  }
0x34: {  	[smem:$0x3FB5] =	sst s10  }
0x35: {  	s10 =	sld [smem:$0x3FB4];
	_ =	sdelay $0x3  }
0x36: {  	p1 =	seq.s32 s10, $0x1;
	s10 =	sld [smem:$0x3FB5];
	_ =	sdelay $0x3  }
0x37: {  	[smem:$0x3FB5] =	sst s10  }
0x38: {  	s10 =	sld [smem:$0x3FB6]  }
0x39: {  	_ = 	snop;
	(pc) =	sbr.ind lr, $3  }
0x3a: {  	_ = 	snop  }
0x3b: {  	_ = 	snop  }
0x3c: {  	p2 =	seq.s32 s10, $0x1;
	s10 =	sld [smem:$0x3FB5]  }
0x3d: {  	_ =	shalt  }
0x3e: {  	_ =	shalt  }
0x3f: {  	_ =	shalt  }
0x40: {  	_ =	shalt  }
0x41: {  	_ =	shalt  }
0x42: {  	_ =	shalt  }
0x43: {  	_ =	shalt  }
0x44: {  	_ =	shalt  }
0x45: {  	_ =	shalt  }
0x46: {  	_ =	shalt  }
0x47: {  	_ =	shalt  }
0x48: {  	_ =	shalt  }
0x49: {  	_ =	shalt  }
0x4a: {  	_ =	shalt  }
0x4b: {  	_ =	shalt  }
0x4c: {  	_ =	shalt  }
0x4d: {  	_ =	shalt  }
0x4e: {  	_ =	shalt  }
0x4f: {  	_ =	shalt  }
0x50: {  	_ =	shalt  }
0x51: {  	_ =	shalt  }
0x52: {  	_ =	shalt  }
0x53: {  	_ =	shalt  }
0x54: {  	_ =	shalt  }
0x55: {  	_ =	shalt  }
0x56: {  	_ =	shalt  }
0x57: {  	_ =	shalt  }
0x58: {  	_ =	shalt  }
0x59: {  	_ =	shalt  }
0x5a: {  	_ =	shalt  }
0x5b: {  	_ =	shalt  }
0x5c: {  	_ =	shalt  }
0x5d: {  	_ =	shalt  }
0x5e: {  	_ =	shalt  }
0x5f: {  	_ =	shalt  }
0x60: {  	_ =	shalt  }
0x61: {  	_ =	shalt  }
0x62: {  	_ =	shalt  }
0x63: {  	_ =	shalt  }
0x64: {  	_ =	shalt  }
0x65: {  	_ =	shalt  }
0x66: {  	_ =	shalt  }
0x67: {  	_ =	shalt  }
0x68: {  	_ =	shalt  }
0x69: {  	_ =	shalt  }
0x6a: {  	_ =	shalt  }
0x6b: {  	_ =	shalt  }
0x6c: {  	_ =	shalt  }
0x6d: {  	_ =	shalt  }
0x6e: {  	_ =	shalt  }
0x6f: {  	_ =	shalt  }
0x70: {  	_ =	shalt  }
0x71: {  	_ =	shalt  }
0x72: {  	_ =	shalt  }
0x73: {  	_ =	shalt  }
0x74: {  	_ =	shalt  }
0x75: {  	_ =	shalt  }
0x76: {  	_ =	shalt  }
0x77: {  	_ =	shalt  }
0x78: {  	_ =	shalt  }
0x79: {  	_ =	shalt  }
0x7a: {  	_ =	shalt  }
0x7b: {  	_ =	shalt  }
0x7c: {  	_ =	shalt  }
0x7d: {  	_ =	shalt  }
0x7e: {  	_ =	shalt  }
0x7f: {  	_ =	shalt  }
0x80: {  	_ =	shalt  }
0x81: {  	_ =	shalt  }
0x82: {  	_ =	shalt  }
0x83: {  	_ =	shalt  }
0x84: {  	_ =	shalt  }
0x85: {  	_ =	shalt  }
0x86: {  	_ =	shalt  }
0x87: {  	_ =	shalt  }
.Lfunc_end0:
.L_simem_size_0:
called_computation.1_lowered:
.L_overlay_start_0:
0x88: {  	s2 =	sld [smem:$0x3FD9]  }
0x89: {  	s3 =	sld [smem:$0x3FFE];
	_ =	sdelay $0x1  }
0x8a: {  	s1 =	srdreg.scid  }
0x8b: {  	s0 =	sand.u32 $0x1, s1  }
0x8c: {  	s17 =	sshll.u32 s0, $0xA;
	s2 =	sadd.s32 s3, s2  }
0x8d: {  	s2 =	sadd.s32 s2, s17  }
0x8e: {  	[smem:$0x3FC1] =	sst s2  }
0x8f: {  	_ = 	snop  }
0x90: {  	s2 =	sld [smem:$0x3FD0];
	(tm) =	ssettm $0x1  }
0x91: {  	s18 =	sld [smem:$0x3FFB];
	_ =	sdelay $0x3  }
0x92: {  	_ =	strace s18  }
0x93: {  	s3 =	sld [smem:$0x3FFC];
	_ =	sdelay $0x3  }
0x94: {  	_ =	strace s3  }
0x95: {  	s3 =	sld [smem:$0x3FFD];
	_ =	sdelay $0x3  }
0x96: {  	_ =	strace s3  }
0x97: {  	_ =	strace $0x8FFFFFFF  }
0x98: {  	s19 =	sld [smem:$0x3FDB];
	_ =	sdelay $0x1  }
0x99: {  	s4 =	simm.s32 $_scs_section_size  }
0x9a: {  	s5 =	simm.s32 $_size__tile_overlayer_lowered;
	s6 =	simm.s32 $_tile_overlayer_lowered  }
0x9b: {  	s22 =	simm.s32 $0x1BFF;
	s21 =	sshll.u32 s6, $0x1;
	s3 =	sadd.s32 s4, s19  }
0x9c: {  	s7 =	simm.s32 $0x0;
	s20 =	sshll.u32 s5, $0x1;
	s5 =	sadd.s32 s21, s3  }
0x9d: {  	[timem:s7], [sflag:s22] =	dma.local [hbm:s5], s20  }
0x9e: {  	_ =	swait.ge [sflag:s22], s20  }
0x9f: {  	s4 =	ssub.s32 $0x0, s20;
	[sflag:s22] =	ssyncset.done $0x0  }
0xa0: {  	[sflag:s22] =	ssyncadd.s32 s4;
	_ =	sdelay $0x1  }
0xa1: {  	s23 =	simm.s32 $0x1B8B  }
0xa2: {  	_ =	swait.ge [sflag:s23], $0x1  }
0xa3: {  	[sflag:s23] =	ssyncset.done $0x0  }
0xa4: {  	s25 =	simm.s32 $0x1B8E;
	s24 =	sld [smem:$0x3FFE];
	[sflag:s23] =	ssyncadd.s32 $0xFFFFFFFF  }
0xa5: {  	s26 =	simm.s32 $execute0_lowered;
	[smem:$0x3FD2] =	sst s25  }
0xa6: {  	s5 =	sshll.u32 s26, $0x1;
	_ =	strace $0x80000049;
	[dreg:$0x1] =	wrdreg $0xFFFFFFFF  }
0xa7: {  	s28 =	simm.s32 $_size_execute0_lowered;
	s3 =	sadd.s32 s3, s5;
	[dreg:$0x0] =	wrdreg $0x0  }
0xa8: {  	s5 =	sshll.u32 s28, $0x1;
	[dreg:$0x2] =	wrdreg s3  }
0xa9: {  	[dreg:$0x3] =	wrdreg s5  }
0xaa: {  	[dreg:$0x4] =	wrdreg $0xC0  }
0xab: {  	_ =	task [dreg:s7], $0x5FFFF  }
0xac: {  	[dreg:$0x1] =	wrdreg $0xFFFFFFFF  }
0xad: {  	[dreg:$0x0] =	wrdreg $0x60  }
0xae: {  	[dreg:$0x2] =	wrdreg s24  }
0xaf: {  	[dreg:$0x3] =	wrdreg s2  }
0xb0: {  	[dreg:$0x4] =	wrdreg $0x9  }
0xb1: {  	_ =	task.clear_ibuf [dreg:s7], $0x5FFFF;
	_ =	strace $0x90000049  }
0xb2: {  	s29 =	simm.s32 $0x9;
	_ =	strace $0x8000004B  }
0xb3: {  	_ =	swait.ge [sflag:s29], $0x1  }
0xb4: {  	[sflag:s29] =	ssyncadd.s32 $0xFFFFFFFF  }
0xb5: {  	_ =	strace $0x9000004B  }
0xb6: {  	_ =	sfence  }
0xb7: {  	s30 =	sld [smem:$0x0];
	_ =	sdelay $0x2  }
0xb8: {  	s31 =	sshll.u32 s1, $0xD;
	s1 =	sshrl.u32 s1, $0x2  }
0xb9: {  	s3 =	sand.u32 $0x4000, s31;
	s1 =	sadd.s32 s1, s30  }
0xba: {  	s0 =	sor.u32 s3, s0;
	s1 =	sshll.u32 s1, $0x11  }
0xbb: {  	s0 =	sor.u32 s1, s0  }
0xbc: {  	s0 =	sadd.s32 $0x8F2B, s0  }
0xbd: {  	[sflag:s0] =	ssyncadd.remote.s32 $0x1  }
0xbe: {  	_ =	sfence.sel $0xFFFF  }
0xbf: {  	[dreg:$0x0] =	wrdreg $0xFFFFFFFF;
	(pc) =	sbr.abs _section_cstart, $3  }
0xc0: {  	[dreg:$0x1] =	wrdreg $0xFFFFFFFF  }
0xc1: {  	_ =	task.clear_ibuf [dreg:s7], $0x2FFFF;
	_ =	strace $0x9FFFFFFF  }
0xc2: {  	(tm) =	ssettm $0x7FFFFFFF  }
0xc3: {  	_ =	shalt  }
tec
execute0_lowered:
.L_overlay_start_1:
0x0: {  	(tag) =	ssettag $0x1  }
0x1: {  	s5 =	rddreg [dreg:$0x0]  }
0x2: {  	s10 =	rddreg [dreg:$0x1]  }
0x3: {  	s0 =	rddreg [dreg:$0x2];
	s2 =	simm.s32 $0x0;
	s3 =	srdreg.scid  }
0x4: {  	s1 =	stileid.u32;
	s15 =	simm.s32 $0x80;
	s16 =	simm.s32 $0x0  }
0x5: {  	[smem:$0x7FF] =	sst s2;
	s4 =	sand.u32 $0x1, s3;
	s28 =	sshll.u32 s1, $0x1  }
0x6: {  	s3 =	sadd.s32 $0xEF400, s5;
	s8 =	sshrl.u32 s1, $0x2;
	s29 =	sshll.u32 s1, $0x9  }
0x7: {  	s14 =	sshll.u32 s1, $0x6;
	_ =	strace $0x8000004A;
	s6 =	sor.u32 s4, s28  }
0x8: {  	s9 =	sshll.u32 s4, $0x4;
	s8 =	smul.u32 $0x1800, s8;
	s11 =	sshll.u32 s4, $0x8  }
0x9: {  	s12 =	ssub.s32 $0x2, s4;
	s4 =	smul.u32 $0x1100, s4;
	s14 =	sor.u32 $0x1C01, s14  }
0xa: {  	s7 =	sshll.u32 s6, $0x5;
	s6 =	sshll.u32 s6, $0x7;
	s9 =	sadd.s32 s9, s5  }
0xb: {  	s30 =	sshrl.u32 s12, $0x1;
	s7 =	sadd.s32 s7, s5;
	s6 =	sand.u32 $0x380, s6  }
0xc: {  	s9 =	sadd.s32 $0xEF200, s9;
	s6 =	sor.u32 s8, s6;
	s8 =	sor.u32 s11, s29  }
0xd: {  	s11 =	ssub.s32 s12, s30;
	s6 =	sshrl.u32 s6, $0x3;
	s8 =	sshrl.u32 s8, $0x3  }
0xe: {  	s12 =	simm.s32 $0x200;
	s13 =	sadd.s32 s6, s5;
	s31 =	smul.u32 $0x300, s8  }
0xf: {  	s5 =	sadd.s32 $0xE00, s7;
	s6 =	sadd.s32 $0xA00, s7;
	s8 =	smax.u32 s11, $0x1  }
0x10: {  	s11 =	simm.s32 $0x100;
	s7 =	sadd.s32 $0x1200, s13;
	s10 =	sadd.s32 s31, s10  }
0x11: {  	s13 =	simm.s32 $0x1;
	[dreg:$0x3] =	wrdreg s10;
	s10 =	simm.s32 $0x2  }
.LBB2_1:
0x12: {  	[tilespmem:s2], [sflag:$0x2] =	stream.linear.gather [hbm4b:s5+s2], $0x100, $0x38;
	[tilespmem:$0x280] =	vst v63  }
0x13: {  	_ =	swait.ge [sflag:s10], $0x100  }
0x14: {  	[sflag:s10] =	ssyncset.done $0x0  }
0x15: {  	[sflag:s10] =	ssyncadd.s32 $0xFFFFFF00  }
0x16: {  	[tilespmem:s11], [sflag:$0x2] =	stream.linear.gather [hbm4b:s6+s2], $0x100, $0x38;
	[tilespmem:$0x280] =	vst v63  }
0x17: {  	_ =	swait.ge [sflag:s10], $0x100  }
0x18: {  	[sflag:s10] =	ssyncset.done $0x0  }
0x19: {  	[sflag:s10] =	ssyncadd.s32 $0xFFFFFF00  }
0x1a: {  	[tilespmem:s12], [sflag:$0x2] =	stream.linear.gather [hbm4b:s9+s2], $0x80, $0x38;
	[tilespmem:$0x280] =	vst v63  }
0x1b: {  	_ =	swait.ge [sflag:s10], $0x80  }
0x1c: {  	[sflag:s10] =	ssyncset.done $0x0  }
0x1d: {  	[sflag:s10] =	ssyncadd.s32 $0xFFFFFF80  }
0x1e: {  	v0 =	vld [tilespmem:$0x200];
	_ =	sdelay $0x3  }
0x1f: {  	s17 =	sadd.s32 $0x20, s9  }
0x20: {  	[tilespmem:s12], [sflag:$0x2] =	stream.linear.gather [hbm4b:s17+s2], $0x80, $0x38;
	(v2sf) =	vpush v0, $0x0;
	[tilespmem:$0x280] =	vst v63  }
0x21: {  	_ =	swait.ge [sflag:s10], $0x80  }
0x22: {  	[sflag:s10] =	ssyncset.done $0x0  }
0x23: {  	[sflag:s10] =	ssyncadd.s32 $0xFFFFFF80  }
0x24: {  	v62 =	vld [tilespmem:$0x200];
	_ =	sdelay $0x4  }
0x25: {  	s20 =	sadd.s32 $0x20, s17;
	(v2sf) =	vpush v62, $0x0  }
0x26: {  	[tilespmem:s12], [sflag:$0x2] =	stream.linear.gather [hbm4b:s20+s2], $0x80, $0x38;
	[tilespmem:$0x280] =	vst v63  }
0x27: {  	_ =	swait.ge [sflag:s10], $0x80  }
0x28: {  	[sflag:s10] =	ssyncset.done $0x0  }
0x29: {  	s21 =	sadd.s32 $0x20, s20;
	[sflag:s10] =	ssyncadd.s32 $0xFFFFFF80  }
0x2a: {  	v63 =	vld [tilespmem:$0x200];
	[tilespmem:s12], [sflag:$0x2] =	stream.linear.gather [hbm4b:s21+s2], $0x80, $0x38  }
0x2b: {  	s29 =	spop (v2sf)  }
0x2c: {  	s19 =	simm.s32 $0x1;
	s23 =	sadd.s32 $0xF, s29  }
0x2d: {  	s18 =	simm.s32 $0x2;
	s22 =	simm.s32 $0x4;
	s30 =	sand.u32 $0xF, s23  }
0x2e: {  	s24 =	sshra.s32 s23, $0x1F;
	p0 =	slt.s32 s23, $0x1;
	p1 =	sne.s32 s30, $0x0  }
0x2f: {  	s17 =	simm.s32 $0x3;
	s31 =	sshrl.u32 s24, $0x1C;
	(v2sf) =	vpush v63, $0x0;
	p0 =	por !p0, !p1  }
0x30: {  	s20 =	sadd.s32 s31, s23;
	s23 =	simm.s32 $0x1;
	p0 =	por !p0, !p0  }
0x31: {  	_ =	swait.ge [sflag:s10], $0x80;
	s20 =	sshrl.u32 s20, $0x4;
	s23 =	simm.s32 @!p0 $0x0  }
0x32: {  	[sflag:s10] =	ssyncset.done $0x0;
	p0 =	sgt.u32 s1, $0x0;
	s20 =	ssub.s32 s20, s23  }
0x33: {  	[sflag:s10] =	ssyncadd.s32 $0xFFFFFF80;
	s23 =	sshll.u32 s20, $0x4;
	s20 =	simm.s32 $0x0  }
.LBB2_2:
0x34: {  	s21 =	sadd.s32 $0x20, s21;
	s24 =	spop (v2sf);
	s23 =	simm.s32 @!p0 $0x0  }
0x35: {  	v0 =	vld [tilespmem:$0x200];
	s25 =	smov.u32 s18;
	s18 =	smov.u32 s17;
	s17 =	smov.u32 s22  }
0x36: {  	p1 =	sne.s32 s22, $0xF;
	s24 =	sadd.s32 $0xF, s24;
	s20 =	sadd.s32 s20, s23  }
0x37: {  	s22 =	sadd.s32 $0x1, s22;
	s23 =	sshra.s32 s24, $0x1F;
	s26 =	sand.u32 $0xF, s24  }
0x38: {  	p0 =	slt.s32 s24, $0x1;
	s23 =	sshrl.u32 s23, $0x1C;
	p2 =	sne.s32 s26, $0x0  }
0x39: {  	s23 =	sadd.s32 s23, s24;
	p0 =	por !p0, !p2;
	s24 =	simm.s32 $0x1  }
.Ltmp0:
0x3a: {  	(v2sf) =	vpush v0, $0x0;
	s23 =	sshrl.u32 s23, $0x4;
	p0 =	por !p0, !p0;
	(pc) =	sbr.rel @p1 .LBB2_2-.Ltmp0, $4  }
0x3b: {  	[tilespmem:s12], [sflag:$0x2] =	stream.linear.gather [hbm4b:s21+s2], $0x80, $0x38;
	[tilespmem:$0x280] =	vst v63  }
0x3c: {  	s24 =	simm.s32 @!p0 $0x0;
	_ =	swait.ge [sflag:s10], $0x80  }
0x3d: {  	p0 =	slt.u32 s19, s1;
	s23 =	ssub.s32 s23, s24;
	[sflag:s10] =	ssyncset.done $0x0  }
0x3e: {  	s19 =	smov.u32 s25;
	s23 =	sshll.u32 s23, $0x4;
	[sflag:s10] =	ssyncadd.s32 $0xFFFFFF80  }
0x3f: {  	v0 =	vld [tilespmem:$0x200];
	_ =	sdelay $0x4  }
0x40: {  	(v2sf) =	vpush v0, $0x0;
	_ =	sdelay $0x2  }
0x41: {  	s21 =	spop (v2sf)  }
0x42: {  	s21 =	sadd.s32 $0xF, s21  }
0x43: {  	s22 =	sand.u32 $0xF, s21  }
0x44: {  	s31 =	sshra.s32 s21, $0x1F;
	p2 =	slt.s32 s21, $0x1;
	p1 =	sne.s32 s22, $0x0  }
0x45: {  	s22 =	sshrl.u32 s31, $0x1C;
	p1 =	por !p2, !p1  }
0x46: {  	s21 =	sadd.s32 s22, s21;
	s22 =	simm.s32 $0x1;
	p1 =	por !p1, !p1  }
0x47: {  	s21 =	sshrl.u32 s21, $0x4;
	s22 =	simm.s32 @!p1 $0x0  }
0x48: {  	s21 =	ssub.s32 s21, s22  }
0x49: {  	s23 =	simm.s32 @!p0 $0x0;
	p0 =	slt.u32 s19, s1;
	s19 =	sshll.u32 s21, $0x4  }
0x4a: {  	s20 =	sadd.s32 s20, s23;
	s19 =	simm.s32 @!p0 $0x0;
	s22 =	spop (v2sf)  }
0x4b: {  	s23 =	simm.s32 $0x1;
	s19 =	sadd.s32 s20, s19;
	s21 =	sadd.s32 $0xF, s22  }
0x4c: {  	s24 =	sand.u32 $0xF, s21;
	s25 =	sshra.s32 s21, $0x1F;
	p3 =	slt.s32 s21, $0x1  }
0x4d: {  	p4 =	sne.s32 s24, $0x0;
	s26 =	sshrl.u32 s25, $0x1C;
	s28 =	spop (v2sf)  }
0x4e: {  	p0 =	por !p3, !p4;
	s20 =	sadd.s32 s26, s21;
	s22 =	sadd.s32 $0xF, s28  }
0x4f: {  	p0 =	por !p0, !p0;
	s20 =	sshrl.u32 s20, $0x4;
	s29 =	sand.u32 $0xF, s22  }
0x50: {  	s30 =	sshra.s32 s22, $0x1F;
	p6 =	slt.s32 s22, $0x1;
	p5 =	sne.s32 s29, $0x0  }
0x51: {  	s23 =	simm.s32 @!p0 $0x0;
	s21 =	sshrl.u32 s30, $0x1C;
	p0 =	por !p6, !p5  }
0x52: {  	s21 =	sadd.s32 s21, s22;
	s22 =	simm.s32 $0x1;
	p0 =	por !p0, !p0  }
0x53: {  	s20 =	ssub.s32 s20, s23;
	s21 =	sshrl.u32 s21, $0x4;
	s22 =	simm.s32 @!p0 $0x0  }
0x54: {  	p0 =	slt.u32 s18, s1;
	s18 =	sshll.u32 s20, $0x4;
	s31 =	ssub.s32 s21, s22  }
0x55: {  	s18 =	simm.s32 @!p0 $0x0;
	p0 =	slt.u32 s17, s1;
	s17 =	sshll.u32 s31, $0x4  }
0x56: {  	s23 =	simm.s32 $0x0;
	s18 =	sadd.s32 s19, s18;
	s17 =	simm.s32 @!p0 $0x0  }
0x57: {  	s20 =	simm.s32 $0x100;
	s21 =	simm.s32 $0x0;
	s17 =	sadd.s32 s18, s17  }
0x58: {  	s19 =	simm.s32 $0x0;
	s18 =	sadd.s32 s4, s17;
	s17 =	simm.s32 $0x100  }
.LBB2_4:
0x59: {  	v0 =	vld [tilespmem:s19+$0x0]  }
0x5a: {  	v1 =	vld [tilespmem:s20+$0x0];
	_ =	sdelay $0x3  }
0x5b: {  	(v2sf) =	vpush v0, $0x0  }
0x5c: {  	(v2sf) =	vpush v1, $0x0;
	_ =	sdelay $0xd  }
0x5d: {  	s22 =	spop (v2sf)  }
0x5e: {  	s24 =	spop (v2sf)  }
0x5f: {  	p0 =	sgt.f32 s22, $0.0e+00;
	p1 =	sgt.f32 s24, $0.0e+00  }
0x60: {  	_ = 	snop  }
0x61: {  	p0 =	por p0, p1  }
0x62: {  	s22 =	sadd.s32 @p0 s18, s23  }
0x63: {  	s22 =	sshrl.u32 @p0 s22, $0x3  }
0x64: {  	s24 =	sshll.u32 @p0 s23, $0x7;
	s22 =	smul.u32 @p0 $0x1800, s22  }
0x65: {  	s24 =	sand.u32 @p0 $0x380, s24  }
0x66: {  	s22 =	sor.u32 @p0 s24, s22  }
0x67: {  	s22 =	sshrl.u32 @p0 s22, $0x3  }
0x68: {  	s25 =	rddreg [dreg:$0x3];
	s26 =	smov.u32 s7;
	s24 =	sadd.s32 @p0 s3, s22  }
0x69: {  	s22 =	sadd.s32 s21, s25;
	s26 =	smov.u32 @p0 s24  }
0x6a: {  	[hbm:s22@s15], [sflag:s14] =	dma.strided [hbm:s26@s15], $0x60, s13, $0x10   }
0x6b: {  	(v2sf) =	vpush v0, $0x1  }
0x6c: {  	(v2sf) =	vpush v1, $0x1;
	_ =	sdelay $0xd  }
0x6d: {  	s30 =	spop (v2sf)  }
0x6e: {  	s31 =	spop (v2sf)  }
0x6f: {  	s26 =	simm.s32 $0x1;
	p6 =	sgt.f32 s30, $0.0e+00;
	p2 =	sgt.f32 s31, $0.0e+00  }
0x70: {  	s26 =	simm.s32 @!p0 $0x0  }
0x71: {  	s23 =	sadd.s32 s26, s23;
	p0 =	por p6, p2  }
0x72: {  	s24 =	sadd.s32 @p0 s18, s23  }
0x73: {  	s24 =	sshrl.u32 @p0 s24, $0x3  }
0x74: {  	s25 =	sshll.u32 @p0 s23, $0x7;
	s24 =	smul.u32 @p0 $0x1800, s24  }
0x75: {  	s25 =	sand.u32 @p0 $0x380, s25  }
0x76: {  	s24 =	sor.u32 @p0 s25, s24  }
0x77: {  	s24 =	sshrl.u32 @p0 s24, $0x3  }
0x78: {  	s25 =	smov.u32 s7;
	s24 =	sadd.s32 @p0 s3, s24  }
0x79: {  	s28 =	sadd.s32 $0x10, s22;
	s25 =	smov.u32 @p0 s24  }
0x7a: {  	[hbm:s28@s15], [sflag:s14] =	dma.strided [hbm:s25@s15], $0x60, s13, $0x10   }
0x7b: {  	(v2sf) =	vpush v0, $0x2  }
0x7c: {  	(v2sf) =	vpush v1, $0x2;
	_ =	sdelay $0xd  }
0x7d: {  	s29 =	spop (v2sf)  }
0x7e: {  	s25 =	spop (v2sf)  }
0x7f: {  	s26 =	simm.s32 $0x1;
	p3 =	sgt.f32 s29, $0.0e+00;
	p4 =	sgt.f32 s25, $0.0e+00  }
0x80: {  	s26 =	simm.s32 @!p0 $0x0  }
0x81: {  	s23 =	sadd.s32 s26, s23;
	p0 =	por p3, p4  }
0x82: {  	s24 =	sadd.s32 @p0 s18, s23  }
0x83: {  	s24 =	sshrl.u32 @p0 s24, $0x3  }
0x84: {  	s25 =	sshll.u32 @p0 s23, $0x7;
	s24 =	smul.u32 @p0 $0x1800, s24  }
0x85: {  	s25 =	sand.u32 @p0 $0x380, s25  }
0x86: {  	s24 =	sor.u32 @p0 s25, s24  }
0x87: {  	s24 =	sshrl.u32 @p0 s24, $0x3  }
0x88: {  	s25 =	smov.u32 s7;
	s24 =	sadd.s32 @p0 s3, s24  }
0x89: {  	s30 =	sadd.s32 $0x20, s22;
	s25 =	smov.u32 @p0 s24  }
0x8a: {  	[hbm:s30@s15], [sflag:s14] =	dma.strided [hbm:s25@s15], $0x60, s13, $0x10   }
0x8b: {  	(v2sf) =	vpush v0, $0x3  }
0x8c: {  	(v2sf) =	vpush v1, $0x3;
	_ =	sdelay $0xd  }
0x8d: {  	s31 =	spop (v2sf)  }
0x8e: {  	s25 =	spop (v2sf)  }
0x8f: {  	s26 =	simm.s32 $0x1;
	p5 =	sgt.f32 s31, $0.0e+00;
	p6 =	sgt.f32 s25, $0.0e+00  }
0x90: {  	s26 =	simm.s32 @!p0 $0x0  }
0x91: {  	s23 =	sadd.s32 s26, s23;
	p0 =	por p5, p6  }
0x92: {  	s24 =	sadd.s32 @p0 s18, s23  }
0x93: {  	s24 =	sshrl.u32 @p0 s24, $0x3  }
0x94: {  	s25 =	sshll.u32 @p0 s23, $0x7;
	s24 =	smul.u32 @p0 $0x1800, s24  }
0x95: {  	s25 =	sand.u32 @p0 $0x380, s25  }
0x96: {  	s24 =	sor.u32 @p0 s25, s24  }
0x97: {  	s24 =	sshrl.u32 @p0 s24, $0x3  }
0x98: {  	s25 =	smov.u32 s7;
	s24 =	sadd.s32 @p0 s3, s24  }
0x99: {  	s28 =	sadd.s32 $0x30, s22;
	s25 =	smov.u32 @p0 s24  }
0x9a: {  	[hbm:s28@s15], [sflag:s14] =	dma.strided [hbm:s25@s15], $0x60, s13, $0x10   }
0x9b: {  	(v2sf) =	vpush v0, $0x4  }
0x9c: {  	(v2sf) =	vpush v1, $0x4;
	_ =	sdelay $0xd  }
0x9d: {  	s29 =	spop (v2sf)  }
0x9e: {  	s25 =	spop (v2sf)  }
0x9f: {  	s26 =	simm.s32 $0x1;
	p3 =	sgt.f32 s29, $0.0e+00;
	p4 =	sgt.f32 s25, $0.0e+00  }
0xa0: {  	s26 =	simm.s32 @!p0 $0x0  }
0xa1: {  	s23 =	sadd.s32 s26, s23;
	p0 =	por p3, p4  }
0xa2: {  	s24 =	sadd.s32 @p0 s18, s23  }
0xa3: {  	s24 =	sshrl.u32 @p0 s24, $0x3  }
0xa4: {  	s25 =	sshll.u32 @p0 s23, $0x7;
	s24 =	smul.u32 @p0 $0x1800, s24  }
0xa5: {  	s25 =	sand.u32 @p0 $0x380, s25  }
0xa6: {  	s24 =	sor.u32 @p0 s25, s24  }
0xa7: {  	s24 =	sshrl.u32 @p0 s24, $0x3  }
0xa8: {  	s25 =	smov.u32 s7;
	s24 =	sadd.s32 @p0 s3, s24  }
0xa9: {  	s30 =	sadd.s32 $0x40, s22;
	s25 =	smov.u32 @p0 s24  }
0xaa: {  	[hbm:s30@s15], [sflag:s14] =	dma.strided [hbm:s25@s15], $0x60, s13, $0x10   }
0xab: {  	(v2sf) =	vpush v0, $0x5  }
0xac: {  	(v2sf) =	vpush v1, $0x5;
	_ =	sdelay $0xd  }
0xad: {  	s31 =	spop (v2sf)  }
0xae: {  	s25 =	spop (v2sf)  }
0xaf: {  	s26 =	simm.s32 $0x1;
	p5 =	sgt.f32 s31, $0.0e+00;
	p6 =	sgt.f32 s25, $0.0e+00  }
0xb0: {  	s26 =	simm.s32 @!p0 $0x0  }
0xb1: {  	s23 =	sadd.s32 s26, s23;
	p0 =	por p5, p6  }
0xb2: {  	s24 =	sadd.s32 @p0 s18, s23  }
0xb3: {  	s24 =	sshrl.u32 @p0 s24, $0x3  }
0xb4: {  	s25 =	sshll.u32 @p0 s23, $0x7;
	s24 =	smul.u32 @p0 $0x1800, s24  }
0xb5: {  	s25 =	sand.u32 @p0 $0x380, s25  }
0xb6: {  	s24 =	sor.u32 @p0 s25, s24  }
0xb7: {  	s24 =	sshrl.u32 @p0 s24, $0x3  }
0xb8: {  	s25 =	smov.u32 s7;
	s24 =	sadd.s32 @p0 s3, s24  }
0xb9: {  	s28 =	sadd.s32 $0x50, s22;
	s25 =	smov.u32 @p0 s24  }
0xba: {  	[hbm:s28@s15], [sflag:s14] =	dma.strided [hbm:s25@s15], $0x60, s13, $0x10   }
0xbb: {  	(v2sf) =	vpush v0, $0x6  }
0xbc: {  	(v2sf) =	vpush v1, $0x6;
	_ =	sdelay $0xd  }
0xbd: {  	s29 =	spop (v2sf)  }
0xbe: {  	s25 =	spop (v2sf)  }
0xbf: {  	s26 =	simm.s32 $0x1;
	p3 =	sgt.f32 s29, $0.0e+00;
	p4 =	sgt.f32 s25, $0.0e+00  }
0xc0: {  	s26 =	simm.s32 @!p0 $0x0  }
0xc1: {  	s23 =	sadd.s32 s26, s23;
	p0 =	por p3, p4  }
0xc2: {  	s24 =	sadd.s32 @p0 s18, s23  }
0xc3: {  	s24 =	sshrl.u32 @p0 s24, $0x3  }
0xc4: {  	s25 =	sshll.u32 @p0 s23, $0x7;
	s24 =	smul.u32 @p0 $0x1800, s24  }
0xc5: {  	s25 =	sand.u32 @p0 $0x380, s25  }
0xc6: {  	s24 =	sor.u32 @p0 s25, s24  }
0xc7: {  	s24 =	sshrl.u32 @p0 s24, $0x3  }
0xc8: {  	s25 =	smov.u32 s7;
	s24 =	sadd.s32 @p0 s3, s24  }
0xc9: {  	s30 =	sadd.s32 $0x60, s22;
	s25 =	smov.u32 @p0 s24  }
0xca: {  	[hbm:s30@s15], [sflag:s14] =	dma.strided [hbm:s25@s15], $0x60, s13, $0x10   }
0xcb: {  	(v2sf) =	vpush v0, $0x7  }
0xcc: {  	(v2sf) =	vpush v1, $0x7;
	_ =	sdelay $0xd  }
0xcd: {  	s31 =	spop (v2sf)  }
0xce: {  	s25 =	spop (v2sf)  }
0xcf: {  	s26 =	simm.s32 $0x1;
	p5 =	sgt.f32 s31, $0.0e+00;
	p6 =	sgt.f32 s25, $0.0e+00  }
0xd0: {  	s26 =	simm.s32 @!p0 $0x0  }
0xd1: {  	s23 =	sadd.s32 s26, s23;
	p0 =	por p5, p6  }
0xd2: {  	s24 =	sadd.s32 @p0 s18, s23  }
0xd3: {  	s24 =	sshrl.u32 @p0 s24, $0x3  }
0xd4: {  	s25 =	sshll.u32 @p0 s23, $0x7;
	s24 =	smul.u32 @p0 $0x1800, s24  }
0xd5: {  	s25 =	sand.u32 @p0 $0x380, s25  }
0xd6: {  	s24 =	sor.u32 @p0 s25, s24  }
0xd7: {  	s24 =	sshrl.u32 @p0 s24, $0x3  }
0xd8: {  	s25 =	smov.u32 s7;
	s24 =	sadd.s32 @p0 s3, s24  }
0xd9: {  	s28 =	sadd.s32 $0x70, s22;
	s25 =	smov.u32 @p0 s24  }
0xda: {  	[hbm:s28@s15], [sflag:s14] =	dma.strided [hbm:s25@s15], $0x60, s13, $0x10   }
0xdb: {  	(v2sf) =	vpush v0, $0x8  }
0xdc: {  	(v2sf) =	vpush v1, $0x8;
	_ =	sdelay $0xd  }
0xdd: {  	s29 =	spop (v2sf)  }
0xde: {  	s25 =	spop (v2sf)  }
0xdf: {  	s26 =	simm.s32 $0x1;
	p3 =	sgt.f32 s29, $0.0e+00;
	p4 =	sgt.f32 s25, $0.0e+00  }
0xe0: {  	s26 =	simm.s32 @!p0 $0x0  }
0xe1: {  	s23 =	sadd.s32 s26, s23;
	p0 =	por p3, p4  }
0xe2: {  	s24 =	sadd.s32 @p0 s18, s23  }
0xe3: {  	s24 =	sshrl.u32 @p0 s24, $0x3  }
0xe4: {  	s25 =	sshll.u32 @p0 s23, $0x7;
	s24 =	smul.u32 @p0 $0x1800, s24  }
0xe5: {  	s25 =	sand.u32 @p0 $0x380, s25  }
0xe6: {  	s24 =	sor.u32 @p0 s25, s24  }
0xe7: {  	s24 =	sshrl.u32 @p0 s24, $0x3  }
0xe8: {  	s25 =	smov.u32 s7;
	s24 =	sadd.s32 @p0 s3, s24  }
0xe9: {  	s30 =	sadd.s32 $0x300, s22;
	s25 =	smov.u32 @p0 s24  }
0xea: {  	[hbm:s30@s15], [sflag:s14] =	dma.strided [hbm:s25@s15], $0x60, s13, $0x10   }
0xeb: {  	(v2sf) =	vpush v0, $0x9  }
0xec: {  	(v2sf) =	vpush v1, $0x9;
	_ =	sdelay $0xd  }
0xed: {  	s31 =	spop (v2sf)  }
0xee: {  	s25 =	spop (v2sf)  }
0xef: {  	s26 =	simm.s32 $0x1;
	p5 =	sgt.f32 s31, $0.0e+00;
	p6 =	sgt.f32 s25, $0.0e+00  }
0xf0: {  	s26 =	simm.s32 @!p0 $0x0  }
0xf1: {  	s23 =	sadd.s32 s26, s23;
	p0 =	por p5, p6  }
0xf2: {  	s24 =	sadd.s32 @p0 s18, s23  }
0xf3: {  	s24 =	sshrl.u32 @p0 s24, $0x3  }
0xf4: {  	s25 =	sshll.u32 @p0 s23, $0x7;
	s24 =	smul.u32 @p0 $0x1800, s24  }
0xf5: {  	s25 =	sand.u32 @p0 $0x380, s25  }
0xf6: {  	s24 =	sor.u32 @p0 s25, s24  }
0xf7: {  	s24 =	sshrl.u32 @p0 s24, $0x3  }
0xf8: {  	s25 =	smov.u32 s7;
	s24 =	sadd.s32 @p0 s3, s24  }
0xf9: {  	s28 =	sadd.s32 $0x310, s22;
	s25 =	smov.u32 @p0 s24  }
0xfa: {  	[hbm:s28@s15], [sflag:s14] =	dma.strided [hbm:s25@s15], $0x60, s13, $0x10   }
0xfb: {  	(v2sf) =	vpush v0, $0xA  }
0xfc: {  	(v2sf) =	vpush v1, $0xA;
	_ =	sdelay $0xd  }
0xfd: {  	s29 =	spop (v2sf)  }
0xfe: {  	s25 =	spop (v2sf)  }
0xff: {  	s26 =	simm.s32 $0x1;
	p3 =	sgt.f32 s29, $0.0e+00;
	p4 =	sgt.f32 s25, $0.0e+00  }
0x100: {  	s26 =	simm.s32 @!p0 $0x0  }
0x101: {  	s23 =	sadd.s32 s26, s23;
	p0 =	por p3, p4  }
0x102: {  	s24 =	sadd.s32 @p0 s18, s23  }
0x103: {  	s24 =	sshrl.u32 @p0 s24, $0x3  }
0x104: {  	s25 =	sshll.u32 @p0 s23, $0x7;
	s24 =	smul.u32 @p0 $0x1800, s24  }
0x105: {  	s25 =	sand.u32 @p0 $0x380, s25  }
0x106: {  	s24 =	sor.u32 @p0 s25, s24  }
0x107: {  	s24 =	sshrl.u32 @p0 s24, $0x3  }
0x108: {  	s25 =	smov.u32 s7;
	s24 =	sadd.s32 @p0 s3, s24  }
0x109: {  	s30 =	sadd.s32 $0x320, s22;
	s25 =	smov.u32 @p0 s24  }
0x10a: {  	[hbm:s30@s15], [sflag:s14] =	dma.strided [hbm:s25@s15], $0x60, s13, $0x10   }
0x10b: {  	(v2sf) =	vpush v0, $0xB  }
0x10c: {  	(v2sf) =	vpush v1, $0xB;
	_ =	sdelay $0xd  }
0x10d: {  	s31 =	spop (v2sf)  }
0x10e: {  	s25 =	spop (v2sf)  }
0x10f: {  	s26 =	simm.s32 $0x1;
	p5 =	sgt.f32 s31, $0.0e+00;
	p6 =	sgt.f32 s25, $0.0e+00  }
0x110: {  	s26 =	simm.s32 @!p0 $0x0  }
0x111: {  	s23 =	sadd.s32 s26, s23;
	p0 =	por p5, p6  }
0x112: {  	s24 =	sadd.s32 @p0 s18, s23  }
0x113: {  	s24 =	sshrl.u32 @p0 s24, $0x3  }
0x114: {  	s25 =	sshll.u32 @p0 s23, $0x7;
	s24 =	smul.u32 @p0 $0x1800, s24  }
0x115: {  	s25 =	sand.u32 @p0 $0x380, s25  }
0x116: {  	s24 =	sor.u32 @p0 s25, s24  }
0x117: {  	s24 =	sshrl.u32 @p0 s24, $0x3  }
0x118: {  	s25 =	smov.u32 s7;
	s24 =	sadd.s32 @p0 s3, s24  }
0x119: {  	s28 =	sadd.s32 $0x330, s22;
	s25 =	smov.u32 @p0 s24  }
0x11a: {  	[hbm:s28@s15], [sflag:s14] =	dma.strided [hbm:s25@s15], $0x60, s13, $0x10   }
0x11b: {  	(v2sf) =	vpush v0, $0xC  }
0x11c: {  	(v2sf) =	vpush v1, $0xC;
	_ =	sdelay $0xd  }
0x11d: {  	s29 =	spop (v2sf)  }
0x11e: {  	s25 =	spop (v2sf)  }
0x11f: {  	s26 =	simm.s32 $0x1;
	p3 =	sgt.f32 s29, $0.0e+00;
	p4 =	sgt.f32 s25, $0.0e+00  }
0x120: {  	s26 =	simm.s32 @!p0 $0x0  }
0x121: {  	s23 =	sadd.s32 s26, s23;
	p0 =	por p3, p4  }
0x122: {  	s24 =	sadd.s32 @p0 s18, s23  }
0x123: {  	s24 =	sshrl.u32 @p0 s24, $0x3  }
0x124: {  	s25 =	sshll.u32 @p0 s23, $0x7;
	s24 =	smul.u32 @p0 $0x1800, s24  }
0x125: {  	s25 =	sand.u32 @p0 $0x380, s25  }
0x126: {  	s24 =	sor.u32 @p0 s25, s24  }
0x127: {  	s24 =	sshrl.u32 @p0 s24, $0x3  }
0x128: {  	s25 =	smov.u32 s7;
	s24 =	sadd.s32 @p0 s3, s24  }
0x129: {  	s30 =	sadd.s32 $0x340, s22;
	s25 =	smov.u32 @p0 s24  }
0x12a: {  	[hbm:s30@s15], [sflag:s14] =	dma.strided [hbm:s25@s15], $0x60, s13, $0x10   }
0x12b: {  	(v2sf) =	vpush v0, $0xD  }
0x12c: {  	(v2sf) =	vpush v1, $0xD;
	_ =	sdelay $0xd  }
0x12d: {  	s31 =	spop (v2sf)  }
0x12e: {  	s25 =	spop (v2sf)  }
0x12f: {  	s26 =	simm.s32 $0x1;
	p5 =	sgt.f32 s31, $0.0e+00;
	p6 =	sgt.f32 s25, $0.0e+00  }
0x130: {  	s26 =	simm.s32 @!p0 $0x0  }
0x131: {  	s23 =	sadd.s32 s26, s23;
	p0 =	por p5, p6  }
0x132: {  	s24 =	sadd.s32 @p0 s18, s23  }
0x133: {  	s24 =	sshrl.u32 @p0 s24, $0x3  }
0x134: {  	s25 =	sshll.u32 @p0 s23, $0x7;
	s24 =	smul.u32 @p0 $0x1800, s24  }
0x135: {  	s25 =	sand.u32 @p0 $0x380, s25  }
0x136: {  	s24 =	sor.u32 @p0 s25, s24  }
0x137: {  	s24 =	sshrl.u32 @p0 s24, $0x3  }
0x138: {  	s25 =	smov.u32 s7;
	s24 =	sadd.s32 @p0 s3, s24  }
0x139: {  	s28 =	sadd.s32 $0x350, s22;
	s25 =	smov.u32 @p0 s24  }
0x13a: {  	[hbm:s28@s15], [sflag:s14] =	dma.strided [hbm:s25@s15], $0x60, s13, $0x10   }
0x13b: {  	(v2sf) =	vpush v0, $0xE  }
0x13c: {  	(v2sf) =	vpush v1, $0xE;
	_ =	sdelay $0xd  }
0x13d: {  	s29 =	spop (v2sf)  }
0x13e: {  	s25 =	spop (v2sf)  }
0x13f: {  	s26 =	simm.s32 $0x1;
	p3 =	sgt.f32 s29, $0.0e+00;
	p4 =	sgt.f32 s25, $0.0e+00  }
0x140: {  	s26 =	simm.s32 @!p0 $0x0  }
0x141: {  	s23 =	sadd.s32 s26, s23;
	p0 =	por p3, p4  }
0x142: {  	s24 =	sadd.s32 @p0 s18, s23  }
0x143: {  	s24 =	sshrl.u32 @p0 s24, $0x3  }
0x144: {  	s25 =	sshll.u32 @p0 s23, $0x7;
	s24 =	smul.u32 @p0 $0x1800, s24  }
0x145: {  	s25 =	sand.u32 @p0 $0x380, s25  }
0x146: {  	s24 =	sor.u32 @p0 s25, s24  }
0x147: {  	s24 =	sshrl.u32 @p0 s24, $0x3  }
0x148: {  	s25 =	smov.u32 s7;
	s24 =	sadd.s32 @p0 s3, s24  }
0x149: {  	s30 =	sadd.s32 $0x360, s22;
	s25 =	smov.u32 @p0 s24  }
0x14a: {  	[hbm:s30@s15], [sflag:s14] =	dma.strided [hbm:s25@s15], $0x60, s13, $0x10   }
0x14b: {  	(v2sf) =	vpush v0, $0xF  }
0x14c: {  	(v2sf) =	vpush v1, $0xF;
	_ =	sdelay $0xd  }
0x14d: {  	s31 =	spop (v2sf)  }
0x14e: {  	s25 =	spop (v2sf)  }
0x14f: {  	s26 =	simm.s32 $0x1;
	p5 =	sgt.f32 s31, $0.0e+00;
	p6 =	sgt.f32 s25, $0.0e+00  }
0x150: {  	s26 =	simm.s32 @!p0 $0x0  }
0x151: {  	s23 =	sadd.s32 s26, s23;
	p0 =	por p5, p6  }
0x152: {  	s24 =	sadd.s32 @p0 s18, s23  }
0x153: {  	s24 =	sshrl.u32 @p0 s24, $0x3  }
0x154: {  	s25 =	sshll.u32 @p0 s23, $0x7;
	s24 =	smul.u32 @p0 $0x1800, s24  }
0x155: {  	s25 =	sand.u32 @p0 $0x380, s25  }
0x156: {  	s24 =	sor.u32 @p0 s25, s24  }
0x157: {  	s24 =	sshrl.u32 @p0 s24, $0x3  }
0x158: {  	s25 =	smov.u32 s7;
	s24 =	sadd.s32 @p0 s3, s24  }
0x159: {  	s22 =	sadd.s32 $0x370, s22;
	s25 =	smov.u32 @p0 s24  }
0x15a: {  	[hbm:s22@s15], [sflag:s14] =	dma.strided [hbm:s25@s15], $0x60, s13, $0x10   }
0x15b: {  	s21 =	sadd.s32 $0x600, s21;
	s22 =	simm.s32 $0x1  }
0x15c: {  	s22 =	simm.s32 @!p0 $0x0;
	p0 =	sne.s32 s21, $0x6000  }
.Ltmp1:
0x15d: {  	_ = 	snop;
	(pc) =	sbr.rel @p0 .LBB2_4-.Ltmp1, $2  }
0x15e: {  	_ =	sdelay $0x2  }
0x15f: {  	s19 =	sadd.s32 $0x10, s19;
	s20 =	sadd.s32 $0x10, s20;
	s23 =	sadd.s32 s22, s23  }
0x160: {  	_ =	swait.ge [sflag:s13], $0x60  }
0x161: {  	s17 =	sadd.s32 $0xFFFFFFFF, s17;
	[sflag:s13] =	ssyncset.done $0x0  }
.LBB2_6:
0x162: {  	p0 =	sne.s32 s17, $0x1;
	s17 =	sadd.s32 $0xFFFFFFFF, s17;
	[sflag:s13] =	ssyncadd.s32 $0xFFFFFFA0  }
.Ltmp2:
0x163: {  	(pc) =	sbr.rel @p0 .LBB2_6-.Ltmp2, $3  }
0x164: {  	_ =	sdelay $0x1  }
0x165: {  	_ =	swait.ge [sflag:s13], $0x60  }
0x166: {  	[sflag:s13] =	ssyncset.done $0x0  }
0x167: {  	s16 =	sadd.s32 $0x1, s16  }
0x168: {  	p0 =	sne.s32 s16, s8  }
.Ltmp3:
0x169: {  	_ = 	snop;
	(pc) =	sbr.rel @p0 .LBB2_1-.Ltmp3, $2  }
0x16a: {  	_ =	sdelay $0x2  }
0x16b: {  	[sflag:s13] =	ssyncadd.s32 $0xFFFFFFA0  }
0x16c: {  	_ =	sfence.sel $0x180000  }
0x16d: {  	[bflag:$0x0] =	sbarrier.arrive $0xFFFF  }
0x16e: {  	p0 =	sne.s32 s1, $0x0;
	_ =	strace $0x9000004A  }
0x16f: {  	s0 =	sadd.s32 @!p0 $0x100000, s0;
	[bflag:$0x2] =	sbarrier.arrive $0xFFFF  }
0x170: {  	[sflag:s0] =	ssyncadd.tile.s32 @!p0 $0x1;
	_ =	shalt  }
.Lfunc_end2:
_tile_overlayer_lowered:
.L_overlay_start_2:
0x171: {  	(tag) =	ssettag $0x2  }
0x172: {  	s0 =	rddreg [dreg:$0x0];
	s2 =	stileid.u32  }
0x173: {  	s1 =	rddreg [dreg:$0x1];
	p0 =	sne.s32 s2, $0x0  }
0x174: {  	s3 =	rddreg [dreg:$0x2];
	[bflag:$0x3] =	sbarrier.arrive $0xFFFF;
	s2 =	simm.s32 @!p0 $0x1C02  }
0x175: {  	[timem:s3], [sflag:s2] =	dma.local @!p0 [hbm:s0], s1  }
0x176: {  	s0 =	simm.s32 @!p0 $0x2  }
0x177: {  	_ =	swait.ge @!p0 [sflag:s0], s1  }
0x178: {  	s1 =	ssub.s32 @!p0 $0x0, s1;
	[sflag:s0] =	ssyncset.done @!p0 $0x0  }
0x179: {  	[sflag:s0] =	ssyncadd.s32 @!p0 s1  }
0x17a: {  	[bflag:$0x3] =	sbarrier.arrive $0xFFFF  }
0x17b: {  	_ =	shalt  }

</sc_bundles>
